<compile_context>
chip_gen: v7x
topology: tpu7x:2x2x1
jax: 0.10.2.dev20260603
libtpu: 0.0.44.dev20260713+nightly
codegen_flags: <defaults>
</compile_context>

<pallas_src>
import functools

import jax
import jax.numpy as jnp
import numpy as np
from jax import lax
from jax.experimental import pallas as pl
from jax.experimental.pallas import tpu as pltpu
from jax.experimental.pallas import tpu_sc as plsc

NC = 2
NS = 16
LANES = 16
NW = NC * NS
UNROLL = 5

SENTINEL = -3.0e38
THRESH = -1.0e37
HI_MASK = -65536
LO_MASK = 0xFFFF

_F32_BITS = int(np.float32(SENTINEL).view(np.uint32))


def _bf16_bits(u):
    return ((u + 0x7FFF + ((u >> 16) & 1)) >> 16) & 0xFFFF


_SENT_BF = _bf16_bits(_F32_BITS)
_SENT_PACKED = np.int32(np.uint32((_SENT_BF << 16) | _SENT_BF)).item()
_SENT_F32 = np.int32(np.uint32(_F32_BITS)).item()


def _tc1_body(xt_ref, a_ref, wb_ref, b_ref, pbt_ref, qt_ref):
    xt = xt_ref[...]
    d = xt.shape[0]
    dn0 = (((0,), (0,)), ((), ()))
    pbt = lax.dot_general(a_ref[...], xt, dn0,
                          preferred_element_type=jnp.float32,
                          precision=lax.Precision.HIGHEST)
    pbt_ref[...] = pbt + b_ref[...].reshape(d, 1)
    q = lax.dot_general(wb_ref[...], xt, dn0,
                        preferred_element_type=jnp.float32,
                        precision=lax.Precision.HIGHEST)
    qb = lax.bitcast_convert_type(q.astype(jnp.bfloat16),
                                  jnp.uint16).astype(jnp.uint32)
    rows = []
    for p in range(d // 2):
        rows.append(((qb[2 * p + 1] << 16) | qb[2 * p])[None])
    if d % 2:
        rows.append(lax.bitcast_convert_type(q[d - 1], jnp.uint32)[None])
    qt_ref[...] = jnp.concatenate(rows, axis=0).astype(jnp.int32)


def _pack_body(ei_ref, pk_ref):
    ei = ei_ref[...]
    s = ei[0].astype(jnp.uint32)
    dd = ei[1].astype(jnp.uint32)
    pk_ref[...] = ((dd << 16) | s).astype(jnp.int32)


def _extract(pk):
    sv = pk & LO_MASK
    dv = lax.shift_right_logical(pk, 16)
    return sv, dv


def _pend_val(qw, aw, packed):
    if packed:
        q0 = lax.bitcast_convert_type(qw << 16, jnp.float32)
        q1 = lax.bitcast_convert_type(qw & HI_MASK, jnp.float32)
        a0 = lax.bitcast_convert_type(aw << 16, jnp.float32)
        a1 = lax.bitcast_convert_type(aw & HI_MASK, jnp.float32)
        m0 = q0 > a0
        m1 = q1 > a1
        val = (jnp.where(m1, qw, aw) & HI_MASK) | \
              (jnp.where(m0, qw, aw) & LO_MASK)
        return m0 | m1, val
    q = lax.bitcast_convert_type(qw, jnp.float32)
    a = lax.bitcast_convert_type(aw, jnp.float32)
    return q > a, qw


def _sc_body(n, e, rows, ch, qt_hbm, pk_hbm, part_hbm,
             qcol, acc, pbuf0, pbuf1, sem0, sem1, qsem, asem):
    epw = e // NW
    nch = epw // ch
    cid = lax.axis_index("c")
    sid = lax.axis_index("s")
    w = sid * NC + cid
    e0 = w * epw
    nu = ch // (LANES * UNROLL)
    zero16 = jnp.zeros((LANES,), jnp.int32)
    one16 = jnp.ones((LANES,), jnp.int32)
    bufs = ((pbuf0, sem0), (pbuf1, sem1))

    def chunk_src(c):
        return pk_hbm.at[pl.ds(e0 + c * ch, ch)]

    def acc_dst(col):
        return part_hbm.at[pl.ds((w * len(rows) + col) * n, n)]

    def process(pbuf, packed):
        def blk_body(i, vacc):
            base = i * (LANES * UNROLL)
            dvs, qws = [], []
            for j in range(UNROLL):
                pk = pbuf[pl.ds(base + j * LANES, LANES)]
                sv, dv = _extract(pk)
                dvs.append(dv)
                qws.append(plsc.load_gather(qcol, [sv]))
            aws = [plsc.load_gather(acc, [dv]) for dv in dvs]
            for j in range(UNROLL):
                pend, val = _pend_val(qws[j], aws[j], packed)
                plsc.store_scatter(acc, [dvs[j]], val, mask=pend)
            a1s = [plsc.load_gather(acc, [dv]) for dv in dvs]
            for j in range(UNROLL):
                pend, val = _pend_val(qws[j], a1s[j], packed)
                plsc.store_scatter(acc, [dvs[j]], val, mask=pend)
            viol = None
            for j in range(UNROLL):
                a2 = plsc.load_gather(acc, [dvs[j]])
                v, _ = _pend_val(qws[j], a2, packed)
                viol = v if viol is None else (viol | v)
            return vacc | jnp.where(viol, one16, zero16)

        vacc = lax.fori_loop(0, nu, blk_body, zero16)

        @pl.when(jnp.max(vacc) > 0)
        def _deep_repair():
            def grp(g, c2):
                pk = pbuf[pl.ds(g * LANES, LANES)]
                sv, dv = _extract(pk)
                qw = plsc.load_gather(qcol, [sv])

                def rnd(r, c3):
                    aw = plsc.load_gather(acc, [dv])
                    pend, val = _pend_val(qw, aw, packed)
                    plsc.store_scatter(acc, [dv], val, mask=pend)
                    return c3
                lax.fori_loop(0, LANES, rnd, 0)
                return c2
            lax.fori_loop(0, ch // LANES, grp, 0)

    for col, (packed, sent_word) in enumerate(rows):
        pltpu.async_copy(qt_hbm.at[pl.ds(col * n, n)], qcol, qsem)
        pltpu.async_copy(chunk_src(0), pbuf0, sem0)
        if col > 0:
            pltpu.make_async_copy(acc, acc_dst(col - 1), asem).wait()

        sent16 = jnp.full((LANES,), sent_word, jnp.int32)

        def init_body(i, carry):
            for j in range(8):
                acc[pl.ds((i * 8 + j) * LANES, LANES)] = sent16
            return carry
        lax.fori_loop(0, n // (LANES * 8), init_body, 0)
        pltpu.make_async_copy(qt_hbm.at[pl.ds(col * n, n)], qcol, qsem).wait()

        def pair_body(k, carry):
            for bsel in range(2):
                pbuf, sem = bufs[bsel]
                nxt, nsem = bufs[1 - bsel]
                c = k * 2 + bsel
                pltpu.make_async_copy(chunk_src(c), pbuf, sem).wait()

                @pl.when(c < nch - 1)
                def _prefetch():
                    pltpu.async_copy(chunk_src(c + 1), nxt, nsem)

                process(pbuf, packed)
            return carry
        lax.fori_loop(0, nch // 2, pair_body, 0)

        if nch % 2:
            pltpu.make_async_copy(chunk_src(nch - 1), pbuf0, sem0).wait()
            process(pbuf0, packed)

        pltpu.async_copy(acc, acc_dst(col), asem)
    pltpu.make_async_copy(acc, acc_dst(len(rows) - 1), asem).wait()


def _tc2_body(part_ref, pbt_ref, out_ref):
    d = pbt_ref.shape[0]
    nrows = part_ref.shape[0] // NW
    part = part_ref[...].reshape(NW, nrows, part_ref.shape[1])
    cols = []
    for p in range(d // 2):
        wr = part[:, p]
        cols.append(lax.bitcast_convert_type(wr << 16, jnp.float32))
        cols.append(lax.bitcast_convert_type(wr & HI_MASK, jnp.float32))
    if d % 2:
        cols.append(lax.bitcast_convert_type(part[:, d // 2], jnp.float32))
    m = jnp.concatenate([jnp.max(c, axis=0)[None] for c in cols], axis=0)
    out_ref[...] = jnp.where(m > THRESH, m + pbt_ref[...], 0.0)


def kernel(x, edge_index, edge_f, edge_attr, W, b):
    del edge_f, edge_attr
    n, d = x.shape
    e = edge_index.shape[1]
    npad = ((n + 127) // 128) * 128
    assert n < (1 << 16) and npad % (LANES * 8) == 0 and e % NW == 0
    epw = e // NW
    ch = 10000 if epw % 10000 == 0 else epw
    assert ch % (LANES * UNROLL) == 0 and epw % ch == 0
    nrows = d // 2 + d % 2
    sc_rows = tuple((True, _SENT_PACKED) for _ in range(d // 2)) + \
        (((False, _SENT_F32),) if d % 2 else ())
    units = npad // 128
    u = max(v for v in range(1, min(units, 32) + 1) if units % v == 0)
    nb = u * 128
    eu = e // 128
    ue = max(v for v in range(1, min(eu, 1024) + 1) if eu % v == 0)
    eb = ue * 128

    edge_index = edge_index.astype(jnp.int32)
    a_mat = W[:d] - W[d:]
    wb_mat = W[d:]
    xtp = jnp.pad(x.T, ((0, 0), (0, npad - n)))

    pbt, qt = pl.pallas_call(
        _tc1_body,
        grid=(npad // nb,),
        in_specs=[
            pl.BlockSpec((d, nb), lambda i: (0, i)),
            pl.BlockSpec((d, d), lambda i: (0, 0)),
            pl.BlockSpec((d, d), lambda i: (0, 0)),
            pl.BlockSpec((d,), lambda i: (0,)),
        ],
        out_specs=[
            pl.BlockSpec((d, nb), lambda i: (0, i)),
            pl.BlockSpec((nrows, nb), lambda i: (0, i)),
        ],
        out_shape=[
            jax.ShapeDtypeStruct((d, npad), jnp.float32),
            jax.ShapeDtypeStruct((nrows, npad), jnp.int32),
        ],
    )(xtp, a_mat, wb_mat, b)

    packed = pl.pallas_call(
        _pack_body,
        grid=(e // eb,),
        in_specs=[pl.BlockSpec((2, eb), lambda i: (0, i))],
        out_specs=pl.BlockSpec((eb,), lambda i: (i,)),
        out_shape=jax.ShapeDtypeStruct((e,), jnp.int32),
    )(edge_index)

    mesh = plsc.VectorSubcoreMesh(
        core_axis_name="c", subcore_axis_name="s",
        num_cores=NC, num_subcores=NS)
    partial = pl.kernel(
        functools.partial(_sc_body, npad, e, sc_rows, ch),
        out_type=jax.ShapeDtypeStruct((NW * nrows * npad,), jnp.int32),
        mesh=mesh,
        compiler_params=pltpu.CompilerParams(needs_layout_passes=False),
        scratch_types=[
            pltpu.VMEM((npad,), jnp.int32),
            pltpu.VMEM((npad,), jnp.int32),
            pltpu.VMEM((ch,), jnp.int32),
            pltpu.VMEM((ch,), jnp.int32),
            pltpu.SemaphoreType.DMA,
            pltpu.SemaphoreType.DMA,
            pltpu.SemaphoreType.DMA,
            pltpu.SemaphoreType.DMA,
        ],
    )(qt.reshape(-1), packed)
    partial = partial.reshape(NW * nrows, npad)

    outt = pl.pallas_call(
        _tc2_body,
        grid=(npad // nb,),
        in_specs=[
            pl.BlockSpec((NW * nrows, nb), lambda i: (0, i)),
            pl.BlockSpec((d, nb), lambda i: (0, i)),
        ],
        out_specs=pl.BlockSpec((d, nb), lambda i: (0, i)),
        out_shape=jax.ShapeDtypeStruct((d, npad), jnp.float32),
    )(partial, pbt)
    return outt[:, :n].T

# --- scband reference (transcript-rebuilt; emitter-appended) ---
"""Pipeline reference for scband-edgeconv-blk-687194767622 (READ-ONLY COPY).

The authoritative reference and input builder live on the scoring server;
editing this copy changes nothing except your own understanding.
"""

import jax, jax.numpy as jnp
import numpy as np

N = 50000
E = 3200000
D = 5


def setup_inputs(seed: int = 0) -> dict:
    key = jax.random.key(seed)
    k1, k2, k3, k4, k5, k6 = jax.random.split(key, 6)
    x = jax.random.normal(k1, (N, D), dtype=jnp.float32)
    edge_index = jax.random.randint(k2, (2, E), 0, N)
    edge_f = jax.random.normal(k3, (E,), dtype=jnp.float32)
    edge_attr = jax.random.normal(k4, (E, 4), dtype=jnp.float32)
    # Linear(2*D, D): store W as [in, out] = [10, 5] for right-multiplication
    W = jax.random.normal(k5, (2 * D, D), dtype=jnp.float32) * (1.0 / np.sqrt(2 * D))
    b = jax.random.normal(k6, (D,), dtype=jnp.float32) * 0.01
    return {"x": x, "edge_index": edge_index, "edge_f": edge_f, "edge_attr": edge_attr, "W": W, "b": b}


def reference(x, edge_index, edge_f, edge_attr, W, b):
    # PyG EdgeConv (flow source_to_target): x_i = x[dst], x_j = x[src]
    # message = nn(concat([x_i, x_j - x_i])); aggregation = max over incoming edges per node.
    # edge_f and edge_attr are accepted but unused (matches the original forward).
    edge_index = edge_index.astype(jnp.int32)
    src = edge_index[0]
    dst = edge_index[1]
    x_i = jnp.take(x, dst, axis=0)          # [E, D] gather (SparseCore-friendly)
    x_j = jnp.take(x, src, axis=0)          # [E, D] gather
    msg = jnp.concatenate([x_i, x_j - x_i], axis=1) @ W + b  # [E, D]
    out = jax.ops.segment_max(msg, dst, num_segments=N)       # scatter-max aggregation
    # PyG scatter-max leaves nodes with no incoming edges at 0; jax uses -inf -> replace.
    out = jnp.where(jnp.isneginf(out), jnp.zeros_like(out), out)
    return out

if __name__ == "__main__":
    import jax
    _d = setup_inputs()
    print(jax.jit(kernel)(*tuple(_d.values())))

</pallas_src>

<mosaic_0001>
#map = affine_map<(d0, d1) -> (0)>
module attributes {stable_mosaic.version = 14 : i64} {
  func.func @_sc_body(%arg0: i32, %arg1: i32, %arg2: memref<150144xi32, #tpu.memory_space<hbm>>, %arg3: memref<3200000xi32, #tpu.memory_space<hbm>>, %arg4: memref<4804608xi32, #tpu.memory_space<hbm>>, %arg5: memref<50048xi32, #tpu.memory_space<vmem>>, %arg6: memref<50048xi32, #tpu.memory_space<vmem>>, %arg7: memref<10000xi32, #tpu.memory_space<vmem>>, %arg8: memref<10000xi32, #tpu.memory_space<vmem>>, %arg9: memref<!tpu.dma_semaphore, #tpu.memory_space<semaphore_mem>>, %arg10: memref<!tpu.dma_semaphore, #tpu.memory_space<semaphore_mem>>, %arg11: memref<!tpu.dma_semaphore, #tpu.memory_space<semaphore_mem>>, %arg12: memref<!tpu.dma_semaphore, #tpu.memory_space<semaphore_mem>>) attributes {dimension_semantics = [#tpu.dimension_semantics<core_parallel>, #tpu.dimension_semantics<subcore_parallel>], iteration_bounds = array<i64: 2, 16>, scalar_prefetch = 0 : i64, scratch_operands = 8 : i64, tpu.core_type = #tpu.core_type<sc_vector_subcore>, window_params = [{transform_indices = #map}, {transform_indices = #map}, {transform_indices = #map}]} {
    %mul3A = arith.constant 2 : i32
    %mul3A_0 = arith.muli %arg1, %mul3A : i32
    %add3A = arith.addi %mul3A_0, %arg0 : i32
    %mul3A_1 = arith.constant 100000 : i32
    %mul3A_2 = arith.muli %add3A, %mul3A_1 : i32
    %broadcast_in_dim3A = arith.constant 0 : i32
    %broadcast_in_dim3A_3 = vector.broadcast %broadcast_in_dim3A : i32 to vector<16xi32>
    %broadcast_in_dim3A_4 = arith.constant 1 : i32
    %broadcast_in_dim3A_5 = vector.broadcast %broadcast_in_dim3A_4 : i32 to vector<16xi32>
    %dma_start3A = arith.constant 0 : i32
    %dma_start3A_6 = tpu.memref_slice %arg2[%dma_start3A] : memref<150144xi32, #tpu.memory_space<hbm>> -> memref<50048xi32, #tpu.memory_space<hbm>>
    %dma_start3A_7 = arith.constant 0 : i32
    %dma_start3A_8 = tpu.memref_slice %arg2[%dma_start3A_7] : memref<150144xi32, #tpu.memory_space<hbm>> -> memref<50048xi32, #tpu.memory_space<hbm>>
    tpu.enqueue_dma source(%dma_start3A_8 : memref<50048xi32, #tpu.memory_space<hbm>>) target(%arg5 : memref<50048xi32, #tpu.memory_space<vmem>>) target_semaphore(%arg11 : memref<!tpu.dma_semaphore, #tpu.memory_space<semaphore_mem>>)
    %add3A_9 = arith.constant 0 : i32
    %add3A_10 = arith.addi %mul3A_2, %add3A_9 : i32
    %dma_start3A_11 = tpu.memref_slice %arg3[%add3A_10] : memref<3200000xi32, #tpu.memory_space<hbm>> -> memref<10000xi32, #tpu.memory_space<hbm>>
    %dma_start3A_12 = tpu.memref_slice %arg3[%add3A_10] : memref<3200000xi32, #tpu.memory_space<hbm>> -> memref<10000xi32, #tpu.memory_space<hbm>>
    tpu.enqueue_dma source(%dma_start3A_12 : memref<10000xi32, #tpu.memory_space<hbm>>) target(%arg7 : memref<10000xi32, #tpu.memory_space<vmem>>) target_semaphore(%arg9 : memref<!tpu.dma_semaphore, #tpu.memory_space<semaphore_mem>>)
    %broadcast_in_dim3A_13 = arith.constant -10289310 : i32
    %broadcast_in_dim3A_14 = vector.broadcast %broadcast_in_dim3A_13 : i32 to vector<16xi32>
    %scan3A = arith.constant 0 : i32
    %scan3A_15 = arith.constant 0 : i32
    %scan3A_16 = arith.constant 391 : i32
    %scan3A_17 = arith.addi %scan3A_15, %scan3A_16 : i32
    %scan3A_18 = arith.constant 1 : i32
    scf.for %scan3A_129 = %scan3A_15 to %scan3A_17 step %scan3A_18  : i32 {
      %mul3A_130 = arith.constant 8 : i32
      %mul3A_131 = arith.muli %scan3A_129, %mul3A_130 : i32
      %add3A_132 = arith.constant 0 : i32
      %add3A_133 = arith.addi %mul3A_131, %add3A_132 : i32
      %mul3A_134 = arith.constant 16 : i32
      %mul3A_135 = arith.muli %add3A_133, %mul3A_134 : i32
      %swap3A = arith.index_cast %mul3A_135 : i32 to index
      %swap3A_136 = tpu.vector_load %arg6[%swap3A] {strides = array<i32>} : memref<50048xi32, #tpu.memory_space<vmem>>, vector<16xi32>,
      tpu.vector_store %arg6[%swap3A], %broadcast_in_dim3A_14 {strides = array<i32>} : memref<50048xi32, #tpu.memory_space<vmem>>, vector<16xi32>,
      %mul3A_137 = arith.constant 8 : i32
      %mul3A_138 = arith.muli %scan3A_129, %mul3A_137 : i32
      %add3A_139 = arith.constant 1 : i32
      %add3A_140 = arith.addi %mul3A_138, %add3A_139 : i32
      %mul3A_141 = arith.constant 16 : i32
      %mul3A_142 = arith.muli %add3A_140, %mul3A_141 : i32
      %swap3A_143 = arith.index_cast %mul3A_142 : i32 to index
      %swap3A_144 = tpu.vector_load %arg6[%swap3A_143] {strides = array<i32>} : memref<50048xi32, #tpu.memory_space<vmem>>, vector<16xi32>,
      tpu.vector_store %arg6[%swap3A_143], %broadcast_in_dim3A_14 {strides = array<i32>} : memref<50048xi32, #tpu.memory_space<vmem>>, vector<16xi32>,
      %mul3A_145 = arith.constant 8 : i32
      %mul3A_146 = arith.muli %scan3A_129, %mul3A_145 : i32
      %add3A_147 = arith.constant 2 : i32
      %add3A_148 = arith.addi %mul3A_146, %add3A_147 : i32
      %mul3A_149 = arith.constant 16 : i32
      %mul3A_150 = arith.muli %add3A_148, %mul3A_149 : i32
      %swap3A_151 = arith.index_cast %mul3A_150 : i32 to index
      %swap3A_152 = tpu.vector_load %arg6[%swap3A_151] {strides = array<i32>} : memref<50048xi32, #tpu.memory_space<vmem>>, vector<16xi32>,
      tpu.vector_store %arg6[%swap3A_151], %broadcast_in_dim3A_14 {strides = array<i32>} : memref<50048xi32, #tpu.memory_space<vmem>>, vector<16xi32>,
      %mul3A_153 = arith.constant 8 : i32
      %mul3A_154 = arith.muli %scan3A_129, %mul3A_153 : i32
      %add3A_155 = arith.constant 3 : i32
      %add3A_156 = arith.addi %mul3A_154, %add3A_155 : i32
      %mul3A_157 = arith.constant 16 : i32
      %mul3A_158 = arith.muli %add3A_156, %mul3A_157 : i32
      %swap3A_159 = arith.index_cast %mul3A_158 : i32 to index
      %swap3A_160 = tpu.vector_load %arg6[%swap3A_159] {strides = array<i32>} : memref<50048xi32, #tpu.memory_space<vmem>>, vector<16xi32>,
      tpu.vector_store %arg6[%swap3A_159], %broadcast_in_dim3A_14 {strides = array<i32>} : memref<50048xi32, #tpu.memory_space<vmem>>, vector<16xi32>,
      %mul3A_161 = arith.constant 8 : i32
      %mul3A_162 = arith.muli %scan3A_129, %mul3A_161 : i32
      %add3A_163 = arith.constant 4 : i32
      %add3A_164 = arith.addi %mul3A_162, %add3A_163 : i32
      %mul3A_165 = arith.constant 16 : i32
      %mul3A_166 = arith.muli %add3A_164, %mul3A_165 : i32
      %swap3A_167 = arith.index_cast %mul3A_166 : i32 to index
      %swap3A_168 = tpu.vector_load %arg6[%swap3A_167] {strides = array<i32>} : memref<50048xi32, #tpu.memory_space<vmem>>, vector<16xi32>,
      tpu.vector_store %arg6[%swap3A_167], %broadcast_in_dim3A_14 {strides = array<i32>} : memref<50048xi32, #tpu.memory_space<vmem>>, vector<16xi32>,
      %mul3A_169 = arith.constant 8 : i32
      %mul3A_170 = arith.muli %scan3A_129, %mul3A_169 : i32
      %add3A_171 = arith.constant 5 : i32
      %add3A_172 = arith.addi %mul3A_170, %add3A_171 : i32
      %mul3A_173 = arith.constant 16 : i32
      %mul3A_174 = arith.muli %add3A_172, %mul3A_173 : i32
      %swap3A_175 = arith.index_cast %mul3A_174 : i32 to index
      %swap3A_176 = tpu.vector_load %arg6[%swap3A_175] {strides = array<i32>} : memref<50048xi32, #tpu.memory_space<vmem>>, vector<16xi32>,
      tpu.vector_store %arg6[%swap3A_175], %broadcast_in_dim3A_14 {strides = array<i32>} : memref<50048xi32, #tpu.memory_space<vmem>>, vector<16xi32>,
      %mul3A_177 = arith.constant 8 : i32
      %mul3A_178 = arith.muli %scan3A_129, %mul3A_177 : i32
      %add3A_179 = arith.constant 6 : i32
      %add3A_180 = arith.addi %mul3A_178, %add3A_179 : i32
      %mul3A_181 = arith.constant 16 : i32
      %mul3A_182 = arith.muli %add3A_180, %mul3A_181 : i32
      %swap3A_183 = arith.index_cast %mul3A_182 : i32 to index
      %swap3A_184 = tpu.vector_load %arg6[%swap3A_183] {strides = array<i32>} : memref<50048xi32, #tpu.memory_space<vmem>>, vector<16xi32>,
      tpu.vector_store %arg6[%swap3A_183], %broadcast_in_dim3A_14 {strides = array<i32>} : memref<50048xi32, #tpu.memory_space<vmem>>, vector<16xi32>,
      %mul3A_185 = arith.constant 8 : i32
      %mul3A_186 = arith.muli %scan3A_129, %mul3A_185 : i32
      %add3A_187 = arith.constant 7 : i32
      %add3A_188 = arith.addi %mul3A_186, %add3A_187 : i32
      %mul3A_189 = arith.constant 16 : i32
      %mul3A_190 = arith.muli %add3A_188, %mul3A_189 : i32
      %swap3A_191 = arith.index_cast %mul3A_190 : i32 to index
      %swap3A_192 = tpu.vector_load %arg6[%swap3A_191] {strides = array<i32>} : memref<50048xi32, #tpu.memory_space<vmem>>, vector<16xi32>,
      tpu.vector_store %arg6[%swap3A_191], %broadcast_in_dim3A_14 {strides = array<i32>} : memref<50048xi32, #tpu.memory_space<vmem>>, vector<16xi32>,
    }
    %scan3A_19 = arith.constant 391 : i32
    %dma_wait3A = arith.constant 0 : i32
    %dma_wait3A_20 = tpu.memref_slice %arg2[%dma_wait3A] : memref<150144xi32, #tpu.memory_space<hbm>> -> memref<50048xi32, #tpu.memory_space<hbm>>
    %dma_wait3A_21 = arith.constant 0 : i32
    %dma_wait3A_22 = tpu.memref_slice %arg2[%dma_wait3A_21] : memref<150144xi32, #tpu.memory_space<hbm>> -> memref<50048xi32, #tpu.memory_space<hbm>>
    tpu.wait_dma2 semaphore(%arg11 : memref<!tpu.dma_semaphore, #tpu.memory_space<semaphore_mem>>) src(%dma_wait3A_22 : memref<50048xi32, #tpu.memory_space<hbm>>) dst(%arg5 : memref<50048xi32, #tpu.memory_space<vmem>>)
    %scan3A_23 = arith.constant 0 : i32
    %scan3A_24 = arith.constant 0 : i32
    %scan3A_25 = arith.constant 5 : i32
    %scan3A_26 = arith.addi %scan3A_24, %scan3A_25 : i32
    %scan3A_27 = arith.constant 1 : i32
    scf.for %scan3A_129 = %scan3A_24 to %scan3A_26 step %scan3A_27  : i32 {
      %mul3A_130 = arith.constant 2 : i32
      %mul3A_131 = arith.muli %scan3A_129, %mul3A_130 : i32
      %add3A_132 = arith.constant 0 : i32
      %add3A_133 = arith.addi %mul3A_131, %add3A_132 : i32
      %mul3A_134 = arith.constant 10000 : i32
      %mul3A_135 = arith.muli %add3A_133, %mul3A_134 : i32
      %add3A_136 = arith.addi %mul3A_2, %mul3A_135 : i32
      %dma_wait3A_137 = tpu.memref_slice %arg3[%add3A_136] : memref<3200000xi32, #tpu.memory_space<hbm>> -> memref<10000xi32, #tpu.memory_space<hbm>>
      %dma_wait3A_138 = tpu.memref_slice %arg3[%add3A_136] : memref<3200000xi32, #tpu.memory_space<hbm>> -> memref<10000xi32, #tpu.memory_space<hbm>>
      tpu.wait_dma2 semaphore(%arg9 : memref<!tpu.dma_semaphore, #tpu.memory_space<semaphore_mem>>) src(%dma_wait3A_138 : memref<10000xi32, #tpu.memory_space<hbm>>) dst(%arg7 : memref<10000xi32, #tpu.memory_space<vmem>>)
      %lt3A = arith.constant 9 : i32
      %lt3A_139 = arith.cmpi slt, %add3A_133, %lt3A : i32
      %convert_element_type3A = arith.extui %lt3A_139 : i1 to i32
      %cond3A = arith.constant 0 : i32
      %cond3A_140 = arith.cmpi ne, %convert_element_type3A, %cond3A : i32
      scf.if %cond3A_140 {
        %add3A_191 = arith.constant 1 : i32
        %add3A_192 = arith.addi %add3A_133, %add3A_191 : i32
        %mul3A_193 = arith.constant 10000 : i32
        %mul3A_194 = arith.muli %add3A_192, %mul3A_193 : i32
        %add3A_195 = arith.addi %mul3A_2, %mul3A_194 : i32
        %dma_start3A_196 = tpu.memref_slice %arg3[%add3A_195] : memref<3200000xi32, #tpu.memory_space<hbm>> -> memref<10000xi32, #tpu.memory_space<hbm>>
        %dma_start3A_197 = tpu.memref_slice %arg3[%add3A_195] : memref<3200000xi32, #tpu.memory_space<hbm>> -> memref<10000xi32, #tpu.memory_space<hbm>>
        tpu.enqueue_dma source(%dma_start3A_197 : memref<10000xi32, #tpu.memory_space<hbm>>) target(%arg8 : memref<10000xi32, #tpu.memory_space<vmem>>) target_semaphore(%arg10 : memref<!tpu.dma_semaphore, #tpu.memory_space<semaphore_mem>>)
      } else {
      }
      %scan3A_141 = arith.constant 0 : i32
      %scan3A_142 = arith.constant 125 : i32
      %scan3A_143 = arith.addi %scan3A_141, %scan3A_142 : i32
      %scan3A_144 = arith.constant 1 : i32
      %scan3A_145 = scf.for %scan3A_191 = %scan3A_141 to %scan3A_143 step %scan3A_144 iter_args(%scan3A_192 = %broadcast_in_dim3A_3) -> (vector<16xi32>)  : i32 {
        %mul3A_193 = arith.constant 80 : i32
        %mul3A_194 = arith.muli %scan3A_191, %mul3A_193 : i32
        %add3A_195 = arith.constant 0 : i32
        %add3A_196 = arith.addi %mul3A_194, %add3A_195 : i32
        %get3A = arith.index_cast %add3A_196 : i32 to index
        %get3A_197 = tpu.vector_load %arg7[%get3A] {strides = array<i32>} : memref<10000xi32, #tpu.memory_space<vmem>>, vector<16xi32>,
        %and3A = arith.constant 65535 : i32
        %and3A_198 = vector.broadcast %and3A : i32 to vector<16xi32>
        %and3A_199 = arith.andi %get3A_197, %and3A_198 : vector<16xi32>
        %shift_right_logical3A = arith.constant 16 : i32
        %shift_right_logical3A_200 = vector.broadcast %shift_right_logical3A : i32 to vector<16xi32>
        %shift_right_logical3A_201 = arith.shrui %get3A_197, %shift_right_logical3A_200 : vector<16xi32>
        %gather3A = tpu.vector_load_idx %arg5[%and3A_199] : memref<50048xi32, #tpu.memory_space<vmem>>[vector<16xi32>], vector<16xi32>,
        %add3A_202 = arith.constant 16 : i32
        %add3A_203 = arith.addi %mul3A_194, %add3A_202 : i32
        %get3A_204 = arith.index_cast %add3A_203 : i32 to index
        %get3A_205 = tpu.vector_load %arg7[%get3A_204] {strides = array<i32>} : memref<10000xi32, #tpu.memory_space<vmem>>, vector<16xi32>,
        %and3A_206 = arith.constant 65535 : i32
        %and3A_207 = vector.broadcast %and3A_206 : i32 to vector<16xi32>
        %and3A_208 = arith.andi %get3A_205, %and3A_207 : vector<16xi32>
        %shift_right_logical3A_209 = arith.constant 16 : i32
        %shift_right_logical3A_210 = vector.broadcast %shift_right_logical3A_209 : i32 to vector<16xi32>
        %shift_right_logical3A_211 = arith.shrui %get3A_205, %shift_right_logical3A_210 : vector<16xi32>
        %gather3A_212 = tpu.vector_load_idx %arg5[%and3A_208] : memref<50048xi32, #tpu.memory_space<vmem>>[vector<16xi32>], vector<16xi32>,
        %add3A_213 = arith.constant 32 : i32
        %add3A_214 = arith.addi %mul3A_194, %add3A_213 : i32
        %get3A_215 = arith.index_cast %add3A_214 : i32 to index
        %get3A_216 = tpu.vector_load %arg7[%get3A_215] {strides = array<i32>} : memref<10000xi32, #tpu.memory_space<vmem>>, vector<16xi32>,
        %and3A_217 = arith.constant 65535 : i32
        %and3A_218 = vector.broadcast %and3A_217 : i32 to vector<16xi32>
        %and3A_219 = arith.andi %get3A_216, %and3A_218 : vector<16xi32>
        %shift_right_logical3A_220 = arith.constant 16 : i32
        %shift_right_logical3A_221 = vector.broadcast %shift_right_logical3A_220 : i32 to vector<16xi32>
        %shift_right_logical3A_222 = arith.shrui %get3A_216, %shift_right_logical3A_221 : vector<16xi32>
        %gather3A_223 = tpu.vector_load_idx %arg5[%and3A_219] : memref<50048xi32, #tpu.memory_space<vmem>>[vector<16xi32>], vector<16xi32>,
        %add3A_224 = arith.constant 48 : i32
        %add3A_225 = arith.addi %mul3A_194, %add3A_224 : i32
        %get3A_226 = arith.index_cast %add3A_225 : i32 to index
        %get3A_227 = tpu.vector_load %arg7[%get3A_226] {strides = array<i32>} : memref<10000xi32, #tpu.memory_space<vmem>>, vector<16xi32>,
        %and3A_228 = arith.constant 65535 : i32
        %and3A_229 = vector.broadcast %and3A_228 : i32 to vector<16xi32>
        %and3A_230 = arith.andi %get3A_227, %and3A_229 : vector<16xi32>
        %shift_right_logical3A_231 = arith.constant 16 : i32
        %shift_right_logical3A_232 = vector.broadcast %shift_right_logical3A_231 : i32 to vector<16xi32>
        %shift_right_logical3A_233 = arith.shrui %get3A_227, %shift_right_logical3A_232 : vector<16xi32>
        %gather3A_234 = tpu.vector_load_idx %arg5[%and3A_230] : memref<50048xi32, #tpu.memory_space<vmem>>[vector<16xi32>], vector<16xi32>,
        %add3A_235 = arith.constant 64 : i32
        %add3A_236 = arith.addi %mul3A_194, %add3A_235 : i32
        %get3A_237 = arith.index_cast %add3A_236 : i32 to index
        %get3A_238 = tpu.vector_load %arg7[%get3A_237] {strides = array<i32>} : memref<10000xi32, #tpu.memory_space<vmem>>, vector<16xi32>,
        %and3A_239 = arith.constant 65535 : i32
        %and3A_240 = vector.broadcast %and3A_239 : i32 to vector<16xi32>
        %and3A_241 = arith.andi %get3A_238, %and3A_240 : vector<16xi32>
        %shift_right_logical3A_242 = arith.constant 16 : i32
        %shift_right_logical3A_243 = vector.broadcast %shift_right_logical3A_242 : i32 to vector<16xi32>
        %shift_right_logical3A_244 = arith.shrui %get3A_238, %shift_right_logical3A_243 : vector<16xi32>
        %gather3A_245 = tpu.vector_load_idx %arg5[%and3A_241] : memref<50048xi32, #tpu.memory_space<vmem>>[vector<16xi32>], vector<16xi32>,
        %gather3A_246 = tpu.vector_load_idx %arg6[%shift_right_logical3A_201] : memref<50048xi32, #tpu.memory_space<vmem>>[vector<16xi32>], vector<16xi32>,
        %gather3A_247 = tpu.vector_load_idx %arg6[%shift_right_logical3A_211] : memref<50048xi32, #tpu.memory_space<vmem>>[vector<16xi32>], vector<16xi32>,
        %gather3A_248 = tpu.vector_load_idx %arg6[%shift_right_logical3A_222] : memref<50048xi32, #tpu.memory_space<vmem>>[vector<16xi32>], vector<16xi32>,
        %gather3A_249 = tpu.vector_load_idx %arg6[%shift_right_logical3A_233] : memref<50048xi32, #tpu.memory_space<vmem>>[vector<16xi32>], vector<16xi32>,
        %gather3A_250 = tpu.vector_load_idx %arg6[%shift_right_logical3A_244] : memref<50048xi32, #tpu.memory_space<vmem>>[vector<16xi32>], vector<16xi32>,
        %shift_left3A = arith.constant 16 : i32
        %shift_left3A_251 = vector.broadcast %shift_left3A : i32 to vector<16xi32>
        %shift_left3A_252 = arith.shli %gather3A, %shift_left3A_251 : vector<16xi32>
        %bitcast_convert_type3A = tpu.bitcast %shift_left3A_252 : vector<16xi32> -> vector<16xf32>
        %and3A_253 = arith.constant -65536 : i32
        %and3A_254 = vector.broadcast %and3A_253 : i32 to vector<16xi32>
        %and3A_255 = arith.andi %gather3A, %and3A_254 : vector<16xi32>
        %bitcast_convert_type3A_256 = tpu.bitcast %and3A_255 : vector<16xi32> -> vector<16xf32>
        %shift_left3A_257 = arith.constant 16 : i32
        %shift_left3A_258 = vector.broadcast %shift_left3A_257 : i32 to vector<16xi32>
        %shift_left3A_259 = arith.shli %gather3A_246, %shift_left3A_258 : vector<16xi32>
        %bitcast_convert_type3A_260 = tpu.bitcast %shift_left3A_259 : vector<16xi32> -> vector<16xf32>
        %and3A_261 = arith.constant -65536 : i32
        %and3A_262 = vector.broadcast %and3A_261 : i32 to vector<16xi32>
        %and3A_263 = arith.andi %gather3A_246, %and3A_262 : vector<16xi32>
        %bitcast_convert_type3A_264 = tpu.bitcast %and3A_263 : vector<16xi32> -> vector<16xf32>
        %gt3A_265 = arith.cmpf ogt, %bitcast_convert_type3A, %bitcast_convert_type3A_260 : vector<16xf32>
        %gt3A_266 = arith.cmpf ogt, %bitcast_convert_type3A_256, %bitcast_convert_type3A_264 : vector<16xf32>
        %select_n3A = arith.select %gt3A_266, %gather3A, %gather3A_246 : vector<16xi1>, vector<16xi32>
        %and3A_267 = arith.constant -65536 : i32
        %and3A_268 = vector.broadcast %and3A_267 : i32 to vector<16xi32>
        %and3A_269 = arith.andi %select_n3A, %and3A_268 : vector<16xi32>
        %select_n3A_270 = arith.select %gt3A_265, %gather3A, %gather3A_246 : vector<16xi1>, vector<16xi32>
        %and3A_271 = arith.constant 65535 : i32
        %and3A_272 = vector.broadcast %and3A_271 : i32 to vector<16xi32>
        %and3A_273 = arith.andi %select_n3A_270, %and3A_272 : vector<16xi32>
        %or3A = arith.ori %and3A_269, %and3A_273 : vector<16xi32>
        %or3A_274 = arith.ori %gt3A_265, %gt3A_266 : vector<16xi1>
        tpu.vector_store_idx %arg6[%shift_right_logical3A_201], %or3A masked %or3A_274 : memref<50048xi32, #tpu.memory_space<vmem>>[vector<16xi32>], vector<16xi32>, vector<16xi1>
        %shift_left3A_275 = arith.constant 16 : i32
        %shift_left3A_276 = vector.broadcast %shift_left3A_275 : i32 to vector<16xi32>
        %shift_left3A_277 = arith.shli %gather3A_212, %shift_left3A_276 : vector<16xi32>
        %bitcast_convert_type3A_278 = tpu.bitcast %shift_left3A_277 : vector<16xi32> -> vector<16xf32>
        %and3A_279 = arith.constant -65536 : i32
        %and3A_280 = vector.broadcast %and3A_279 : i32 to vector<16xi32>
        %and3A_281 = arith.andi %gather3A_212, %and3A_280 : vector<16xi32>
        %bitcast_convert_type3A_282 = tpu.bitcast %and3A_281 : vector<16xi32> -> vector<16xf32>
        %shift_left3A_283 = arith.constant 16 : i32
        %shift_left3A_284 = vector.broadcast %shift_left3A_283 : i32 to vector<16xi32>
        %shift_left3A_285 = arith.shli %gather3A_247, %shift_left3A_284 : vector<16xi32>
        %bitcast_convert_type3A_286 = tpu.bitcast %shift_left3A_285 : vector<16xi32> -> vector<16xf32>
        %and3A_287 = arith.constant -65536 : i32
        %and3A_288 = vector.broadcast %and3A_287 : i32 to vector<16xi32>
        %and3A_289 = arith.andi %gather3A_247, %and3A_288 : vector<16xi32>
        %bitcast_convert_type3A_290 = tpu.bitcast %and3A_289 : vector<16xi32> -> vector<16xf32>
        %gt3A_291 = arith.cmpf ogt, %bitcast_convert_type3A_278, %bitcast_convert_type3A_286 : vector<16xf32>
        %gt3A_292 = arith.cmpf ogt, %bitcast_convert_type3A_282, %bitcast_convert_type3A_290 : vector<16xf32>
        %select_n3A_293 = arith.select %gt3A_292, %gather3A_212, %gather3A_247 : vector<16xi1>, vector<16xi32>
        %and3A_294 = arith.constant -65536 : i32
        %and3A_295 = vector.broadcast %and3A_294 : i32 to vector<16xi32>
        %and3A_296 = arith.andi %select_n3A_293, %and3A_295 : vector<16xi32>
        %select_n3A_297 = arith.select %gt3A_291, %gather3A_212, %gather3A_247 : vector<16xi1>, vector<16xi32>
        %and3A_298 = arith.constant 65535 : i32
        %and3A_299 = vector.broadcast %and3A_298 : i32 to vector<16xi32>
        %and3A_300 = arith.andi %select_n3A_297, %and3A_299 : vector<16xi32>
        %or3A_301 = arith.ori %and3A_296, %and3A_300 : vector<16xi32>
        %or3A_302 = arith.ori %gt3A_291, %gt3A_292 : vector<16xi1>
        tpu.vector_store_idx %arg6[%shift_right_logical3A_211], %or3A_301 masked %or3A_302 : memref<50048xi32, #tpu.memory_space<vmem>>[vector<16xi32>], vector<16xi32>, vector<16xi1>
        %shift_left3A_303 = arith.constant 16 : i32
        %shift_left3A_304 = vector.broadcast %shift_left3A_303 : i32 to vector<16xi32>
        %shift_left3A_305 = arith.shli %gather3A_223, %shift_left3A_304 : vector<16xi32>
        %bitcast_convert_type3A_306 = tpu.bitcast %shift_left3A_305 : vector<16xi32> -> vector<16xf32>
        %and3A_307 = arith.constant -65536 : i32
        %and3A_308 = vector.broadcast %and3A_307 : i32 to vector<16xi32>
        %and3A_309 = arith.andi %gather3A_223, %and3A_308 : vector<16xi32>
        %bitcast_convert_type3A_310 = tpu.bitcast %and3A_309 : vector<16xi32> -> vector<16xf32>
        %shift_left3A_311 = arith.constant 16 : i32
        %shift_left3A_312 = vector.broadcast %shift_left3A_311 : i32 to vector<16xi32>
        %shift_left3A_313 = arith.shli %gather3A_248, %shift_left3A_312 : vector<16xi32>
        %bitcast_convert_type3A_314 = tpu.bitcast %shift_left3A_313 : vector<16xi32> -> vector<16xf32>
        %and3A_315 = arith.constant -65536 : i32
        %and3A_316 = vector.broadcast %and3A_315 : i32 to vector<16xi32>
        %and3A_317 = arith.andi %gather3A_248, %and3A_316 : vector<16xi32>
        %bitcast_convert_type3A_318 = tpu.bitcast %and3A_317 : vector<16xi32> -> vector<16xf32>
        %gt3A_319 = arith.cmpf ogt, %bitcast_convert_type3A_306, %bitcast_convert_type3A_314 : vector<16xf32>
        %gt3A_320 = arith.cmpf ogt, %bitcast_convert_type3A_310, %bitcast_convert_type3A_318 : vector<16xf32>
        %select_n3A_321 = arith.select %gt3A_320, %gather3A_223, %gather3A_248 : vector<16xi1>, vector<16xi32>
        %and3A_322 = arith.constant -65536 : i32
        %and3A_323 = vector.broadcast %and3A_322 : i32 to vector<16xi32>
        %and3A_324 = arith.andi %select_n3A_321, %and3A_323 : vector<16xi32>
        %select_n3A_325 = arith.select %gt3A_319, %gather3A_223, %gather3A_248 : vector<16xi1>, vector<16xi32>
        %and3A_326 = arith.constant 65535 : i32
        %and3A_327 = vector.broadcast %and3A_326 : i32 to vector<16xi32>
        %and3A_328 = arith.andi %select_n3A_325, %and3A_327 : vector<16xi32>
        %or3A_329 = arith.ori %and3A_324, %and3A_328 : vector<16xi32>
        %or3A_330 = arith.ori %gt3A_319, %gt3A_320 : vector<16xi1>
        tpu.vector_store_idx %arg6[%shift_right_logical3A_222], %or3A_329 masked %or3A_330 : memref<50048xi32, #tpu.memory_space<vmem>>[vector<16xi32>], vector<16xi32>, vector<16xi1>
        %shift_left3A_331 = arith.constant 16 : i32
        %shift_left3A_332 = vector.broadcast %shift_left3A_331 : i32 to vector<16xi32>
        %shift_left3A_333 = arith.shli %gather3A_234, %shift_left3A_332 : vector<16xi32>
        %bitcast_convert_type3A_334 = tpu.bitcast %shift_left3A_333 : vector<16xi32> -> vector<16xf32>
        %and3A_335 = arith.constant -65536 : i32
        %and3A_336 = vector.broadcast %and3A_335 : i32 to vector<16xi32>
        %and3A_337 = arith.andi %gather3A_234, %and3A_336 : vector<16xi32>
        %bitcast_convert_type3A_338 = tpu.bitcast %and3A_337 : vector<16xi32> -> vector<16xf32>
        %shift_left3A_339 = arith.constant 16 : i32
        %shift_left3A_340 = vector.broadcast %shift_left3A_339 : i32 to vector<16xi32>
        %shift_left3A_341 = arith.shli %gather3A_249, %shift_left3A_340 : vector<16xi32>
        %bitcast_convert_type3A_342 = tpu.bitcast %shift_left3A_341 : vector<16xi32> -> vector<16xf32>
        %and3A_343 = arith.constant -65536 : i32
        %and3A_344 = vector.broadcast %and3A_343 : i32 to vector<16xi32>
        %and3A_345 = arith.andi %gather3A_249, %and3A_344 : vector<16xi32>
        %bitcast_convert_type3A_346 = tpu.bitcast %and3A_345 : vector<16xi32> -> vector<16xf32>
        %gt3A_347 = arith.cmpf ogt, %bitcast_convert_type3A_334, %bitcast_convert_type3A_342 : vector<16xf32>
        %gt3A_348 = arith.cmpf ogt, %bitcast_convert_type3A_338, %bitcast_convert_type3A_346 : vector<16xf32>
        %select_n3A_349 = arith.select %gt3A_348, %gather3A_234, %gather3A_249 : vector<16xi1>, vector<16xi32>
        %and3A_350 = arith.constant -65536 : i32
        %and3A_351 = vector.broadcast %and3A_350 : i32 to vector<16xi32>
        %and3A_352 = arith.andi %select_n3A_349, %and3A_351 : vector<16xi32>
        %select_n3A_353 = arith.select %gt3A_347, %gather3A_234, %gather3A_249 : vector<16xi1>, vector<16xi32>
        %and3A_354 = arith.constant 65535 : i32
        %and3A_355 = vector.broadcast %and3A_354 : i32 to vector<16xi32>
        %and3A_356 = arith.andi %select_n3A_353, %and3A_355 : vector<16xi32>
        %or3A_357 = arith.ori %and3A_352, %and3A_356 : vector<16xi32>
        %or3A_358 = arith.ori %gt3A_347, %gt3A_348 : vector<16xi1>
        tpu.vector_store_idx %arg6[%shift_right_logical3A_233], %or3A_357 masked %or3A_358 : memref<50048xi32, #tpu.memory_space<vmem>>[vector<16xi32>], vector<16xi32>, vector<16xi1>
        %shift_left3A_359 = arith.constant 16 : i32
        %shift_left3A_360 = vector.broadcast %shift_left3A_359 : i32 to vector<16xi32>
        %shift_left3A_361 = arith.shli %gather3A_245, %shift_left3A_360 : vector<16xi32>
        %bitcast_convert_type3A_362 = tpu.bitcast %shift_left3A_361 : vector<16xi32> -> vector<16xf32>
        %and3A_363 = arith.constant -65536 : i32
        %and3A_364 = vector.broadcast %and3A_363 : i32 to vector<16xi32>
        %and3A_365 = arith.andi %gather3A_245, %and3A_364 : vector<16xi32>
        %bitcast_convert_type3A_366 = tpu.bitcast %and3A_365 : vector<16xi32> -> vector<16xf32>
        %shift_left3A_367 = arith.constant 16 : i32
        %shift_left3A_368 = vector.broadcast %shift_left3A_367 : i32 to vector<16xi32>
        %shift_left3A_369 = arith.shli %gather3A_250, %shift_left3A_368 : vector<16xi32>
        %bitcast_convert_type3A_370 = tpu.bitcast %shift_left3A_369 : vector<16xi32> -> vector<16xf32>
        %and3A_371 = arith.constant -65536 : i32
        %and3A_372 = vector.broadcast %and3A_371 : i32 to vector<16xi32>
        %and3A_373 = arith.andi %gather3A_250, %and3A_372 : vector<16xi32>
        %bitcast_convert_type3A_374 = tpu.bitcast %and3A_373 : vector<16xi32> -> vector<16xf32>
        %gt3A_375 = arith.cmpf ogt, %bitcast_convert_type3A_362, %bitcast_convert_type3A_370 : vector<16xf32>
        %gt3A_376 = arith.cmpf ogt, %bitcast_convert_type3A_366, %bitcast_convert_type3A_374 : vector<16xf32>
        %select_n3A_377 = arith.select %gt3A_376, %gather3A_245, %gather3A_250 : vector<16xi1>, vector<16xi32>
        %and3A_378 = arith.constant -65536 : i32
        %and3A_379 = vector.broadcast %and3A_378 : i32 to vector<16xi32>
        %and3A_380 = arith.andi %select_n3A_377, %and3A_379 : vector<16xi32>
        %select_n3A_381 = arith.select %gt3A_375, %gather3A_245, %gather3A_250 : vector<16xi1>, vector<16xi32>
        %and3A_382 = arith.constant 65535 : i32
        %and3A_383 = vector.broadcast %and3A_382 : i32 to vector<16xi32>
        %and3A_384 = arith.andi %select_n3A_381, %and3A_383 : vector<16xi32>
        %or3A_385 = arith.ori %and3A_380, %and3A_384 : vector<16xi32>
        %or3A_386 = arith.ori %gt3A_375, %gt3A_376 : vector<16xi1>
        tpu.vector_store_idx %arg6[%shift_right_logical3A_244], %or3A_385 masked %or3A_386 : memref<50048xi32, #tpu.memory_space<vmem>>[vector<16xi32>], vector<16xi32>, vector<16xi1>
        %gather3A_387 = tpu.vector_load_idx %arg6[%shift_right_logical3A_201] : memref<50048xi32, #tpu.memory_space<vmem>>[vector<16xi32>], vector<16xi32>,
        %gather3A_388 = tpu.vector_load_idx %arg6[%shift_right_logical3A_211] : memref<50048xi32, #tpu.memory_space<vmem>>[vector<16xi32>], vector<16xi32>,
        %gather3A_389 = tpu.vector_load_idx %arg6[%shift_right_logical3A_222] : memref<50048xi32, #tpu.memory_space<vmem>>[vector<16xi32>], vector<16xi32>,
        %gather3A_390 = tpu.vector_load_idx %arg6[%shift_right_logical3A_233] : memref<50048xi32, #tpu.memory_space<vmem>>[vector<16xi32>], vector<16xi32>,
        %gather3A_391 = tpu.vector_load_idx %arg6[%shift_right_logical3A_244] : memref<50048xi32, #tpu.memory_space<vmem>>[vector<16xi32>], vector<16xi32>,
        %shift_left3A_392 = arith.constant 16 : i32
        %shift_left3A_393 = vector.broadcast %shift_left3A_392 : i32 to vector<16xi32>
        %shift_left3A_394 = arith.shli %gather3A, %shift_left3A_393 : vector<16xi32>
        %bitcast_convert_type3A_395 = tpu.bitcast %shift_left3A_394 : vector<16xi32> -> vector<16xf32>
        %and3A_396 = arith.constant -65536 : i32
        %and3A_397 = vector.broadcast %and3A_396 : i32 to vector<16xi32>
        %and3A_398 = arith.andi %gather3A, %and3A_397 : vector<16xi32>
        %bitcast_convert_type3A_399 = tpu.bitcast %and3A_398 : vector<16xi32> -> vector<16xf32>
        %shift_left3A_400 = arith.constant 16 : i32
        %shift_left3A_401 = vector.broadcast %shift_left3A_400 : i32 to vector<16xi32>
        %shift_left3A_402 = arith.shli %gather3A_387, %shift_left3A_401 : vector<16xi32>
        %bitcast_convert_type3A_403 = tpu.bitcast %shift_left3A_402 : vector<16xi32> -> vector<16xf32>
        %and3A_404 = arith.constant -65536 : i32
        %and3A_405 = vector.broadcast %and3A_404 : i32 to vector<16xi32>
        %and3A_406 = arith.andi %gather3A_387, %and3A_405 : vector<16xi32>
        %bitcast_convert_type3A_407 = tpu.bitcast %and3A_406 : vector<16xi32> -> vector<16xf32>
        %gt3A_408 = arith.cmpf ogt, %bitcast_convert_type3A_395, %bitcast_convert_type3A_403 : vector<16xf32>
        %gt3A_409 = arith.cmpf ogt, %bitcast_convert_type3A_399, %bitcast_convert_type3A_407 : vector<16xf32>
        %select_n3A_410 = arith.select %gt3A_409, %gather3A, %gather3A_387 : vector<16xi1>, vector<16xi32>
        %and3A_411 = arith.constant -65536 : i32
        %and3A_412 = vector.broadcast %and3A_411 : i32 to vector<16xi32>
        %and3A_413 = arith.andi %select_n3A_410, %and3A_412 : vector<16xi32>
        %select_n3A_414 = arith.select %gt3A_408, %gather3A, %gather3A_387 : vector<16xi1>, vector<16xi32>
        %and3A_415 = arith.constant 65535 : i32
        %and3A_416 = vector.broadcast %and3A_415 : i32 to vector<16xi32>
        %and3A_417 = arith.andi %select_n3A_414, %and3A_416 : vector<16xi32>
        %or3A_418 = arith.ori %and3A_413, %and3A_417 : vector<16xi32>
        %or3A_419 = arith.ori %gt3A_408, %gt3A_409 : vector<16xi1>
        tpu.vector_store_idx %arg6[%shift_right_logical3A_201], %or3A_418 masked %or3A_419 : memref<50048xi32, #tpu.memory_space<vmem>>[vector<16xi32>], vector<16xi32>, vector<16xi1>
        %shift_left3A_420 = arith.constant 16 : i32
        %shift_left3A_421 = vector.broadcast %shift_left3A_420 : i32 to vector<16xi32>
        %shift_left3A_422 = arith.shli %gather3A_212, %shift_left3A_421 : vector<16xi32>
        %bitcast_convert_type3A_423 = tpu.bitcast %shift_left3A_422 : vector<16xi32> -> vector<16xf32>
        %and3A_424 = arith.constant -65536 : i32
        %and3A_425 = vector.broadcast %and3A_424 : i32 to vector<16xi32>
        %and3A_426 = arith.andi %gather3A_212, %and3A_425 : vector<16xi32>
        %bitcast_convert_type3A_427 = tpu.bitcast %and3A_426 : vector<16xi32> -> vector<16xf32>
        %shift_left3A_428 = arith.constant 16 : i32
        %shift_left3A_429 = vector.broadcast %shift_left3A_428 : i32 to vector<16xi32>
        %shift_left3A_430 = arith.shli %gather3A_388, %shift_left3A_429 : vector<16xi32>
        %bitcast_convert_type3A_431 = tpu.bitcast %shift_left3A_430 : vector<16xi32> -> vector<16xf32>
        %and3A_432 = arith.constant -65536 : i32
        %and3A_433 = vector.broadcast %and3A_432 : i32 to vector<16xi32>
        %and3A_434 = arith.andi %gather3A_388, %and3A_433 : vector<16xi32>
        %bitcast_convert_type3A_435 = tpu.bitcast %and3A_434 : vector<16xi32> -> vector<16xf32>
        %gt3A_436 = arith.cmpf ogt, %bitcast_convert_type3A_423, %bitcast_convert_type3A_431 : vector<16xf32>
        %gt3A_437 = arith.cmpf ogt, %bitcast_convert_type3A_427, %bitcast_convert_type3A_435 : vector<16xf32>
        %select_n3A_438 = arith.select %gt3A_437, %gather3A_212, %gather3A_388 : vector<16xi1>, vector<16xi32>
        %and3A_439 = arith.constant -65536 : i32
        %and3A_440 = vector.broadcast %and3A_439 : i32 to vector<16xi32>
        %and3A_441 = arith.andi %select_n3A_438, %and3A_440 : vector<16xi32>
        %select_n3A_442 = arith.select %gt3A_436, %gather3A_212, %gather3A_388 : vector<16xi1>, vector<16xi32>
        %and3A_443 = arith.constant 65535 : i32
        %and3A_444 = vector.broadcast %and3A_443 : i32 to vector<16xi32>
        %and3A_445 = arith.andi %select_n3A_442, %and3A_444 : vector<16xi32>
        %or3A_446 = arith.ori %and3A_441, %and3A_445 : vector<16xi32>
        %or3A_447 = arith.ori %gt3A_436, %gt3A_437 : vector<16xi1>
        tpu.vector_store_idx %arg6[%shift_right_logical3A_211], %or3A_446 masked %or3A_447 : memref<50048xi32, #tpu.memory_space<vmem>>[vector<16xi32>], vector<16xi32>, vector<16xi1>
        %shift_left3A_448 = arith.constant 16 : i32
        %shift_left3A_449 = vector.broadcast %shift_left3A_448 : i32 to vector<16xi32>
        %shift_left3A_450 = arith.shli %gather3A_223, %shift_left3A_449 : vector<16xi32>
        %bitcast_convert_type3A_451 = tpu.bitcast %shift_left3A_450 : vector<16xi32> -> vector<16xf32>
        %and3A_452 = arith.constant -65536 : i32
        %and3A_453 = vector.broadcast %and3A_452 : i32 to vector<16xi32>
        %and3A_454 = arith.andi %gather3A_223, %and3A_453 : vector<16xi32>
        %bitcast_convert_type3A_455 = tpu.bitcast %and3A_454 : vector<16xi32> -> vector<16xf32>
        %shift_left3A_456 = arith.constant 16 : i32
        %shift_left3A_457 = vector.broadcast %shift_left3A_456 : i32 to vector<16xi32>
        %shift_left3A_458 = arith.shli %gather3A_389, %shift_left3A_457 : vector<16xi32>
        %bitcast_convert_type3A_459 = tpu.bitcast %shift_left3A_458 : vector<16xi32> -> vector<16xf32>
        %and3A_460 = arith.constant -65536 : i32
        %and3A_461 = vector.broadcast %and3A_460 : i32 to vector<16xi32>
        %and3A_462 = arith.andi %gather3A_389, %and3A_461 : vector<16xi32>
        %bitcast_convert_type3A_463 = tpu.bitcast %and3A_462 : vector<16xi32> -> vector<16xf32>
        %gt3A_464 = arith.cmpf ogt, %bitcast_convert_type3A_451, %bitcast_convert_type3A_459 : vector<16xf32>
        %gt3A_465 = arith.cmpf ogt, %bitcast_convert_type3A_455, %bitcast_convert_type3A_463 : vector<16xf32>
        %select_n3A_466 = arith.select %gt3A_465, %gather3A_223, %gather3A_389 : vector<16xi1>, vector<16xi32>
        %and3A_467 = arith.constant -65536 : i32
        %and3A_468 = vector.broadcast %and3A_467 : i32 to vector<16xi32>
        %and3A_469 = arith.andi %select_n3A_466, %and3A_468 : vector<16xi32>
        %select_n3A_470 = arith.select %gt3A_464, %gather3A_223, %gather3A_389 : vector<16xi1>, vector<16xi32>
        %and3A_471 = arith.constant 65535 : i32
        %and3A_472 = vector.broadcast %and3A_471 : i32 to vector<16xi32>
        %and3A_473 = arith.andi %select_n3A_470, %and3A_472 : vector<16xi32>
        %or3A_474 = arith.ori %and3A_469, %and3A_473 : vector<16xi32>
        %or3A_475 = arith.ori %gt3A_464, %gt3A_465 : vector<16xi1>
        tpu.vector_store_idx %arg6[%shift_right_logical3A_222], %or3A_474 masked %or3A_475 : memref<50048xi32, #tpu.memory_space<vmem>>[vector<16xi32>], vector<16xi32>, vector<16xi1>
        %shift_left3A_476 = arith.constant 16 : i32
        %shift_left3A_477 = vector.broadcast %shift_left3A_476 : i32 to vector<16xi32>
        %shift_left3A_478 = arith.shli %gather3A_234, %shift_left3A_477 : vector<16xi32>
        %bitcast_convert_type3A_479 = tpu.bitcast %shift_left3A_478 : vector<16xi32> -> vector<16xf32>
        %and3A_480 = arith.constant -65536 : i32
        %and3A_481 = vector.broadcast %and3A_480 : i32 to vector<16xi32>
        %and3A_482 = arith.andi %gather3A_234, %and3A_481 : vector<16xi32>
        %bitcast_convert_type3A_483 = tpu.bitcast %and3A_482 : vector<16xi32> -> vector<16xf32>
        %shift_left3A_484 = arith.constant 16 : i32
        %shift_left3A_485 = vector.broadcast %shift_left3A_484 : i32 to vector<16xi32>
        %shift_left3A_486 = arith.shli %gather3A_390, %shift_left3A_485 : vector<16xi32>
        %bitcast_convert_type3A_487 = tpu.bitcast %shift_left3A_486 : vector<16xi32> -> vector<16xf32>
        %and3A_488 = arith.constant -65536 : i32
        %and3A_489 = vector.broadcast %and3A_488 : i32 to vector<16xi32>
        %and3A_490 = arith.andi %gather3A_390, %and3A_489 : vector<16xi32>
        %bitcast_convert_type3A_491 = tpu.bitcast %and3A_490 : vector<16xi32> -> vector<16xf32>
        %gt3A_492 = arith.cmpf ogt, %bitcast_convert_type3A_479, %bitcast_convert_type3A_487 : vector<16xf32>
        %gt3A_493 = arith.cmpf ogt, %bitcast_convert_type3A_483, %bitcast_convert_type3A_491 : vector<16xf32>
        %select_n3A_494 = arith.select %gt3A_493, %gather3A_234, %gather3A_390 : vector<16xi1>, vector<16xi32>
        %and3A_495 = arith.constant -65536 : i32
        %and3A_496 = vector.broadcast %and3A_495 : i32 to vector<16xi32>
        %and3A_497 = arith.andi %select_n3A_494, %and3A_496 : vector<16xi32>
        %select_n3A_498 = arith.select %gt3A_492, %gather3A_234, %gather3A_390 : vector<16xi1>, vector<16xi32>
        %and3A_499 = arith.constant 65535 : i32
        %and3A_500 = vector.broadcast %and3A_499 : i32 to vector<16xi32>
        %and3A_501 = arith.andi %select_n3A_498, %and3A_500 : vector<16xi32>
        %or3A_502 = arith.ori %and3A_497, %and3A_501 : vector<16xi32>
        %or3A_503 = arith.ori %gt3A_492, %gt3A_493 : vector<16xi1>
        tpu.vector_store_idx %arg6[%shift_right_logical3A_233], %or3A_502 masked %or3A_503 : memref<50048xi32, #tpu.memory_space<vmem>>[vector<16xi32>], vector<16xi32>, vector<16xi1>
        %shift_left3A_504 = arith.constant 16 : i32
        %shift_left3A_505 = vector.broadcast %shift_left3A_504 : i32 to vector<16xi32>
        %shift_left3A_506 = arith.shli %gather3A_245, %shift_left3A_505 : vector<16xi32>
        %bitcast_convert_type3A_507 = tpu.bitcast %shift_left3A_506 : vector<16xi32> -> vector<16xf32>
        %and3A_508 = arith.constant -65536 : i32
        %and3A_509 = vector.broadcast %and3A_508 : i32 to vector<16xi32>
        %and3A_510 = arith.andi %gather3A_245, %and3A_509 : vector<16xi32>
        %bitcast_convert_type3A_511 = tpu.bitcast %and3A_510 : vector<16xi32> -> vector<16xf32>
        %shift_left3A_512 = arith.constant 16 : i32
        %shift_left3A_513 = vector.broadcast %shift_left3A_512 : i32 to vector<16xi32>
        %shift_left3A_514 = arith.shli %gather3A_391, %shift_left3A_513 : vector<16xi32>
        %bitcast_convert_type3A_515 = tpu.bitcast %shift_left3A_514 : vector<16xi32> -> vector<16xf32>
        %and3A_516 = arith.constant -65536 : i32
        %and3A_517 = vector.broadcast %and3A_516 : i32 to vector<16xi32>
        %and3A_518 = arith.andi %gather3A_391, %and3A_517 : vector<16xi32>
        %bitcast_convert_type3A_519 = tpu.bitcast %and3A_518 : vector<16xi32> -> vector<16xf32>
        %gt3A_520 = arith.cmpf ogt, %bitcast_convert_type3A_507, %bitcast_convert_type3A_515 : vector<16xf32>
        %gt3A_521 = arith.cmpf ogt, %bitcast_convert_type3A_511, %bitcast_convert_type3A_519 : vector<16xf32>
        %select_n3A_522 = arith.select %gt3A_521, %gather3A_245, %gather3A_391 : vector<16xi1>, vector<16xi32>
        %and3A_523 = arith.constant -65536 : i32
        %and3A_524 = vector.broadcast %and3A_523 : i32 to vector<16xi32>
        %and3A_525 = arith.andi %select_n3A_522, %and3A_524 : vector<16xi32>
        %select_n3A_526 = arith.select %gt3A_520, %gather3A_245, %gather3A_391 : vector<16xi1>, vector<16xi32>
        %and3A_527 = arith.constant 65535 : i32
        %and3A_528 = vector.broadcast %and3A_527 : i32 to vector<16xi32>
        %and3A_529 = arith.andi %select_n3A_526, %and3A_528 : vector<16xi32>
        %or3A_530 = arith.ori %and3A_525, %and3A_529 : vector<16xi32>
        %or3A_531 = arith.ori %gt3A_520, %gt3A_521 : vector<16xi1>
        tpu.vector_store_idx %arg6[%shift_right_logical3A_244], %or3A_530 masked %or3A_531 : memref<50048xi32, #tpu.memory_space<vmem>>[vector<16xi32>], vector<16xi32>, vector<16xi1>
        %gather3A_532 = tpu.vector_load_idx %arg6[%shift_right_logical3A_201] : memref<50048xi32, #tpu.memory_space<vmem>>[vector<16xi32>], vector<16xi32>,
        %shift_left3A_533 = arith.constant 16 : i32
        %shift_left3A_534 = vector.broadcast %shift_left3A_533 : i32 to vector<16xi32>
        %shift_left3A_535 = arith.shli %gather3A, %shift_left3A_534 : vector<16xi32>
        %bitcast_convert_type3A_536 = tpu.bitcast %shift_left3A_535 : vector<16xi32> -> vector<16xf32>
        %and3A_537 = arith.constant -65536 : i32
        %and3A_538 = vector.broadcast %and3A_537 : i32 to vector<16xi32>
        %and3A_539 = arith.andi %gather3A, %and3A_538 : vector<16xi32>
        %bitcast_convert_type3A_540 = tpu.bitcast %and3A_539 : vector<16xi32> -> vector<16xf32>
        %shift_left3A_541 = arith.constant 16 : i32
        %shift_left3A_542 = vector.broadcast %shift_left3A_541 : i32 to vector<16xi32>
        %shift_left3A_543 = arith.shli %gather3A_532, %shift_left3A_542 : vector<16xi32>
        %bitcast_convert_type3A_544 = tpu.bitcast %shift_left3A_543 : vector<16xi32> -> vector<16xf32>
        %and3A_545 = arith.constant -65536 : i32
        %and3A_546 = vector.broadcast %and3A_545 : i32 to vector<16xi32>
        %and3A_547 = arith.andi %gather3A_532, %and3A_546 : vector<16xi32>
        %bitcast_convert_type3A_548 = tpu.bitcast %and3A_547 : vector<16xi32> -> vector<16xf32>
        %gt3A_549 = arith.cmpf ogt, %bitcast_convert_type3A_536, %bitcast_convert_type3A_544 : vector<16xf32>
        %gt3A_550 = arith.cmpf ogt, %bitcast_convert_type3A_540, %bitcast_convert_type3A_548 : vector<16xf32>
        %select_n3A_551 = arith.select %gt3A_550, %gather3A, %gather3A_532 : vector<16xi1>, vector<16xi32>
        %and3A_552 = arith.constant -65536 : i32
        %and3A_553 = vector.broadcast %and3A_552 : i32 to vector<16xi32>
        %and3A_554 = arith.andi %select_n3A_551, %and3A_553 : vector<16xi32>
        %select_n3A_555 = arith.select %gt3A_549, %gather3A, %gather3A_532 : vector<16xi1>, vector<16xi32>
        %and3A_556 = arith.constant 65535 : i32
        %and3A_557 = vector.broadcast %and3A_556 : i32 to vector<16xi32>
        %and3A_558 = arith.andi %select_n3A_555, %and3A_557 : vector<16xi32>
        %or3A_559 = arith.ori %and3A_554, %and3A_558 : vector<16xi32>
        %or3A_560 = arith.ori %gt3A_549, %gt3A_550 : vector<16xi1>
        %gather3A_561 = tpu.vector_load_idx %arg6[%shift_right_logical3A_211] : memref<50048xi32, #tpu.memory_space<vmem>>[vector<16xi32>], vector<16xi32>,
        %shift_left3A_562 = arith.constant 16 : i32
        %shift_left3A_563 = vector.broadcast %shift_left3A_562 : i32 to vector<16xi32>
        %shift_left3A_564 = arith.shli %gather3A_212, %shift_left3A_563 : vector<16xi32>
        %bitcast_convert_type3A_565 = tpu.bitcast %shift_left3A_564 : vector<16xi32> -> vector<16xf32>
        %and3A_566 = arith.constant -65536 : i32
        %and3A_567 = vector.broadcast %and3A_566 : i32 to vector<16xi32>
        %and3A_568 = arith.andi %gather3A_212, %and3A_567 : vector<16xi32>
        %bitcast_convert_type3A_569 = tpu.bitcast %and3A_568 : vector<16xi32> -> vector<16xf32>
        %shift_left3A_570 = arith.constant 16 : i32
        %shift_left3A_571 = vector.broadcast %shift_left3A_570 : i32 to vector<16xi32>
        %shift_left3A_572 = arith.shli %gather3A_561, %shift_left3A_571 : vector<16xi32>
        %bitcast_convert_type3A_573 = tpu.bitcast %shift_left3A_572 : vector<16xi32> -> vector<16xf32>
        %and3A_574 = arith.constant -65536 : i32
        %and3A_575 = vector.broadcast %and3A_574 : i32 to vector<16xi32>
        %and3A_576 = arith.andi %gather3A_561, %and3A_575 : vector<16xi32>
        %bitcast_convert_type3A_577 = tpu.bitcast %and3A_576 : vector<16xi32> -> vector<16xf32>
        %gt3A_578 = arith.cmpf ogt, %bitcast_convert_type3A_565, %bitcast_convert_type3A_573 : vector<16xf32>
        %gt3A_579 = arith.cmpf ogt, %bitcast_convert_type3A_569, %bitcast_convert_type3A_577 : vector<16xf32>
        %select_n3A_580 = arith.select %gt3A_579, %gather3A_212, %gather3A_561 : vector<16xi1>, vector<16xi32>
        %and3A_581 = arith.constant -65536 : i32
        %and3A_582 = vector.broadcast %and3A_581 : i32 to vector<16xi32>
        %and3A_583 = arith.andi %select_n3A_580, %and3A_582 : vector<16xi32>
        %select_n3A_584 = arith.select %gt3A_578, %gather3A_212, %gather3A_561 : vector<16xi1>, vector<16xi32>
        %and3A_585 = arith.constant 65535 : i32
        %and3A_586 = vector.broadcast %and3A_585 : i32 to vector<16xi32>
        %and3A_587 = arith.andi %select_n3A_584, %and3A_586 : vector<16xi32>
        %or3A_588 = arith.ori %and3A_583, %and3A_587 : vector<16xi32>
        %or3A_589 = arith.ori %gt3A_578, %gt3A_579 : vector<16xi1>
        %or3A_590 = arith.ori %or3A_560, %or3A_589 : vector<16xi1>
        %gather3A_591 = tpu.vector_load_idx %arg6[%shift_right_logical3A_222] : memref<50048xi32, #tpu.memory_space<vmem>>[vector<16xi32>], vector<16xi32>,
        %shift_left3A_592 = arith.constant 16 : i32
        %shift_left3A_593 = vector.broadcast %shift_left3A_592 : i32 to vector<16xi32>
        %shift_left3A_594 = arith.shli %gather3A_223, %shift_left3A_593 : vector<16xi32>
        %bitcast_convert_type3A_595 = tpu.bitcast %shift_left3A_594 : vector<16xi32> -> vector<16xf32>
        %and3A_596 = arith.constant -65536 : i32
        %and3A_597 = vector.broadcast %and3A_596 : i32 to vector<16xi32>
        %and3A_598 = arith.andi %gather3A_223, %and3A_597 : vector<16xi32>
        %bitcast_convert_type3A_599 = tpu.bitcast %and3A_598 : vector<16xi32> -> vector<16xf32>
        %shift_left3A_600 = arith.constant 16 : i32
        %shift_left3A_601 = vector.broadcast %shift_left3A_600 : i32 to vector<16xi32>
        %shift_left3A_602 = arith.shli %gather3A_591, %shift_left3A_601 : vector<16xi32>
        %bitcast_convert_type3A_603 = tpu.bitcast %shift_left3A_602 : vector<16xi32> -> vector<16xf32>
        %and3A_604 = arith.constant -65536 : i32
        %and3A_605 = vector.broadcast %and3A_604 : i32 to vector<16xi32>
        %and3A_606 = arith.andi %gather3A_591, %and3A_605 : vector<16xi32>
        %bitcast_convert_type3A_607 = tpu.bitcast %and3A_606 : vector<16xi32> -> vector<16xf32>
        %gt3A_608 = arith.cmpf ogt, %bitcast_convert_type3A_595, %bitcast_convert_type3A_603 : vector<16xf32>
        %gt3A_609 = arith.cmpf ogt, %bitcast_convert_type3A_599, %bitcast_convert_type3A_607 : vector<16xf32>
        %select_n3A_610 = arith.select %gt3A_609, %gather3A_223, %gather3A_591 : vector<16xi1>, vector<16xi32>
        %and3A_611 = arith.constant -65536 : i32
        %and3A_612 = vector.broadcast %and3A_611 : i32 to vector<16xi32>
        %and3A_613 = arith.andi %select_n3A_610, %and3A_612 : vector<16xi32>
        %select_n3A_614 = arith.select %gt3A_608, %gather3A_223, %gather3A_591 : vector<16xi1>, vector<16xi32>
        %and3A_615 = arith.constant 65535 : i32
        %and3A_616 = vector.broadcast %and3A_615 : i32 to vector<16xi32>
        %and3A_617 = arith.andi %select_n3A_614, %and3A_616 : vector<16xi32>
        %or3A_618 = arith.ori %and3A_613, %and3A_617 : vector<16xi32>
        %or3A_619 = arith.ori %gt3A_608, %gt3A_609 : vector<16xi1>
        %or3A_620 = arith.ori %or3A_590, %or3A_619 : vector<16xi1>
        %gather3A_621 = tpu.vector_load_idx %arg6[%shift_right_logical3A_233] : memref<50048xi32, #tpu.memory_space<vmem>>[vector<16xi32>], vector<16xi32>,
        %shift_left3A_622 = arith.constant 16 : i32
        %shift_left3A_623 = vector.broadcast %shift_left3A_622 : i32 to vector<16xi32>
        %shift_left3A_624 = arith.shli %gather3A_234, %shift_left3A_623 : vector<16xi32>
        %bitcast_convert_type3A_625 = tpu.bitcast %shift_left3A_624 : vector<16xi32> -> vector<16xf32>
        %and3A_626 = arith.constant -65536 : i32
        %and3A_627 = vector.broadcast %and3A_626 : i32 to vector<16xi32>
        %and3A_628 = arith.andi %gather3A_234, %and3A_627 : vector<16xi32>
        %bitcast_convert_type3A_629 = tpu.bitcast %and3A_628 : vector<16xi32> -> vector<16xf32>
        %shift_left3A_630 = arith.constant 16 : i32
        %shift_left3A_631 = vector.broadcast %shift_left3A_630 : i32 to vector<16xi32>
        %shift_left3A_632 = arith.shli %gather3A_621, %shift_left3A_631 : vector<16xi32>
        %bitcast_convert_type3A_633 = tpu.bitcast %shift_left3A_632 : vector<16xi32> -> vector<16xf32>
        %and3A_634 = arith.constant -65536 : i32
        %and3A_635 = vector.broadcast %and3A_634 : i32 to vector<16xi32>
        %and3A_636 = arith.andi %gather3A_621, %and3A_635 : vector<16xi32>
        %bitcast_convert_type3A_637 = tpu.bitcast %and3A_636 : vector<16xi32> -> vector<16xf32>
        %gt3A_638 = arith.cmpf ogt, %bitcast_convert_type3A_625, %bitcast_convert_type3A_633 : vector<16xf32>
        %gt3A_639 = arith.cmpf ogt, %bitcast_convert_type3A_629, %bitcast_convert_type3A_637 : vector<16xf32>
        %select_n3A_640 = arith.select %gt3A_639, %gather3A_234, %gather3A_621 : vector<16xi1>, vector<16xi32>
        %and3A_641 = arith.constant -65536 : i32
        %and3A_642 = vector.broadcast %and3A_641 : i32 to vector<16xi32>
        %and3A_643 = arith.andi %select_n3A_640, %and3A_642 : vector<16xi32>
        %select_n3A_644 = arith.select %gt3A_638, %gather3A_234, %gather3A_621 : vector<16xi1>, vector<16xi32>
        %and3A_645 = arith.constant 65535 : i32
        %and3A_646 = vector.broadcast %and3A_645 : i32 to vector<16xi32>
        %and3A_647 = arith.andi %select_n3A_644, %and3A_646 : vector<16xi32>
        %or3A_648 = arith.ori %and3A_643, %and3A_647 : vector<16xi32>
        %or3A_649 = arith.ori %gt3A_638, %gt3A_639 : vector<16xi1>
        %or3A_650 = arith.ori %or3A_620, %or3A_649 : vector<16xi1>
        %gather3A_651 = tpu.vector_load_idx %arg6[%shift_right_logical3A_244] : memref<50048xi32, #tpu.memory_space<vmem>>[vector<16xi32>], vector<16xi32>,
        %shift_left3A_652 = arith.constant 16 : i32
        %shift_left3A_653 = vector.broadcast %shift_left3A_652 : i32 to vector<16xi32>
        %shift_left3A_654 = arith.shli %gather3A_245, %shift_left3A_653 : vector<16xi32>
        %bitcast_convert_type3A_655 = tpu.bitcast %shift_left3A_654 : vector<16xi32> -> vector<16xf32>
        %and3A_656 = arith.constant -65536 : i32
        %and3A_657 = vector.broadcast %and3A_656 : i32 to vector<16xi32>
        %and3A_658 = arith.andi %gather3A_245, %and3A_657 : vector<16xi32>
        %bitcast_convert_type3A_659 = tpu.bitcast %and3A_658 : vector<16xi32> -> vector<16xf32>
        %shift_left3A_660 = arith.constant 16 : i32
        %shift_left3A_661 = vector.broadcast %shift_left3A_660 : i32 to vector<16xi32>
        %shift_left3A_662 = arith.shli %gather3A_651, %shift_left3A_661 : vector<16xi32>
        %bitcast_convert_type3A_663 = tpu.bitcast %shift_left3A_662 : vector<16xi32> -> vector<16xf32>
        %and3A_664 = arith.constant -65536 : i32
        %and3A_665 = vector.broadcast %and3A_664 : i32 to vector<16xi32>
        %and3A_666 = arith.andi %gather3A_651, %and3A_665 : vector<16xi32>
        %bitcast_convert_type3A_667 = tpu.bitcast %and3A_666 : vector<16xi32> -> vector<16xf32>
        %gt3A_668 = arith.cmpf ogt, %bitcast_convert_type3A_655, %bitcast_convert_type3A_663 : vector<16xf32>
        %gt3A_669 = arith.cmpf ogt, %bitcast_convert_type3A_659, %bitcast_convert_type3A_667 : vector<16xf32>
        %select_n3A_670 = arith.select %gt3A_669, %gather3A_245, %gather3A_651 : vector<16xi1>, vector<16xi32>
        %and3A_671 = arith.constant -65536 : i32
        %and3A_672 = vector.broadcast %and3A_671 : i32 to vector<16xi32>
        %and3A_673 = arith.andi %select_n3A_670, %and3A_672 : vector<16xi32>
        %select_n3A_674 = arith.select %gt3A_668, %gather3A_245, %gather3A_651 : vector<16xi1>, vector<16xi32>
        %and3A_675 = arith.constant 65535 : i32
        %and3A_676 = vector.broadcast %and3A_675 : i32 to vector<16xi32>
        %and3A_677 = arith.andi %select_n3A_674, %and3A_676 : vector<16xi32>
        %or3A_678 = arith.ori %and3A_673, %and3A_677 : vector<16xi32>
        %or3A_679 = arith.ori %gt3A_668, %gt3A_669 : vector<16xi1>
        %or3A_680 = arith.ori %or3A_650, %or3A_679 : vector<16xi1>
        %select_n3A_681 = arith.select %or3A_680, %broadcast_in_dim3A_5, %broadcast_in_dim3A_3 : vector<16xi1>, vector<16xi32>
        %or3A_682 = arith.ori %scan3A_192, %select_n3A_681 : vector<16xi32>
        scf.yield %or3A_682 : vector<16xi32>
      }
      %scan3A_146 = arith.constant 125 : i32
      %reduce_max3A = arith.constant true
      %reduce_max3A_147 = vector.broadcast %reduce_max3A : i1 to vector<16xi1>
      %reduce_max3A_148 = arith.constant -2147483648 : i32
      %reduce_max3A_149 = vector.broadcast %reduce_max3A_148 : i32 to vector<16xi32>
      %reduce_max3A_150 = arith.xori %scan3A_145, %reduce_max3A_149 : vector<16xi32>
      %reduce_max3A_151 = tpu.scan <max>, %reduce_max3A_150 masked %reduce_max3A_147 : vector<16xi32>, vector<16xi1> -> vector<16xi32>
      %reduce_max3A_152 = arith.xori %reduce_max3A_151, %reduce_max3A_149 : vector<16xi32>
      %reduce_max3A_153 = vector.extract %reduce_max3A_152[15] : i32 from vector<16xi32>
      %gt3A = arith.constant 0 : i32
      %gt3A_154 = arith.cmpi sgt, %reduce_max3A_153, %gt3A : i32
      %convert_element_type3A_155 = arith.extui %gt3A_154 : i1 to i32
      %cond3A_156 = arith.constant 0 : i32
      %cond3A_157 = arith.cmpi ne, %convert_element_type3A_155, %cond3A_156 : i32
      scf.if %cond3A_157 {
        %scan3A_191 = arith.constant 0 : i32
        %scan3A_192 = arith.constant 0 : i32
        %scan3A_193 = arith.constant 625 : i32
        %scan3A_194 = arith.addi %scan3A_192, %scan3A_193 : i32
        %scan3A_195 = arith.constant 1 : i32
        scf.for %scan3A_197 = %scan3A_192 to %scan3A_194 step %scan3A_195  : i32 {
          %mul3A_198 = arith.constant 16 : i32
          %mul3A_199 = arith.muli %scan3A_197, %mul3A_198 : i32
          %get3A = arith.index_cast %mul3A_199 : i32 to index
          %get3A_200 = tpu.vector_load %arg7[%get3A] {strides = array<i32>} : memref<10000xi32, #tpu.memory_space<vmem>>, vector<16xi32>,
          %and3A = arith.constant 65535 : i32
          %and3A_201 = vector.broadcast %and3A : i32 to vector<16xi32>
          %and3A_202 = arith.andi %get3A_200, %and3A_201 : vector<16xi32>
          %shift_right_logical3A = arith.constant 16 : i32
          %shift_right_logical3A_203 = vector.broadcast %shift_right_logical3A : i32 to vector<16xi32>
          %shift_right_logical3A_204 = arith.shrui %get3A_200, %shift_right_logical3A_203 : vector<16xi32>
          %gather3A = tpu.vector_load_idx %arg5[%and3A_202] : memref<50048xi32, #tpu.memory_space<vmem>>[vector<16xi32>], vector<16xi32>,
          %scan3A_205 = arith.constant 0 : i32
          %scan3A_206 = arith.constant 0 : i32
          %scan3A_207 = arith.constant 16 : i32
          %scan3A_208 = arith.addi %scan3A_206, %scan3A_207 : i32
          %scan3A_209 = arith.constant 1 : i32
          scf.for %scan3A_211 = %scan3A_206 to %scan3A_208 step %scan3A_209  : i32 {
            %gather3A_212 = tpu.vector_load_idx %arg6[%shift_right_logical3A_204] : memref<50048xi32, #tpu.memory_space<vmem>>[vector<16xi32>], vector<16xi32>,
            %shift_left3A = arith.constant 16 : i32
            %shift_left3A_213 = vector.broadcast %shift_left3A : i32 to vector<16xi32>
            %shift_left3A_214 = arith.shli %gather3A, %shift_left3A_213 : vector<16xi32>
            %bitcast_convert_type3A = tpu.bitcast %shift_left3A_214 : vector<16xi32> -> vector<16xf32>
            %and3A_215 = arith.constant -65536 : i32
            %and3A_216 = vector.broadcast %and3A_215 : i32 to vector<16xi32>
            %and3A_217 = arith.andi %gather3A, %and3A_216 : vector<16xi32>
            %bitcast_convert_type3A_218 = tpu.bitcast %and3A_217 : vector<16xi32> -> vector<16xf32>
            %shift_left3A_219 = arith.constant 16 : i32
            %shift_left3A_220 = vector.broadcast %shift_left3A_219 : i32 to vector<16xi32>
            %shift_left3A_221 = arith.shli %gather3A_212, %shift_left3A_220 : vector<16xi32>
            %bitcast_convert_type3A_222 = tpu.bitcast %shift_left3A_221 : vector<16xi32> -> vector<16xf32>
            %and3A_223 = arith.constant -65536 : i32
            %and3A_224 = vector.broadcast %and3A_223 : i32 to vector<16xi32>
            %and3A_225 = arith.andi %gather3A_212, %and3A_224 : vector<16xi32>
            %bitcast_convert_type3A_226 = tpu.bitcast %and3A_225 : vector<16xi32> -> vector<16xf32>
            %gt3A_227 = arith.cmpf ogt, %bitcast_convert_type3A, %bitcast_convert_type3A_222 : vector<16xf32>
            %gt3A_228 = arith.cmpf ogt, %bitcast_convert_type3A_218, %bitcast_convert_type3A_226 : vector<16xf32>
            %select_n3A = arith.select %gt3A_228, %gather3A, %gather3A_212 : vector<16xi1>, vector<16xi32>
            %and3A_229 = arith.constant -65536 : i32
            %and3A_230 = vector.broadcast %and3A_229 : i32 to vector<16xi32>
            %and3A_231 = arith.andi %select_n3A, %and3A_230 : vector<16xi32>
            %select_n3A_232 = arith.select %gt3A_227, %gather3A, %gather3A_212 : vector<16xi1>, vector<16xi32>
            %and3A_233 = arith.constant 65535 : i32
            %and3A_234 = vector.broadcast %and3A_233 : i32 to vector<16xi32>
            %and3A_235 = arith.andi %select_n3A_232, %and3A_234 : vector<16xi32>
            %or3A = arith.ori %and3A_231, %and3A_235 : vector<16xi32>
            %or3A_236 = arith.ori %gt3A_227, %gt3A_228 : vector<16xi1>
            tpu.vector_store_idx %arg6[%shift_right_logical3A_204], %or3A masked %or3A_236 : memref<50048xi32, #tpu.memory_space<vmem>>[vector<16xi32>], vector<16xi32>, vector<16xi1>
          }
          %scan3A_210 = arith.constant 16 : i32
        }
        %scan3A_196 = arith.constant 625 : i32
      } else {
      }
      %mul3A_158 = arith.constant 2 : i32
      %mul3A_159 = arith.muli %scan3A_129, %mul3A_158 : i32
      %add3A_160 = arith.constant 1 : i32
      %add3A_161 = arith.addi %mul3A_159, %add3A_160 : i32
      %mul3A_162 = arith.constant 10000 : i32
      %mul3A_163 = arith.muli %add3A_161, %mul3A_162 : i32
      %add3A_164 = arith.addi %mul3A_2, %mul3A_163 : i32
      %dma_wait3A_165 = tpu.memref_slice %arg3[%add3A_164] : memref<3200000xi32, #tpu.memory_space<hbm>> -> memref<10000xi32, #tpu.memory_space<hbm>>
      %dma_wait3A_166 = tpu.memref_slice %arg3[%add3A_164] : memref<3200000xi32, #tpu.memory_space<hbm>> -> memref<10000xi32, #tpu.memory_space<hbm>>
      tpu.wait_dma2 semaphore(%arg10 : memref<!tpu.dma_semaphore, #tpu.memory_space<semaphore_mem>>) src(%dma_wait3A_166 : memref<10000xi32, #tpu.memory_space<hbm>>) dst(%arg8 : memref<10000xi32, #tpu.memory_space<vmem>>)
      %lt3A_167 = arith.constant 9 : i32
      %lt3A_168 = arith.cmpi slt, %add3A_161, %lt3A_167 : i32
      %convert_element_type3A_169 = arith.extui %lt3A_168 : i1 to i32
      %cond3A_170 = arith.constant 0 : i32
      %cond3A_171 = arith.cmpi ne, %convert_element_type3A_169, %cond3A_170 : i32
      scf.if %cond3A_171 {
        %add3A_191 = arith.constant 1 : i32
        %add3A_192 = arith.addi %add3A_161, %add3A_191 : i32
        %mul3A_193 = arith.constant 10000 : i32
        %mul3A_194 = arith.muli %add3A_192, %mul3A_193 : i32
        %add3A_195 = arith.addi %mul3A_2, %mul3A_194 : i32
        %dma_start3A_196 = tpu.memref_slice %arg3[%add3A_195] : memref<3200000xi32, #tpu.memory_space<hbm>> -> memref<10000xi32, #tpu.memory_space<hbm>>
        %dma_start3A_197 = tpu.memref_slice %arg3[%add3A_195] : memref<3200000xi32, #tpu.memory_space<hbm>> -> memref<10000xi32, #tpu.memory_space<hbm>>
        tpu.enqueue_dma source(%dma_start3A_197 : memref<10000xi32, #tpu.memory_space<hbm>>) target(%arg7 : memref<10000xi32, #tpu.memory_space<vmem>>) target_semaphore(%arg9 : memref<!tpu.dma_semaphore, #tpu.memory_space<semaphore_mem>>)
      } else {
      }
      %scan3A_172 = arith.constant 0 : i32
      %scan3A_173 = arith.constant 125 : i32
      %scan3A_174 = arith.addi %scan3A_172, %scan3A_173 : i32
      %scan3A_175 = arith.constant 1 : i32
      %scan3A_176 = scf.for %scan3A_191 = %scan3A_172 to %scan3A_174 step %scan3A_175 iter_args(%scan3A_192 = %broadcast_in_dim3A_3) -> (vector<16xi32>)  : i32 {
        %mul3A_193 = arith.constant 80 : i32
        %mul3A_194 = arith.muli %scan3A_191, %mul3A_193 : i32
        %add3A_195 = arith.constant 0 : i32
        %add3A_196 = arith.addi %mul3A_194, %add3A_195 : i32
        %get3A = arith.index_cast %add3A_196 : i32 to index
        %get3A_197 = tpu.vector_load %arg8[%get3A] {strides = array<i32>} : memref<10000xi32, #tpu.memory_space<vmem>>, vector<16xi32>,
        %and3A = arith.constant 65535 : i32
        %and3A_198 = vector.broadcast %and3A : i32 to vector<16xi32>
        %and3A_199 = arith.andi %get3A_197, %and3A_198 : vector<16xi32>
        %shift_right_logical3A = arith.constant 16 : i32
        %shift_right_logical3A_200 = vector.broadcast %shift_right_logical3A : i32 to vector<16xi32>
        %shift_right_logical3A_201 = arith.shrui %get3A_197, %shift_right_logical3A_200 : vector<16xi32>
        %gather3A = tpu.vector_load_idx %arg5[%and3A_199] : memref<50048xi32, #tpu.memory_space<vmem>>[vector<16xi32>], vector<16xi32>,
        %add3A_202 = arith.constant 16 : i32
        %add3A_203 = arith.addi %mul3A_194, %add3A_202 : i32
        %get3A_204 = arith.index_cast %add3A_203 : i32 to index
        %get3A_205 = tpu.vector_load %arg8[%get3A_204] {strides = array<i32>} : memref<10000xi32, #tpu.memory_space<vmem>>, vector<16xi32>,
        %and3A_206 = arith.constant 65535 : i32
        %and3A_207 = vector.broadcast %and3A_206 : i32 to vector<16xi32>
        %and3A_208 = arith.andi %get3A_205, %and3A_207 : vector<16xi32>
        %shift_right_logical3A_209 = arith.constant 16 : i32
        %shift_right_logical3A_210 = vector.broadcast %shift_right_logical3A_209 : i32 to vector<16xi32>
        %shift_right_logical3A_211 = arith.shrui %get3A_205, %shift_right_logical3A_210 : vector<16xi32>
        %gather3A_212 = tpu.vector_load_idx %arg5[%and3A_208] : memref<50048xi32, #tpu.memory_space<vmem>>[vector<16xi32>], vector<16xi32>,
        %add3A_213 = arith.constant 32 : i32
        %add3A_214 = arith.addi %mul3A_194, %add3A_213 : i32
        %get3A_215 = arith.index_cast %add3A_214 : i32 to index
        %get3A_216 = tpu.vector_load %arg8[%get3A_215] {strides = array<i32>} : memref<10000xi32, #tpu.memory_space<vmem>>, vector<16xi32>,
        %and3A_217 = arith.constant 65535 : i32
        %and3A_218 = vector.broadcast %and3A_217 : i32 to vector<16xi32>
        %and3A_219 = arith.andi %get3A_216, %and3A_218 : vector<16xi32>
        %shift_right_logical3A_220 = arith.constant 16 : i32
        %shift_right_logical3A_221 = vector.broadcast %shift_right_logical3A_220 : i32 to vector<16xi32>
        %shift_right_logical3A_222 = arith.shrui %get3A_216, %shift_right_logical3A_221 : vector<16xi32>
        %gather3A_223 = tpu.vector_load_idx %arg5[%and3A_219] : memref<50048xi32, #tpu.memory_space<vmem>>[vector<16xi32>], vector<16xi32>,
        %add3A_224 = arith.constant 48 : i32
        %add3A_225 = arith.addi %mul3A_194, %add3A_224 : i32
        %get3A_226 = arith.index_cast %add3A_225 : i32 to index
        %get3A_227 = tpu.vector_load %arg8[%get3A_226] {strides = array<i32>} : memref<10000xi32, #tpu.memory_space<vmem>>, vector<16xi32>,
        %and3A_228 = arith.constant 65535 : i32
        %and3A_229 = vector.broadcast %and3A_228 : i32 to vector<16xi32>
        %and3A_230 = arith.andi %get3A_227, %and3A_229 : vector<16xi32>
        %shift_right_logical3A_231 = arith.constant 16 : i32
        %shift_right_logical3A_232 = vector.broadcast %shift_right_logical3A_231 : i32 to vector<16xi32>
        %shift_right_logical3A_233 = arith.shrui %get3A_227, %shift_right_logical3A_232 : vector<16xi32>
        %gather3A_234 = tpu.vector_load_idx %arg5[%and3A_230] : memref<50048xi32, #tpu.memory_space<vmem>>[vector<16xi32>], vector<16xi32>,
        %add3A_235 = arith.constant 64 : i32
        %add3A_236 = arith.addi %mul3A_194, %add3A_235 : i32
        %get3A_237 = arith.index_cast %add3A_236 : i32 to index
        %get3A_238 = tpu.vector_load %arg8[%get3A_237] {strides = array<i32>} : memref<10000xi32, #tpu.memory_space<vmem>>, vector<16xi32>,
        %and3A_239 = arith.constant 65535 : i32
        %and3A_240 = vector.broadcast %and3A_239 : i32 to vector<16xi32>
        %and3A_241 = arith.andi %get3A_238, %and3A_240 : vector<16xi32>
        %shift_right_logical3A_242 = arith.constant 16 : i32
        %shift_right_logical3A_243 = vector.broadcast %shift_right_logical3A_242 : i32 to vector<16xi32>
        %shift_right_logical3A_244 = arith.shrui %get3A_238, %shift_right_logical3A_243 : vector<16xi32>
        %gather3A_245 = tpu.vector_load_idx %arg5[%and3A_241] : memref<50048xi32, #tpu.memory_space<vmem>>[vector<16xi32>], vector<16xi32>,
        %gather3A_246 = tpu.vector_load_idx %arg6[%shift_right_logical3A_201] : memref<50048xi32, #tpu.memory_space<vmem>>[vector<16xi32>], vector<16xi32>,
        %gather3A_247 = tpu.vector_load_idx %arg6[%shift_right_logical3A_211] : memref<50048xi32, #tpu.memory_space<vmem>>[vector<16xi32>], vector<16xi32>,
        %gather3A_248 = tpu.vector_load_idx %arg6[%shift_right_logical3A_222] : memref<50048xi32, #tpu.memory_space<vmem>>[vector<16xi32>], vector<16xi32>,
        %gather3A_249 = tpu.vector_load_idx %arg6[%shift_right_logical3A_233] : memref<50048xi32, #tpu.memory_space<vmem>>[vector<16xi32>], vector<16xi32>,
        %gather3A_250 = tpu.vector_load_idx %arg6[%shift_right_logical3A_244] : memref<50048xi32, #tpu.memory_space<vmem>>[vector<16xi32>], vector<16xi32>,
        %shift_left3A = arith.constant 16 : i32
        %shift_left3A_251 = vector.broadcast %shift_left3A : i32 to vector<16xi32>
        %shift_left3A_252 = arith.shli %gather3A, %shift_left3A_251 : vector<16xi32>
        %bitcast_convert_type3A = tpu.bitcast %shift_left3A_252 : vector<16xi32> -> vector<16xf32>
        %and3A_253 = arith.constant -65536 : i32
        %and3A_254 = vector.broadcast %and3A_253 : i32 to vector<16xi32>
        %and3A_255 = arith.andi %gather3A, %and3A_254 : vector<16xi32>
        %bitcast_convert_type3A_256 = tpu.bitcast %and3A_255 : vector<16xi32> -> vector<16xf32>
        %shift_left3A_257 = arith.constant 16 : i32
        %shift_left3A_258 = vector.broadcast %shift_left3A_257 : i32 to vector<16xi32>
        %shift_left3A_259 = arith.shli %gather3A_246, %shift_left3A_258 : vector<16xi32>
        %bitcast_convert_type3A_260 = tpu.bitcast %shift_left3A_259 : vector<16xi32> -> vector<16xf32>
        %and3A_261 = arith.constant -65536 : i32
        %and3A_262 = vector.broadcast %and3A_261 : i32 to vector<16xi32>
        %and3A_263 = arith.andi %gather3A_246, %and3A_262 : vector<16xi32>
        %bitcast_convert_type3A_264 = tpu.bitcast %and3A_263 : vector<16xi32> -> vector<16xf32>
        %gt3A_265 = arith.cmpf ogt, %bitcast_convert_type3A, %bitcast_convert_type3A_260 : vector<16xf32>
        %gt3A_266 = arith.cmpf ogt, %bitcast_convert_type3A_256, %bitcast_convert_type3A_264 : vector<16xf32>
        %select_n3A = arith.select %gt3A_266, %gather3A, %gather3A_246 : vector<16xi1>, vector<16xi32>
        %and3A_267 = arith.constant -65536 : i32
        %and3A_268 = vector.broadcast %and3A_267 : i32 to vector<16xi32>
        %and3A_269 = arith.andi %select_n3A, %and3A_268 : vector<16xi32>
        %select_n3A_270 = arith.select %gt3A_265, %gather3A, %gather3A_246 : vector<16xi1>, vector<16xi32>
        %and3A_271 = arith.constant 65535 : i32
        %and3A_272 = vector.broadcast %and3A_271 : i32 to vector<16xi32>
        %and3A_273 = arith.andi %select_n3A_270, %and3A_272 : vector<16xi32>
        %or3A = arith.ori %and3A_269, %and3A_273 : vector<16xi32>
        %or3A_274 = arith.ori %gt3A_265, %gt3A_266 : vector<16xi1>
        tpu.vector_store_idx %arg6[%shift_right_logical3A_201], %or3A masked %or3A_274 : memref<50048xi32, #tpu.memory_space<vmem>>[vector<16xi32>], vector<16xi32>, vector<16xi1>
        %shift_left3A_275 = arith.constant 16 : i32
        %shift_left3A_276 = vector.broadcast %shift_left3A_275 : i32 to vector<16xi32>
        %shift_left3A_277 = arith.shli %gather3A_212, %shift_left3A_276 : vector<16xi32>
        %bitcast_convert_type3A_278 = tpu.bitcast %shift_left3A_277 : vector<16xi32> -> vector<16xf32>
        %and3A_279 = arith.constant -65536 : i32
        %and3A_280 = vector.broadcast %and3A_279 : i32 to vector<16xi32>
        %and3A_281 = arith.andi %gather3A_212, %and3A_280 : vector<16xi32>
        %bitcast_convert_type3A_282 = tpu.bitcast %and3A_281 : vector<16xi32> -> vector<16xf32>
        %shift_left3A_283 = arith.constant 16 : i32
        %shift_left3A_284 = vector.broadcast %shift_left3A_283 : i32 to vector<16xi32>
        %shift_left3A_285 = arith.shli %gather3A_247, %shift_left3A_284 : vector<16xi32>
        %bitcast_convert_type3A_286 = tpu.bitcast %shift_left3A_285 : vector<16xi32> -> vector<16xf32>
        %and3A_287 = arith.constant -65536 : i32
        %and3A_288 = vector.broadcast %and3A_287 : i32 to vector<16xi32>
        %and3A_289 = arith.andi %gather3A_247, %and3A_288 : vector<16xi32>
        %bitcast_convert_type3A_290 = tpu.bitcast %and3A_289 : vector<16xi32> -> vector<16xf32>
        %gt3A_291 = arith.cmpf ogt, %bitcast_convert_type3A_278, %bitcast_convert_type3A_286 : vector<16xf32>
        %gt3A_292 = arith.cmpf ogt, %bitcast_convert_type3A_282, %bitcast_convert_type3A_290 : vector<16xf32>
        %select_n3A_293 = arith.select %gt3A_292, %gather3A_212, %gather3A_247 : vector<16xi1>, vector<16xi32>
        %and3A_294 = arith.constant -65536 : i32
        %and3A_295 = vector.broadcast %and3A_294 : i32 to vector<16xi32>
        %and3A_296 = arith.andi %select_n3A_293, %and3A_295 : vector<16xi32>
        %select_n3A_297 = arith.select %gt3A_291, %gather3A_212, %gather3A_247 : vector<16xi1>, vector<16xi32>
        %and3A_298 = arith.constant 65535 : i32
        %and3A_299 = vector.broadcast %and3A_298 : i32 to vector<16xi32>
        %and3A_300 = arith.andi %select_n3A_297, %and3A_299 : vector<16xi32>
        %or3A_301 = arith.ori %and3A_296, %and3A_300 : vector<16xi32>
        %or3A_302 = arith.ori %gt3A_291, %gt3A_292 : vector<16xi1>
        tpu.vector_store_idx %arg6[%shift_right_logical3A_211], %or3A_301 masked %or3A_302 : memref<50048xi32, #tpu.memory_space<vmem>>[vector<16xi32>], vector<16xi32>, vector<16xi1>
        %shift_left3A_303 = arith.constant 16 : i32
        %shift_left3A_304 = vector.broadcast %shift_left3A_303 : i32 to vector<16xi32>
        %shift_left3A_305 = arith.shli %gather3A_223, %shift_left3A_304 : vector<16xi32>
        %bitcast_convert_type3A_306 = tpu.bitcast %shift_left3A_305 : vector<16xi32> -> vector<16xf32>
        %and3A_307 = arith.constant -65536 : i32
        %and3A_308 = vector.broadcast %and3A_307 : i32 to vector<16xi32>
        %and3A_309 = arith.andi %gather3A_223, %and3A_308 : vector<16xi32>
        %bitcast_convert_type3A_310 = tpu.bitcast %and3A_309 : vector<16xi32> -> vector<16xf32>
        %shift_left3A_311 = arith.constant 16 : i32
        %shift_left3A_312 = vector.broadcast %shift_left3A_311 : i32 to vector<16xi32>
        %shift_left3A_313 = arith.shli %gather3A_248, %shift_left3A_312 : vector<16xi32>
        %bitcast_convert_type3A_314 = tpu.bitcast %shift_left3A_313 : vector<16xi32> -> vector<16xf32>
        %and3A_315 = arith.constant -65536 : i32
        %and3A_316 = vector.broadcast %and3A_315 : i32 to vector<16xi32>
        %and3A_317 = arith.andi %gather3A_248, %and3A_316 : vector<16xi32>
        %bitcast_convert_type3A_318 = tpu.bitcast %and3A_317 : vector<16xi32> -> vector<16xf32>
        %gt3A_319 = arith.cmpf ogt, %bitcast_convert_type3A_306, %bitcast_convert_type3A_314 : vector<16xf32>
        %gt3A_320 = arith.cmpf ogt, %bitcast_convert_type3A_310, %bitcast_convert_type3A_318 : vector<16xf32>
        %select_n3A_321 = arith.select %gt3A_320, %gather3A_223, %gather3A_248 : vector<16xi1>, vector<16xi32>
        %and3A_322 = arith.constant -65536 : i32
        %and3A_323 = vector.broadcast %and3A_322 : i32 to vector<16xi32>
        %and3A_324 = arith.andi %select_n3A_321, %and3A_323 : vector<16xi32>
        %select_n3A_325 = arith.select %gt3A_319, %gather3A_223, %gather3A_248 : vector<16xi1>, vector<16xi32>
        %and3A_326 = arith.constant 65535 : i32
        %and3A_327 = vector.broadcast %and3A_326 : i32 to vector<16xi32>
        %and3A_328 = arith.andi %select_n3A_325, %and3A_327 : vector<16xi32>
        %or3A_329 = arith.ori %and3A_324, %and3A_328 : vector<16xi32>
        %or3A_330 = arith.ori %gt3A_319, %gt3A_320 : vector<16xi1>
        tpu.vector_store_idx %arg6[%shift_right_logical3A_222], %or3A_329 masked %or3A_330 : memref<50048xi32, #tpu.memory_space<vmem>>[vector<16xi32>], vector<16xi32>, vector<16xi1>
        %shift_left3A_331 = arith.constant 16 : i32
        %shift_left3A_332 = vector.broadcast %shift_left3A_331 : i32 to vector<16xi32>
        %shift_left3A_333 = arith.shli %gather3A_234, %shift_left3A_332 : vector<16xi32>
        %bitcast_convert_type3A_334 = tpu.bitcast %shift_left3A_333 : vector<16xi32> -> vector<16xf32>
        %and3A_335 = arith.constant -65536 : i32
        %and3A_336 = vector.broadcast %and3A_335 : i32 to vector<16xi32>
        %and3A_337 = arith.andi %gather3A_234, %and3A_336 : vector<16xi32>
        %bitcast_convert_type3A_338 = tpu.bitcast %and3A_337 : vector<16xi32> -> vector<16xf32>
        %shift_left3A_339 = arith.constant 16 : i32
        %shift_left3A_340 = vector.broadcast %shift_left3A_339 : i32 to vector<16xi32>
        %shift_left3A_341 = arith.shli %gather3A_249, %shift_left3A_340 : vector<16xi32>
        %bitcast_convert_type3A_342 = tpu.bitcast %shift_left3A_341 : vector<16xi32> -> vector<16xf32>
        %and3A_343 = arith.constant -65536 : i32
        %and3A_344 = vector.broadcast %and3A_343 : i32 to vector<16xi32>
        %and3A_345 = arith.andi %gather3A_249, %and3A_344 : vector<16xi32>
        %bitcast_convert_type3A_346 = tpu.bitcast %and3A_345 : vector<16xi32> -> vector<16xf32>
        %gt3A_347 = arith.cmpf ogt, %bitcast_convert_type3A_334, %bitcast_convert_type3A_342 : vector<16xf32>
        %gt3A_348 = arith.cmpf ogt, %bitcast_convert_type3A_338, %bitcast_convert_type3A_346 : vector<16xf32>
        %select_n3A_349 = arith.select %gt3A_348, %gather3A_234, %gather3A_249 : vector<16xi1>, vector<16xi32>
        %and3A_350 = arith.constant -65536 : i32
        %and3A_351 = vector.broadcast %and3A_350 : i32 to vector<16xi32>
        %and3A_352 = arith.andi %select_n3A_349, %and3A_351 : vector<16xi32>
        %select_n3A_353 = arith.select %gt3A_347, %gather3A_234, %gather3A_249 : vector<16xi1>, vector<16xi32>
        %and3A_354 = arith.constant 65535 : i32
        %and3A_355 = vector.broadcast %and3A_354 : i32 to vector<16xi32>
        %and3A_356 = arith.andi %select_n3A_353, %and3A_355 : vector<16xi32>
        %or3A_357 = arith.ori %and3A_352, %and3A_356 : vector<16xi32>
        %or3A_358 = arith.ori %gt3A_347, %gt3A_348 : vector<16xi1>
        tpu.vector_store_idx %arg6[%shift_right_logical3A_233], %or3A_357 masked %or3A_358 : memref<50048xi32, #tpu.memory_space<vmem>>[vector<16xi32>], vector<16xi32>, vector<16xi1>
        %shift_left3A_359 = arith.constant 16 : i32
        %shift_left3A_360 = vector.broadcast %shift_left3A_359 : i32 to vector<16xi32>
        %shift_left3A_361 = arith.shli %gather3A_245, %shift_left3A_360 : vector<16xi32>
        %bitcast_convert_type3A_362 = tpu.bitcast %shift_left3A_361 : vector<16xi32> -> vector<16xf32>
        %and3A_363 = arith.constant -65536 : i32
        %and3A_364 = vector.broadcast %and3A_363 : i32 to vector<16xi32>
        %and3A_365 = arith.andi %gather3A_245, %and3A_364 : vector<16xi32>
        %bitcast_convert_type3A_366 = tpu.bitcast %and3A_365 : vector<16xi32> -> vector<16xf32>
        %shift_left3A_367 = arith.constant 16 : i32
        %shift_left3A_368 = vector.broadcast %shift_left3A_367 : i32 to vector<16xi32>
        %shift_left3A_369 = arith.shli %gather3A_250, %shift_left3A_368 : vector<16xi32>
        %bitcast_convert_type3A_370 = tpu.bitcast %shift_left3A_369 : vector<16xi32> -> vector<16xf32>
        %and3A_371 = arith.constant -65536 : i32
        %and3A_372 = vector.broadcast %and3A_371 : i32 to vector<16xi32>
        %and3A_373 = arith.andi %gather3A_250, %and3A_372 : vector<16xi32>
        %bitcast_convert_type3A_374 = tpu.bitcast %and3A_373 : vector<16xi32> -> vector<16xf32>
        %gt3A_375 = arith.cmpf ogt, %bitcast_convert_type3A_362, %bitcast_convert_type3A_370 : vector<16xf32>
        %gt3A_376 = arith.cmpf ogt, %bitcast_convert_type3A_366, %bitcast_convert_type3A_374 : vector<16xf32>
        %select_n3A_377 = arith.select %gt3A_376, %gather3A_245, %gather3A_250 : vector<16xi1>, vector<16xi32>
        %and3A_378 = arith.constant -65536 : i32
        %and3A_379 = vector.broadcast %and3A_378 : i32 to vector<16xi32>
        %and3A_380 = arith.andi %select_n3A_377, %and3A_379 : vector<16xi32>
        %select_n3A_381 = arith.select %gt3A_375, %gather3A_245, %gather3A_250 : vector<16xi1>, vector<16xi32>
        %and3A_382 = arith.constant 65535 : i32
        %and3A_383 = vector.broadcast %and3A_382 : i32 to vector<16xi32>
        %and3A_384 = arith.andi %select_n3A_381, %and3A_383 : vector<16xi32>
        %or3A_385 = arith.ori %and3A_380, %and3A_384 : vector<16xi32>
        %or3A_386 = arith.ori %gt3A_375, %gt3A_376 : vector<16xi1>
        tpu.vector_store_idx %arg6[%shift_right_logical3A_244], %or3A_385 masked %or3A_386 : memref<50048xi32, #tpu.memory_space<vmem>>[vector<16xi32>], vector<16xi32>, vector<16xi1>
        %gather3A_387 = tpu.vector_load_idx %arg6[%shift_right_logical3A_201] : memref<50048xi32, #tpu.memory_space<vmem>>[vector<16xi32>], vector<16xi32>,
        %gather3A_388 = tpu.vector_load_idx %arg6[%shift_right_logical3A_211] : memref<50048xi32, #tpu.memory_space<vmem>>[vector<16xi32>], vector<16xi32>,
        %gather3A_389 = tpu.vector_load_idx %arg6[%shift_right_logical3A_222] : memref<50048xi32, #tpu.memory_space<vmem>>[vector<16xi32>], vector<16xi32>,
        %gather3A_390 = tpu.vector_load_idx %arg6[%shift_right_logical3A_233] : memref<50048xi32, #tpu.memory_space<vmem>>[vector<16xi32>], vector<16xi32>,
        %gather3A_391 = tpu.vector_load_idx %arg6[%shift_right_logical3A_244] : memref<50048xi32, #tpu.memory_space<vmem>>[vector<16xi32>], vector<16xi32>,
        %shift_left3A_392 = arith.constant 16 : i32
        %shift_left3A_393 = vector.broadcast %shift_left3A_392 : i32 to vector<16xi32>
        %shift_left3A_394 = arith.shli %gather3A, %shift_left3A_393 : vector<16xi32>
        %bitcast_convert_type3A_395 = tpu.bitcast %shift_left3A_394 : vector<16xi32> -> vector<16xf32>
        %and3A_396 = arith.constant -65536 : i32
        %and3A_397 = vector.broadcast %and3A_396 : i32 to vector<16xi32>
        %and3A_398 = arith.andi %gather3A, %and3A_397 : vector<16xi32>
        %bitcast_convert_type3A_399 = tpu.bitcast %and3A_398 : vector<16xi32> -> vector<16xf32>
        %shift_left3A_400 = arith.constant 16 : i32
        %shift_left3A_401 = vector.broadcast %shift_left3A_400 : i32 to vector<16xi32>
        %shift_left3A_402 = arith.shli %gather3A_387, %shift_left3A_401 : vector<16xi32>
        %bitcast_convert_type3A_403 = tpu.bitcast %shift_left3A_402 : vector<16xi32> -> vector<16xf32>
        %and3A_404 = arith.constant -65536 : i32
        %and3A_405 = vector.broadcast %and3A_404 : i32 to vector<16xi32>
        %and3A_406 = arith.andi %gather3A_387, %and3A_405 : vector<16xi32>
        %bitcast_convert_type3A_407 = tpu.bitcast %and3A_406 : vector<16xi32> -> vector<16xf32>
        %gt3A_408 = arith.cmpf ogt, %bitcast_convert_type3A_395, %bitcast_convert_type3A_403 : vector<16xf32>
        %gt3A_409 = arith.cmpf ogt, %bitcast_convert_type3A_399, %bitcast_convert_type3A_407 : vector<16xf32>
        %select_n3A_410 = arith.select %gt3A_409, %gather3A, %gather3A_387 : vector<16xi1>, vector<16xi32>
        %and3A_411 = arith.constant -65536 : i32
        %and3A_412 = vector.broadcast %and3A_411 : i32 to vector<16xi32>
        %and3A_413 = arith.andi %select_n3A_410, %and3A_412 : vector<16xi32>
        %select_n3A_414 = arith.select %gt3A_408, %gather3A, %gather3A_387 : vector<16xi1>, vector<16xi32>
        %and3A_415 = arith.constant 65535 : i32
        %and3A_416 = vector.broadcast %and3A_415 : i32 to vector<16xi32>
        %and3A_417 = arith.andi %select_n3A_414, %and3A_416 : vector<16xi32>
        %or3A_418 = arith.ori %and3A_413, %and3A_417 : vector<16xi32>
        %or3A_419 = arith.ori %gt3A_408, %gt3A_409 : vector<16xi1>
        tpu.vector_store_idx %arg6[%shift_right_logical3A_201], %or3A_418 masked %or3A_419 : memref<50048xi32, #tpu.memory_space<vmem>>[vector<16xi32>], vector<16xi32>, vector<16xi1>
        %shift_left3A_420 = arith.constant 16 : i32
        %shift_left3A_421 = vector.broadcast %shift_left3A_420 : i32 to vector<16xi32>
        %shift_left3A_422 = arith.shli %gather3A_212, %shift_left3A_421 : vector<16xi32>
        %bitcast_convert_type3A_423 = tpu.bitcast %shift_left3A_422 : vector<16xi32> -> vector<16xf32>
        %and3A_424 = arith.constant -65536 : i32
        %and3A_425 = vector.broadcast %and3A_424 : i32 to vector<16xi32>
        %and3A_426 = arith.andi %gather3A_212, %and3A_425 : vector<16xi32>
        %bitcast_convert_type3A_427 = tpu.bitcast %and3A_426 : vector<16xi32> -> vector<16xf32>
        %shift_left3A_428 = arith.constant 16 : i32
        %shift_left3A_429 = vector.broadcast %shift_left3A_428 : i32 to vector<16xi32>
        %shift_left3A_430 = arith.shli %gather3A_388, %shift_left3A_429 : vector<16xi32>
        %bitcast_convert_type3A_431 = tpu.bitcast %shift_left3A_430 : vector<16xi32> -> vector<16xf32>
        %and3A_432 = arith.constant -65536 : i32
        %and3A_433 = vector.broadcast %and3A_432 : i32 to vector<16xi32>
        %and3A_434 = arith.andi %gather3A_388, %and3A_433 : vector<16xi32>
        %bitcast_convert_type3A_435 = tpu.bitcast %and3A_434 : vector<16xi32> -> vector<16xf32>
        %gt3A_436 = arith.cmpf ogt, %bitcast_convert_type3A_423, %bitcast_convert_type3A_431 : vector<16xf32>
        %gt3A_437 = arith.cmpf ogt, %bitcast_convert_type3A_427, %bitcast_convert_type3A_435 : vector<16xf32>
        %select_n3A_438 = arith.select %gt3A_437, %gather3A_212, %gather3A_388 : vector<16xi1>, vector<16xi32>
        %and3A_439 = arith.constant -65536 : i32
        %and3A_440 = vector.broadcast %and3A_439 : i32 to vector<16xi32>
        %and3A_441 = arith.andi %select_n3A_438, %and3A_440 : vector<16xi32>
        %select_n3A_442 = arith.select %gt3A_436, %gather3A_212, %gather3A_388 : vector<16xi1>, vector<16xi32>
        %and3A_443 = arith.constant 65535 : i32
        %and3A_444 = vector.broadcast %and3A_443 : i32 to vector<16xi32>
        %and3A_445 = arith.andi %select_n3A_442, %and3A_444 : vector<16xi32>
        %or3A_446 = arith.ori %and3A_441, %and3A_445 : vector<16xi32>
        %or3A_447 = arith.ori %gt3A_436, %gt3A_437 : vector<16xi1>
        tpu.vector_store_idx %arg6[%shift_right_logical3A_211], %or3A_446 masked %or3A_447 : memref<50048xi32, #tpu.memory_space<vmem>>[vector<16xi32>], vector<16xi32>, vector<16xi1>
        %shift_left3A_448 = arith.constant 16 : i32
        %shift_left3A_449 = vector.broadcast %shift_left3A_448 : i32 to vector<16xi32>
        %shift_left3A_450 = arith.shli %gather3A_223, %shift_left3A_449 : vector<16xi32>
        %bitcast_convert_type3A_451 = tpu.bitcast %shift_left3A_450 : vector<16xi32> -> vector<16xf32>
        %and3A_452 = arith.constant -65536 : i32
        %and3A_453 = vector.broadcast %and3A_452 : i32 to vector<16xi32>
        %and3A_454 = arith.andi %gather3A_223, %and3A_453 : vector<16xi32>
        %bitcast_convert_type3A_455 = tpu.bitcast %and3A_454 : vector<16xi32> -> vector<16xf32>
        %shift_left3A_456 = arith.constant 16 : i32
        %shift_left3A_457 = vector.broadcast %shift_left3A_456 : i32 to vector<16xi32>
        %shift_left3A_458 = arith.shli %gather3A_389, %shift_left3A_457 : vector<16xi32>
        %bitcast_convert_type3A_459 = tpu.bitcast %shift_left3A_458 : vector<16xi32> -> vector<16xf32>
        %and3A_460 = arith.constant -65536 : i32
        %and3A_461 = vector.broadcast %and3A_460 : i32 to vector<16xi32>
        %and3A_462 = arith.andi %gather3A_389, %and3A_461 : vector<16xi32>
        %bitcast_convert_type3A_463 = tpu.bitcast %and3A_462 : vector<16xi32> -> vector<16xf32>
        %gt3A_464 = arith.cmpf ogt, %bitcast_convert_type3A_451, %bitcast_convert_type3A_459 : vector<16xf32>
        %gt3A_465 = arith.cmpf ogt, %bitcast_convert_type3A_455, %bitcast_convert_type3A_463 : vector<16xf32>
        %select_n3A_466 = arith.select %gt3A_465, %gather3A_223, %gather3A_389 : vector<16xi1>, vector<16xi32>
        %and3A_467 = arith.constant -65536 : i32
        %and3A_468 = vector.broadcast %and3A_467 : i32 to vector<16xi32>
        %and3A_469 = arith.andi %select_n3A_466, %and3A_468 : vector<16xi32>
        %select_n3A_470 = arith.select %gt3A_464, %gather3A_223, %gather3A_389 : vector<16xi1>, vector<16xi32>
        %and3A_471 = arith.constant 65535 : i32
        %and3A_472 = vector.broadcast %and3A_471 : i32 to vector<16xi32>
        %and3A_473 = arith.andi %select_n3A_470, %and3A_472 : vector<16xi32>
        %or3A_474 = arith.ori %and3A_469, %and3A_473 : vector<16xi32>
        %or3A_475 = arith.ori %gt3A_464, %gt3A_465 : vector<16xi1>
        tpu.vector_store_idx %arg6[%shift_right_logical3A_222], %or3A_474 masked %or3A_475 : memref<50048xi32, #tpu.memory_space<vmem>>[vector<16xi32>], vector<16xi32>, vector<16xi1>
        %shift_left3A_476 = arith.constant 16 : i32
        %shift_left3A_477 = vector.broadcast %shift_left3A_476 : i32 to vector<16xi32>
        %shift_left3A_478 = arith.shli %gather3A_234, %shift_left3A_477 : vector<16xi32>
        %bitcast_convert_type3A_479 = tpu.bitcast %shift_left3A_478 : vector<16xi32> -> vector<16xf32>
        %and3A_480 = arith.constant -65536 : i32
        %and3A_481 = vector.broadcast %and3A_480 : i32 to vector<16xi32>
        %and3A_482 = arith.andi %gather3A_234, %and3A_481 : vector<16xi32>
        %bitcast_convert_type3A_483 = tpu.bitcast %and3A_482 : vector<16xi32> -> vector<16xf32>
        %shift_left3A_484 = arith.constant 16 : i32
        %shift_left3A_485 = vector.broadcast %shift_left3A_484 : i32 to vector<16xi32>
        %shift_left3A_486 = arith.shli %gather3A_390, %shift_left3A_485 : vector<16xi32>
        %bitcast_convert_type3A_487 = tpu.bitcast %shift_left3A_486 : vector<16xi32> -> vector<16xf32>
        %and3A_488 = arith.constant -65536 : i32
        %and3A_489 = vector.broadcast %and3A_488 : i32 to vector<16xi32>
        %and3A_490 = arith.andi %gather3A_390, %and3A_489 : vector<16xi32>
        %bitcast_convert_type3A_491 = tpu.bitcast %and3A_490 : vector<16xi32> -> vector<16xf32>
        %gt3A_492 = arith.cmpf ogt, %bitcast_convert_type3A_479, %bitcast_convert_type3A_487 : vector<16xf32>
        %gt3A_493 = arith.cmpf ogt, %bitcast_convert_type3A_483, %bitcast_convert_type3A_491 : vector<16xf32>
        %select_n3A_494 = arith.select %gt3A_493, %gather3A_234, %gather3A_390 : vector<16xi1>, vector<16xi32>
        %and3A_495 = arith.constant -65536 : i32
        %and3A_496 = vector.broadcast %and3A_495 : i32 to vector<16xi32>
        %and3A_497 = arith.andi %select_n3A_494, %and3A_496 : vector<16xi32>
        %select_n3A_498 = arith.select %gt3A_492, %gather3A_234, %gather3A_390 : vector<16xi1>, vector<16xi32>
        %and3A_499 = arith.constant 65535 : i32
        %and3A_500 = vector.broadcast %and3A_499 : i32 to vector<16xi32>
        %and3A_501 = arith.andi %select_n3A_498, %and3A_500 : vector<16xi32>
        %or3A_502 = arith.ori %and3A_497, %and3A_501 : vector<16xi32>
        %or3A_503 = arith.ori %gt3A_492, %gt3A_493 : vector<16xi1>
        tpu.vector_store_idx %arg6[%shift_right_logical3A_233], %or3A_502 masked %or3A_503 : memref<50048xi32, #tpu.memory_space<vmem>>[vector<16xi32>], vector<16xi32>, vector<16xi1>
        %shift_left3A_504 = arith.constant 16 : i32
        %shift_left3A_505 = vector.broadcast %shift_left3A_504 : i32 to vector<16xi32>
        %shift_left3A_506 = arith.shli %gather3A_245, %shift_left3A_505 : vector<16xi32>
        %bitcast_convert_type3A_507 = tpu.bitcast %shift_left3A_506 : vector<16xi32> -> vector<16xf32>
        %and3A_508 = arith.constant -65536 : i32
        %and3A_509 = vector.broadcast %and3A_508 : i32 to vector<16xi32>
        %and3A_510 = arith.andi %gather3A_245, %and3A_509 : vector<16xi32>
        %bitcast_convert_type3A_511 = tpu.bitcast %and3A_510 : vector<16xi32> -> vector<16xf32>
        %shift_left3A_512 = arith.constant 16 : i32
        %shift_left3A_513 = vector.broadcast %shift_left3A_512 : i32 to vector<16xi32>
        %shift_left3A_514 = arith.shli %gather3A_391, %shift_left3A_513 : vector<16xi32>
        %bitcast_convert_type3A_515 = tpu.bitcast %shift_left3A_514 : vector<16xi32> -> vector<16xf32>
        %and3A_516 = arith.constant -65536 : i32
        %and3A_517 = vector.broadcast %and3A_516 : i32 to vector<16xi32>
        %and3A_518 = arith.andi %gather3A_391, %and3A_517 : vector<16xi32>
        %bitcast_convert_type3A_519 = tpu.bitcast %and3A_518 : vector<16xi32> -> vector<16xf32>
        %gt3A_520 = arith.cmpf ogt, %bitcast_convert_type3A_507, %bitcast_convert_type3A_515 : vector<16xf32>
        %gt3A_521 = arith.cmpf ogt, %bitcast_convert_type3A_511, %bitcast_convert_type3A_519 : vector<16xf32>
        %select_n3A_522 = arith.select %gt3A_521, %gather3A_245, %gather3A_391 : vector<16xi1>, vector<16xi32>
        %and3A_523 = arith.constant -65536 : i32
        %and3A_524 = vector.broadcast %and3A_523 : i32 to vector<16xi32>
        %and3A_525 = arith.andi %select_n3A_522, %and3A_524 : vector<16xi32>
        %select_n3A_526 = arith.select %gt3A_520, %gather3A_245, %gather3A_391 : vector<16xi1>, vector<16xi32>
        %and3A_527 = arith.constant 65535 : i32
        %and3A_528 = vector.broadcast %and3A_527 : i32 to vector<16xi32>
        %and3A_529 = arith.andi %select_n3A_526, %and3A_528 : vector<16xi32>
        %or3A_530 = arith.ori %and3A_525, %and3A_529 : vector<16xi32>
        %or3A_531 = arith.ori %gt3A_520, %gt3A_521 : vector<16xi1>
        tpu.vector_store_idx %arg6[%shift_right_logical3A_244], %or3A_530 masked %or3A_531 : memref<50048xi32, #tpu.memory_space<vmem>>[vector<16xi32>], vector<16xi32>, vector<16xi1>
        %gather3A_532 = tpu.vector_load_idx %arg6[%shift_right_logical3A_201] : memref<50048xi32, #tpu.memory_space<vmem>>[vector<16xi32>], vector<16xi32>,
        %shift_left3A_533 = arith.constant 16 : i32
        %shift_left3A_534 = vector.broadcast %shift_left3A_533 : i32 to vector<16xi32>
        %shift_left3A_535 = arith.shli %gather3A, %shift_left3A_534 : vector<16xi32>
        %bitcast_convert_type3A_536 = tpu.bitcast %shift_left3A_535 : vector<16xi32> -> vector<16xf32>
        %and3A_537 = arith.constant -65536 : i32
        %and3A_538 = vector.broadcast %and3A_537 : i32 to vector<16xi32>
        %and3A_539 = arith.andi %gather3A, %and3A_538 : vector<16xi32>
        %bitcast_convert_type3A_540 = tpu.bitcast %and3A_539 : vector<16xi32> -> vector<16xf32>
        %shift_left3A_541 = arith.constant 16 : i32
        %shift_left3A_542 = vector.broadcast %shift_left3A_541 : i32 to vector<16xi32>
        %shift_left3A_543 = arith.shli %gather3A_532, %shift_left3A_542 : vector<16xi32>
        %bitcast_convert_type3A_544 = tpu.bitcast %shift_left3A_543 : vector<16xi32> -> vector<16xf32>
        %and3A_545 = arith.constant -65536 : i32
        %and3A_546 = vector.broadcast %and3A_545 : i32 to vector<16xi32>
        %and3A_547 = arith.andi %gather3A_532, %and3A_546 : vector<16xi32>
        %bitcast_convert_type3A_548 = tpu.bitcast %and3A_547 : vector<16xi32> -> vector<16xf32>
        %gt3A_549 = arith.cmpf ogt, %bitcast_convert_type3A_536, %bitcast_convert_type3A_544 : vector<16xf32>
        %gt3A_550 = arith.cmpf ogt, %bitcast_convert_type3A_540, %bitcast_convert_type3A_548 : vector<16xf32>
        %select_n3A_551 = arith.select %gt3A_550, %gather3A, %gather3A_532 : vector<16xi1>, vector<16xi32>
        %and3A_552 = arith.constant -65536 : i32
        %and3A_553 = vector.broadcast %and3A_552 : i32 to vector<16xi32>
        %and3A_554 = arith.andi %select_n3A_551, %and3A_553 : vector<16xi32>
        %select_n3A_555 = arith.select %gt3A_549, %gather3A, %gather3A_532 : vector<16xi1>, vector<16xi32>
        %and3A_556 = arith.constant 65535 : i32
        %and3A_557 = vector.broadcast %and3A_556 : i32 to vector<16xi32>
        %and3A_558 = arith.andi %select_n3A_555, %and3A_557 : vector<16xi32>
        %or3A_559 = arith.ori %and3A_554, %and3A_558 : vector<16xi32>
        %or3A_560 = arith.ori %gt3A_549, %gt3A_550 : vector<16xi1>
        %gather3A_561 = tpu.vector_load_idx %arg6[%shift_right_logical3A_211] : memref<50048xi32, #tpu.memory_space<vmem>>[vector<16xi32>], vector<16xi32>,
        %shift_left3A_562 = arith.constant 16 : i32
        %shift_left3A_563 = vector.broadcast %shift_left3A_562 : i32 to vector<16xi32>
        %shift_left3A_564 = arith.shli %gather3A_212, %shift_left3A_563 : vector<16xi32>
        %bitcast_convert_type3A_565 = tpu.bitcast %shift_left3A_564 : vector<16xi32> -> vector<16xf32>
        %and3A_566 = arith.constant -65536 : i32
        %and3A_567 = vector.broadcast %and3A_566 : i32 to vector<16xi32>
        %and3A_568 = arith.andi %gather3A_212, %and3A_567 : vector<16xi32>
        %bitcast_convert_type3A_569 = tpu.bitcast %and3A_568 : vector<16xi32> -> vector<16xf32>
        %shift_left3A_570 = arith.constant 16 : i32
        %shift_left3A_571 = vector.broadcast %shift_left3A_570 : i32 to vector<16xi32>
        %shift_left3A_572 = arith.shli %gather3A_561, %shift_left3A_571 : vector<16xi32>
        %bitcast_convert_type3A_573 = tpu.bitcast %shift_left3A_572 : vector<16xi32> -> vector<16xf32>
        %and3A_574 = arith.constant -65536 : i32
        %and3A_575 = vector.broadcast %and3A_574 : i32 to vector<16xi32>
        %and3A_576 = arith.andi %gather3A_561, %and3A_575 : vector<16xi32>
        %bitcast_convert_type3A_577 = tpu.bitcast %and3A_576 : vector<16xi32> -> vector<16xf32>
        %gt3A_578 = arith.cmpf ogt, %bitcast_convert_type3A_565, %bitcast_convert_type3A_573 : vector<16xf32>
        %gt3A_579 = arith.cmpf ogt, %bitcast_convert_type3A_569, %bitcast_convert_type3A_577 : vector<16xf32>
        %select_n3A_580 = arith.select %gt3A_579, %gather3A_212, %gather3A_561 : vector<16xi1>, vector<16xi32>
        %and3A_581 = arith.constant -65536 : i32
        %and3A_582 = vector.broadcast %and3A_581 : i32 to vector<16xi32>
        %and3A_583 = arith.andi %select_n3A_580, %and3A_582 : vector<16xi32>
        %select_n3A_584 = arith.select %gt3A_578, %gather3A_212, %gather3A_561 : vector<16xi1>, vector<16xi32>
        %and3A_585 = arith.constant 65535 : i32
        %and3A_586 = vector.broadcast %and3A_585 : i32 to vector<16xi32>
        %and3A_587 = arith.andi %select_n3A_584, %and3A_586 : vector<16xi32>
        %or3A_588 = arith.ori %and3A_583, %and3A_587 : vector<16xi32>
        %or3A_589 = arith.ori %gt3A_578, %gt3A_579 : vector<16xi1>
        %or3A_590 = arith.ori %or3A_560, %or3A_589 : vector<16xi1>
        %gather3A_591 = tpu.vector_load_idx %arg6[%shift_right_logical3A_222] : memref<50048xi32, #tpu.memory_space<vmem>>[vector<16xi32>], vector<16xi32>,
        %shift_left3A_592 = arith.constant 16 : i32
        %shift_left3A_593 = vector.broadcast %shift_left3A_592 : i32 to vector<16xi32>
        %shift_left3A_594 = arith.shli %gather3A_223, %shift_left3A_593 : vector<16xi32>
        %bitcast_convert_type3A_595 = tpu.bitcast %shift_left3A_594 : vector<16xi32> -> vector<16xf32>
        %and3A_596 = arith.constant -65536 : i32
        %and3A_597 = vector.broadcast %and3A_596 : i32 to vector<16xi32>
        %and3A_598 = arith.andi %gather3A_223, %and3A_597 : vector<16xi32>
        %bitcast_convert_type3A_599 = tpu.bitcast %and3A_598 : vector<16xi32> -> vector<16xf32>
        %shift_left3A_600 = arith.constant 16 : i32
        %shift_left3A_601 = vector.broadcast %shift_left3A_600 : i32 to vector<16xi32>
        %shift_left3A_602 = arith.shli %gather3A_591, %shift_left3A_601 : vector<16xi32>
        %bitcast_convert_type3A_603 = tpu.bitcast %shift_left3A_602 : vector<16xi32> -> vector<16xf32>
        %and3A_604 = arith.constant -65536 : i32
        %and3A_605 = vector.broadcast %and3A_604 : i32 to vector<16xi32>
        %and3A_606 = arith.andi %gather3A_591, %and3A_605 : vector<16xi32>
        %bitcast_convert_type3A_607 = tpu.bitcast %and3A_606 : vector<16xi32> -> vector<16xf32>
        %gt3A_608 = arith.cmpf ogt, %bitcast_convert_type3A_595, %bitcast_convert_type3A_603 : vector<16xf32>
        %gt3A_609 = arith.cmpf ogt, %bitcast_convert_type3A_599, %bitcast_convert_type3A_607 : vector<16xf32>
        %select_n3A_610 = arith.select %gt3A_609, %gather3A_223, %gather3A_591 : vector<16xi1>, vector<16xi32>
        %and3A_611 = arith.constant -65536 : i32
        %and3A_612 = vector.broadcast %and3A_611 : i32 to vector<16xi32>
        %and3A_613 = arith.andi %select_n3A_610, %and3A_612 : vector<16xi32>
        %select_n3A_614 = arith.select %gt3A_608, %gather3A_223, %gather3A_591 : vector<16xi1>, vector<16xi32>
        %and3A_615 = arith.constant 65535 : i32
        %and3A_616 = vector.broadcast %and3A_615 : i32 to vector<16xi32>
        %and3A_617 = arith.andi %select_n3A_614, %and3A_616 : vector<16xi32>
        %or3A_618 = arith.ori %and3A_613, %and3A_617 : vector<16xi32>
        %or3A_619 = arith.ori %gt3A_608, %gt3A_609 : vector<16xi1>
        %or3A_620 = arith.ori %or3A_590, %or3A_619 : vector<16xi1>
        %gather3A_621 = tpu.vector_load_idx %arg6[%shift_right_logical3A_233] : memref<50048xi32, #tpu.memory_space<vmem>>[vector<16xi32>], vector<16xi32>,
        %shift_left3A_622 = arith.constant 16 : i32
        %shift_left3A_623 = vector.broadcast %shift_left3A_622 : i32 to vector<16xi32>
        %shift_left3A_624 = arith.shli %gather3A_234, %shift_left3A_623 : vector<16xi32>
        %bitcast_convert_type3A_625 = tpu.bitcast %shift_left3A_624 : vector<16xi32> -> vector<16xf32>
        %and3A_626 = arith.constant -65536 : i32
        %and3A_627 = vector.broadcast %and3A_626 : i32 to vector<16xi32>
        %and3A_628 = arith.andi %gather3A_234, %and3A_627 : vector<16xi32>
        %bitcast_convert_type3A_629 = tpu.bitcast %and3A_628 : vector<16xi32> -> vector<16xf32>
        %shift_left3A_630 = arith.constant 16 : i32
        %shift_left3A_631 = vector.broadcast %shift_left3A_630 : i32 to vector<16xi32>
        %shift_left3A_632 = arith.shli %gather3A_621, %shift_left3A_631 : vector<16xi32>
        %bitcast_convert_type3A_633 = tpu.bitcast %shift_left3A_632 : vector<16xi32> -> vector<16xf32>
        %and3A_634 = arith.constant -65536 : i32
        %and3A_635 = vector.broadcast %and3A_634 : i32 to vector<16xi32>
        %and3A_636 = arith.andi %gather3A_621, %and3A_635 : vector<16xi32>
        %bitcast_convert_type3A_637 = tpu.bitcast %and3A_636 : vector<16xi32> -> vector<16xf32>
        %gt3A_638 = arith.cmpf ogt, %bitcast_convert_type3A_625, %bitcast_convert_type3A_633 : vector<16xf32>
        %gt3A_639 = arith.cmpf ogt, %bitcast_convert_type3A_629, %bitcast_convert_type3A_637 : vector<16xf32>
        %select_n3A_640 = arith.select %gt3A_639, %gather3A_234, %gather3A_621 : vector<16xi1>, vector<16xi32>
        %and3A_641 = arith.constant -65536 : i32
        %and3A_642 = vector.broadcast %and3A_641 : i32 to vector<16xi32>
        %and3A_643 = arith.andi %select_n3A_640, %and3A_642 : vector<16xi32>
        %select_n3A_644 = arith.select %gt3A_638, %gather3A_234, %gather3A_621 : vector<16xi1>, vector<16xi32>
        %and3A_645 = arith.constant 65535 : i32
        %and3A_646 = vector.broadcast %and3A_645 : i32 to vector<16xi32>
        %and3A_647 = arith.andi %select_n3A_644, %and3A_646 : vector<16xi32>
        %or3A_648 = arith.ori %and3A_643, %and3A_647 : vector<16xi32>
        %or3A_649 = arith.ori %gt3A_638, %gt3A_639 : vector<16xi1>
        %or3A_650 = arith.ori %or3A_620, %or3A_649 : vector<16xi1>
        %gather3A_651 = tpu.vector_load_idx %arg6[%shift_right_logical3A_244] : memref<50048xi32, #tpu.memory_space<vmem>>[vector<16xi32>], vector<16xi32>,
        %shift_left3A_652 = arith.constant 16 : i32
        %shift_left3A_653 = vector.broadcast %shift_left3A_652 : i32 to vector<16xi32>
        %shift_left3A_654 = arith.shli %gather3A_245, %shift_left3A_653 : vector<16xi32>
        %bitcast_convert_type3A_655 = tpu.bitcast %shift_left3A_654 : vector<16xi32> -> vector<16xf32>
        %and3A_656 = arith.constant -65536 : i32
        %and3A_657 = vector.broadcast %and3A_656 : i32 to vector<16xi32>
        %and3A_658 = arith.andi %gather3A_245, %and3A_657 : vector<16xi32>
        %bitcast_convert_type3A_659 = tpu.bitcast %and3A_658 : vector<16xi32> -> vector<16xf32>
        %shift_left3A_660 = arith.constant 16 : i32
        %shift_left3A_661 = vector.broadcast %shift_left3A_660 : i32 to vector<16xi32>
        %shift_left3A_662 = arith.shli %gather3A_651, %shift_left3A_661 : vector<16xi32>
        %bitcast_convert_type3A_663 = tpu.bitcast %shift_left3A_662 : vector<16xi32> -> vector<16xf32>
        %and3A_664 = arith.constant -65536 : i32
        %and3A_665 = vector.broadcast %and3A_664 : i32 to vector<16xi32>
        %and3A_666 = arith.andi %gather3A_651, %and3A_665 : vector<16xi32>
        %bitcast_convert_type3A_667 = tpu.bitcast %and3A_666 : vector<16xi32> -> vector<16xf32>
        %gt3A_668 = arith.cmpf ogt, %bitcast_convert_type3A_655, %bitcast_convert_type3A_663 : vector<16xf32>
        %gt3A_669 = arith.cmpf ogt, %bitcast_convert_type3A_659, %bitcast_convert_type3A_667 : vector<16xf32>
        %select_n3A_670 = arith.select %gt3A_669, %gather3A_245, %gather3A_651 : vector<16xi1>, vector<16xi32>
        %and3A_671 = arith.constant -65536 : i32
        %and3A_672 = vector.broadcast %and3A_671 : i32 to vector<16xi32>
        %and3A_673 = arith.andi %select_n3A_670, %and3A_672 : vector<16xi32>
        %select_n3A_674 = arith.select %gt3A_668, %gather3A_245, %gather3A_651 : vector<16xi1>, vector<16xi32>
        %and3A_675 = arith.constant 65535 : i32
        %and3A_676 = vector.broadcast %and3A_675 : i32 to vector<16xi32>
        %and3A_677 = arith.andi %select_n3A_674, %and3A_676 : vector<16xi32>
        %or3A_678 = arith.ori %and3A_673, %and3A_677 : vector<16xi32>
        %or3A_679 = arith.ori %gt3A_668, %gt3A_669 : vector<16xi1>
        %or3A_680 = arith.ori %or3A_650, %or3A_679 : vector<16xi1>
        %select_n3A_681 = arith.select %or3A_680, %broadcast_in_dim3A_5, %broadcast_in_dim3A_3 : vector<16xi1>, vector<16xi32>
        %or3A_682 = arith.ori %scan3A_192, %select_n3A_681 : vector<16xi32>
        scf.yield %or3A_682 : vector<16xi32>
      }
      %scan3A_177 = arith.constant 125 : i32
      %reduce_max3A_178 = arith.constant true
      %reduce_max3A_179 = vector.broadcast %reduce_max3A_178 : i1 to vector<16xi1>
      %reduce_max3A_180 = arith.constant -2147483648 : i32
      %reduce_max3A_181 = vector.broadcast %reduce_max3A_180 : i32 to vector<16xi32>
      %reduce_max3A_182 = arith.xori %scan3A_176, %reduce_max3A_181 : vector<16xi32>
      %reduce_max3A_183 = tpu.scan <max>, %reduce_max3A_182 masked %reduce_max3A_179 : vector<16xi32>, vector<16xi1> -> vector<16xi32>
      %reduce_max3A_184 = arith.xori %reduce_max3A_183, %reduce_max3A_181 : vector<16xi32>
      %reduce_max3A_185 = vector.extract %reduce_max3A_184[15] : i32 from vector<16xi32>
      %gt3A_186 = arith.constant 0 : i32
      %gt3A_187 = arith.cmpi sgt, %reduce_max3A_185, %gt3A_186 : i32
      %convert_element_type3A_188 = arith.extui %gt3A_187 : i1 to i32
      %cond3A_189 = arith.constant 0 : i32
      %cond3A_190 = arith.cmpi ne, %convert_element_type3A_188, %cond3A_189 : i32
      scf.if %cond3A_190 {
        %scan3A_191 = arith.constant 0 : i32
        %scan3A_192 = arith.constant 0 : i32
        %scan3A_193 = arith.constant 625 : i32
        %scan3A_194 = arith.addi %scan3A_192, %scan3A_193 : i32
        %scan3A_195 = arith.constant 1 : i32
        scf.for %scan3A_197 = %scan3A_192 to %scan3A_194 step %scan3A_195  : i32 {
          %mul3A_198 = arith.constant 16 : i32
          %mul3A_199 = arith.muli %scan3A_197, %mul3A_198 : i32
          %get3A = arith.index_cast %mul3A_199 : i32 to index
          %get3A_200 = tpu.vector_load %arg8[%get3A] {strides = array<i32>} : memref<10000xi32, #tpu.memory_space<vmem>>, vector<16xi32>,
          %and3A = arith.constant 65535 : i32
          %and3A_201 = vector.broadcast %and3A : i32 to vector<16xi32>
          %and3A_202 = arith.andi %get3A_200, %and3A_201 : vector<16xi32>
          %shift_right_logical3A = arith.constant 16 : i32
          %shift_right_logical3A_203 = vector.broadcast %shift_right_logical3A : i32 to vector<16xi32>
          %shift_right_logical3A_204 = arith.shrui %get3A_200, %shift_right_logical3A_203 : vector<16xi32>
          %gather3A = tpu.vector_load_idx %arg5[%and3A_202] : memref<50048xi32, #tpu.memory_space<vmem>>[vector<16xi32>], vector<16xi32>,
          %scan3A_205 = arith.constant 0 : i32
          %scan3A_206 = arith.constant 0 : i32
          %scan3A_207 = arith.constant 16 : i32
          %scan3A_208 = arith.addi %scan3A_206, %scan3A_207 : i32
          %scan3A_209 = arith.constant 1 : i32
          scf.for %scan3A_211 = %scan3A_206 to %scan3A_208 step %scan3A_209  : i32 {
            %gather3A_212 = tpu.vector_load_idx %arg6[%shift_right_logical3A_204] : memref<50048xi32, #tpu.memory_space<vmem>>[vector<16xi32>], vector<16xi32>,
            %shift_left3A = arith.constant 16 : i32
            %shift_left3A_213 = vector.broadcast %shift_left3A : i32 to vector<16xi32>
            %shift_left3A_214 = arith.shli %gather3A, %shift_left3A_213 : vector<16xi32>
            %bitcast_convert_type3A = tpu.bitcast %shift_left3A_214 : vector<16xi32> -> vector<16xf32>
            %and3A_215 = arith.constant -65536 : i32
            %and3A_216 = vector.broadcast %and3A_215 : i32 to vector<16xi32>
            %and3A_217 = arith.andi %gather3A, %and3A_216 : vector<16xi32>
            %bitcast_convert_type3A_218 = tpu.bitcast %and3A_217 : vector<16xi32> -> vector<16xf32>
            %shift_left3A_219 = arith.constant 16 : i32
            %shift_left3A_220 = vector.broadcast %shift_left3A_219 : i32 to vector<16xi32>
            %shift_left3A_221 = arith.shli %gather3A_212, %shift_left3A_220 : vector<16xi32>
            %bitcast_convert_type3A_222 = tpu.bitcast %shift_left3A_221 : vector<16xi32> -> vector<16xf32>
            %and3A_223 = arith.constant -65536 : i32
            %and3A_224 = vector.broadcast %and3A_223 : i32 to vector<16xi32>
            %and3A_225 = arith.andi %gather3A_212, %and3A_224 : vector<16xi32>
            %bitcast_convert_type3A_226 = tpu.bitcast %and3A_225 : vector<16xi32> -> vector<16xf32>
            %gt3A_227 = arith.cmpf ogt, %bitcast_convert_type3A, %bitcast_convert_type3A_222 : vector<16xf32>
            %gt3A_228 = arith.cmpf ogt, %bitcast_convert_type3A_218, %bitcast_convert_type3A_226 : vector<16xf32>
            %select_n3A = arith.select %gt3A_228, %gather3A, %gather3A_212 : vector<16xi1>, vector<16xi32>
            %and3A_229 = arith.constant -65536 : i32
            %and3A_230 = vector.broadcast %and3A_229 : i32 to vector<16xi32>
            %and3A_231 = arith.andi %select_n3A, %and3A_230 : vector<16xi32>
            %select_n3A_232 = arith.select %gt3A_227, %gather3A, %gather3A_212 : vector<16xi1>, vector<16xi32>
            %and3A_233 = arith.constant 65535 : i32
            %and3A_234 = vector.broadcast %and3A_233 : i32 to vector<16xi32>
            %and3A_235 = arith.andi %select_n3A_232, %and3A_234 : vector<16xi32>
            %or3A = arith.ori %and3A_231, %and3A_235 : vector<16xi32>
            %or3A_236 = arith.ori %gt3A_227, %gt3A_228 : vector<16xi1>
            tpu.vector_store_idx %arg6[%shift_right_logical3A_204], %or3A masked %or3A_236 : memref<50048xi32, #tpu.memory_space<vmem>>[vector<16xi32>], vector<16xi32>, vector<16xi1>
          }
          %scan3A_210 = arith.constant 16 : i32
        }
        %scan3A_196 = arith.constant 625 : i32
      } else {
      }
    }
    %scan3A_28 = arith.constant 5 : i32
    %mul3A_29 = arith.constant 3 : i32
    %mul3A_30 = arith.muli %add3A, %mul3A_29 : i32
    %add3A_31 = arith.constant 0 : i32
    %add3A_32 = arith.addi %mul3A_30, %add3A_31 : i32
    %mul3A_33 = arith.constant 50048 : i32
    %mul3A_34 = arith.muli %add3A_32, %mul3A_33 : i32
    %dma_start3A_35 = tpu.memref_slice %arg4[%mul3A_34] : memref<4804608xi32, #tpu.memory_space<hbm>> -> memref<50048xi32, #tpu.memory_space<hbm>>
    %dma_start3A_36 = tpu.memref_slice %arg4[%mul3A_34] : memref<4804608xi32, #tpu.memory_space<hbm>> -> memref<50048xi32, #tpu.memory_space<hbm>>
    tpu.enqueue_dma source(%arg6 : memref<50048xi32, #tpu.memory_space<vmem>>) target(%dma_start3A_36 : memref<50048xi32, #tpu.memory_space<hbm>>) target_semaphore(%arg12 : memref<!tpu.dma_semaphore, #tpu.memory_space<semaphore_mem>>)
    %dma_start3A_37 = arith.constant 50048 : i32
    %dma_start3A_38 = tpu.memref_slice %arg2[%dma_start3A_37] : memref<150144xi32, #tpu.memory_space<hbm>> -> memref<50048xi32, #tpu.memory_space<hbm>>
    %dma_start3A_39 = arith.constant 50048 : i32
    %dma_start3A_40 = tpu.memref_slice %arg2[%dma_start3A_39] : memref<150144xi32, #tpu.memory_space<hbm>> -> memref<50048xi32, #tpu.memory_space<hbm>>
    tpu.enqueue_dma source(%dma_start3A_40 : memref<50048xi32, #tpu.memory_space<hbm>>) target(%arg5 : memref<50048xi32, #tpu.memory_space<vmem>>) target_semaphore(%arg11 : memref<!tpu.dma_semaphore, #tpu.memory_space<semaphore_mem>>)
    %add3A_41 = arith.constant 0 : i32
    %add3A_42 = arith.addi %mul3A_2, %add3A_41 : i32
    %dma_start3A_43 = tpu.memref_slice %arg3[%add3A_42] : memref<3200000xi32, #tpu.memory_space<hbm>> -> memref<10000xi32, #tpu.memory_space<hbm>>
    %dma_start3A_44 = tpu.memref_slice %arg3[%add3A_42] : memref<3200000xi32, #tpu.memory_space<hbm>> -> memref<10000xi32, #tpu.memory_space<hbm>>
    tpu.enqueue_dma source(%dma_start3A_44 : memref<10000xi32, #tpu.memory_space<hbm>>) target(%arg7 : memref<10000xi32, #tpu.memory_space<vmem>>) target_semaphore(%arg9 : memref<!tpu.dma_semaphore, #tpu.memory_space<semaphore_mem>>)
    %mul3A_45 = arith.constant 3 : i32
    %mul3A_46 = arith.muli %add3A, %mul3A_45 : i32
    %add3A_47 = arith.constant 0 : i32
    %add3A_48 = arith.addi %mul3A_46, %add3A_47 : i32
    %mul3A_49 = arith.constant 50048 : i32
    %mul3A_50 = arith.muli %add3A_48, %mul3A_49 : i32
    %dma_wait3A_51 = tpu.memref_slice %arg4[%mul3A_50] : memref<4804608xi32, #tpu.memory_space<hbm>> -> memref<50048xi32, #tpu.memory_space<hbm>>
    %dma_wait3A_52 = tpu.memref_slice %arg4[%mul3A_50] : memref<4804608xi32, #tpu.memory_space<hbm>> -> memref<50048xi32, #tpu.memory_space<hbm>>
    tpu.wait_dma2 semaphore(%arg12 : memref<!tpu.dma_semaphore, #tpu.memory_space<semaphore_mem>>) src(%arg6 : memref<50048xi32, #tpu.memory_space<vmem>>) dst(%dma_wait3A_52 : memref<50048xi32, #tpu.memory_space<hbm>>)
    %broadcast_in_dim3A_53 = arith.constant -10289310 : i32
    %broadcast_in_dim3A_54 = vector.broadcast %broadcast_in_dim3A_53 : i32 to vector<16xi32>
    %scan3A_55 = arith.constant 0 : i32
    %scan3A_56 = arith.constant 0 : i32
    %scan3A_57 = arith.constant 391 : i32
    %scan3A_58 = arith.addi %scan3A_56, %scan3A_57 : i32
    %scan3A_59 = arith.constant 1 : i32
    scf.for %scan3A_129 = %scan3A_56 to %scan3A_58 step %scan3A_59  : i32 {
      %mul3A_130 = arith.constant 8 : i32
      %mul3A_131 = arith.muli %scan3A_129, %mul3A_130 : i32
      %add3A_132 = arith.constant 0 : i32
      %add3A_133 = arith.addi %mul3A_131, %add3A_132 : i32
      %mul3A_134 = arith.constant 16 : i32
      %mul3A_135 = arith.muli %add3A_133, %mul3A_134 : i32
      %swap3A = arith.index_cast %mul3A_135 : i32 to index
      %swap3A_136 = tpu.vector_load %arg6[%swap3A] {strides = array<i32>} : memref<50048xi32, #tpu.memory_space<vmem>>, vector<16xi32>,
      tpu.vector_store %arg6[%swap3A], %broadcast_in_dim3A_54 {strides = array<i32>} : memref<50048xi32, #tpu.memory_space<vmem>>, vector<16xi32>,
      %mul3A_137 = arith.constant 8 : i32
      %mul3A_138 = arith.muli %scan3A_129, %mul3A_137 : i32
      %add3A_139 = arith.constant 1 : i32
      %add3A_140 = arith.addi %mul3A_138, %add3A_139 : i32
      %mul3A_141 = arith.constant 16 : i32
      %mul3A_142 = arith.muli %add3A_140, %mul3A_141 : i32
      %swap3A_143 = arith.index_cast %mul3A_142 : i32 to index
      %swap3A_144 = tpu.vector_load %arg6[%swap3A_143] {strides = array<i32>} : memref<50048xi32, #tpu.memory_space<vmem>>, vector<16xi32>,
      tpu.vector_store %arg6[%swap3A_143], %broadcast_in_dim3A_54 {strides = array<i32>} : memref<50048xi32, #tpu.memory_space<vmem>>, vector<16xi32>,
      %mul3A_145 = arith.constant 8 : i32
      %mul3A_146 = arith.muli %scan3A_129, %mul3A_145 : i32
      %add3A_147 = arith.constant 2 : i32
      %add3A_148 = arith.addi %mul3A_146, %add3A_147 : i32
      %mul3A_149 = arith.constant 16 : i32
      %mul3A_150 = arith.muli %add3A_148, %mul3A_149 : i32
      %swap3A_151 = arith.index_cast %mul3A_150 : i32 to index
      %swap3A_152 = tpu.vector_load %arg6[%swap3A_151] {strides = array<i32>} : memref<50048xi32, #tpu.memory_space<vmem>>, vector<16xi32>,
      tpu.vector_store %arg6[%swap3A_151], %broadcast_in_dim3A_54 {strides = array<i32>} : memref<50048xi32, #tpu.memory_space<vmem>>, vector<16xi32>,
      %mul3A_153 = arith.constant 8 : i32
      %mul3A_154 = arith.muli %scan3A_129, %mul3A_153 : i32
      %add3A_155 = arith.constant 3 : i32
      %add3A_156 = arith.addi %mul3A_154, %add3A_155 : i32
      %mul3A_157 = arith.constant 16 : i32
      %mul3A_158 = arith.muli %add3A_156, %mul3A_157 : i32
      %swap3A_159 = arith.index_cast %mul3A_158 : i32 to index
      %swap3A_160 = tpu.vector_load %arg6[%swap3A_159] {strides = array<i32>} : memref<50048xi32, #tpu.memory_space<vmem>>, vector<16xi32>,
      tpu.vector_store %arg6[%swap3A_159], %broadcast_in_dim3A_54 {strides = array<i32>} : memref<50048xi32, #tpu.memory_space<vmem>>, vector<16xi32>,
      %mul3A_161 = arith.constant 8 : i32
      %mul3A_162 = arith.muli %scan3A_129, %mul3A_161 : i32
      %add3A_163 = arith.constant 4 : i32
      %add3A_164 = arith.addi %mul3A_162, %add3A_163 : i32
      %mul3A_165 = arith.constant 16 : i32
      %mul3A_166 = arith.muli %add3A_164, %mul3A_165 : i32
      %swap3A_167 = arith.index_cast %mul3A_166 : i32 to index
      %swap3A_168 = tpu.vector_load %arg6[%swap3A_167] {strides = array<i32>} : memref<50048xi32, #tpu.memory_space<vmem>>, vector<16xi32>,
      tpu.vector_store %arg6[%swap3A_167], %broadcast_in_dim3A_54 {strides = array<i32>} : memref<50048xi32, #tpu.memory_space<vmem>>, vector<16xi32>,
      %mul3A_169 = arith.constant 8 : i32
      %mul3A_170 = arith.muli %scan3A_129, %mul3A_169 : i32
      %add3A_171 = arith.constant 5 : i32
      %add3A_172 = arith.addi %mul3A_170, %add3A_171 : i32
      %mul3A_173 = arith.constant 16 : i32
      %mul3A_174 = arith.muli %add3A_172, %mul3A_173 : i32
      %swap3A_175 = arith.index_cast %mul3A_174 : i32 to index
      %swap3A_176 = tpu.vector_load %arg6[%swap3A_175] {strides = array<i32>} : memref<50048xi32, #tpu.memory_space<vmem>>, vector<16xi32>,
      tpu.vector_store %arg6[%swap3A_175], %broadcast_in_dim3A_54 {strides = array<i32>} : memref<50048xi32, #tpu.memory_space<vmem>>, vector<16xi32>,
      %mul3A_177 = arith.constant 8 : i32
      %mul3A_178 = arith.muli %scan3A_129, %mul3A_177 : i32
      %add3A_179 = arith.constant 6 : i32
      %add3A_180 = arith.addi %mul3A_178, %add3A_179 : i32
      %mul3A_181 = arith.constant 16 : i32
      %mul3A_182 = arith.muli %add3A_180, %mul3A_181 : i32
      %swap3A_183 = arith.index_cast %mul3A_182 : i32 to index
      %swap3A_184 = tpu.vector_load %arg6[%swap3A_183] {strides = array<i32>} : memref<50048xi32, #tpu.memory_space<vmem>>, vector<16xi32>,
      tpu.vector_store %arg6[%swap3A_183], %broadcast_in_dim3A_54 {strides = array<i32>} : memref<50048xi32, #tpu.memory_space<vmem>>, vector<16xi32>,
      %mul3A_185 = arith.constant 8 : i32
      %mul3A_186 = arith.muli %scan3A_129, %mul3A_185 : i32
      %add3A_187 = arith.constant 7 : i32
      %add3A_188 = arith.addi %mul3A_186, %add3A_187 : i32
      %mul3A_189 = arith.constant 16 : i32
      %mul3A_190 = arith.muli %add3A_188, %mul3A_189 : i32
      %swap3A_191 = arith.index_cast %mul3A_190 : i32 to index
      %swap3A_192 = tpu.vector_load %arg6[%swap3A_191] {strides = array<i32>} : memref<50048xi32, #tpu.memory_space<vmem>>, vector<16xi32>,
      tpu.vector_store %arg6[%swap3A_191], %broadcast_in_dim3A_54 {strides = array<i32>} : memref<50048xi32, #tpu.memory_space<vmem>>, vector<16xi32>,
    }
    %scan3A_60 = arith.constant 391 : i32
    %dma_wait3A_61 = arith.constant 50048 : i32
    %dma_wait3A_62 = tpu.memref_slice %arg2[%dma_wait3A_61] : memref<150144xi32, #tpu.memory_space<hbm>> -> memref<50048xi32, #tpu.memory_space<hbm>>
    %dma_wait3A_63 = arith.constant 50048 : i32
    %dma_wait3A_64 = tpu.memref_slice %arg2[%dma_wait3A_63] : memref<150144xi32, #tpu.memory_space<hbm>> -> memref<50048xi32, #tpu.memory_space<hbm>>
    tpu.wait_dma2 semaphore(%arg11 : memref<!tpu.dma_semaphore, #tpu.memory_space<semaphore_mem>>) src(%dma_wait3A_64 : memref<50048xi32, #tpu.memory_space<hbm>>) dst(%arg5 : memref<50048xi32, #tpu.memory_space<vmem>>)
    %scan3A_65 = arith.constant 0 : i32
    %scan3A_66 = arith.constant 0 : i32
    %scan3A_67 = arith.constant 5 : i32
    %scan3A_68 = arith.addi %scan3A_66, %scan3A_67 : i32
    %scan3A_69 = arith.constant 1 : i32
    scf.for %scan3A_129 = %scan3A_66 to %scan3A_68 step %scan3A_69  : i32 {
      %mul3A_130 = arith.constant 2 : i32
      %mul3A_131 = arith.muli %scan3A_129, %mul3A_130 : i32
      %add3A_132 = arith.constant 0 : i32
      %add3A_133 = arith.addi %mul3A_131, %add3A_132 : i32
      %mul3A_134 = arith.constant 10000 : i32
      %mul3A_135 = arith.muli %add3A_133, %mul3A_134 : i32
      %add3A_136 = arith.addi %mul3A_2, %mul3A_135 : i32
      %dma_wait3A_137 = tpu.memref_slice %arg3[%add3A_136] : memref<3200000xi32, #tpu.memory_space<hbm>> -> memref<10000xi32, #tpu.memory_space<hbm>>
      %dma_wait3A_138 = tpu.memref_slice %arg3[%add3A_136] : memref<3200000xi32, #tpu.memory_space<hbm>> -> memref<10000xi32, #tpu.memory_space<hbm>>
      tpu.wait_dma2 semaphore(%arg9 : memref<!tpu.dma_semaphore, #tpu.memory_space<semaphore_mem>>) src(%dma_wait3A_138 : memref<10000xi32, #tpu.memory_space<hbm>>) dst(%arg7 : memref<10000xi32, #tpu.memory_space<vmem>>)
      %lt3A = arith.constant 9 : i32
      %lt3A_139 = arith.cmpi slt, %add3A_133, %lt3A : i32
      %convert_element_type3A = arith.extui %lt3A_139 : i1 to i32
      %cond3A = arith.constant 0 : i32
      %cond3A_140 = arith.cmpi ne, %convert_element_type3A, %cond3A : i32
      scf.if %cond3A_140 {
        %add3A_191 = arith.constant 1 : i32
        %add3A_192 = arith.addi %add3A_133, %add3A_191 : i32
        %mul3A_193 = arith.constant 10000 : i32
        %mul3A_194 = arith.muli %add3A_192, %mul3A_193 : i32
        %add3A_195 = arith.addi %mul3A_2, %mul3A_194 : i32
        %dma_start3A_196 = tpu.memref_slice %arg3[%add3A_195] : memref<3200000xi32, #tpu.memory_space<hbm>> -> memref<10000xi32, #tpu.memory_space<hbm>>
        %dma_start3A_197 = tpu.memref_slice %arg3[%add3A_195] : memref<3200000xi32, #tpu.memory_space<hbm>> -> memref<10000xi32, #tpu.memory_space<hbm>>
        tpu.enqueue_dma source(%dma_start3A_197 : memref<10000xi32, #tpu.memory_space<hbm>>) target(%arg8 : memref<10000xi32, #tpu.memory_space<vmem>>) target_semaphore(%arg10 : memref<!tpu.dma_semaphore, #tpu.memory_space<semaphore_mem>>)
      } else {
      }
      %scan3A_141 = arith.constant 0 : i32
      %scan3A_142 = arith.constant 125 : i32
      %scan3A_143 = arith.addi %scan3A_141, %scan3A_142 : i32
      %scan3A_144 = arith.constant 1 : i32
      %scan3A_145 = scf.for %scan3A_191 = %scan3A_141 to %scan3A_143 step %scan3A_144 iter_args(%scan3A_192 = %broadcast_in_dim3A_3) -> (vector<16xi32>)  : i32 {
        %mul3A_193 = arith.constant 80 : i32
        %mul3A_194 = arith.muli %scan3A_191, %mul3A_193 : i32
        %add3A_195 = arith.constant 0 : i32
        %add3A_196 = arith.addi %mul3A_194, %add3A_195 : i32
        %get3A = arith.index_cast %add3A_196 : i32 to index
        %get3A_197 = tpu.vector_load %arg7[%get3A] {strides = array<i32>} : memref<10000xi32, #tpu.memory_space<vmem>>, vector<16xi32>,
        %and3A = arith.constant 65535 : i32
        %and3A_198 = vector.broadcast %and3A : i32 to vector<16xi32>
        %and3A_199 = arith.andi %get3A_197, %and3A_198 : vector<16xi32>
        %shift_right_logical3A = arith.constant 16 : i32
        %shift_right_logical3A_200 = vector.broadcast %shift_right_logical3A : i32 to vector<16xi32>
        %shift_right_logical3A_201 = arith.shrui %get3A_197, %shift_right_logical3A_200 : vector<16xi32>
        %gather3A = tpu.vector_load_idx %arg5[%and3A_199] : memref<50048xi32, #tpu.memory_space<vmem>>[vector<16xi32>], vector<16xi32>,
        %add3A_202 = arith.constant 16 : i32
        %add3A_203 = arith.addi %mul3A_194, %add3A_202 : i32
        %get3A_204 = arith.index_cast %add3A_203 : i32 to index
        %get3A_205 = tpu.vector_load %arg7[%get3A_204] {strides = array<i32>} : memref<10000xi32, #tpu.memory_space<vmem>>, vector<16xi32>,
        %and3A_206 = arith.constant 65535 : i32
        %and3A_207 = vector.broadcast %and3A_206 : i32 to vector<16xi32>
        %and3A_208 = arith.andi %get3A_205, %and3A_207 : vector<16xi32>
        %shift_right_logical3A_209 = arith.constant 16 : i32
        %shift_right_logical3A_210 = vector.broadcast %shift_right_logical3A_209 : i32 to vector<16xi32>
        %shift_right_logical3A_211 = arith.shrui %get3A_205, %shift_right_logical3A_210 : vector<16xi32>
        %gather3A_212 = tpu.vector_load_idx %arg5[%and3A_208] : memref<50048xi32, #tpu.memory_space<vmem>>[vector<16xi32>], vector<16xi32>,
        %add3A_213 = arith.constant 32 : i32
        %add3A_214 = arith.addi %mul3A_194, %add3A_213 : i32
        %get3A_215 = arith.index_cast %add3A_214 : i32 to index
        %get3A_216 = tpu.vector_load %arg7[%get3A_215] {strides = array<i32>} : memref<10000xi32, #tpu.memory_space<vmem>>, vector<16xi32>,
        %and3A_217 = arith.constant 65535 : i32
        %and3A_218 = vector.broadcast %and3A_217 : i32 to vector<16xi32>
        %and3A_219 = arith.andi %get3A_216, %and3A_218 : vector<16xi32>
        %shift_right_logical3A_220 = arith.constant 16 : i32
        %shift_right_logical3A_221 = vector.broadcast %shift_right_logical3A_220 : i32 to vector<16xi32>
        %shift_right_logical3A_222 = arith.shrui %get3A_216, %shift_right_logical3A_221 : vector<16xi32>
        %gather3A_223 = tpu.vector_load_idx %arg5[%and3A_219] : memref<50048xi32, #tpu.memory_space<vmem>>[vector<16xi32>], vector<16xi32>,
        %add3A_224 = arith.constant 48 : i32
        %add3A_225 = arith.addi %mul3A_194, %add3A_224 : i32
        %get3A_226 = arith.index_cast %add3A_225 : i32 to index
        %get3A_227 = tpu.vector_load %arg7[%get3A_226] {strides = array<i32>} : memref<10000xi32, #tpu.memory_space<vmem>>, vector<16xi32>,
        %and3A_228 = arith.constant 65535 : i32
        %and3A_229 = vector.broadcast %and3A_228 : i32 to vector<16xi32>
        %and3A_230 = arith.andi %get3A_227, %and3A_229 : vector<16xi32>
        %shift_right_logical3A_231 = arith.constant 16 : i32
        %shift_right_logical3A_232 = vector.broadcast %shift_right_logical3A_231 : i32 to vector<16xi32>
        %shift_right_logical3A_233 = arith.shrui %get3A_227, %shift_right_logical3A_232 : vector<16xi32>
        %gather3A_234 = tpu.vector_load_idx %arg5[%and3A_230] : memref<50048xi32, #tpu.memory_space<vmem>>[vector<16xi32>], vector<16xi32>,
        %add3A_235 = arith.constant 64 : i32
        %add3A_236 = arith.addi %mul3A_194, %add3A_235 : i32
        %get3A_237 = arith.index_cast %add3A_236 : i32 to index
        %get3A_238 = tpu.vector_load %arg7[%get3A_237] {strides = array<i32>} : memref<10000xi32, #tpu.memory_space<vmem>>, vector<16xi32>,
        %and3A_239 = arith.constant 65535 : i32
        %and3A_240 = vector.broadcast %and3A_239 : i32 to vector<16xi32>
        %and3A_241 = arith.andi %get3A_238, %and3A_240 : vector<16xi32>
        %shift_right_logical3A_242 = arith.constant 16 : i32
        %shift_right_logical3A_243 = vector.broadcast %shift_right_logical3A_242 : i32 to vector<16xi32>
        %shift_right_logical3A_244 = arith.shrui %get3A_238, %shift_right_logical3A_243 : vector<16xi32>
        %gather3A_245 = tpu.vector_load_idx %arg5[%and3A_241] : memref<50048xi32, #tpu.memory_space<vmem>>[vector<16xi32>], vector<16xi32>,
        %gather3A_246 = tpu.vector_load_idx %arg6[%shift_right_logical3A_201] : memref<50048xi32, #tpu.memory_space<vmem>>[vector<16xi32>], vector<16xi32>,
        %gather3A_247 = tpu.vector_load_idx %arg6[%shift_right_logical3A_211] : memref<50048xi32, #tpu.memory_space<vmem>>[vector<16xi32>], vector<16xi32>,
        %gather3A_248 = tpu.vector_load_idx %arg6[%shift_right_logical3A_222] : memref<50048xi32, #tpu.memory_space<vmem>>[vector<16xi32>], vector<16xi32>,
        %gather3A_249 = tpu.vector_load_idx %arg6[%shift_right_logical3A_233] : memref<50048xi32, #tpu.memory_space<vmem>>[vector<16xi32>], vector<16xi32>,
        %gather3A_250 = tpu.vector_load_idx %arg6[%shift_right_logical3A_244] : memref<50048xi32, #tpu.memory_space<vmem>>[vector<16xi32>], vector<16xi32>,
        %shift_left3A = arith.constant 16 : i32
        %shift_left3A_251 = vector.broadcast %shift_left3A : i32 to vector<16xi32>
        %shift_left3A_252 = arith.shli %gather3A, %shift_left3A_251 : vector<16xi32>
        %bitcast_convert_type3A = tpu.bitcast %shift_left3A_252 : vector<16xi32> -> vector<16xf32>
        %and3A_253 = arith.constant -65536 : i32
        %and3A_254 = vector.broadcast %and3A_253 : i32 to vector<16xi32>
        %and3A_255 = arith.andi %gather3A, %and3A_254 : vector<16xi32>
        %bitcast_convert_type3A_256 = tpu.bitcast %and3A_255 : vector<16xi32> -> vector<16xf32>
        %shift_left3A_257 = arith.constant 16 : i32
        %shift_left3A_258 = vector.broadcast %shift_left3A_257 : i32 to vector<16xi32>
        %shift_left3A_259 = arith.shli %gather3A_246, %shift_left3A_258 : vector<16xi32>
        %bitcast_convert_type3A_260 = tpu.bitcast %shift_left3A_259 : vector<16xi32> -> vector<16xf32>
        %and3A_261 = arith.constant -65536 : i32
        %and3A_262 = vector.broadcast %and3A_261 : i32 to vector<16xi32>
        %and3A_263 = arith.andi %gather3A_246, %and3A_262 : vector<16xi32>
        %bitcast_convert_type3A_264 = tpu.bitcast %and3A_263 : vector<16xi32> -> vector<16xf32>
        %gt3A_265 = arith.cmpf ogt, %bitcast_convert_type3A, %bitcast_convert_type3A_260 : vector<16xf32>
        %gt3A_266 = arith.cmpf ogt, %bitcast_convert_type3A_256, %bitcast_convert_type3A_264 : vector<16xf32>
        %select_n3A = arith.select %gt3A_266, %gather3A, %gather3A_246 : vector<16xi1>, vector<16xi32>
        %and3A_267 = arith.constant -65536 : i32
        %and3A_268 = vector.broadcast %and3A_267 : i32 to vector<16xi32>
        %and3A_269 = arith.andi %select_n3A, %and3A_268 : vector<16xi32>
        %select_n3A_270 = arith.select %gt3A_265, %gather3A, %gather3A_246 : vector<16xi1>, vector<16xi32>
        %and3A_271 = arith.constant 65535 : i32
        %and3A_272 = vector.broadcast %and3A_271 : i32 to vector<16xi32>
        %and3A_273 = arith.andi %select_n3A_270, %and3A_272 : vector<16xi32>
        %or3A = arith.ori %and3A_269, %and3A_273 : vector<16xi32>
        %or3A_274 = arith.ori %gt3A_265, %gt3A_266 : vector<16xi1>
        tpu.vector_store_idx %arg6[%shift_right_logical3A_201], %or3A masked %or3A_274 : memref<50048xi32, #tpu.memory_space<vmem>>[vector<16xi32>], vector<16xi32>, vector<16xi1>
        %shift_left3A_275 = arith.constant 16 : i32
        %shift_left3A_276 = vector.broadcast %shift_left3A_275 : i32 to vector<16xi32>
        %shift_left3A_277 = arith.shli %gather3A_212, %shift_left3A_276 : vector<16xi32>
        %bitcast_convert_type3A_278 = tpu.bitcast %shift_left3A_277 : vector<16xi32> -> vector<16xf32>
        %and3A_279 = arith.constant -65536 : i32
        %and3A_280 = vector.broadcast %and3A_279 : i32 to vector<16xi32>
        %and3A_281 = arith.andi %gather3A_212, %and3A_280 : vector<16xi32>
        %bitcast_convert_type3A_282 = tpu.bitcast %and3A_281 : vector<16xi32> -> vector<16xf32>
        %shift_left3A_283 = arith.constant 16 : i32
        %shift_left3A_284 = vector.broadcast %shift_left3A_283 : i32 to vector<16xi32>
        %shift_left3A_285 = arith.shli %gather3A_247, %shift_left3A_284 : vector<16xi32>
        %bitcast_convert_type3A_286 = tpu.bitcast %shift_left3A_285 : vector<16xi32> -> vector<16xf32>
        %and3A_287 = arith.constant -65536 : i32
        %and3A_288 = vector.broadcast %and3A_287 : i32 to vector<16xi32>
        %and3A_289 = arith.andi %gather3A_247, %and3A_288 : vector<16xi32>
        %bitcast_convert_type3A_290 = tpu.bitcast %and3A_289 : vector<16xi32> -> vector<16xf32>
        %gt3A_291 = arith.cmpf ogt, %bitcast_convert_type3A_278, %bitcast_convert_type3A_286 : vector<16xf32>
        %gt3A_292 = arith.cmpf ogt, %bitcast_convert_type3A_282, %bitcast_convert_type3A_290 : vector<16xf32>
        %select_n3A_293 = arith.select %gt3A_292, %gather3A_212, %gather3A_247 : vector<16xi1>, vector<16xi32>
        %and3A_294 = arith.constant -65536 : i32
        %and3A_295 = vector.broadcast %and3A_294 : i32 to vector<16xi32>
        %and3A_296 = arith.andi %select_n3A_293, %and3A_295 : vector<16xi32>
        %select_n3A_297 = arith.select %gt3A_291, %gather3A_212, %gather3A_247 : vector<16xi1>, vector<16xi32>
        %and3A_298 = arith.constant 65535 : i32
        %and3A_299 = vector.broadcast %and3A_298 : i32 to vector<16xi32>
        %and3A_300 = arith.andi %select_n3A_297, %and3A_299 : vector<16xi32>
        %or3A_301 = arith.ori %and3A_296, %and3A_300 : vector<16xi32>
        %or3A_302 = arith.ori %gt3A_291, %gt3A_292 : vector<16xi1>
        tpu.vector_store_idx %arg6[%shift_right_logical3A_211], %or3A_301 masked %or3A_302 : memref<50048xi32, #tpu.memory_space<vmem>>[vector<16xi32>], vector<16xi32>, vector<16xi1>
        %shift_left3A_303 = arith.constant 16 : i32
        %shift_left3A_304 = vector.broadcast %shift_left3A_303 : i32 to vector<16xi32>
        %shift_left3A_305 = arith.shli %gather3A_223, %shift_left3A_304 : vector<16xi32>
        %bitcast_convert_type3A_306 = tpu.bitcast %shift_left3A_305 : vector<16xi32> -> vector<16xf32>
        %and3A_307 = arith.constant -65536 : i32
        %and3A_308 = vector.broadcast %and3A_307 : i32 to vector<16xi32>
        %and3A_309 = arith.andi %gather3A_223, %and3A_308 : vector<16xi32>
        %bitcast_convert_type3A_310 = tpu.bitcast %and3A_309 : vector<16xi32> -> vector<16xf32>
        %shift_left3A_311 = arith.constant 16 : i32
        %shift_left3A_312 = vector.broadcast %shift_left3A_311 : i32 to vector<16xi32>
        %shift_left3A_313 = arith.shli %gather3A_248, %shift_left3A_312 : vector<16xi32>
        %bitcast_convert_type3A_314 = tpu.bitcast %shift_left3A_313 : vector<16xi32> -> vector<16xf32>
        %and3A_315 = arith.constant -65536 : i32
        %and3A_316 = vector.broadcast %and3A_315 : i32 to vector<16xi32>
        %and3A_317 = arith.andi %gather3A_248, %and3A_316 : vector<16xi32>
        %bitcast_convert_type3A_318 = tpu.bitcast %and3A_317 : vector<16xi32> -> vector<16xf32>
        %gt3A_319 = arith.cmpf ogt, %bitcast_convert_type3A_306, %bitcast_convert_type3A_314 : vector<16xf32>
        %gt3A_320 = arith.cmpf ogt, %bitcast_convert_type3A_310, %bitcast_convert_type3A_318 : vector<16xf32>
        %select_n3A_321 = arith.select %gt3A_320, %gather3A_223, %gather3A_248 : vector<16xi1>, vector<16xi32>
        %and3A_322 = arith.constant -65536 : i32
        %and3A_323 = vector.broadcast %and3A_322 : i32 to vector<16xi32>
        %and3A_324 = arith.andi %select_n3A_321, %and3A_323 : vector<16xi32>
        %select_n3A_325 = arith.select %gt3A_319, %gather3A_223, %gather3A_248 : vector<16xi1>, vector<16xi32>
        %and3A_326 = arith.constant 65535 : i32
        %and3A_327 = vector.broadcast %and3A_326 : i32 to vector<16xi32>
        %and3A_328 = arith.andi %select_n3A_325, %and3A_327 : vector<16xi32>
        %or3A_329 = arith.ori %and3A_324, %and3A_328 : vector<16xi32>
        %or3A_330 = arith.ori %gt3A_319, %gt3A_320 : vector<16xi1>
        tpu.vector_store_idx %arg6[%shift_right_logical3A_222], %or3A_329 masked %or3A_330 : memref<50048xi32, #tpu.memory_space<vmem>>[vector<16xi32>], vector<16xi32>, vector<16xi1>
        %shift_left3A_331 = arith.constant 16 : i32
        %shift_left3A_332 = vector.broadcast %shift_left3A_331 : i32 to vector<16xi32>
        %shift_left3A_333 = arith.shli %gather3A_234, %shift_left3A_332 : vector<16xi32>
        %bitcast_convert_type3A_334 = tpu.bitcast %shift_left3A_333 : vector<16xi32> -> vector<16xf32>
        %and3A_335 = arith.constant -65536 : i32
        %and3A_336 = vector.broadcast %and3A_335 : i32 to vector<16xi32>
        %and3A_337 = arith.andi %gather3A_234, %and3A_336 : vector<16xi32>
        %bitcast_convert_type3A_338 = tpu.bitcast %and3A_337 : vector<16xi32> -> vector<16xf32>
        %shift_left3A_339 = arith.constant 16 : i32
        %shift_left3A_340 = vector.broadcast %shift_left3A_339 : i32 to vector<16xi32>
        %shift_left3A_341 = arith.shli %gather3A_249, %shift_left3A_340 : vector<16xi32>
        %bitcast_convert_type3A_342 = tpu.bitcast %shift_left3A_341 : vector<16xi32> -> vector<16xf32>
        %and3A_343 = arith.constant -65536 : i32
        %and3A_344 = vector.broadcast %and3A_343 : i32 to vector<16xi32>
        %and3A_345 = arith.andi %gather3A_249, %and3A_344 : vector<16xi32>
        %bitcast_convert_type3A_346 = tpu.bitcast %and3A_345 : vector<16xi32> -> vector<16xf32>
        %gt3A_347 = arith.cmpf ogt, %bitcast_convert_type3A_334, %bitcast_convert_type3A_342 : vector<16xf32>
        %gt3A_348 = arith.cmpf ogt, %bitcast_convert_type3A_338, %bitcast_convert_type3A_346 : vector<16xf32>
        %select_n3A_349 = arith.select %gt3A_348, %gather3A_234, %gather3A_249 : vector<16xi1>, vector<16xi32>
        %and3A_350 = arith.constant -65536 : i32
        %and3A_351 = vector.broadcast %and3A_350 : i32 to vector<16xi32>
        %and3A_352 = arith.andi %select_n3A_349, %and3A_351 : vector<16xi32>
        %select_n3A_353 = arith.select %gt3A_347, %gather3A_234, %gather3A_249 : vector<16xi1>, vector<16xi32>
        %and3A_354 = arith.constant 65535 : i32
        %and3A_355 = vector.broadcast %and3A_354 : i32 to vector<16xi32>
        %and3A_356 = arith.andi %select_n3A_353, %and3A_355 : vector<16xi32>
        %or3A_357 = arith.ori %and3A_352, %and3A_356 : vector<16xi32>
        %or3A_358 = arith.ori %gt3A_347, %gt3A_348 : vector<16xi1>
        tpu.vector_store_idx %arg6[%shift_right_logical3A_233], %or3A_357 masked %or3A_358 : memref<50048xi32, #tpu.memory_space<vmem>>[vector<16xi32>], vector<16xi32>, vector<16xi1>
        %shift_left3A_359 = arith.constant 16 : i32
        %shift_left3A_360 = vector.broadcast %shift_left3A_359 : i32 to vector<16xi32>
        %shift_left3A_361 = arith.shli %gather3A_245, %shift_left3A_360 : vector<16xi32>
        %bitcast_convert_type3A_362 = tpu.bitcast %shift_left3A_361 : vector<16xi32> -> vector<16xf32>
        %and3A_363 = arith.constant -65536 : i32
        %and3A_364 = vector.broadcast %and3A_363 : i32 to vector<16xi32>
        %and3A_365 = arith.andi %gather3A_245, %and3A_364 : vector<16xi32>
        %bitcast_convert_type3A_366 = tpu.bitcast %and3A_365 : vector<16xi32> -> vector<16xf32>
        %shift_left3A_367 = arith.constant 16 : i32
        %shift_left3A_368 = vector.broadcast %shift_left3A_367 : i32 to vector<16xi32>
        %shift_left3A_369 = arith.shli %gather3A_250, %shift_left3A_368 : vector<16xi32>
        %bitcast_convert_type3A_370 = tpu.bitcast %shift_left3A_369 : vector<16xi32> -> vector<16xf32>
        %and3A_371 = arith.constant -65536 : i32
        %and3A_372 = vector.broadcast %and3A_371 : i32 to vector<16xi32>
        %and3A_373 = arith.andi %gather3A_250, %and3A_372 : vector<16xi32>
        %bitcast_convert_type3A_374 = tpu.bitcast %and3A_373 : vector<16xi32> -> vector<16xf32>
        %gt3A_375 = arith.cmpf ogt, %bitcast_convert_type3A_362, %bitcast_convert_type3A_370 : vector<16xf32>
        %gt3A_376 = arith.cmpf ogt, %bitcast_convert_type3A_366, %bitcast_convert_type3A_374 : vector<16xf32>
        %select_n3A_377 = arith.select %gt3A_376, %gather3A_245, %gather3A_250 : vector<16xi1>, vector<16xi32>
        %and3A_378 = arith.constant -65536 : i32
        %and3A_379 = vector.broadcast %and3A_378 : i32 to vector<16xi32>
        %and3A_380 = arith.andi %select_n3A_377, %and3A_379 : vector<16xi32>
        %select_n3A_381 = arith.select %gt3A_375, %gather3A_245, %gather3A_250 : vector<16xi1>, vector<16xi32>
        %and3A_382 = arith.constant 65535 : i32
        %and3A_383 = vector.broadcast %and3A_382 : i32 to vector<16xi32>
        %and3A_384 = arith.andi %select_n3A_381, %and3A_383 : vector<16xi32>
        %or3A_385 = arith.ori %and3A_380, %and3A_384 : vector<16xi32>
        %or3A_386 = arith.ori %gt3A_375, %gt3A_376 : vector<16xi1>
        tpu.vector_store_idx %arg6[%shift_right_logical3A_244], %or3A_385 masked %or3A_386 : memref<50048xi32, #tpu.memory_space<vmem>>[vector<16xi32>], vector<16xi32>, vector<16xi1>
        %gather3A_387 = tpu.vector_load_idx %arg6[%shift_right_logical3A_201] : memref<50048xi32, #tpu.memory_space<vmem>>[vector<16xi32>], vector<16xi32>,
        %gather3A_388 = tpu.vector_load_idx %arg6[%shift_right_logical3A_211] : memref<50048xi32, #tpu.memory_space<vmem>>[vector<16xi32>], vector<16xi32>,
        %gather3A_389 = tpu.vector_load_idx %arg6[%shift_right_logical3A_222] : memref<50048xi32, #tpu.memory_space<vmem>>[vector<16xi32>], vector<16xi32>,
        %gather3A_390 = tpu.vector_load_idx %arg6[%shift_right_logical3A_233] : memref<50048xi32, #tpu.memory_space<vmem>>[vector<16xi32>], vector<16xi32>,
        %gather3A_391 = tpu.vector_load_idx %arg6[%shift_right_logical3A_244] : memref<50048xi32, #tpu.memory_space<vmem>>[vector<16xi32>], vector<16xi32>,
        %shift_left3A_392 = arith.constant 16 : i32
        %shift_left3A_393 = vector.broadcast %shift_left3A_392 : i32 to vector<16xi32>
        %shift_left3A_394 = arith.shli %gather3A, %shift_left3A_393 : vector<16xi32>
        %bitcast_convert_type3A_395 = tpu.bitcast %shift_left3A_394 : vector<16xi32> -> vector<16xf32>
        %and3A_396 = arith.constant -65536 : i32
        %and3A_397 = vector.broadcast %and3A_396 : i32 to vector<16xi32>
        %and3A_398 = arith.andi %gather3A, %and3A_397 : vector<16xi32>
        %bitcast_convert_type3A_399 = tpu.bitcast %and3A_398 : vector<16xi32> -> vector<16xf32>
        %shift_left3A_400 = arith.constant 16 : i32
        %shift_left3A_401 = vector.broadcast %shift_left3A_400 : i32 to vector<16xi32>
        %shift_left3A_402 = arith.shli %gather3A_387, %shift_left3A_401 : vector<16xi32>
        %bitcast_convert_type3A_403 = tpu.bitcast %shift_left3A_402 : vector<16xi32> -> vector<16xf32>
        %and3A_404 = arith.constant -65536 : i32
        %and3A_405 = vector.broadcast %and3A_404 : i32 to vector<16xi32>
        %and3A_406 = arith.andi %gather3A_387, %and3A_405 : vector<16xi32>
        %bitcast_convert_type3A_407 = tpu.bitcast %and3A_406 : vector<16xi32> -> vector<16xf32>
        %gt3A_408 = arith.cmpf ogt, %bitcast_convert_type3A_395, %bitcast_convert_type3A_403 : vector<16xf32>
        %gt3A_409 = arith.cmpf ogt, %bitcast_convert_type3A_399, %bitcast_convert_type3A_407 : vector<16xf32>
        %select_n3A_410 = arith.select %gt3A_409, %gather3A, %gather3A_387 : vector<16xi1>, vector<16xi32>
        %and3A_411 = arith.constant -65536 : i32
        %and3A_412 = vector.broadcast %and3A_411 : i32 to vector<16xi32>
        %and3A_413 = arith.andi %select_n3A_410, %and3A_412 : vector<16xi32>
        %select_n3A_414 = arith.select %gt3A_408, %gather3A, %gather3A_387 : vector<16xi1>, vector<16xi32>
        %and3A_415 = arith.constant 65535 : i32
        %and3A_416 = vector.broadcast %and3A_415 : i32 to vector<16xi32>
        %and3A_417 = arith.andi %select_n3A_414, %and3A_416 : vector<16xi32>
        %or3A_418 = arith.ori %and3A_413, %and3A_417 : vector<16xi32>
        %or3A_419 = arith.ori %gt3A_408, %gt3A_409 : vector<16xi1>
        tpu.vector_store_idx %arg6[%shift_right_logical3A_201], %or3A_418 masked %or3A_419 : memref<50048xi32, #tpu.memory_space<vmem>>[vector<16xi32>], vector<16xi32>, vector<16xi1>
        %shift_left3A_420 = arith.constant 16 : i32
        %shift_left3A_421 = vector.broadcast %shift_left3A_420 : i32 to vector<16xi32>
        %shift_left3A_422 = arith.shli %gather3A_212, %shift_left3A_421 : vector<16xi32>
        %bitcast_convert_type3A_423 = tpu.bitcast %shift_left3A_422 : vector<16xi32> -> vector<16xf32>
        %and3A_424 = arith.constant -65536 : i32
        %and3A_425 = vector.broadcast %and3A_424 : i32 to vector<16xi32>
        %and3A_426 = arith.andi %gather3A_212, %and3A_425 : vector<16xi32>
        %bitcast_convert_type3A_427 = tpu.bitcast %and3A_426 : vector<16xi32> -> vector<16xf32>
        %shift_left3A_428 = arith.constant 16 : i32
        %shift_left3A_429 = vector.broadcast %shift_left3A_428 : i32 to vector<16xi32>
        %shift_left3A_430 = arith.shli %gather3A_388, %shift_left3A_429 : vector<16xi32>
        %bitcast_convert_type3A_431 = tpu.bitcast %shift_left3A_430 : vector<16xi32> -> vector<16xf32>
        %and3A_432 = arith.constant -65536 : i32
        %and3A_433 = vector.broadcast %and3A_432 : i32 to vector<16xi32>
        %and3A_434 = arith.andi %gather3A_388, %and3A_433 : vector<16xi32>
        %bitcast_convert_type3A_435 = tpu.bitcast %and3A_434 : vector<16xi32> -> vector<16xf32>
        %gt3A_436 = arith.cmpf ogt, %bitcast_convert_type3A_423, %bitcast_convert_type3A_431 : vector<16xf32>
        %gt3A_437 = arith.cmpf ogt, %bitcast_convert_type3A_427, %bitcast_convert_type3A_435 : vector<16xf32>
        %select_n3A_438 = arith.select %gt3A_437, %gather3A_212, %gather3A_388 : vector<16xi1>, vector<16xi32>
        %and3A_439 = arith.constant -65536 : i32
        %and3A_440 = vector.broadcast %and3A_439 : i32 to vector<16xi32>
        %and3A_441 = arith.andi %select_n3A_438, %and3A_440 : vector<16xi32>
        %select_n3A_442 = arith.select %gt3A_436, %gather3A_212, %gather3A_388 : vector<16xi1>, vector<16xi32>
        %and3A_443 = arith.constant 65535 : i32
        %and3A_444 = vector.broadcast %and3A_443 : i32 to vector<16xi32>
        %and3A_445 = arith.andi %select_n3A_442, %and3A_444 : vector<16xi32>
        %or3A_446 = arith.ori %and3A_441, %and3A_445 : vector<16xi32>
        %or3A_447 = arith.ori %gt3A_436, %gt3A_437 : vector<16xi1>
        tpu.vector_store_idx %arg6[%shift_right_logical3A_211], %or3A_446 masked %or3A_447 : memref<50048xi32, #tpu.memory_space<vmem>>[vector<16xi32>], vector<16xi32>, vector<16xi1>
        %shift_left3A_448 = arith.constant 16 : i32
        %shift_left3A_449 = vector.broadcast %shift_left3A_448 : i32 to vector<16xi32>
        %shift_left3A_450 = arith.shli %gather3A_223, %shift_left3A_449 : vector<16xi32>
        %bitcast_convert_type3A_451 = tpu.bitcast %shift_left3A_450 : vector<16xi32> -> vector<16xf32>
        %and3A_452 = arith.constant -65536 : i32
        %and3A_453 = vector.broadcast %and3A_452 : i32 to vector<16xi32>
        %and3A_454 = arith.andi %gather3A_223, %and3A_453 : vector<16xi32>
        %bitcast_convert_type3A_455 = tpu.bitcast %and3A_454 : vector<16xi32> -> vector<16xf32>
        %shift_left3A_456 = arith.constant 16 : i32
        %shift_left3A_457 = vector.broadcast %shift_left3A_456 : i32 to vector<16xi32>
        %shift_left3A_458 = arith.shli %gather3A_389, %shift_left3A_457 : vector<16xi32>
        %bitcast_convert_type3A_459 = tpu.bitcast %shift_left3A_458 : vector<16xi32> -> vector<16xf32>
        %and3A_460 = arith.constant -65536 : i32
        %and3A_461 = vector.broadcast %and3A_460 : i32 to vector<16xi32>
        %and3A_462 = arith.andi %gather3A_389, %and3A_461 : vector<16xi32>
        %bitcast_convert_type3A_463 = tpu.bitcast %and3A_462 : vector<16xi32> -> vector<16xf32>
        %gt3A_464 = arith.cmpf ogt, %bitcast_convert_type3A_451, %bitcast_convert_type3A_459 : vector<16xf32>
        %gt3A_465 = arith.cmpf ogt, %bitcast_convert_type3A_455, %bitcast_convert_type3A_463 : vector<16xf32>
        %select_n3A_466 = arith.select %gt3A_465, %gather3A_223, %gather3A_389 : vector<16xi1>, vector<16xi32>
        %and3A_467 = arith.constant -65536 : i32
        %and3A_468 = vector.broadcast %and3A_467 : i32 to vector<16xi32>
        %and3A_469 = arith.andi %select_n3A_466, %and3A_468 : vector<16xi32>
        %select_n3A_470 = arith.select %gt3A_464, %gather3A_223, %gather3A_389 : vector<16xi1>, vector<16xi32>
        %and3A_471 = arith.constant 65535 : i32
        %and3A_472 = vector.broadcast %and3A_471 : i32 to vector<16xi32>
        %and3A_473 = arith.andi %select_n3A_470, %and3A_472 : vector<16xi32>
        %or3A_474 = arith.ori %and3A_469, %and3A_473 : vector<16xi32>
        %or3A_475 = arith.ori %gt3A_464, %gt3A_465 : vector<16xi1>
        tpu.vector_store_idx %arg6[%shift_right_logical3A_222], %or3A_474 masked %or3A_475 : memref<50048xi32, #tpu.memory_space<vmem>>[vector<16xi32>], vector<16xi32>, vector<16xi1>
        %shift_left3A_476 = arith.constant 16 : i32
        %shift_left3A_477 = vector.broadcast %shift_left3A_476 : i32 to vector<16xi32>
        %shift_left3A_478 = arith.shli %gather3A_234, %shift_left3A_477 : vector<16xi32>
        %bitcast_convert_type3A_479 = tpu.bitcast %shift_left3A_478 : vector<16xi32> -> vector<16xf32>
        %and3A_480 = arith.constant -65536 : i32
        %and3A_481 = vector.broadcast %and3A_480 : i32 to vector<16xi32>
        %and3A_482 = arith.andi %gather3A_234, %and3A_481 : vector<16xi32>
        %bitcast_convert_type3A_483 = tpu.bitcast %and3A_482 : vector<16xi32> -> vector<16xf32>
        %shift_left3A_484 = arith.constant 16 : i32
        %shift_left3A_485 = vector.broadcast %shift_left3A_484 : i32 to vector<16xi32>
        %shift_left3A_486 = arith.shli %gather3A_390, %shift_left3A_485 : vector<16xi32>
        %bitcast_convert_type3A_487 = tpu.bitcast %shift_left3A_486 : vector<16xi32> -> vector<16xf32>
        %and3A_488 = arith.constant -65536 : i32
        %and3A_489 = vector.broadcast %and3A_488 : i32 to vector<16xi32>
        %and3A_490 = arith.andi %gather3A_390, %and3A_489 : vector<16xi32>
        %bitcast_convert_type3A_491 = tpu.bitcast %and3A_490 : vector<16xi32> -> vector<16xf32>
        %gt3A_492 = arith.cmpf ogt, %bitcast_convert_type3A_479, %bitcast_convert_type3A_487 : vector<16xf32>
        %gt3A_493 = arith.cmpf ogt, %bitcast_convert_type3A_483, %bitcast_convert_type3A_491 : vector<16xf32>
        %select_n3A_494 = arith.select %gt3A_493, %gather3A_234, %gather3A_390 : vector<16xi1>, vector<16xi32>
        %and3A_495 = arith.constant -65536 : i32
        %and3A_496 = vector.broadcast %and3A_495 : i32 to vector<16xi32>
        %and3A_497 = arith.andi %select_n3A_494, %and3A_496 : vector<16xi32>
        %select_n3A_498 = arith.select %gt3A_492, %gather3A_234, %gather3A_390 : vector<16xi1>, vector<16xi32>
        %and3A_499 = arith.constant 65535 : i32
        %and3A_500 = vector.broadcast %and3A_499 : i32 to vector<16xi32>
        %and3A_501 = arith.andi %select_n3A_498, %and3A_500 : vector<16xi32>
        %or3A_502 = arith.ori %and3A_497, %and3A_501 : vector<16xi32>
        %or3A_503 = arith.ori %gt3A_492, %gt3A_493 : vector<16xi1>
        tpu.vector_store_idx %arg6[%shift_right_logical3A_233], %or3A_502 masked %or3A_503 : memref<50048xi32, #tpu.memory_space<vmem>>[vector<16xi32>], vector<16xi32>, vector<16xi1>
        %shift_left3A_504 = arith.constant 16 : i32
        %shift_left3A_505 = vector.broadcast %shift_left3A_504 : i32 to vector<16xi32>
        %shift_left3A_506 = arith.shli %gather3A_245, %shift_left3A_505 : vector<16xi32>
        %bitcast_convert_type3A_507 = tpu.bitcast %shift_left3A_506 : vector<16xi32> -> vector<16xf32>
        %and3A_508 = arith.constant -65536 : i32
        %and3A_509 = vector.broadcast %and3A_508 : i32 to vector<16xi32>
        %and3A_510 = arith.andi %gather3A_245, %and3A_509 : vector<16xi32>
        %bitcast_convert_type3A_511 = tpu.bitcast %and3A_510 : vector<16xi32> -> vector<16xf32>
        %shift_left3A_512 = arith.constant 16 : i32
        %shift_left3A_513 = vector.broadcast %shift_left3A_512 : i32 to vector<16xi32>
        %shift_left3A_514 = arith.shli %gather3A_391, %shift_left3A_513 : vector<16xi32>
        %bitcast_convert_type3A_515 = tpu.bitcast %shift_left3A_514 : vector<16xi32> -> vector<16xf32>
        %and3A_516 = arith.constant -65536 : i32
        %and3A_517 = vector.broadcast %and3A_516 : i32 to vector<16xi32>
        %and3A_518 = arith.andi %gather3A_391, %and3A_517 : vector<16xi32>
        %bitcast_convert_type3A_519 = tpu.bitcast %and3A_518 : vector<16xi32> -> vector<16xf32>
        %gt3A_520 = arith.cmpf ogt, %bitcast_convert_type3A_507, %bitcast_convert_type3A_515 : vector<16xf32>
        %gt3A_521 = arith.cmpf ogt, %bitcast_convert_type3A_511, %bitcast_convert_type3A_519 : vector<16xf32>
        %select_n3A_522 = arith.select %gt3A_521, %gather3A_245, %gather3A_391 : vector<16xi1>, vector<16xi32>
        %and3A_523 = arith.constant -65536 : i32
        %and3A_524 = vector.broadcast %and3A_523 : i32 to vector<16xi32>
        %and3A_525 = arith.andi %select_n3A_522, %and3A_524 : vector<16xi32>
        %select_n3A_526 = arith.select %gt3A_520, %gather3A_245, %gather3A_391 : vector<16xi1>, vector<16xi32>
        %and3A_527 = arith.constant 65535 : i32
        %and3A_528 = vector.broadcast %and3A_527 : i32 to vector<16xi32>
        %and3A_529 = arith.andi %select_n3A_526, %and3A_528 : vector<16xi32>
        %or3A_530 = arith.ori %and3A_525, %and3A_529 : vector<16xi32>
        %or3A_531 = arith.ori %gt3A_520, %gt3A_521 : vector<16xi1>
        tpu.vector_store_idx %arg6[%shift_right_logical3A_244], %or3A_530 masked %or3A_531 : memref<50048xi32, #tpu.memory_space<vmem>>[vector<16xi32>], vector<16xi32>, vector<16xi1>
        %gather3A_532 = tpu.vector_load_idx %arg6[%shift_right_logical3A_201] : memref<50048xi32, #tpu.memory_space<vmem>>[vector<16xi32>], vector<16xi32>,
        %shift_left3A_533 = arith.constant 16 : i32
        %shift_left3A_534 = vector.broadcast %shift_left3A_533 : i32 to vector<16xi32>
        %shift_left3A_535 = arith.shli %gather3A, %shift_left3A_534 : vector<16xi32>
        %bitcast_convert_type3A_536 = tpu.bitcast %shift_left3A_535 : vector<16xi32> -> vector<16xf32>
        %and3A_537 = arith.constant -65536 : i32
        %and3A_538 = vector.broadcast %and3A_537 : i32 to vector<16xi32>
        %and3A_539 = arith.andi %gather3A, %and3A_538 : vector<16xi32>
        %bitcast_convert_type3A_540 = tpu.bitcast %and3A_539 : vector<16xi32> -> vector<16xf32>
        %shift_left3A_541 = arith.constant 16 : i32
        %shift_left3A_542 = vector.broadcast %shift_left3A_541 : i32 to vector<16xi32>
        %shift_left3A_543 = arith.shli %gather3A_532, %shift_left3A_542 : vector<16xi32>
        %bitcast_convert_type3A_544 = tpu.bitcast %shift_left3A_543 : vector<16xi32> -> vector<16xf32>
        %and3A_545 = arith.constant -65536 : i32
        %and3A_546 = vector.broadcast %and3A_545 : i32 to vector<16xi32>
        %and3A_547 = arith.andi %gather3A_532, %and3A_546 : vector<16xi32>
        %bitcast_convert_type3A_548 = tpu.bitcast %and3A_547 : vector<16xi32> -> vector<16xf32>
        %gt3A_549 = arith.cmpf ogt, %bitcast_convert_type3A_536, %bitcast_convert_type3A_544 : vector<16xf32>
        %gt3A_550 = arith.cmpf ogt, %bitcast_convert_type3A_540, %bitcast_convert_type3A_548 : vector<16xf32>
        %select_n3A_551 = arith.select %gt3A_550, %gather3A, %gather3A_532 : vector<16xi1>, vector<16xi32>
        %and3A_552 = arith.constant -65536 : i32
        %and3A_553 = vector.broadcast %and3A_552 : i32 to vector<16xi32>
        %and3A_554 = arith.andi %select_n3A_551, %and3A_553 : vector<16xi32>
        %select_n3A_555 = arith.select %gt3A_549, %gather3A, %gather3A_532 : vector<16xi1>, vector<16xi32>
        %and3A_556 = arith.constant 65535 : i32
        %and3A_557 = vector.broadcast %and3A_556 : i32 to vector<16xi32>
        %and3A_558 = arith.andi %select_n3A_555, %and3A_557 : vector<16xi32>
        %or3A_559 = arith.ori %and3A_554, %and3A_558 : vector<16xi32>
        %or3A_560 = arith.ori %gt3A_549, %gt3A_550 : vector<16xi1>
        %gather3A_561 = tpu.vector_load_idx %arg6[%shift_right_logical3A_211] : memref<50048xi32, #tpu.memory_space<vmem>>[vector<16xi32>], vector<16xi32>,
        %shift_left3A_562 = arith.constant 16 : i32
        %shift_left3A_563 = vector.broadcast %shift_left3A_562 : i32 to vector<16xi32>
        %shift_left3A_564 = arith.shli %gather3A_212, %shift_left3A_563 : vector<16xi32>
        %bitcast_convert_type3A_565 = tpu.bitcast %shift_left3A_564 : vector<16xi32> -> vector<16xf32>
        %and3A_566 = arith.constant -65536 : i32
        %and3A_567 = vector.broadcast %and3A_566 : i32 to vector<16xi32>
        %and3A_568 = arith.andi %gather3A_212, %and3A_567 : vector<16xi32>
        %bitcast_convert_type3A_569 = tpu.bitcast %and3A_568 : vector<16xi32> -> vector<16xf32>
        %shift_left3A_570 = arith.constant 16 : i32
        %shift_left3A_571 = vector.broadcast %shift_left3A_570 : i32 to vector<16xi32>
        %shift_left3A_572 = arith.shli %gather3A_561, %shift_left3A_571 : vector<16xi32>
        %bitcast_convert_type3A_573 = tpu.bitcast %shift_left3A_572 : vector<16xi32> -> vector<16xf32>
        %and3A_574 = arith.constant -65536 : i32
        %and3A_575 = vector.broadcast %and3A_574 : i32 to vector<16xi32>
        %and3A_576 = arith.andi %gather3A_561, %and3A_575 : vector<16xi32>
        %bitcast_convert_type3A_577 = tpu.bitcast %and3A_576 : vector<16xi32> -> vector<16xf32>
        %gt3A_578 = arith.cmpf ogt, %bitcast_convert_type3A_565, %bitcast_convert_type3A_573 : vector<16xf32>
        %gt3A_579 = arith.cmpf ogt, %bitcast_convert_type3A_569, %bitcast_convert_type3A_577 : vector<16xf32>
        %select_n3A_580 = arith.select %gt3A_579, %gather3A_212, %gather3A_561 : vector<16xi1>, vector<16xi32>
        %and3A_581 = arith.constant -65536 : i32
        %and3A_582 = vector.broadcast %and3A_581 : i32 to vector<16xi32>
        %and3A_583 = arith.andi %select_n3A_580, %and3A_582 : vector<16xi32>
        %select_n3A_584 = arith.select %gt3A_578, %gather3A_212, %gather3A_561 : vector<16xi1>, vector<16xi32>
        %and3A_585 = arith.constant 65535 : i32
        %and3A_586 = vector.broadcast %and3A_585 : i32 to vector<16xi32>
        %and3A_587 = arith.andi %select_n3A_584, %and3A_586 : vector<16xi32>
        %or3A_588 = arith.ori %and3A_583, %and3A_587 : vector<16xi32>
        %or3A_589 = arith.ori %gt3A_578, %gt3A_579 : vector<16xi1>
        %or3A_590 = arith.ori %or3A_560, %or3A_589 : vector<16xi1>
        %gather3A_591 = tpu.vector_load_idx %arg6[%shift_right_logical3A_222] : memref<50048xi32, #tpu.memory_space<vmem>>[vector<16xi32>], vector<16xi32>,
        %shift_left3A_592 = arith.constant 16 : i32
        %shift_left3A_593 = vector.broadcast %shift_left3A_592 : i32 to vector<16xi32>
        %shift_left3A_594 = arith.shli %gather3A_223, %shift_left3A_593 : vector<16xi32>
        %bitcast_convert_type3A_595 = tpu.bitcast %shift_left3A_594 : vector<16xi32> -> vector<16xf32>
        %and3A_596 = arith.constant -65536 : i32
        %and3A_597 = vector.broadcast %and3A_596 : i32 to vector<16xi32>
        %and3A_598 = arith.andi %gather3A_223, %and3A_597 : vector<16xi32>
        %bitcast_convert_type3A_599 = tpu.bitcast %and3A_598 : vector<16xi32> -> vector<16xf32>
        %shift_left3A_600 = arith.constant 16 : i32
        %shift_left3A_601 = vector.broadcast %shift_left3A_600 : i32 to vector<16xi32>
        %shift_left3A_602 = arith.shli %gather3A_591, %shift_left3A_601 : vector<16xi32>
        %bitcast_convert_type3A_603 = tpu.bitcast %shift_left3A_602 : vector<16xi32> -> vector<16xf32>
        %and3A_604 = arith.constant -65536 : i32
        %and3A_605 = vector.broadcast %and3A_604 : i32 to vector<16xi32>
        %and3A_606 = arith.andi %gather3A_591, %and3A_605 : vector<16xi32>
        %bitcast_convert_type3A_607 = tpu.bitcast %and3A_606 : vector<16xi32> -> vector<16xf32>
        %gt3A_608 = arith.cmpf ogt, %bitcast_convert_type3A_595, %bitcast_convert_type3A_603 : vector<16xf32>
        %gt3A_609 = arith.cmpf ogt, %bitcast_convert_type3A_599, %bitcast_convert_type3A_607 : vector<16xf32>
        %select_n3A_610 = arith.select %gt3A_609, %gather3A_223, %gather3A_591 : vector<16xi1>, vector<16xi32>
        %and3A_611 = arith.constant -65536 : i32
        %and3A_612 = vector.broadcast %and3A_611 : i32 to vector<16xi32>
        %and3A_613 = arith.andi %select_n3A_610, %and3A_612 : vector<16xi32>
        %select_n3A_614 = arith.select %gt3A_608, %gather3A_223, %gather3A_591 : vector<16xi1>, vector<16xi32>
        %and3A_615 = arith.constant 65535 : i32
        %and3A_616 = vector.broadcast %and3A_615 : i32 to vector<16xi32>
        %and3A_617 = arith.andi %select_n3A_614, %and3A_616 : vector<16xi32>
        %or3A_618 = arith.ori %and3A_613, %and3A_617 : vector<16xi32>
        %or3A_619 = arith.ori %gt3A_608, %gt3A_609 : vector<16xi1>
        %or3A_620 = arith.ori %or3A_590, %or3A_619 : vector<16xi1>
        %gather3A_621 = tpu.vector_load_idx %arg6[%shift_right_logical3A_233] : memref<50048xi32, #tpu.memory_space<vmem>>[vector<16xi32>], vector<16xi32>,
        %shift_left3A_622 = arith.constant 16 : i32
        %shift_left3A_623 = vector.broadcast %shift_left3A_622 : i32 to vector<16xi32>
        %shift_left3A_624 = arith.shli %gather3A_234, %shift_left3A_623 : vector<16xi32>
        %bitcast_convert_type3A_625 = tpu.bitcast %shift_left3A_624 : vector<16xi32> -> vector<16xf32>
        %and3A_626 = arith.constant -65536 : i32
        %and3A_627 = vector.broadcast %and3A_626 : i32 to vector<16xi32>
        %and3A_628 = arith.andi %gather3A_234, %and3A_627 : vector<16xi32>
        %bitcast_convert_type3A_629 = tpu.bitcast %and3A_628 : vector<16xi32> -> vector<16xf32>
        %shift_left3A_630 = arith.constant 16 : i32
        %shift_left3A_631 = vector.broadcast %shift_left3A_630 : i32 to vector<16xi32>
        %shift_left3A_632 = arith.shli %gather3A_621, %shift_left3A_631 : vector<16xi32>
        %bitcast_convert_type3A_633 = tpu.bitcast %shift_left3A_632 : vector<16xi32> -> vector<16xf32>
        %and3A_634 = arith.constant -65536 : i32
        %and3A_635 = vector.broadcast %and3A_634 : i32 to vector<16xi32>
        %and3A_636 = arith.andi %gather3A_621, %and3A_635 : vector<16xi32>
        %bitcast_convert_type3A_637 = tpu.bitcast %and3A_636 : vector<16xi32> -> vector<16xf32>
        %gt3A_638 = arith.cmpf ogt, %bitcast_convert_type3A_625, %bitcast_convert_type3A_633 : vector<16xf32>
        %gt3A_639 = arith.cmpf ogt, %bitcast_convert_type3A_629, %bitcast_convert_type3A_637 : vector<16xf32>
        %select_n3A_640 = arith.select %gt3A_639, %gather3A_234, %gather3A_621 : vector<16xi1>, vector<16xi32>
        %and3A_641 = arith.constant -65536 : i32
        %and3A_642 = vector.broadcast %and3A_641 : i32 to vector<16xi32>
        %and3A_643 = arith.andi %select_n3A_640, %and3A_642 : vector<16xi32>
        %select_n3A_644 = arith.select %gt3A_638, %gather3A_234, %gather3A_621 : vector<16xi1>, vector<16xi32>
        %and3A_645 = arith.constant 65535 : i32
        %and3A_646 = vector.broadcast %and3A_645 : i32 to vector<16xi32>
        %and3A_647 = arith.andi %select_n3A_644, %and3A_646 : vector<16xi32>
        %or3A_648 = arith.ori %and3A_643, %and3A_647 : vector<16xi32>
        %or3A_649 = arith.ori %gt3A_638, %gt3A_639 : vector<16xi1>
        %or3A_650 = arith.ori %or3A_620, %or3A_649 : vector<16xi1>
        %gather3A_651 = tpu.vector_load_idx %arg6[%shift_right_logical3A_244] : memref<50048xi32, #tpu.memory_space<vmem>>[vector<16xi32>], vector<16xi32>,
        %shift_left3A_652 = arith.constant 16 : i32
        %shift_left3A_653 = vector.broadcast %shift_left3A_652 : i32 to vector<16xi32>
        %shift_left3A_654 = arith.shli %gather3A_245, %shift_left3A_653 : vector<16xi32>
        %bitcast_convert_type3A_655 = tpu.bitcast %shift_left3A_654 : vector<16xi32> -> vector<16xf32>
        %and3A_656 = arith.constant -65536 : i32
        %and3A_657 = vector.broadcast %and3A_656 : i32 to vector<16xi32>
        %and3A_658 = arith.andi %gather3A_245, %and3A_657 : vector<16xi32>
        %bitcast_convert_type3A_659 = tpu.bitcast %and3A_658 : vector<16xi32> -> vector<16xf32>
        %shift_left3A_660 = arith.constant 16 : i32
        %shift_left3A_661 = vector.broadcast %shift_left3A_660 : i32 to vector<16xi32>
        %shift_left3A_662 = arith.shli %gather3A_651, %shift_left3A_661 : vector<16xi32>
        %bitcast_convert_type3A_663 = tpu.bitcast %shift_left3A_662 : vector<16xi32> -> vector<16xf32>
        %and3A_664 = arith.constant -65536 : i32
        %and3A_665 = vector.broadcast %and3A_664 : i32 to vector<16xi32>
        %and3A_666 = arith.andi %gather3A_651, %and3A_665 : vector<16xi32>
        %bitcast_convert_type3A_667 = tpu.bitcast %and3A_666 : vector<16xi32> -> vector<16xf32>
        %gt3A_668 = arith.cmpf ogt, %bitcast_convert_type3A_655, %bitcast_convert_type3A_663 : vector<16xf32>
        %gt3A_669 = arith.cmpf ogt, %bitcast_convert_type3A_659, %bitcast_convert_type3A_667 : vector<16xf32>
        %select_n3A_670 = arith.select %gt3A_669, %gather3A_245, %gather3A_651 : vector<16xi1>, vector<16xi32>
        %and3A_671 = arith.constant -65536 : i32
        %and3A_672 = vector.broadcast %and3A_671 : i32 to vector<16xi32>
        %and3A_673 = arith.andi %select_n3A_670, %and3A_672 : vector<16xi32>
        %select_n3A_674 = arith.select %gt3A_668, %gather3A_245, %gather3A_651 : vector<16xi1>, vector<16xi32>
        %and3A_675 = arith.constant 65535 : i32
        %and3A_676 = vector.broadcast %and3A_675 : i32 to vector<16xi32>
        %and3A_677 = arith.andi %select_n3A_674, %and3A_676 : vector<16xi32>
        %or3A_678 = arith.ori %and3A_673, %and3A_677 : vector<16xi32>
        %or3A_679 = arith.ori %gt3A_668, %gt3A_669 : vector<16xi1>
        %or3A_680 = arith.ori %or3A_650, %or3A_679 : vector<16xi1>
        %select_n3A_681 = arith.select %or3A_680, %broadcast_in_dim3A_5, %broadcast_in_dim3A_3 : vector<16xi1>, vector<16xi32>
        %or3A_682 = arith.ori %scan3A_192, %select_n3A_681 : vector<16xi32>
        scf.yield %or3A_682 : vector<16xi32>
      }
      %scan3A_146 = arith.constant 125 : i32
      %reduce_max3A = arith.constant true
      %reduce_max3A_147 = vector.broadcast %reduce_max3A : i1 to vector<16xi1>
      %reduce_max3A_148 = arith.constant -2147483648 : i32
      %reduce_max3A_149 = vector.broadcast %reduce_max3A_148 : i32 to vector<16xi32>
      %reduce_max3A_150 = arith.xori %scan3A_145, %reduce_max3A_149 : vector<16xi32>
      %reduce_max3A_151 = tpu.scan <max>, %reduce_max3A_150 masked %reduce_max3A_147 : vector<16xi32>, vector<16xi1> -> vector<16xi32>
      %reduce_max3A_152 = arith.xori %reduce_max3A_151, %reduce_max3A_149 : vector<16xi32>
      %reduce_max3A_153 = vector.extract %reduce_max3A_152[15] : i32 from vector<16xi32>
      %gt3A = arith.constant 0 : i32
      %gt3A_154 = arith.cmpi sgt, %reduce_max3A_153, %gt3A : i32
      %convert_element_type3A_155 = arith.extui %gt3A_154 : i1 to i32
      %cond3A_156 = arith.constant 0 : i32
      %cond3A_157 = arith.cmpi ne, %convert_element_type3A_155, %cond3A_156 : i32
      scf.if %cond3A_157 {
        %scan3A_191 = arith.constant 0 : i32
        %scan3A_192 = arith.constant 0 : i32
        %scan3A_193 = arith.constant 625 : i32
        %scan3A_194 = arith.addi %scan3A_192, %scan3A_193 : i32
        %scan3A_195 = arith.constant 1 : i32
        scf.for %scan3A_197 = %scan3A_192 to %scan3A_194 step %scan3A_195  : i32 {
          %mul3A_198 = arith.constant 16 : i32
          %mul3A_199 = arith.muli %scan3A_197, %mul3A_198 : i32
          %get3A = arith.index_cast %mul3A_199 : i32 to index
          %get3A_200 = tpu.vector_load %arg7[%get3A] {strides = array<i32>} : memref<10000xi32, #tpu.memory_space<vmem>>, vector<16xi32>,
          %and3A = arith.constant 65535 : i32
          %and3A_201 = vector.broadcast %and3A : i32 to vector<16xi32>
          %and3A_202 = arith.andi %get3A_200, %and3A_201 : vector<16xi32>
          %shift_right_logical3A = arith.constant 16 : i32
          %shift_right_logical3A_203 = vector.broadcast %shift_right_logical3A : i32 to vector<16xi32>
          %shift_right_logical3A_204 = arith.shrui %get3A_200, %shift_right_logical3A_203 : vector<16xi32>
          %gather3A = tpu.vector_load_idx %arg5[%and3A_202] : memref<50048xi32, #tpu.memory_space<vmem>>[vector<16xi32>], vector<16xi32>,
          %scan3A_205 = arith.constant 0 : i32
          %scan3A_206 = arith.constant 0 : i32
          %scan3A_207 = arith.constant 16 : i32
          %scan3A_208 = arith.addi %scan3A_206, %scan3A_207 : i32
          %scan3A_209 = arith.constant 1 : i32
          scf.for %scan3A_211 = %scan3A_206 to %scan3A_208 step %scan3A_209  : i32 {
            %gather3A_212 = tpu.vector_load_idx %arg6[%shift_right_logical3A_204] : memref<50048xi32, #tpu.memory_space<vmem>>[vector<16xi32>], vector<16xi32>,
            %shift_left3A = arith.constant 16 : i32
            %shift_left3A_213 = vector.broadcast %shift_left3A : i32 to vector<16xi32>
            %shift_left3A_214 = arith.shli %gather3A, %shift_left3A_213 : vector<16xi32>
            %bitcast_convert_type3A = tpu.bitcast %shift_left3A_214 : vector<16xi32> -> vector<16xf32>
            %and3A_215 = arith.constant -65536 : i32
            %and3A_216 = vector.broadcast %and3A_215 : i32 to vector<16xi32>
            %and3A_217 = arith.andi %gather3A, %and3A_216 : vector<16xi32>
            %bitcast_convert_type3A_218 = tpu.bitcast %and3A_217 : vector<16xi32> -> vector<16xf32>
            %shift_left3A_219 = arith.constant 16 : i32
            %shift_left3A_220 = vector.broadcast %shift_left3A_219 : i32 to vector<16xi32>
            %shift_left3A_221 = arith.shli %gather3A_212, %shift_left3A_220 : vector<16xi32>
            %bitcast_convert_type3A_222 = tpu.bitcast %shift_left3A_221 : vector<16xi32> -> vector<16xf32>
            %and3A_223 = arith.constant -65536 : i32
            %and3A_224 = vector.broadcast %and3A_223 : i32 to vector<16xi32>
            %and3A_225 = arith.andi %gather3A_212, %and3A_224 : vector<16xi32>
            %bitcast_convert_type3A_226 = tpu.bitcast %and3A_225 : vector<16xi32> -> vector<16xf32>
            %gt3A_227 = arith.cmpf ogt, %bitcast_convert_type3A, %bitcast_convert_type3A_222 : vector<16xf32>
            %gt3A_228 = arith.cmpf ogt, %bitcast_convert_type3A_218, %bitcast_convert_type3A_226 : vector<16xf32>
            %select_n3A = arith.select %gt3A_228, %gather3A, %gather3A_212 : vector<16xi1>, vector<16xi32>
            %and3A_229 = arith.constant -65536 : i32
            %and3A_230 = vector.broadcast %and3A_229 : i32 to vector<16xi32>
            %and3A_231 = arith.andi %select_n3A, %and3A_230 : vector<16xi32>
            %select_n3A_232 = arith.select %gt3A_227, %gather3A, %gather3A_212 : vector<16xi1>, vector<16xi32>
            %and3A_233 = arith.constant 65535 : i32
            %and3A_234 = vector.broadcast %and3A_233 : i32 to vector<16xi32>
            %and3A_235 = arith.andi %select_n3A_232, %and3A_234 : vector<16xi32>
            %or3A = arith.ori %and3A_231, %and3A_235 : vector<16xi32>
            %or3A_236 = arith.ori %gt3A_227, %gt3A_228 : vector<16xi1>
            tpu.vector_store_idx %arg6[%shift_right_logical3A_204], %or3A masked %or3A_236 : memref<50048xi32, #tpu.memory_space<vmem>>[vector<16xi32>], vector<16xi32>, vector<16xi1>
          }
          %scan3A_210 = arith.constant 16 : i32
        }
        %scan3A_196 = arith.constant 625 : i32
      } else {
      }
      %mul3A_158 = arith.constant 2 : i32
      %mul3A_159 = arith.muli %scan3A_129, %mul3A_158 : i32
      %add3A_160 = arith.constant 1 : i32
      %add3A_161 = arith.addi %mul3A_159, %add3A_160 : i32
      %mul3A_162 = arith.constant 10000 : i32
      %mul3A_163 = arith.muli %add3A_161, %mul3A_162 : i32
      %add3A_164 = arith.addi %mul3A_2, %mul3A_163 : i32
      %dma_wait3A_165 = tpu.memref_slice %arg3[%add3A_164] : memref<3200000xi32, #tpu.memory_space<hbm>> -> memref<10000xi32, #tpu.memory_space<hbm>>
      %dma_wait3A_166 = tpu.memref_slice %arg3[%add3A_164] : memref<3200000xi32, #tpu.memory_space<hbm>> -> memref<10000xi32, #tpu.memory_space<hbm>>
      tpu.wait_dma2 semaphore(%arg10 : memref<!tpu.dma_semaphore, #tpu.memory_space<semaphore_mem>>) src(%dma_wait3A_166 : memref<10000xi32, #tpu.memory_space<hbm>>) dst(%arg8 : memref<10000xi32, #tpu.memory_space<vmem>>)
      %lt3A_167 = arith.constant 9 : i32
      %lt3A_168 = arith.cmpi slt, %add3A_161, %lt3A_167 : i32
      %convert_element_type3A_169 = arith.extui %lt3A_168 : i1 to i32
      %cond3A_170 = arith.constant 0 : i32
      %cond3A_171 = arith.cmpi ne, %convert_element_type3A_169, %cond3A_170 : i32
      scf.if %cond3A_171 {
        %add3A_191 = arith.constant 1 : i32
        %add3A_192 = arith.addi %add3A_161, %add3A_191 : i32
        %mul3A_193 = arith.constant 10000 : i32
        %mul3A_194 = arith.muli %add3A_192, %mul3A_193 : i32
        %add3A_195 = arith.addi %mul3A_2, %mul3A_194 : i32
        %dma_start3A_196 = tpu.memref_slice %arg3[%add3A_195] : memref<3200000xi32, #tpu.memory_space<hbm>> -> memref<10000xi32, #tpu.memory_space<hbm>>
        %dma_start3A_197 = tpu.memref_slice %arg3[%add3A_195] : memref<3200000xi32, #tpu.memory_space<hbm>> -> memref<10000xi32, #tpu.memory_space<hbm>>
        tpu.enqueue_dma source(%dma_start3A_197 : memref<10000xi32, #tpu.memory_space<hbm>>) target(%arg7 : memref<10000xi32, #tpu.memory_space<vmem>>) target_semaphore(%arg9 : memref<!tpu.dma_semaphore, #tpu.memory_space<semaphore_mem>>)
      } else {
      }
      %scan3A_172 = arith.constant 0 : i32
      %scan3A_173 = arith.constant 125 : i32
      %scan3A_174 = arith.addi %scan3A_172, %scan3A_173 : i32
      %scan3A_175 = arith.constant 1 : i32
      %scan3A_176 = scf.for %scan3A_191 = %scan3A_172 to %scan3A_174 step %scan3A_175 iter_args(%scan3A_192 = %broadcast_in_dim3A_3) -> (vector<16xi32>)  : i32 {
        %mul3A_193 = arith.constant 80 : i32
        %mul3A_194 = arith.muli %scan3A_191, %mul3A_193 : i32
        %add3A_195 = arith.constant 0 : i32
        %add3A_196 = arith.addi %mul3A_194, %add3A_195 : i32
        %get3A = arith.index_cast %add3A_196 : i32 to index
        %get3A_197 = tpu.vector_load %arg8[%get3A] {strides = array<i32>} : memref<10000xi32, #tpu.memory_space<vmem>>, vector<16xi32>,
        %and3A = arith.constant 65535 : i32
        %and3A_198 = vector.broadcast %and3A : i32 to vector<16xi32>
        %and3A_199 = arith.andi %get3A_197, %and3A_198 : vector<16xi32>
        %shift_right_logical3A = arith.constant 16 : i32
        %shift_right_logical3A_200 = vector.broadcast %shift_right_logical3A : i32 to vector<16xi32>
        %shift_right_logical3A_201 = arith.shrui %get3A_197, %shift_right_logical3A_200 : vector<16xi32>
        %gather3A = tpu.vector_load_idx %arg5[%and3A_199] : memref<50048xi32, #tpu.memory_space<vmem>>[vector<16xi32>], vector<16xi32>,
        %add3A_202 = arith.constant 16 : i32
        %add3A_203 = arith.addi %mul3A_194, %add3A_202 : i32
        %get3A_204 = arith.index_cast %add3A_203 : i32 to index
        %get3A_205 = tpu.vector_load %arg8[%get3A_204] {strides = array<i32>} : memref<10000xi32, #tpu.memory_space<vmem>>, vector<16xi32>,
        %and3A_206 = arith.constant 65535 : i32
        %and3A_207 = vector.broadcast %and3A_206 : i32 to vector<16xi32>
        %and3A_208 = arith.andi %get3A_205, %and3A_207 : vector<16xi32>
        %shift_right_logical3A_209 = arith.constant 16 : i32
        %shift_right_logical3A_210 = vector.broadcast %shift_right_logical3A_209 : i32 to vector<16xi32>
        %shift_right_logical3A_211 = arith.shrui %get3A_205, %shift_right_logical3A_210 : vector<16xi32>
        %gather3A_212 = tpu.vector_load_idx %arg5[%and3A_208] : memref<50048xi32, #tpu.memory_space<vmem>>[vector<16xi32>], vector<16xi32>,
        %add3A_213 = arith.constant 32 : i32
        %add3A_214 = arith.addi %mul3A_194, %add3A_213 : i32
        %get3A_215 = arith.index_cast %add3A_214 : i32 to index
        %get3A_216 = tpu.vector_load %arg8[%get3A_215] {strides = array<i32>} : memref<10000xi32, #tpu.memory_space<vmem>>, vector<16xi32>,
        %and3A_217 = arith.constant 65535 : i32
        %and3A_218 = vector.broadcast %and3A_217 : i32 to vector<16xi32>
        %and3A_219 = arith.andi %get3A_216, %and3A_218 : vector<16xi32>
        %shift_right_logical3A_220 = arith.constant 16 : i32
        %shift_right_logical3A_221 = vector.broadcast %shift_right_logical3A_220 : i32 to vector<16xi32>
        %shift_right_logical3A_222 = arith.shrui %get3A_216, %shift_right_logical3A_221 : vector<16xi32>
        %gather3A_223 = tpu.vector_load_idx %arg5[%and3A_219] : memref<50048xi32, #tpu.memory_space<vmem>>[vector<16xi32>], vector<16xi32>,
        %add3A_224 = arith.constant 48 : i32
        %add3A_225 = arith.addi %mul3A_194, %add3A_224 : i32
        %get3A_226 = arith.index_cast %add3A_225 : i32 to index
        %get3A_227 = tpu.vector_load %arg8[%get3A_226] {strides = array<i32>} : memref<10000xi32, #tpu.memory_space<vmem>>, vector<16xi32>,
        %and3A_228 = arith.constant 65535 : i32
        %and3A_229 = vector.broadcast %and3A_228 : i32 to vector<16xi32>
        %and3A_230 = arith.andi %get3A_227, %and3A_229 : vector<16xi32>
        %shift_right_logical3A_231 = arith.constant 16 : i32
        %shift_right_logical3A_232 = vector.broadcast %shift_right_logical3A_231 : i32 to vector<16xi32>
        %shift_right_logical3A_233 = arith.shrui %get3A_227, %shift_right_logical3A_232 : vector<16xi32>
        %gather3A_234 = tpu.vector_load_idx %arg5[%and3A_230] : memref<50048xi32, #tpu.memory_space<vmem>>[vector<16xi32>], vector<16xi32>,
        %add3A_235 = arith.constant 64 : i32
        %add3A_236 = arith.addi %mul3A_194, %add3A_235 : i32
        %get3A_237 = arith.index_cast %add3A_236 : i32 to index
        %get3A_238 = tpu.vector_load %arg8[%get3A_237] {strides = array<i32>} : memref<10000xi32, #tpu.memory_space<vmem>>, vector<16xi32>,
        %and3A_239 = arith.constant 65535 : i32
        %and3A_240 = vector.broadcast %and3A_239 : i32 to vector<16xi32>
        %and3A_241 = arith.andi %get3A_238, %and3A_240 : vector<16xi32>
        %shift_right_logical3A_242 = arith.constant 16 : i32
        %shift_right_logical3A_243 = vector.broadcast %shift_right_logical3A_242 : i32 to vector<16xi32>
        %shift_right_logical3A_244 = arith.shrui %get3A_238, %shift_right_logical3A_243 : vector<16xi32>
        %gather3A_245 = tpu.vector_load_idx %arg5[%and3A_241] : memref<50048xi32, #tpu.memory_space<vmem>>[vector<16xi32>], vector<16xi32>,
        %gather3A_246 = tpu.vector_load_idx %arg6[%shift_right_logical3A_201] : memref<50048xi32, #tpu.memory_space<vmem>>[vector<16xi32>], vector<16xi32>,
        %gather3A_247 = tpu.vector_load_idx %arg6[%shift_right_logical3A_211] : memref<50048xi32, #tpu.memory_space<vmem>>[vector<16xi32>], vector<16xi32>,
        %gather3A_248 = tpu.vector_load_idx %arg6[%shift_right_logical3A_222] : memref<50048xi32, #tpu.memory_space<vmem>>[vector<16xi32>], vector<16xi32>,
        %gather3A_249 = tpu.vector_load_idx %arg6[%shift_right_logical3A_233] : memref<50048xi32, #tpu.memory_space<vmem>>[vector<16xi32>], vector<16xi32>,
        %gather3A_250 = tpu.vector_load_idx %arg6[%shift_right_logical3A_244] : memref<50048xi32, #tpu.memory_space<vmem>>[vector<16xi32>], vector<16xi32>,
        %shift_left3A = arith.constant 16 : i32
        %shift_left3A_251 = vector.broadcast %shift_left3A : i32 to vector<16xi32>
        %shift_left3A_252 = arith.shli %gather3A, %shift_left3A_251 : vector<16xi32>
        %bitcast_convert_type3A = tpu.bitcast %shift_left3A_252 : vector<16xi32> -> vector<16xf32>
        %and3A_253 = arith.constant -65536 : i32
        %and3A_254 = vector.broadcast %and3A_253 : i32 to vector<16xi32>
        %and3A_255 = arith.andi %gather3A, %and3A_254 : vector<16xi32>
        %bitcast_convert_type3A_256 = tpu.bitcast %and3A_255 : vector<16xi32> -> vector<16xf32>
        %shift_left3A_257 = arith.constant 16 : i32
        %shift_left3A_258 = vector.broadcast %shift_left3A_257 : i32 to vector<16xi32>
        %shift_left3A_259 = arith.shli %gather3A_246, %shift_left3A_258 : vector<16xi32>
        %bitcast_convert_type3A_260 = tpu.bitcast %shift_left3A_259 : vector<16xi32> -> vector<16xf32>
        %and3A_261 = arith.constant -65536 : i32
        %and3A_262 = vector.broadcast %and3A_261 : i32 to vector<16xi32>
        %and3A_263 = arith.andi %gather3A_246, %and3A_262 : vector<16xi32>
        %bitcast_convert_type3A_264 = tpu.bitcast %and3A_263 : vector<16xi32> -> vector<16xf32>
        %gt3A_265 = arith.cmpf ogt, %bitcast_convert_type3A, %bitcast_convert_type3A_260 : vector<16xf32>
        %gt3A_266 = arith.cmpf ogt, %bitcast_convert_type3A_256, %bitcast_convert_type3A_264 : vector<16xf32>
        %select_n3A = arith.select %gt3A_266, %gather3A, %gather3A_246 : vector<16xi1>, vector<16xi32>
        %and3A_267 = arith.constant -65536 : i32
        %and3A_268 = vector.broadcast %and3A_267 : i32 to vector<16xi32>
        %and3A_269 = arith.andi %select_n3A, %and3A_268 : vector<16xi32>
        %select_n3A_270 = arith.select %gt3A_265, %gather3A, %gather3A_246 : vector<16xi1>, vector<16xi32>
        %and3A_271 = arith.constant 65535 : i32
        %and3A_272 = vector.broadcast %and3A_271 : i32 to vector<16xi32>
        %and3A_273 = arith.andi %select_n3A_270, %and3A_272 : vector<16xi32>
        %or3A = arith.ori %and3A_269, %and3A_273 : vector<16xi32>
        %or3A_274 = arith.ori %gt3A_265, %gt3A_266 : vector<16xi1>
        tpu.vector_store_idx %arg6[%shift_right_logical3A_201], %or3A masked %or3A_274 : memref<50048xi32, #tpu.memory_space<vmem>>[vector<16xi32>], vector<16xi32>, vector<16xi1>
        %shift_left3A_275 = arith.constant 16 : i32
        %shift_left3A_276 = vector.broadcast %shift_left3A_275 : i32 to vector<16xi32>
        %shift_left3A_277 = arith.shli %gather3A_212, %shift_left3A_276 : vector<16xi32>
        %bitcast_convert_type3A_278 = tpu.bitcast %shift_left3A_277 : vector<16xi32> -> vector<16xf32>
        %and3A_279 = arith.constant -65536 : i32
        %and3A_280 = vector.broadcast %and3A_279 : i32 to vector<16xi32>
        %and3A_281 = arith.andi %gather3A_212, %and3A_280 : vector<16xi32>
        %bitcast_convert_type3A_282 = tpu.bitcast %and3A_281 : vector<16xi32> -> vector<16xf32>
        %shift_left3A_283 = arith.constant 16 : i32
        %shift_left3A_284 = vector.broadcast %shift_left3A_283 : i32 to vector<16xi32>
        %shift_left3A_285 = arith.shli %gather3A_247, %shift_left3A_284 : vector<16xi32>
        %bitcast_convert_type3A_286 = tpu.bitcast %shift_left3A_285 : vector<16xi32> -> vector<16xf32>
        %and3A_287 = arith.constant -65536 : i32
        %and3A_288 = vector.broadcast %and3A_287 : i32 to vector<16xi32>
        %and3A_289 = arith.andi %gather3A_247, %and3A_288 : vector<16xi32>
        %bitcast_convert_type3A_290 = tpu.bitcast %and3A_289 : vector<16xi32> -> vector<16xf32>
        %gt3A_291 = arith.cmpf ogt, %bitcast_convert_type3A_278, %bitcast_convert_type3A_286 : vector<16xf32>
        %gt3A_292 = arith.cmpf ogt, %bitcast_convert_type3A_282, %bitcast_convert_type3A_290 : vector<16xf32>
        %select_n3A_293 = arith.select %gt3A_292, %gather3A_212, %gather3A_247 : vector<16xi1>, vector<16xi32>
        %and3A_294 = arith.constant -65536 : i32
        %and3A_295 = vector.broadcast %and3A_294 : i32 to vector<16xi32>
        %and3A_296 = arith.andi %select_n3A_293, %and3A_295 : vector<16xi32>
        %select_n3A_297 = arith.select %gt3A_291, %gather3A_212, %gather3A_247 : vector<16xi1>, vector<16xi32>
        %and3A_298 = arith.constant 65535 : i32
        %and3A_299 = vector.broadcast %and3A_298 : i32 to vector<16xi32>
        %and3A_300 = arith.andi %select_n3A_297, %and3A_299 : vector<16xi32>
        %or3A_301 = arith.ori %and3A_296, %and3A_300 : vector<16xi32>
        %or3A_302 = arith.ori %gt3A_291, %gt3A_292 : vector<16xi1>
        tpu.vector_store_idx %arg6[%shift_right_logical3A_211], %or3A_301 masked %or3A_302 : memref<50048xi32, #tpu.memory_space<vmem>>[vector<16xi32>], vector<16xi32>, vector<16xi1>
        %shift_left3A_303 = arith.constant 16 : i32
        %shift_left3A_304 = vector.broadcast %shift_left3A_303 : i32 to vector<16xi32>
        %shift_left3A_305 = arith.shli %gather3A_223, %shift_left3A_304 : vector<16xi32>
        %bitcast_convert_type3A_306 = tpu.bitcast %shift_left3A_305 : vector<16xi32> -> vector<16xf32>
        %and3A_307 = arith.constant -65536 : i32
        %and3A_308 = vector.broadcast %and3A_307 : i32 to vector<16xi32>
        %and3A_309 = arith.andi %gather3A_223, %and3A_308 : vector<16xi32>
        %bitcast_convert_type3A_310 = tpu.bitcast %and3A_309 : vector<16xi32> -> vector<16xf32>
        %shift_left3A_311 = arith.constant 16 : i32
        %shift_left3A_312 = vector.broadcast %shift_left3A_311 : i32 to vector<16xi32>
        %shift_left3A_313 = arith.shli %gather3A_248, %shift_left3A_312 : vector<16xi32>
        %bitcast_convert_type3A_314 = tpu.bitcast %shift_left3A_313 : vector<16xi32> -> vector<16xf32>
        %and3A_315 = arith.constant -65536 : i32
        %and3A_316 = vector.broadcast %and3A_315 : i32 to vector<16xi32>
        %and3A_317 = arith.andi %gather3A_248, %and3A_316 : vector<16xi32>
        %bitcast_convert_type3A_318 = tpu.bitcast %and3A_317 : vector<16xi32> -> vector<16xf32>
        %gt3A_319 = arith.cmpf ogt, %bitcast_convert_type3A_306, %bitcast_convert_type3A_314 : vector<16xf32>
        %gt3A_320 = arith.cmpf ogt, %bitcast_convert_type3A_310, %bitcast_convert_type3A_318 : vector<16xf32>
        %select_n3A_321 = arith.select %gt3A_320, %gather3A_223, %gather3A_248 : vector<16xi1>, vector<16xi32>
        %and3A_322 = arith.constant -65536 : i32
        %and3A_323 = vector.broadcast %and3A_322 : i32 to vector<16xi32>
        %and3A_324 = arith.andi %select_n3A_321, %and3A_323 : vector<16xi32>
        %select_n3A_325 = arith.select %gt3A_319, %gather3A_223, %gather3A_248 : vector<16xi1>, vector<16xi32>
        %and3A_326 = arith.constant 65535 : i32
        %and3A_327 = vector.broadcast %and3A_326 : i32 to vector<16xi32>
        %and3A_328 = arith.andi %select_n3A_325, %and3A_327 : vector<16xi32>
        %or3A_329 = arith.ori %and3A_324, %and3A_328 : vector<16xi32>
        %or3A_330 = arith.ori %gt3A_319, %gt3A_320 : vector<16xi1>
        tpu.vector_store_idx %arg6[%shift_right_logical3A_222], %or3A_329 masked %or3A_330 : memref<50048xi32, #tpu.memory_space<vmem>>[vector<16xi32>], vector<16xi32>, vector<16xi1>
        %shift_left3A_331 = arith.constant 16 : i32
        %shift_left3A_332 = vector.broadcast %shift_left3A_331 : i32 to vector<16xi32>
        %shift_left3A_333 = arith.shli %gather3A_234, %shift_left3A_332 : vector<16xi32>
        %bitcast_convert_type3A_334 = tpu.bitcast %shift_left3A_333 : vector<16xi32> -> vector<16xf32>
        %and3A_335 = arith.constant -65536 : i32
        %and3A_336 = vector.broadcast %and3A_335 : i32 to vector<16xi32>
        %and3A_337 = arith.andi %gather3A_234, %and3A_336 : vector<16xi32>
        %bitcast_convert_type3A_338 = tpu.bitcast %and3A_337 : vector<16xi32> -> vector<16xf32>
        %shift_left3A_339 = arith.constant 16 : i32
        %shift_left3A_340 = vector.broadcast %shift_left3A_339 : i32 to vector<16xi32>
        %shift_left3A_341 = arith.shli %gather3A_249, %shift_left3A_340 : vector<16xi32>
        %bitcast_convert_type3A_342 = tpu.bitcast %shift_left3A_341 : vector<16xi32> -> vector<16xf32>
        %and3A_343 = arith.constant -65536 : i32
        %and3A_344 = vector.broadcast %and3A_343 : i32 to vector<16xi32>
        %and3A_345 = arith.andi %gather3A_249, %and3A_344 : vector<16xi32>
        %bitcast_convert_type3A_346 = tpu.bitcast %and3A_345 : vector<16xi32> -> vector<16xf32>
        %gt3A_347 = arith.cmpf ogt, %bitcast_convert_type3A_334, %bitcast_convert_type3A_342 : vector<16xf32>
        %gt3A_348 = arith.cmpf ogt, %bitcast_convert_type3A_338, %bitcast_convert_type3A_346 : vector<16xf32>
        %select_n3A_349 = arith.select %gt3A_348, %gather3A_234, %gather3A_249 : vector<16xi1>, vector<16xi32>
        %and3A_350 = arith.constant -65536 : i32
        %and3A_351 = vector.broadcast %and3A_350 : i32 to vector<16xi32>
        %and3A_352 = arith.andi %select_n3A_349, %and3A_351 : vector<16xi32>
        %select_n3A_353 = arith.select %gt3A_347, %gather3A_234, %gather3A_249 : vector<16xi1>, vector<16xi32>
        %and3A_354 = arith.constant 65535 : i32
        %and3A_355 = vector.broadcast %and3A_354 : i32 to vector<16xi32>
        %and3A_356 = arith.andi %select_n3A_353, %and3A_355 : vector<16xi32>
        %or3A_357 = arith.ori %and3A_352, %and3A_356 : vector<16xi32>
        %or3A_358 = arith.ori %gt3A_347, %gt3A_348 : vector<16xi1>
        tpu.vector_store_idx %arg6[%shift_right_logical3A_233], %or3A_357 masked %or3A_358 : memref<50048xi32, #tpu.memory_space<vmem>>[vector<16xi32>], vector<16xi32>, vector<16xi1>
        %shift_left3A_359 = arith.constant 16 : i32
        %shift_left3A_360 = vector.broadcast %shift_left3A_359 : i32 to vector<16xi32>
        %shift_left3A_361 = arith.shli %gather3A_245, %shift_left3A_360 : vector<16xi32>
        %bitcast_convert_type3A_362 = tpu.bitcast %shift_left3A_361 : vector<16xi32> -> vector<16xf32>
        %and3A_363 = arith.constant -65536 : i32
        %and3A_364 = vector.broadcast %and3A_363 : i32 to vector<16xi32>
        %and3A_365 = arith.andi %gather3A_245, %and3A_364 : vector<16xi32>
        %bitcast_convert_type3A_366 = tpu.bitcast %and3A_365 : vector<16xi32> -> vector<16xf32>
        %shift_left3A_367 = arith.constant 16 : i32
        %shift_left3A_368 = vector.broadcast %shift_left3A_367 : i32 to vector<16xi32>
        %shift_left3A_369 = arith.shli %gather3A_250, %shift_left3A_368 : vector<16xi32>
        %bitcast_convert_type3A_370 = tpu.bitcast %shift_left3A_369 : vector<16xi32> -> vector<16xf32>
        %and3A_371 = arith.constant -65536 : i32
        %and3A_372 = vector.broadcast %and3A_371 : i32 to vector<16xi32>
        %and3A_373 = arith.andi %gather3A_250, %and3A_372 : vector<16xi32>
        %bitcast_convert_type3A_374 = tpu.bitcast %and3A_373 : vector<16xi32> -> vector<16xf32>
        %gt3A_375 = arith.cmpf ogt, %bitcast_convert_type3A_362, %bitcast_convert_type3A_370 : vector<16xf32>
        %gt3A_376 = arith.cmpf ogt, %bitcast_convert_type3A_366, %bitcast_convert_type3A_374 : vector<16xf32>
        %select_n3A_377 = arith.select %gt3A_376, %gather3A_245, %gather3A_250 : vector<16xi1>, vector<16xi32>
        %and3A_378 = arith.constant -65536 : i32
        %and3A_379 = vector.broadcast %and3A_378 : i32 to vector<16xi32>
        %and3A_380 = arith.andi %select_n3A_377, %and3A_379 : vector<16xi32>
        %select_n3A_381 = arith.select %gt3A_375, %gather3A_245, %gather3A_250 : vector<16xi1>, vector<16xi32>
        %and3A_382 = arith.constant 65535 : i32
        %and3A_383 = vector.broadcast %and3A_382 : i32 to vector<16xi32>
        %and3A_384 = arith.andi %select_n3A_381, %and3A_383 : vector<16xi32>
        %or3A_385 = arith.ori %and3A_380, %and3A_384 : vector<16xi32>
        %or3A_386 = arith.ori %gt3A_375, %gt3A_376 : vector<16xi1>
        tpu.vector_store_idx %arg6[%shift_right_logical3A_244], %or3A_385 masked %or3A_386 : memref<50048xi32, #tpu.memory_space<vmem>>[vector<16xi32>], vector<16xi32>, vector<16xi1>
        %gather3A_387 = tpu.vector_load_idx %arg6[%shift_right_logical3A_201] : memref<50048xi32, #tpu.memory_space<vmem>>[vector<16xi32>], vector<16xi32>,
        %gather3A_388 = tpu.vector_load_idx %arg6[%shift_right_logical3A_211] : memref<50048xi32, #tpu.memory_space<vmem>>[vector<16xi32>], vector<16xi32>,
        %gather3A_389 = tpu.vector_load_idx %arg6[%shift_right_logical3A_222] : memref<50048xi32, #tpu.memory_space<vmem>>[vector<16xi32>], vector<16xi32>,
        %gather3A_390 = tpu.vector_load_idx %arg6[%shift_right_logical3A_233] : memref<50048xi32, #tpu.memory_space<vmem>>[vector<16xi32>], vector<16xi32>,
        %gather3A_391 = tpu.vector_load_idx %arg6[%shift_right_logical3A_244] : memref<50048xi32, #tpu.memory_space<vmem>>[vector<16xi32>], vector<16xi32>,
        %shift_left3A_392 = arith.constant 16 : i32
        %shift_left3A_393 = vector.broadcast %shift_left3A_392 : i32 to vector<16xi32>
        %shift_left3A_394 = arith.shli %gather3A, %shift_left3A_393 : vector<16xi32>
        %bitcast_convert_type3A_395 = tpu.bitcast %shift_left3A_394 : vector<16xi32> -> vector<16xf32>
        %and3A_396 = arith.constant -65536 : i32
        %and3A_397 = vector.broadcast %and3A_396 : i32 to vector<16xi32>
        %and3A_398 = arith.andi %gather3A, %and3A_397 : vector<16xi32>
        %bitcast_convert_type3A_399 = tpu.bitcast %and3A_398 : vector<16xi32> -> vector<16xf32>
        %shift_left3A_400 = arith.constant 16 : i32
        %shift_left3A_401 = vector.broadcast %shift_left3A_400 : i32 to vector<16xi32>
        %shift_left3A_402 = arith.shli %gather3A_387, %shift_left3A_401 : vector<16xi32>
        %bitcast_convert_type3A_403 = tpu.bitcast %shift_left3A_402 : vector<16xi32> -> vector<16xf32>
        %and3A_404 = arith.constant -65536 : i32
        %and3A_405 = vector.broadcast %and3A_404 : i32 to vector<16xi32>
        %and3A_406 = arith.andi %gather3A_387, %and3A_405 : vector<16xi32>
        %bitcast_convert_type3A_407 = tpu.bitcast %and3A_406 : vector<16xi32> -> vector<16xf32>
        %gt3A_408 = arith.cmpf ogt, %bitcast_convert_type3A_395, %bitcast_convert_type3A_403 : vector<16xf32>
        %gt3A_409 = arith.cmpf ogt, %bitcast_convert_type3A_399, %bitcast_convert_type3A_407 : vector<16xf32>
        %select_n3A_410 = arith.select %gt3A_409, %gather3A, %gather3A_387 : vector<16xi1>, vector<16xi32>
        %and3A_411 = arith.constant -65536 : i32
        %and3A_412 = vector.broadcast %and3A_411 : i32 to vector<16xi32>
        %and3A_413 = arith.andi %select_n3A_410, %and3A_412 : vector<16xi32>
        %select_n3A_414 = arith.select %gt3A_408, %gather3A, %gather3A_387 : vector<16xi1>, vector<16xi32>
        %and3A_415 = arith.constant 65535 : i32
        %and3A_416 = vector.broadcast %and3A_415 : i32 to vector<16xi32>
        %and3A_417 = arith.andi %select_n3A_414, %and3A_416 : vector<16xi32>
        %or3A_418 = arith.ori %and3A_413, %and3A_417 : vector<16xi32>
        %or3A_419 = arith.ori %gt3A_408, %gt3A_409 : vector<16xi1>
        tpu.vector_store_idx %arg6[%shift_right_logical3A_201], %or3A_418 masked %or3A_419 : memref<50048xi32, #tpu.memory_space<vmem>>[vector<16xi32>], vector<16xi32>, vector<16xi1>
        %shift_left3A_420 = arith.constant 16 : i32
        %shift_left3A_421 = vector.broadcast %shift_left3A_420 : i32 to vector<16xi32>
        %shift_left3A_422 = arith.shli %gather3A_212, %shift_left3A_421 : vector<16xi32>
        %bitcast_convert_type3A_423 = tpu.bitcast %shift_left3A_422 : vector<16xi32> -> vector<16xf32>
        %and3A_424 = arith.constant -65536 : i32
        %and3A_425 = vector.broadcast %and3A_424 : i32 to vector<16xi32>
        %and3A_426 = arith.andi %gather3A_212, %and3A_425 : vector<16xi32>
        %bitcast_convert_type3A_427 = tpu.bitcast %and3A_426 : vector<16xi32> -> vector<16xf32>
        %shift_left3A_428 = arith.constant 16 : i32
        %shift_left3A_429 = vector.broadcast %shift_left3A_428 : i32 to vector<16xi32>
        %shift_left3A_430 = arith.shli %gather3A_388, %shift_left3A_429 : vector<16xi32>
        %bitcast_convert_type3A_431 = tpu.bitcast %shift_left3A_430 : vector<16xi32> -> vector<16xf32>
        %and3A_432 = arith.constant -65536 : i32
        %and3A_433 = vector.broadcast %and3A_432 : i32 to vector<16xi32>
        %and3A_434 = arith.andi %gather3A_388, %and3A_433 : vector<16xi32>
        %bitcast_convert_type3A_435 = tpu.bitcast %and3A_434 : vector<16xi32> -> vector<16xf32>
        %gt3A_436 = arith.cmpf ogt, %bitcast_convert_type3A_423, %bitcast_convert_type3A_431 : vector<16xf32>
        %gt3A_437 = arith.cmpf ogt, %bitcast_convert_type3A_427, %bitcast_convert_type3A_435 : vector<16xf32>
        %select_n3A_438 = arith.select %gt3A_437, %gather3A_212, %gather3A_388 : vector<16xi1>, vector<16xi32>
        %and3A_439 = arith.constant -65536 : i32
        %and3A_440 = vector.broadcast %and3A_439 : i32 to vector<16xi32>
        %and3A_441 = arith.andi %select_n3A_438, %and3A_440 : vector<16xi32>
        %select_n3A_442 = arith.select %gt3A_436, %gather3A_212, %gather3A_388 : vector<16xi1>, vector<16xi32>
        %and3A_443 = arith.constant 65535 : i32
        %and3A_444 = vector.broadcast %and3A_443 : i32 to vector<16xi32>
        %and3A_445 = arith.andi %select_n3A_442, %and3A_444 : vector<16xi32>
        %or3A_446 = arith.ori %and3A_441, %and3A_445 : vector<16xi32>
        %or3A_447 = arith.ori %gt3A_436, %gt3A_437 : vector<16xi1>
        tpu.vector_store_idx %arg6[%shift_right_logical3A_211], %or3A_446 masked %or3A_447 : memref<50048xi32, #tpu.memory_space<vmem>>[vector<16xi32>], vector<16xi32>, vector<16xi1>
        %shift_left3A_448 = arith.constant 16 : i32
        %shift_left3A_449 = vector.broadcast %shift_left3A_448 : i32 to vector<16xi32>
        %shift_left3A_450 = arith.shli %gather3A_223, %shift_left3A_449 : vector<16xi32>
        %bitcast_convert_type3A_451 = tpu.bitcast %shift_left3A_450 : vector<16xi32> -> vector<16xf32>
        %and3A_452 = arith.constant -65536 : i32
        %and3A_453 = vector.broadcast %and3A_452 : i32 to vector<16xi32>
        %and3A_454 = arith.andi %gather3A_223, %and3A_453 : vector<16xi32>
        %bitcast_convert_type3A_455 = tpu.bitcast %and3A_454 : vector<16xi32> -> vector<16xf32>
        %shift_left3A_456 = arith.constant 16 : i32
        %shift_left3A_457 = vector.broadcast %shift_left3A_456 : i32 to vector<16xi32>
        %shift_left3A_458 = arith.shli %gather3A_389, %shift_left3A_457 : vector<16xi32>
        %bitcast_convert_type3A_459 = tpu.bitcast %shift_left3A_458 : vector<16xi32> -> vector<16xf32>
        %and3A_460 = arith.constant -65536 : i32
        %and3A_461 = vector.broadcast %and3A_460 : i32 to vector<16xi32>
        %and3A_462 = arith.andi %gather3A_389, %and3A_461 : vector<16xi32>
        %bitcast_convert_type3A_463 = tpu.bitcast %and3A_462 : vector<16xi32> -> vector<16xf32>
        %gt3A_464 = arith.cmpf ogt, %bitcast_convert_type3A_451, %bitcast_convert_type3A_459 : vector<16xf32>
        %gt3A_465 = arith.cmpf ogt, %bitcast_convert_type3A_455, %bitcast_convert_type3A_463 : vector<16xf32>
        %select_n3A_466 = arith.select %gt3A_465, %gather3A_223, %gather3A_389 : vector<16xi1>, vector<16xi32>
        %and3A_467 = arith.constant -65536 : i32
        %and3A_468 = vector.broadcast %and3A_467 : i32 to vector<16xi32>
        %and3A_469 = arith.andi %select_n3A_466, %and3A_468 : vector<16xi32>
        %select_n3A_470 = arith.select %gt3A_464, %gather3A_223, %gather3A_389 : vector<16xi1>, vector<16xi32>
        %and3A_471 = arith.constant 65535 : i32
        %and3A_472 = vector.broadcast %and3A_471 : i32 to vector<16xi32>
        %and3A_473 = arith.andi %select_n3A_470, %and3A_472 : vector<16xi32>
        %or3A_474 = arith.ori %and3A_469, %and3A_473 : vector<16xi32>
        %or3A_475 = arith.ori %gt3A_464, %gt3A_465 : vector<16xi1>
        tpu.vector_store_idx %arg6[%shift_right_logical3A_222], %or3A_474 masked %or3A_475 : memref<50048xi32, #tpu.memory_space<vmem>>[vector<16xi32>], vector<16xi32>, vector<16xi1>
        %shift_left3A_476 = arith.constant 16 : i32
        %shift_left3A_477 = vector.broadcast %shift_left3A_476 : i32 to vector<16xi32>
        %shift_left3A_478 = arith.shli %gather3A_234, %shift_left3A_477 : vector<16xi32>
        %bitcast_convert_type3A_479 = tpu.bitcast %shift_left3A_478 : vector<16xi32> -> vector<16xf32>
        %and3A_480 = arith.constant -65536 : i32
        %and3A_481 = vector.broadcast %and3A_480 : i32 to vector<16xi32>
        %and3A_482 = arith.andi %gather3A_234, %and3A_481 : vector<16xi32>
        %bitcast_convert_type3A_483 = tpu.bitcast %and3A_482 : vector<16xi32> -> vector<16xf32>
        %shift_left3A_484 = arith.constant 16 : i32
        %shift_left3A_485 = vector.broadcast %shift_left3A_484 : i32 to vector<16xi32>
        %shift_left3A_486 = arith.shli %gather3A_390, %shift_left3A_485 : vector<16xi32>
        %bitcast_convert_type3A_487 = tpu.bitcast %shift_left3A_486 : vector<16xi32> -> vector<16xf32>
        %and3A_488 = arith.constant -65536 : i32
        %and3A_489 = vector.broadcast %and3A_488 : i32 to vector<16xi32>
        %and3A_490 = arith.andi %gather3A_390, %and3A_489 : vector<16xi32>
        %bitcast_convert_type3A_491 = tpu.bitcast %and3A_490 : vector<16xi32> -> vector<16xf32>
        %gt3A_492 = arith.cmpf ogt, %bitcast_convert_type3A_479, %bitcast_convert_type3A_487 : vector<16xf32>
        %gt3A_493 = arith.cmpf ogt, %bitcast_convert_type3A_483, %bitcast_convert_type3A_491 : vector<16xf32>
        %select_n3A_494 = arith.select %gt3A_493, %gather3A_234, %gather3A_390 : vector<16xi1>, vector<16xi32>
        %and3A_495 = arith.constant -65536 : i32
        %and3A_496 = vector.broadcast %and3A_495 : i32 to vector<16xi32>
        %and3A_497 = arith.andi %select_n3A_494, %and3A_496 : vector<16xi32>
        %select_n3A_498 = arith.select %gt3A_492, %gather3A_234, %gather3A_390 : vector<16xi1>, vector<16xi32>
        %and3A_499 = arith.constant 65535 : i32
        %and3A_500 = vector.broadcast %and3A_499 : i32 to vector<16xi32>
        %and3A_501 = arith.andi %select_n3A_498, %and3A_500 : vector<16xi32>
        %or3A_502 = arith.ori %and3A_497, %and3A_501 : vector<16xi32>
        %or3A_503 = arith.ori %gt3A_492, %gt3A_493 : vector<16xi1>
        tpu.vector_store_idx %arg6[%shift_right_logical3A_233], %or3A_502 masked %or3A_503 : memref<50048xi32, #tpu.memory_space<vmem>>[vector<16xi32>], vector<16xi32>, vector<16xi1>
        %shift_left3A_504 = arith.constant 16 : i32
        %shift_left3A_505 = vector.broadcast %shift_left3A_504 : i32 to vector<16xi32>
        %shift_left3A_506 = arith.shli %gather3A_245, %shift_left3A_505 : vector<16xi32>
        %bitcast_convert_type3A_507 = tpu.bitcast %shift_left3A_506 : vector<16xi32> -> vector<16xf32>
        %and3A_508 = arith.constant -65536 : i32
        %and3A_509 = vector.broadcast %and3A_508 : i32 to vector<16xi32>
        %and3A_510 = arith.andi %gather3A_245, %and3A_509 : vector<16xi32>
        %bitcast_convert_type3A_511 = tpu.bitcast %and3A_510 : vector<16xi32> -> vector<16xf32>
        %shift_left3A_512 = arith.constant 16 : i32
        %shift_left3A_513 = vector.broadcast %shift_left3A_512 : i32 to vector<16xi32>
        %shift_left3A_514 = arith.shli %gather3A_391, %shift_left3A_513 : vector<16xi32>
        %bitcast_convert_type3A_515 = tpu.bitcast %shift_left3A_514 : vector<16xi32> -> vector<16xf32>
        %and3A_516 = arith.constant -65536 : i32
        %and3A_517 = vector.broadcast %and3A_516 : i32 to vector<16xi32>
        %and3A_518 = arith.andi %gather3A_391, %and3A_517 : vector<16xi32>
        %bitcast_convert_type3A_519 = tpu.bitcast %and3A_518 : vector<16xi32> -> vector<16xf32>
        %gt3A_520 = arith.cmpf ogt, %bitcast_convert_type3A_507, %bitcast_convert_type3A_515 : vector<16xf32>
        %gt3A_521 = arith.cmpf ogt, %bitcast_convert_type3A_511, %bitcast_convert_type3A_519 : vector<16xf32>
        %select_n3A_522 = arith.select %gt3A_521, %gather3A_245, %gather3A_391 : vector<16xi1>, vector<16xi32>
        %and3A_523 = arith.constant -65536 : i32
        %and3A_524 = vector.broadcast %and3A_523 : i32 to vector<16xi32>
        %and3A_525 = arith.andi %select_n3A_522, %and3A_524 : vector<16xi32>
        %select_n3A_526 = arith.select %gt3A_520, %gather3A_245, %gather3A_391 : vector<16xi1>, vector<16xi32>
        %and3A_527 = arith.constant 65535 : i32
        %and3A_528 = vector.broadcast %and3A_527 : i32 to vector<16xi32>
        %and3A_529 = arith.andi %select_n3A_526, %and3A_528 : vector<16xi32>
        %or3A_530 = arith.ori %and3A_525, %and3A_529 : vector<16xi32>
        %or3A_531 = arith.ori %gt3A_520, %gt3A_521 : vector<16xi1>
        tpu.vector_store_idx %arg6[%shift_right_logical3A_244], %or3A_530 masked %or3A_531 : memref<50048xi32, #tpu.memory_space<vmem>>[vector<16xi32>], vector<16xi32>, vector<16xi1>
        %gather3A_532 = tpu.vector_load_idx %arg6[%shift_right_logical3A_201] : memref<50048xi32, #tpu.memory_space<vmem>>[vector<16xi32>], vector<16xi32>,
        %shift_left3A_533 = arith.constant 16 : i32
        %shift_left3A_534 = vector.broadcast %shift_left3A_533 : i32 to vector<16xi32>
        %shift_left3A_535 = arith.shli %gather3A, %shift_left3A_534 : vector<16xi32>
        %bitcast_convert_type3A_536 = tpu.bitcast %shift_left3A_535 : vector<16xi32> -> vector<16xf32>
        %and3A_537 = arith.constant -65536 : i32
        %and3A_538 = vector.broadcast %and3A_537 : i32 to vector<16xi32>
        %and3A_539 = arith.andi %gather3A, %and3A_538 : vector<16xi32>
        %bitcast_convert_type3A_540 = tpu.bitcast %and3A_539 : vector<16xi32> -> vector<16xf32>
        %shift_left3A_541 = arith.constant 16 : i32
        %shift_left3A_542 = vector.broadcast %shift_left3A_541 : i32 to vector<16xi32>
        %shift_left3A_543 = arith.shli %gather3A_532, %shift_left3A_542 : vector<16xi32>
        %bitcast_convert_type3A_544 = tpu.bitcast %shift_left3A_543 : vector<16xi32> -> vector<16xf32>
        %and3A_545 = arith.constant -65536 : i32
        %and3A_546 = vector.broadcast %and3A_545 : i32 to vector<16xi32>
        %and3A_547 = arith.andi %gather3A_532, %and3A_546 : vector<16xi32>
        %bitcast_convert_type3A_548 = tpu.bitcast %and3A_547 : vector<16xi32> -> vector<16xf32>
        %gt3A_549 = arith.cmpf ogt, %bitcast_convert_type3A_536, %bitcast_convert_type3A_544 : vector<16xf32>
        %gt3A_550 = arith.cmpf ogt, %bitcast_convert_type3A_540, %bitcast_convert_type3A_548 : vector<16xf32>
        %select_n3A_551 = arith.select %gt3A_550, %gather3A, %gather3A_532 : vector<16xi1>, vector<16xi32>
        %and3A_552 = arith.constant -65536 : i32
        %and3A_553 = vector.broadcast %and3A_552 : i32 to vector<16xi32>
        %and3A_554 = arith.andi %select_n3A_551, %and3A_553 : vector<16xi32>
        %select_n3A_555 = arith.select %gt3A_549, %gather3A, %gather3A_532 : vector<16xi1>, vector<16xi32>
        %and3A_556 = arith.constant 65535 : i32
        %and3A_557 = vector.broadcast %and3A_556 : i32 to vector<16xi32>
        %and3A_558 = arith.andi %select_n3A_555, %and3A_557 : vector<16xi32>
        %or3A_559 = arith.ori %and3A_554, %and3A_558 : vector<16xi32>
        %or3A_560 = arith.ori %gt3A_549, %gt3A_550 : vector<16xi1>
        %gather3A_561 = tpu.vector_load_idx %arg6[%shift_right_logical3A_211] : memref<50048xi32, #tpu.memory_space<vmem>>[vector<16xi32>], vector<16xi32>,
        %shift_left3A_562 = arith.constant 16 : i32
        %shift_left3A_563 = vector.broadcast %shift_left3A_562 : i32 to vector<16xi32>
        %shift_left3A_564 = arith.shli %gather3A_212, %shift_left3A_563 : vector<16xi32>
        %bitcast_convert_type3A_565 = tpu.bitcast %shift_left3A_564 : vector<16xi32> -> vector<16xf32>
        %and3A_566 = arith.constant -65536 : i32
        %and3A_567 = vector.broadcast %and3A_566 : i32 to vector<16xi32>
        %and3A_568 = arith.andi %gather3A_212, %and3A_567 : vector<16xi32>
        %bitcast_convert_type3A_569 = tpu.bitcast %and3A_568 : vector<16xi32> -> vector<16xf32>
        %shift_left3A_570 = arith.constant 16 : i32
        %shift_left3A_571 = vector.broadcast %shift_left3A_570 : i32 to vector<16xi32>
        %shift_left3A_572 = arith.shli %gather3A_561, %shift_left3A_571 : vector<16xi32>
        %bitcast_convert_type3A_573 = tpu.bitcast %shift_left3A_572 : vector<16xi32> -> vector<16xf32>
        %and3A_574 = arith.constant -65536 : i32
        %and3A_575 = vector.broadcast %and3A_574 : i32 to vector<16xi32>
        %and3A_576 = arith.andi %gather3A_561, %and3A_575 : vector<16xi32>
        %bitcast_convert_type3A_577 = tpu.bitcast %and3A_576 : vector<16xi32> -> vector<16xf32>
        %gt3A_578 = arith.cmpf ogt, %bitcast_convert_type3A_565, %bitcast_convert_type3A_573 : vector<16xf32>
        %gt3A_579 = arith.cmpf ogt, %bitcast_convert_type3A_569, %bitcast_convert_type3A_577 : vector<16xf32>
        %select_n3A_580 = arith.select %gt3A_579, %gather3A_212, %gather3A_561 : vector<16xi1>, vector<16xi32>
        %and3A_581 = arith.constant -65536 : i32
        %and3A_582 = vector.broadcast %and3A_581 : i32 to vector<16xi32>
        %and3A_583 = arith.andi %select_n3A_580, %and3A_582 : vector<16xi32>
        %select_n3A_584 = arith.select %gt3A_578, %gather3A_212, %gather3A_561 : vector<16xi1>, vector<16xi32>
        %and3A_585 = arith.constant 65535 : i32
        %and3A_586 = vector.broadcast %and3A_585 : i32 to vector<16xi32>
        %and3A_587 = arith.andi %select_n3A_584, %and3A_586 : vector<16xi32>
        %or3A_588 = arith.ori %and3A_583, %and3A_587 : vector<16xi32>
        %or3A_589 = arith.ori %gt3A_578, %gt3A_579 : vector<16xi1>
        %or3A_590 = arith.ori %or3A_560, %or3A_589 : vector<16xi1>
        %gather3A_591 = tpu.vector_load_idx %arg6[%shift_right_logical3A_222] : memref<50048xi32, #tpu.memory_space<vmem>>[vector<16xi32>], vector<16xi32>,
        %shift_left3A_592 = arith.constant 16 : i32
        %shift_left3A_593 = vector.broadcast %shift_left3A_592 : i32 to vector<16xi32>
        %shift_left3A_594 = arith.shli %gather3A_223, %shift_left3A_593 : vector<16xi32>
        %bitcast_convert_type3A_595 = tpu.bitcast %shift_left3A_594 : vector<16xi32> -> vector<16xf32>
        %and3A_596 = arith.constant -65536 : i32
        %and3A_597 = vector.broadcast %and3A_596 : i32 to vector<16xi32>
        %and3A_598 = arith.andi %gather3A_223, %and3A_597 : vector<16xi32>
        %bitcast_convert_type3A_599 = tpu.bitcast %and3A_598 : vector<16xi32> -> vector<16xf32>
        %shift_left3A_600 = arith.constant 16 : i32
        %shift_left3A_601 = vector.broadcast %shift_left3A_600 : i32 to vector<16xi32>
        %shift_left3A_602 = arith.shli %gather3A_591, %shift_left3A_601 : vector<16xi32>
        %bitcast_convert_type3A_603 = tpu.bitcast %shift_left3A_602 : vector<16xi32> -> vector<16xf32>
        %and3A_604 = arith.constant -65536 : i32
        %and3A_605 = vector.broadcast %and3A_604 : i32 to vector<16xi32>
        %and3A_606 = arith.andi %gather3A_591, %and3A_605 : vector<16xi32>
        %bitcast_convert_type3A_607 = tpu.bitcast %and3A_606 : vector<16xi32> -> vector<16xf32>
        %gt3A_608 = arith.cmpf ogt, %bitcast_convert_type3A_595, %bitcast_convert_type3A_603 : vector<16xf32>
        %gt3A_609 = arith.cmpf ogt, %bitcast_convert_type3A_599, %bitcast_convert_type3A_607 : vector<16xf32>
        %select_n3A_610 = arith.select %gt3A_609, %gather3A_223, %gather3A_591 : vector<16xi1>, vector<16xi32>
        %and3A_611 = arith.constant -65536 : i32
        %and3A_612 = vector.broadcast %and3A_611 : i32 to vector<16xi32>
        %and3A_613 = arith.andi %select_n3A_610, %and3A_612 : vector<16xi32>
        %select_n3A_614 = arith.select %gt3A_608, %gather3A_223, %gather3A_591 : vector<16xi1>, vector<16xi32>
        %and3A_615 = arith.constant 65535 : i32
        %and3A_616 = vector.broadcast %and3A_615 : i32 to vector<16xi32>
        %and3A_617 = arith.andi %select_n3A_614, %and3A_616 : vector<16xi32>
        %or3A_618 = arith.ori %and3A_613, %and3A_617 : vector<16xi32>
        %or3A_619 = arith.ori %gt3A_608, %gt3A_609 : vector<16xi1>
        %or3A_620 = arith.ori %or3A_590, %or3A_619 : vector<16xi1>
        %gather3A_621 = tpu.vector_load_idx %arg6[%shift_right_logical3A_233] : memref<50048xi32, #tpu.memory_space<vmem>>[vector<16xi32>], vector<16xi32>,
        %shift_left3A_622 = arith.constant 16 : i32
        %shift_left3A_623 = vector.broadcast %shift_left3A_622 : i32 to vector<16xi32>
        %shift_left3A_624 = arith.shli %gather3A_234, %shift_left3A_623 : vector<16xi32>
        %bitcast_convert_type3A_625 = tpu.bitcast %shift_left3A_624 : vector<16xi32> -> vector<16xf32>
        %and3A_626 = arith.constant -65536 : i32
        %and3A_627 = vector.broadcast %and3A_626 : i32 to vector<16xi32>
        %and3A_628 = arith.andi %gather3A_234, %and3A_627 : vector<16xi32>
        %bitcast_convert_type3A_629 = tpu.bitcast %and3A_628 : vector<16xi32> -> vector<16xf32>
        %shift_left3A_630 = arith.constant 16 : i32
        %shift_left3A_631 = vector.broadcast %shift_left3A_630 : i32 to vector<16xi32>
        %shift_left3A_632 = arith.shli %gather3A_621, %shift_left3A_631 : vector<16xi32>
        %bitcast_convert_type3A_633 = tpu.bitcast %shift_left3A_632 : vector<16xi32> -> vector<16xf32>
        %and3A_634 = arith.constant -65536 : i32
        %and3A_635 = vector.broadcast %and3A_634 : i32 to vector<16xi32>
        %and3A_636 = arith.andi %gather3A_621, %and3A_635 : vector<16xi32>
        %bitcast_convert_type3A_637 = tpu.bitcast %and3A_636 : vector<16xi32> -> vector<16xf32>
        %gt3A_638 = arith.cmpf ogt, %bitcast_convert_type3A_625, %bitcast_convert_type3A_633 : vector<16xf32>
        %gt3A_639 = arith.cmpf ogt, %bitcast_convert_type3A_629, %bitcast_convert_type3A_637 : vector<16xf32>
        %select_n3A_640 = arith.select %gt3A_639, %gather3A_234, %gather3A_621 : vector<16xi1>, vector<16xi32>
        %and3A_641 = arith.constant -65536 : i32
        %and3A_642 = vector.broadcast %and3A_641 : i32 to vector<16xi32>
        %and3A_643 = arith.andi %select_n3A_640, %and3A_642 : vector<16xi32>
        %select_n3A_644 = arith.select %gt3A_638, %gather3A_234, %gather3A_621 : vector<16xi1>, vector<16xi32>
        %and3A_645 = arith.constant 65535 : i32
        %and3A_646 = vector.broadcast %and3A_645 : i32 to vector<16xi32>
        %and3A_647 = arith.andi %select_n3A_644, %and3A_646 : vector<16xi32>
        %or3A_648 = arith.ori %and3A_643, %and3A_647 : vector<16xi32>
        %or3A_649 = arith.ori %gt3A_638, %gt3A_639 : vector<16xi1>
        %or3A_650 = arith.ori %or3A_620, %or3A_649 : vector<16xi1>
        %gather3A_651 = tpu.vector_load_idx %arg6[%shift_right_logical3A_244] : memref<50048xi32, #tpu.memory_space<vmem>>[vector<16xi32>], vector<16xi32>,
        %shift_left3A_652 = arith.constant 16 : i32
        %shift_left3A_653 = vector.broadcast %shift_left3A_652 : i32 to vector<16xi32>
        %shift_left3A_654 = arith.shli %gather3A_245, %shift_left3A_653 : vector<16xi32>
        %bitcast_convert_type3A_655 = tpu.bitcast %shift_left3A_654 : vector<16xi32> -> vector<16xf32>
        %and3A_656 = arith.constant -65536 : i32
        %and3A_657 = vector.broadcast %and3A_656 : i32 to vector<16xi32>
        %and3A_658 = arith.andi %gather3A_245, %and3A_657 : vector<16xi32>
        %bitcast_convert_type3A_659 = tpu.bitcast %and3A_658 : vector<16xi32> -> vector<16xf32>
        %shift_left3A_660 = arith.constant 16 : i32
        %shift_left3A_661 = vector.broadcast %shift_left3A_660 : i32 to vector<16xi32>
        %shift_left3A_662 = arith.shli %gather3A_651, %shift_left3A_661 : vector<16xi32>
        %bitcast_convert_type3A_663 = tpu.bitcast %shift_left3A_662 : vector<16xi32> -> vector<16xf32>
        %and3A_664 = arith.constant -65536 : i32
        %and3A_665 = vector.broadcast %and3A_664 : i32 to vector<16xi32>
        %and3A_666 = arith.andi %gather3A_651, %and3A_665 : vector<16xi32>
        %bitcast_convert_type3A_667 = tpu.bitcast %and3A_666 : vector<16xi32> -> vector<16xf32>
        %gt3A_668 = arith.cmpf ogt, %bitcast_convert_type3A_655, %bitcast_convert_type3A_663 : vector<16xf32>
        %gt3A_669 = arith.cmpf ogt, %bitcast_convert_type3A_659, %bitcast_convert_type3A_667 : vector<16xf32>
        %select_n3A_670 = arith.select %gt3A_669, %gather3A_245, %gather3A_651 : vector<16xi1>, vector<16xi32>
        %and3A_671 = arith.constant -65536 : i32
        %and3A_672 = vector.broadcast %and3A_671 : i32 to vector<16xi32>
        %and3A_673 = arith.andi %select_n3A_670, %and3A_672 : vector<16xi32>
        %select_n3A_674 = arith.select %gt3A_668, %gather3A_245, %gather3A_651 : vector<16xi1>, vector<16xi32>
        %and3A_675 = arith.constant 65535 : i32
        %and3A_676 = vector.broadcast %and3A_675 : i32 to vector<16xi32>
        %and3A_677 = arith.andi %select_n3A_674, %and3A_676 : vector<16xi32>
        %or3A_678 = arith.ori %and3A_673, %and3A_677 : vector<16xi32>
        %or3A_679 = arith.ori %gt3A_668, %gt3A_669 : vector<16xi1>
        %or3A_680 = arith.ori %or3A_650, %or3A_679 : vector<16xi1>
        %select_n3A_681 = arith.select %or3A_680, %broadcast_in_dim3A_5, %broadcast_in_dim3A_3 : vector<16xi1>, vector<16xi32>
        %or3A_682 = arith.ori %scan3A_192, %select_n3A_681 : vector<16xi32>
        scf.yield %or3A_682 : vector<16xi32>
      }
      %scan3A_177 = arith.constant 125 : i32
      %reduce_max3A_178 = arith.constant true
      %reduce_max3A_179 = vector.broadcast %reduce_max3A_178 : i1 to vector<16xi1>
      %reduce_max3A_180 = arith.constant -2147483648 : i32
      %reduce_max3A_181 = vector.broadcast %reduce_max3A_180 : i32 to vector<16xi32>
      %reduce_max3A_182 = arith.xori %scan3A_176, %reduce_max3A_181 : vector<16xi32>
      %reduce_max3A_183 = tpu.scan <max>, %reduce_max3A_182 masked %reduce_max3A_179 : vector<16xi32>, vector<16xi1> -> vector<16xi32>
      %reduce_max3A_184 = arith.xori %reduce_max3A_183, %reduce_max3A_181 : vector<16xi32>
      %reduce_max3A_185 = vector.extract %reduce_max3A_184[15] : i32 from vector<16xi32>
      %gt3A_186 = arith.constant 0 : i32
      %gt3A_187 = arith.cmpi sgt, %reduce_max3A_185, %gt3A_186 : i32
      %convert_element_type3A_188 = arith.extui %gt3A_187 : i1 to i32
      %cond3A_189 = arith.constant 0 : i32
      %cond3A_190 = arith.cmpi ne, %convert_element_type3A_188, %cond3A_189 : i32
      scf.if %cond3A_190 {
        %scan3A_191 = arith.constant 0 : i32
        %scan3A_192 = arith.constant 0 : i32
        %scan3A_193 = arith.constant 625 : i32
        %scan3A_194 = arith.addi %scan3A_192, %scan3A_193 : i32
        %scan3A_195 = arith.constant 1 : i32
        scf.for %scan3A_197 = %scan3A_192 to %scan3A_194 step %scan3A_195  : i32 {
          %mul3A_198 = arith.constant 16 : i32
          %mul3A_199 = arith.muli %scan3A_197, %mul3A_198 : i32
          %get3A = arith.index_cast %mul3A_199 : i32 to index
          %get3A_200 = tpu.vector_load %arg8[%get3A] {strides = array<i32>} : memref<10000xi32, #tpu.memory_space<vmem>>, vector<16xi32>,
          %and3A = arith.constant 65535 : i32
          %and3A_201 = vector.broadcast %and3A : i32 to vector<16xi32>
          %and3A_202 = arith.andi %get3A_200, %and3A_201 : vector<16xi32>
          %shift_right_logical3A = arith.constant 16 : i32
          %shift_right_logical3A_203 = vector.broadcast %shift_right_logical3A : i32 to vector<16xi32>
          %shift_right_logical3A_204 = arith.shrui %get3A_200, %shift_right_logical3A_203 : vector<16xi32>
          %gather3A = tpu.vector_load_idx %arg5[%and3A_202] : memref<50048xi32, #tpu.memory_space<vmem>>[vector<16xi32>], vector<16xi32>,
          %scan3A_205 = arith.constant 0 : i32
          %scan3A_206 = arith.constant 0 : i32
          %scan3A_207 = arith.constant 16 : i32
          %scan3A_208 = arith.addi %scan3A_206, %scan3A_207 : i32
          %scan3A_209 = arith.constant 1 : i32
          scf.for %scan3A_211 = %scan3A_206 to %scan3A_208 step %scan3A_209  : i32 {
            %gather3A_212 = tpu.vector_load_idx %arg6[%shift_right_logical3A_204] : memref<50048xi32, #tpu.memory_space<vmem>>[vector<16xi32>], vector<16xi32>,
            %shift_left3A = arith.constant 16 : i32
            %shift_left3A_213 = vector.broadcast %shift_left3A : i32 to vector<16xi32>
            %shift_left3A_214 = arith.shli %gather3A, %shift_left3A_213 : vector<16xi32>
            %bitcast_convert_type3A = tpu.bitcast %shift_left3A_214 : vector<16xi32> -> vector<16xf32>
            %and3A_215 = arith.constant -65536 : i32
            %and3A_216 = vector.broadcast %and3A_215 : i32 to vector<16xi32>
            %and3A_217 = arith.andi %gather3A, %and3A_216 : vector<16xi32>
            %bitcast_convert_type3A_218 = tpu.bitcast %and3A_217 : vector<16xi32> -> vector<16xf32>
            %shift_left3A_219 = arith.constant 16 : i32
            %shift_left3A_220 = vector.broadcast %shift_left3A_219 : i32 to vector<16xi32>
            %shift_left3A_221 = arith.shli %gather3A_212, %shift_left3A_220 : vector<16xi32>
            %bitcast_convert_type3A_222 = tpu.bitcast %shift_left3A_221 : vector<16xi32> -> vector<16xf32>
            %and3A_223 = arith.constant -65536 : i32
            %and3A_224 = vector.broadcast %and3A_223 : i32 to vector<16xi32>
            %and3A_225 = arith.andi %gather3A_212, %and3A_224 : vector<16xi32>
            %bitcast_convert_type3A_226 = tpu.bitcast %and3A_225 : vector<16xi32> -> vector<16xf32>
            %gt3A_227 = arith.cmpf ogt, %bitcast_convert_type3A, %bitcast_convert_type3A_222 : vector<16xf32>
            %gt3A_228 = arith.cmpf ogt, %bitcast_convert_type3A_218, %bitcast_convert_type3A_226 : vector<16xf32>
            %select_n3A = arith.select %gt3A_228, %gather3A, %gather3A_212 : vector<16xi1>, vector<16xi32>
            %and3A_229 = arith.constant -65536 : i32
            %and3A_230 = vector.broadcast %and3A_229 : i32 to vector<16xi32>
            %and3A_231 = arith.andi %select_n3A, %and3A_230 : vector<16xi32>
            %select_n3A_232 = arith.select %gt3A_227, %gather3A, %gather3A_212 : vector<16xi1>, vector<16xi32>
            %and3A_233 = arith.constant 65535 : i32
            %and3A_234 = vector.broadcast %and3A_233 : i32 to vector<16xi32>
            %and3A_235 = arith.andi %select_n3A_232, %and3A_234 : vector<16xi32>
            %or3A = arith.ori %and3A_231, %and3A_235 : vector<16xi32>
            %or3A_236 = arith.ori %gt3A_227, %gt3A_228 : vector<16xi1>
            tpu.vector_store_idx %arg6[%shift_right_logical3A_204], %or3A masked %or3A_236 : memref<50048xi32, #tpu.memory_space<vmem>>[vector<16xi32>], vector<16xi32>, vector<16xi1>
          }
          %scan3A_210 = arith.constant 16 : i32
        }
        %scan3A_196 = arith.constant 625 : i32
      } else {
      }
    }
    %scan3A_70 = arith.constant 5 : i32
    %mul3A_71 = arith.constant 3 : i32
    %mul3A_72 = arith.muli %add3A, %mul3A_71 : i32
    %add3A_73 = arith.constant 1 : i32
    %add3A_74 = arith.addi %mul3A_72, %add3A_73 : i32
    %mul3A_75 = arith.constant 50048 : i32
    %mul3A_76 = arith.muli %add3A_74, %mul3A_75 : i32
    %dma_start3A_77 = tpu.memref_slice %arg4[%mul3A_76] : memref<4804608xi32, #tpu.memory_space<hbm>> -> memref<50048xi32, #tpu.memory_space<hbm>>
    %dma_start3A_78 = tpu.memref_slice %arg4[%mul3A_76] : memref<4804608xi32, #tpu.memory_space<hbm>> -> memref<50048xi32, #tpu.memory_space<hbm>>
    tpu.enqueue_dma source(%arg6 : memref<50048xi32, #tpu.memory_space<vmem>>) target(%dma_start3A_78 : memref<50048xi32, #tpu.memory_space<hbm>>) target_semaphore(%arg12 : memref<!tpu.dma_semaphore, #tpu.memory_space<semaphore_mem>>)
    %dma_start3A_79 = arith.constant 100096 : i32
    %dma_start3A_80 = tpu.memref_slice %arg2[%dma_start3A_79] : memref<150144xi32, #tpu.memory_space<hbm>> -> memref<50048xi32, #tpu.memory_space<hbm>>
    %dma_start3A_81 = arith.constant 100096 : i32
    %dma_start3A_82 = tpu.memref_slice %arg2[%dma_start3A_81] : memref<150144xi32, #tpu.memory_space<hbm>> -> memref<50048xi32, #tpu.memory_space<hbm>>
    tpu.enqueue_dma source(%dma_start3A_82 : memref<50048xi32, #tpu.memory_space<hbm>>) target(%arg5 : memref<50048xi32, #tpu.memory_space<vmem>>) target_semaphore(%arg11 : memref<!tpu.dma_semaphore, #tpu.memory_space<semaphore_mem>>)
    %add3A_83 = arith.constant 0 : i32
    %add3A_84 = arith.addi %mul3A_2, %add3A_83 : i32
    %dma_start3A_85 = tpu.memref_slice %arg3[%add3A_84] : memref<3200000xi32, #tpu.memory_space<hbm>> -> memref<10000xi32, #tpu.memory_space<hbm>>
    %dma_start3A_86 = tpu.memref_slice %arg3[%add3A_84] : memref<3200000xi32, #tpu.memory_space<hbm>> -> memref<10000xi32, #tpu.memory_space<hbm>>
    tpu.enqueue_dma source(%dma_start3A_86 : memref<10000xi32, #tpu.memory_space<hbm>>) target(%arg7 : memref<10000xi32, #tpu.memory_space<vmem>>) target_semaphore(%arg9 : memref<!tpu.dma_semaphore, #tpu.memory_space<semaphore_mem>>)
    %mul3A_87 = arith.constant 3 : i32
    %mul3A_88 = arith.muli %add3A, %mul3A_87 : i32
    %add3A_89 = arith.constant 1 : i32
    %add3A_90 = arith.addi %mul3A_88, %add3A_89 : i32
    %mul3A_91 = arith.constant 50048 : i32
    %mul3A_92 = arith.muli %add3A_90, %mul3A_91 : i32
    %dma_wait3A_93 = tpu.memref_slice %arg4[%mul3A_92] : memref<4804608xi32, #tpu.memory_space<hbm>> -> memref<50048xi32, #tpu.memory_space<hbm>>
    %dma_wait3A_94 = tpu.memref_slice %arg4[%mul3A_92] : memref<4804608xi32, #tpu.memory_space<hbm>> -> memref<50048xi32, #tpu.memory_space<hbm>>
    tpu.wait_dma2 semaphore(%arg12 : memref<!tpu.dma_semaphore, #tpu.memory_space<semaphore_mem>>) src(%arg6 : memref<50048xi32, #tpu.memory_space<vmem>>) dst(%dma_wait3A_94 : memref<50048xi32, #tpu.memory_space<hbm>>)
    %broadcast_in_dim3A_95 = arith.constant -10374682 : i32
    %broadcast_in_dim3A_96 = vector.broadcast %broadcast_in_dim3A_95 : i32 to vector<16xi32>
    %scan3A_97 = arith.constant 0 : i32
    %scan3A_98 = arith.constant 0 : i32
    %scan3A_99 = arith.constant 391 : i32
    %scan3A_100 = arith.addi %scan3A_98, %scan3A_99 : i32
    %scan3A_101 = arith.constant 1 : i32
    scf.for %scan3A_129 = %scan3A_98 to %scan3A_100 step %scan3A_101  : i32 {
      %mul3A_130 = arith.constant 8 : i32
      %mul3A_131 = arith.muli %scan3A_129, %mul3A_130 : i32
      %add3A_132 = arith.constant 0 : i32
      %add3A_133 = arith.addi %mul3A_131, %add3A_132 : i32
      %mul3A_134 = arith.constant 16 : i32
      %mul3A_135 = arith.muli %add3A_133, %mul3A_134 : i32
      %swap3A = arith.index_cast %mul3A_135 : i32 to index
      %swap3A_136 = tpu.vector_load %arg6[%swap3A] {strides = array<i32>} : memref<50048xi32, #tpu.memory_space<vmem>>, vector<16xi32>,
      tpu.vector_store %arg6[%swap3A], %broadcast_in_dim3A_96 {strides = array<i32>} : memref<50048xi32, #tpu.memory_space<vmem>>, vector<16xi32>,
      %mul3A_137 = arith.constant 8 : i32
      %mul3A_138 = arith.muli %scan3A_129, %mul3A_137 : i32
      %add3A_139 = arith.constant 1 : i32
      %add3A_140 = arith.addi %mul3A_138, %add3A_139 : i32
      %mul3A_141 = arith.constant 16 : i32
      %mul3A_142 = arith.muli %add3A_140, %mul3A_141 : i32
      %swap3A_143 = arith.index_cast %mul3A_142 : i32 to index
      %swap3A_144 = tpu.vector_load %arg6[%swap3A_143] {strides = array<i32>} : memref<50048xi32, #tpu.memory_space<vmem>>, vector<16xi32>,
      tpu.vector_store %arg6[%swap3A_143], %broadcast_in_dim3A_96 {strides = array<i32>} : memref<50048xi32, #tpu.memory_space<vmem>>, vector<16xi32>,
      %mul3A_145 = arith.constant 8 : i32
      %mul3A_146 = arith.muli %scan3A_129, %mul3A_145 : i32
      %add3A_147 = arith.constant 2 : i32
      %add3A_148 = arith.addi %mul3A_146, %add3A_147 : i32
      %mul3A_149 = arith.constant 16 : i32
      %mul3A_150 = arith.muli %add3A_148, %mul3A_149 : i32
      %swap3A_151 = arith.index_cast %mul3A_150 : i32 to index
      %swap3A_152 = tpu.vector_load %arg6[%swap3A_151] {strides = array<i32>} : memref<50048xi32, #tpu.memory_space<vmem>>, vector<16xi32>,
      tpu.vector_store %arg6[%swap3A_151], %broadcast_in_dim3A_96 {strides = array<i32>} : memref<50048xi32, #tpu.memory_space<vmem>>, vector<16xi32>,
      %mul3A_153 = arith.constant 8 : i32
      %mul3A_154 = arith.muli %scan3A_129, %mul3A_153 : i32
      %add3A_155 = arith.constant 3 : i32
      %add3A_156 = arith.addi %mul3A_154, %add3A_155 : i32
      %mul3A_157 = arith.constant 16 : i32
      %mul3A_158 = arith.muli %add3A_156, %mul3A_157 : i32
      %swap3A_159 = arith.index_cast %mul3A_158 : i32 to index
      %swap3A_160 = tpu.vector_load %arg6[%swap3A_159] {strides = array<i32>} : memref<50048xi32, #tpu.memory_space<vmem>>, vector<16xi32>,
      tpu.vector_store %arg6[%swap3A_159], %broadcast_in_dim3A_96 {strides = array<i32>} : memref<50048xi32, #tpu.memory_space<vmem>>, vector<16xi32>,
      %mul3A_161 = arith.constant 8 : i32
      %mul3A_162 = arith.muli %scan3A_129, %mul3A_161 : i32
      %add3A_163 = arith.constant 4 : i32
      %add3A_164 = arith.addi %mul3A_162, %add3A_163 : i32
      %mul3A_165 = arith.constant 16 : i32
      %mul3A_166 = arith.muli %add3A_164, %mul3A_165 : i32
      %swap3A_167 = arith.index_cast %mul3A_166 : i32 to index
      %swap3A_168 = tpu.vector_load %arg6[%swap3A_167] {strides = array<i32>} : memref<50048xi32, #tpu.memory_space<vmem>>, vector<16xi32>,
      tpu.vector_store %arg6[%swap3A_167], %broadcast_in_dim3A_96 {strides = array<i32>} : memref<50048xi32, #tpu.memory_space<vmem>>, vector<16xi32>,
      %mul3A_169 = arith.constant 8 : i32
      %mul3A_170 = arith.muli %scan3A_129, %mul3A_169 : i32
      %add3A_171 = arith.constant 5 : i32
      %add3A_172 = arith.addi %mul3A_170, %add3A_171 : i32
      %mul3A_173 = arith.constant 16 : i32
      %mul3A_174 = arith.muli %add3A_172, %mul3A_173 : i32
      %swap3A_175 = arith.index_cast %mul3A_174 : i32 to index
      %swap3A_176 = tpu.vector_load %arg6[%swap3A_175] {strides = array<i32>} : memref<50048xi32, #tpu.memory_space<vmem>>, vector<16xi32>,
      tpu.vector_store %arg6[%swap3A_175], %broadcast_in_dim3A_96 {strides = array<i32>} : memref<50048xi32, #tpu.memory_space<vmem>>, vector<16xi32>,
      %mul3A_177 = arith.constant 8 : i32
      %mul3A_178 = arith.muli %scan3A_129, %mul3A_177 : i32
      %add3A_179 = arith.constant 6 : i32
      %add3A_180 = arith.addi %mul3A_178, %add3A_179 : i32
      %mul3A_181 = arith.constant 16 : i32
      %mul3A_182 = arith.muli %add3A_180, %mul3A_181 : i32
      %swap3A_183 = arith.index_cast %mul3A_182 : i32 to index
      %swap3A_184 = tpu.vector_load %arg6[%swap3A_183] {strides = array<i32>} : memref<50048xi32, #tpu.memory_space<vmem>>, vector<16xi32>,
      tpu.vector_store %arg6[%swap3A_183], %broadcast_in_dim3A_96 {strides = array<i32>} : memref<50048xi32, #tpu.memory_space<vmem>>, vector<16xi32>,
      %mul3A_185 = arith.constant 8 : i32
      %mul3A_186 = arith.muli %scan3A_129, %mul3A_185 : i32
      %add3A_187 = arith.constant 7 : i32
      %add3A_188 = arith.addi %mul3A_186, %add3A_187 : i32
      %mul3A_189 = arith.constant 16 : i32
      %mul3A_190 = arith.muli %add3A_188, %mul3A_189 : i32
      %swap3A_191 = arith.index_cast %mul3A_190 : i32 to index
      %swap3A_192 = tpu.vector_load %arg6[%swap3A_191] {strides = array<i32>} : memref<50048xi32, #tpu.memory_space<vmem>>, vector<16xi32>,
      tpu.vector_store %arg6[%swap3A_191], %broadcast_in_dim3A_96 {strides = array<i32>} : memref<50048xi32, #tpu.memory_space<vmem>>, vector<16xi32>,
    }
    %scan3A_102 = arith.constant 391 : i32
    %dma_wait3A_103 = arith.constant 100096 : i32
    %dma_wait3A_104 = tpu.memref_slice %arg2[%dma_wait3A_103] : memref<150144xi32, #tpu.memory_space<hbm>> -> memref<50048xi32, #tpu.memory_space<hbm>>
    %dma_wait3A_105 = arith.constant 100096 : i32
    %dma_wait3A_106 = tpu.memref_slice %arg2[%dma_wait3A_105] : memref<150144xi32, #tpu.memory_space<hbm>> -> memref<50048xi32, #tpu.memory_space<hbm>>
    tpu.wait_dma2 semaphore(%arg11 : memref<!tpu.dma_semaphore, #tpu.memory_space<semaphore_mem>>) src(%dma_wait3A_106 : memref<50048xi32, #tpu.memory_space<hbm>>) dst(%arg5 : memref<50048xi32, #tpu.memory_space<vmem>>)
    %scan3A_107 = arith.constant 0 : i32
    %scan3A_108 = arith.constant 0 : i32
    %scan3A_109 = arith.constant 5 : i32
    %scan3A_110 = arith.addi %scan3A_108, %scan3A_109 : i32
    %scan3A_111 = arith.constant 1 : i32
    scf.for %scan3A_129 = %scan3A_108 to %scan3A_110 step %scan3A_111  : i32 {
      %mul3A_130 = arith.constant 2 : i32
      %mul3A_131 = arith.muli %scan3A_129, %mul3A_130 : i32
      %add3A_132 = arith.constant 0 : i32
      %add3A_133 = arith.addi %mul3A_131, %add3A_132 : i32
      %mul3A_134 = arith.constant 10000 : i32
      %mul3A_135 = arith.muli %add3A_133, %mul3A_134 : i32
      %add3A_136 = arith.addi %mul3A_2, %mul3A_135 : i32
      %dma_wait3A_137 = tpu.memref_slice %arg3[%add3A_136] : memref<3200000xi32, #tpu.memory_space<hbm>> -> memref<10000xi32, #tpu.memory_space<hbm>>
      %dma_wait3A_138 = tpu.memref_slice %arg3[%add3A_136] : memref<3200000xi32, #tpu.memory_space<hbm>> -> memref<10000xi32, #tpu.memory_space<hbm>>
      tpu.wait_dma2 semaphore(%arg9 : memref<!tpu.dma_semaphore, #tpu.memory_space<semaphore_mem>>) src(%dma_wait3A_138 : memref<10000xi32, #tpu.memory_space<hbm>>) dst(%arg7 : memref<10000xi32, #tpu.memory_space<vmem>>)
      %lt3A = arith.constant 9 : i32
      %lt3A_139 = arith.cmpi slt, %add3A_133, %lt3A : i32
      %convert_element_type3A = arith.extui %lt3A_139 : i1 to i32
      %cond3A = arith.constant 0 : i32
      %cond3A_140 = arith.cmpi ne, %convert_element_type3A, %cond3A : i32
      scf.if %cond3A_140 {
        %add3A_191 = arith.constant 1 : i32
        %add3A_192 = arith.addi %add3A_133, %add3A_191 : i32
        %mul3A_193 = arith.constant 10000 : i32
        %mul3A_194 = arith.muli %add3A_192, %mul3A_193 : i32
        %add3A_195 = arith.addi %mul3A_2, %mul3A_194 : i32
        %dma_start3A_196 = tpu.memref_slice %arg3[%add3A_195] : memref<3200000xi32, #tpu.memory_space<hbm>> -> memref<10000xi32, #tpu.memory_space<hbm>>
        %dma_start3A_197 = tpu.memref_slice %arg3[%add3A_195] : memref<3200000xi32, #tpu.memory_space<hbm>> -> memref<10000xi32, #tpu.memory_space<hbm>>
        tpu.enqueue_dma source(%dma_start3A_197 : memref<10000xi32, #tpu.memory_space<hbm>>) target(%arg8 : memref<10000xi32, #tpu.memory_space<vmem>>) target_semaphore(%arg10 : memref<!tpu.dma_semaphore, #tpu.memory_space<semaphore_mem>>)
      } else {
      }
      %scan3A_141 = arith.constant 0 : i32
      %scan3A_142 = arith.constant 125 : i32
      %scan3A_143 = arith.addi %scan3A_141, %scan3A_142 : i32
      %scan3A_144 = arith.constant 1 : i32
      %scan3A_145 = scf.for %scan3A_191 = %scan3A_141 to %scan3A_143 step %scan3A_144 iter_args(%scan3A_192 = %broadcast_in_dim3A_3) -> (vector<16xi32>)  : i32 {
        %mul3A_193 = arith.constant 80 : i32
        %mul3A_194 = arith.muli %scan3A_191, %mul3A_193 : i32
        %add3A_195 = arith.constant 0 : i32
        %add3A_196 = arith.addi %mul3A_194, %add3A_195 : i32
        %get3A = arith.index_cast %add3A_196 : i32 to index
        %get3A_197 = tpu.vector_load %arg7[%get3A] {strides = array<i32>} : memref<10000xi32, #tpu.memory_space<vmem>>, vector<16xi32>,
        %and3A = arith.constant 65535 : i32
        %and3A_198 = vector.broadcast %and3A : i32 to vector<16xi32>
        %and3A_199 = arith.andi %get3A_197, %and3A_198 : vector<16xi32>
        %shift_right_logical3A = arith.constant 16 : i32
        %shift_right_logical3A_200 = vector.broadcast %shift_right_logical3A : i32 to vector<16xi32>
        %shift_right_logical3A_201 = arith.shrui %get3A_197, %shift_right_logical3A_200 : vector<16xi32>
        %gather3A = tpu.vector_load_idx %arg5[%and3A_199] : memref<50048xi32, #tpu.memory_space<vmem>>[vector<16xi32>], vector<16xi32>,
        %add3A_202 = arith.constant 16 : i32
        %add3A_203 = arith.addi %mul3A_194, %add3A_202 : i32
        %get3A_204 = arith.index_cast %add3A_203 : i32 to index
        %get3A_205 = tpu.vector_load %arg7[%get3A_204] {strides = array<i32>} : memref<10000xi32, #tpu.memory_space<vmem>>, vector<16xi32>,
        %and3A_206 = arith.constant 65535 : i32
        %and3A_207 = vector.broadcast %and3A_206 : i32 to vector<16xi32>
        %and3A_208 = arith.andi %get3A_205, %and3A_207 : vector<16xi32>
        %shift_right_logical3A_209 = arith.constant 16 : i32
        %shift_right_logical3A_210 = vector.broadcast %shift_right_logical3A_209 : i32 to vector<16xi32>
        %shift_right_logical3A_211 = arith.shrui %get3A_205, %shift_right_logical3A_210 : vector<16xi32>
        %gather3A_212 = tpu.vector_load_idx %arg5[%and3A_208] : memref<50048xi32, #tpu.memory_space<vmem>>[vector<16xi32>], vector<16xi32>,
        %add3A_213 = arith.constant 32 : i32
        %add3A_214 = arith.addi %mul3A_194, %add3A_213 : i32
        %get3A_215 = arith.index_cast %add3A_214 : i32 to index
        %get3A_216 = tpu.vector_load %arg7[%get3A_215] {strides = array<i32>} : memref<10000xi32, #tpu.memory_space<vmem>>, vector<16xi32>,
        %and3A_217 = arith.constant 65535 : i32
        %and3A_218 = vector.broadcast %and3A_217 : i32 to vector<16xi32>
        %and3A_219 = arith.andi %get3A_216, %and3A_218 : vector<16xi32>
        %shift_right_logical3A_220 = arith.constant 16 : i32
        %shift_right_logical3A_221 = vector.broadcast %shift_right_logical3A_220 : i32 to vector<16xi32>
        %shift_right_logical3A_222 = arith.shrui %get3A_216, %shift_right_logical3A_221 : vector<16xi32>
        %gather3A_223 = tpu.vector_load_idx %arg5[%and3A_219] : memref<50048xi32, #tpu.memory_space<vmem>>[vector<16xi32>], vector<16xi32>,
        %add3A_224 = arith.constant 48 : i32
        %add3A_225 = arith.addi %mul3A_194, %add3A_224 : i32
        %get3A_226 = arith.index_cast %add3A_225 : i32 to index
        %get3A_227 = tpu.vector_load %arg7[%get3A_226] {strides = array<i32>} : memref<10000xi32, #tpu.memory_space<vmem>>, vector<16xi32>,
        %and3A_228 = arith.constant 65535 : i32
        %and3A_229 = vector.broadcast %and3A_228 : i32 to vector<16xi32>
        %and3A_230 = arith.andi %get3A_227, %and3A_229 : vector<16xi32>
        %shift_right_logical3A_231 = arith.constant 16 : i32
        %shift_right_logical3A_232 = vector.broadcast %shift_right_logical3A_231 : i32 to vector<16xi32>
        %shift_right_logical3A_233 = arith.shrui %get3A_227, %shift_right_logical3A_232 : vector<16xi32>
        %gather3A_234 = tpu.vector_load_idx %arg5[%and3A_230] : memref<50048xi32, #tpu.memory_space<vmem>>[vector<16xi32>], vector<16xi32>,
        %add3A_235 = arith.constant 64 : i32
        %add3A_236 = arith.addi %mul3A_194, %add3A_235 : i32
        %get3A_237 = arith.index_cast %add3A_236 : i32 to index
        %get3A_238 = tpu.vector_load %arg7[%get3A_237] {strides = array<i32>} : memref<10000xi32, #tpu.memory_space<vmem>>, vector<16xi32>,
        %and3A_239 = arith.constant 65535 : i32
        %and3A_240 = vector.broadcast %and3A_239 : i32 to vector<16xi32>
        %and3A_241 = arith.andi %get3A_238, %and3A_240 : vector<16xi32>
        %shift_right_logical3A_242 = arith.constant 16 : i32
        %shift_right_logical3A_243 = vector.broadcast %shift_right_logical3A_242 : i32 to vector<16xi32>
        %shift_right_logical3A_244 = arith.shrui %get3A_238, %shift_right_logical3A_243 : vector<16xi32>
        %gather3A_245 = tpu.vector_load_idx %arg5[%and3A_241] : memref<50048xi32, #tpu.memory_space<vmem>>[vector<16xi32>], vector<16xi32>,
        %gather3A_246 = tpu.vector_load_idx %arg6[%shift_right_logical3A_201] : memref<50048xi32, #tpu.memory_space<vmem>>[vector<16xi32>], vector<16xi32>,
        %gather3A_247 = tpu.vector_load_idx %arg6[%shift_right_logical3A_211] : memref<50048xi32, #tpu.memory_space<vmem>>[vector<16xi32>], vector<16xi32>,
        %gather3A_248 = tpu.vector_load_idx %arg6[%shift_right_logical3A_222] : memref<50048xi32, #tpu.memory_space<vmem>>[vector<16xi32>], vector<16xi32>,
        %gather3A_249 = tpu.vector_load_idx %arg6[%shift_right_logical3A_233] : memref<50048xi32, #tpu.memory_space<vmem>>[vector<16xi32>], vector<16xi32>,
        %gather3A_250 = tpu.vector_load_idx %arg6[%shift_right_logical3A_244] : memref<50048xi32, #tpu.memory_space<vmem>>[vector<16xi32>], vector<16xi32>,
        %bitcast_convert_type3A = tpu.bitcast %gather3A : vector<16xi32> -> vector<16xf32>
        %bitcast_convert_type3A_251 = tpu.bitcast %gather3A_246 : vector<16xi32> -> vector<16xf32>
        %gt3A_252 = arith.cmpf ogt, %bitcast_convert_type3A, %bitcast_convert_type3A_251 : vector<16xf32>
        tpu.vector_store_idx %arg6[%shift_right_logical3A_201], %gather3A masked %gt3A_252 : memref<50048xi32, #tpu.memory_space<vmem>>[vector<16xi32>], vector<16xi32>, vector<16xi1>
        %bitcast_convert_type3A_253 = tpu.bitcast %gather3A_212 : vector<16xi32> -> vector<16xf32>
        %bitcast_convert_type3A_254 = tpu.bitcast %gather3A_247 : vector<16xi32> -> vector<16xf32>
        %gt3A_255 = arith.cmpf ogt, %bitcast_convert_type3A_253, %bitcast_convert_type3A_254 : vector<16xf32>
        tpu.vector_store_idx %arg6[%shift_right_logical3A_211], %gather3A_212 masked %gt3A_255 : memref<50048xi32, #tpu.memory_space<vmem>>[vector<16xi32>], vector<16xi32>, vector<16xi1>
        %bitcast_convert_type3A_256 = tpu.bitcast %gather3A_223 : vector<16xi32> -> vector<16xf32>
        %bitcast_convert_type3A_257 = tpu.bitcast %gather3A_248 : vector<16xi32> -> vector<16xf32>
        %gt3A_258 = arith.cmpf ogt, %bitcast_convert_type3A_256, %bitcast_convert_type3A_257 : vector<16xf32>
        tpu.vector_store_idx %arg6[%shift_right_logical3A_222], %gather3A_223 masked %gt3A_258 : memref<50048xi32, #tpu.memory_space<vmem>>[vector<16xi32>], vector<16xi32>, vector<16xi1>
        %bitcast_convert_type3A_259 = tpu.bitcast %gather3A_234 : vector<16xi32> -> vector<16xf32>
        %bitcast_convert_type3A_260 = tpu.bitcast %gather3A_249 : vector<16xi32> -> vector<16xf32>
        %gt3A_261 = arith.cmpf ogt, %bitcast_convert_type3A_259, %bitcast_convert_type3A_260 : vector<16xf32>
        tpu.vector_store_idx %arg6[%shift_right_logical3A_233], %gather3A_234 masked %gt3A_261 : memref<50048xi32, #tpu.memory_space<vmem>>[vector<16xi32>], vector<16xi32>, vector<16xi1>
        %bitcast_convert_type3A_262 = tpu.bitcast %gather3A_245 : vector<16xi32> -> vector<16xf32>
        %bitcast_convert_type3A_263 = tpu.bitcast %gather3A_250 : vector<16xi32> -> vector<16xf32>
        %gt3A_264 = arith.cmpf ogt, %bitcast_convert_type3A_262, %bitcast_convert_type3A_263 : vector<16xf32>
        tpu.vector_store_idx %arg6[%shift_right_logical3A_244], %gather3A_245 masked %gt3A_264 : memref<50048xi32, #tpu.memory_space<vmem>>[vector<16xi32>], vector<16xi32>, vector<16xi1>
        %gather3A_265 = tpu.vector_load_idx %arg6[%shift_right_logical3A_201] : memref<50048xi32, #tpu.memory_space<vmem>>[vector<16xi32>], vector<16xi32>,
        %gather3A_266 = tpu.vector_load_idx %arg6[%shift_right_logical3A_211] : memref<50048xi32, #tpu.memory_space<vmem>>[vector<16xi32>], vector<16xi32>,
        %gather3A_267 = tpu.vector_load_idx %arg6[%shift_right_logical3A_222] : memref<50048xi32, #tpu.memory_space<vmem>>[vector<16xi32>], vector<16xi32>,
        %gather3A_268 = tpu.vector_load_idx %arg6[%shift_right_logical3A_233] : memref<50048xi32, #tpu.memory_space<vmem>>[vector<16xi32>], vector<16xi32>,
        %gather3A_269 = tpu.vector_load_idx %arg6[%shift_right_logical3A_244] : memref<50048xi32, #tpu.memory_space<vmem>>[vector<16xi32>], vector<16xi32>,
        %bitcast_convert_type3A_270 = tpu.bitcast %gather3A : vector<16xi32> -> vector<16xf32>
        %bitcast_convert_type3A_271 = tpu.bitcast %gather3A_265 : vector<16xi32> -> vector<16xf32>
        %gt3A_272 = arith.cmpf ogt, %bitcast_convert_type3A_270, %bitcast_convert_type3A_271 : vector<16xf32>
        tpu.vector_store_idx %arg6[%shift_right_logical3A_201], %gather3A masked %gt3A_272 : memref<50048xi32, #tpu.memory_space<vmem>>[vector<16xi32>], vector<16xi32>, vector<16xi1>
        %bitcast_convert_type3A_273 = tpu.bitcast %gather3A_212 : vector<16xi32> -> vector<16xf32>
        %bitcast_convert_type3A_274 = tpu.bitcast %gather3A_266 : vector<16xi32> -> vector<16xf32>
        %gt3A_275 = arith.cmpf ogt, %bitcast_convert_type3A_273, %bitcast_convert_type3A_274 : vector<16xf32>
        tpu.vector_store_idx %arg6[%shift_right_logical3A_211], %gather3A_212 masked %gt3A_275 : memref<50048xi32, #tpu.memory_space<vmem>>[vector<16xi32>], vector<16xi32>, vector<16xi1>
        %bitcast_convert_type3A_276 = tpu.bitcast %gather3A_223 : vector<16xi32> -> vector<16xf32>
        %bitcast_convert_type3A_277 = tpu.bitcast %gather3A_267 : vector<16xi32> -> vector<16xf32>
        %gt3A_278 = arith.cmpf ogt, %bitcast_convert_type3A_276, %bitcast_convert_type3A_277 : vector<16xf32>
        tpu.vector_store_idx %arg6[%shift_right_logical3A_222], %gather3A_223 masked %gt3A_278 : memref<50048xi32, #tpu.memory_space<vmem>>[vector<16xi32>], vector<16xi32>, vector<16xi1>
        %bitcast_convert_type3A_279 = tpu.bitcast %gather3A_234 : vector<16xi32> -> vector<16xf32>
        %bitcast_convert_type3A_280 = tpu.bitcast %gather3A_268 : vector<16xi32> -> vector<16xf32>
        %gt3A_281 = arith.cmpf ogt, %bitcast_convert_type3A_279, %bitcast_convert_type3A_280 : vector<16xf32>
        tpu.vector_store_idx %arg6[%shift_right_logical3A_233], %gather3A_234 masked %gt3A_281 : memref<50048xi32, #tpu.memory_space<vmem>>[vector<16xi32>], vector<16xi32>, vector<16xi1>
        %bitcast_convert_type3A_282 = tpu.bitcast %gather3A_245 : vector<16xi32> -> vector<16xf32>
        %bitcast_convert_type3A_283 = tpu.bitcast %gather3A_269 : vector<16xi32> -> vector<16xf32>
        %gt3A_284 = arith.cmpf ogt, %bitcast_convert_type3A_282, %bitcast_convert_type3A_283 : vector<16xf32>
        tpu.vector_store_idx %arg6[%shift_right_logical3A_244], %gather3A_245 masked %gt3A_284 : memref<50048xi32, #tpu.memory_space<vmem>>[vector<16xi32>], vector<16xi32>, vector<16xi1>
        %gather3A_285 = tpu.vector_load_idx %arg6[%shift_right_logical3A_201] : memref<50048xi32, #tpu.memory_space<vmem>>[vector<16xi32>], vector<16xi32>,
        %bitcast_convert_type3A_286 = tpu.bitcast %gather3A : vector<16xi32> -> vector<16xf32>
        %bitcast_convert_type3A_287 = tpu.bitcast %gather3A_285 : vector<16xi32> -> vector<16xf32>
        %gt3A_288 = arith.cmpf ogt, %bitcast_convert_type3A_286, %bitcast_convert_type3A_287 : vector<16xf32>
        %gather3A_289 = tpu.vector_load_idx %arg6[%shift_right_logical3A_211] : memref<50048xi32, #tpu.memory_space<vmem>>[vector<16xi32>], vector<16xi32>,
        %bitcast_convert_type3A_290 = tpu.bitcast %gather3A_212 : vector<16xi32> -> vector<16xf32>
        %bitcast_convert_type3A_291 = tpu.bitcast %gather3A_289 : vector<16xi32> -> vector<16xf32>
        %gt3A_292 = arith.cmpf ogt, %bitcast_convert_type3A_290, %bitcast_convert_type3A_291 : vector<16xf32>
        %or3A = arith.ori %gt3A_288, %gt3A_292 : vector<16xi1>
        %gather3A_293 = tpu.vector_load_idx %arg6[%shift_right_logical3A_222] : memref<50048xi32, #tpu.memory_space<vmem>>[vector<16xi32>], vector<16xi32>,
        %bitcast_convert_type3A_294 = tpu.bitcast %gather3A_223 : vector<16xi32> -> vector<16xf32>
        %bitcast_convert_type3A_295 = tpu.bitcast %gather3A_293 : vector<16xi32> -> vector<16xf32>
        %gt3A_296 = arith.cmpf ogt, %bitcast_convert_type3A_294, %bitcast_convert_type3A_295 : vector<16xf32>
        %or3A_297 = arith.ori %or3A, %gt3A_296 : vector<16xi1>
        %gather3A_298 = tpu.vector_load_idx %arg6[%shift_right_logical3A_233] : memref<50048xi32, #tpu.memory_space<vmem>>[vector<16xi32>], vector<16xi32>,
        %bitcast_convert_type3A_299 = tpu.bitcast %gather3A_234 : vector<16xi32> -> vector<16xf32>
        %bitcast_convert_type3A_300 = tpu.bitcast %gather3A_298 : vector<16xi32> -> vector<16xf32>
        %gt3A_301 = arith.cmpf ogt, %bitcast_convert_type3A_299, %bitcast_convert_type3A_300 : vector<16xf32>
        %or3A_302 = arith.ori %or3A_297, %gt3A_301 : vector<16xi1>
        %gather3A_303 = tpu.vector_load_idx %arg6[%shift_right_logical3A_244] : memref<50048xi32, #tpu.memory_space<vmem>>[vector<16xi32>], vector<16xi32>,
        %bitcast_convert_type3A_304 = tpu.bitcast %gather3A_245 : vector<16xi32> -> vector<16xf32>
        %bitcast_convert_type3A_305 = tpu.bitcast %gather3A_303 : vector<16xi32> -> vector<16xf32>
        %gt3A_306 = arith.cmpf ogt, %bitcast_convert_type3A_304, %bitcast_convert_type3A_305 : vector<16xf32>
        %or3A_307 = arith.ori %or3A_302, %gt3A_306 : vector<16xi1>
        %select_n3A = arith.select %or3A_307, %broadcast_in_dim3A_5, %broadcast_in_dim3A_3 : vector<16xi1>, vector<16xi32>
        %or3A_308 = arith.ori %scan3A_192, %select_n3A : vector<16xi32>
        scf.yield %or3A_308 : vector<16xi32>
      }
      %scan3A_146 = arith.constant 125 : i32
      %reduce_max3A = arith.constant true
      %reduce_max3A_147 = vector.broadcast %reduce_max3A : i1 to vector<16xi1>
      %reduce_max3A_148 = arith.constant -2147483648 : i32
      %reduce_max3A_149 = vector.broadcast %reduce_max3A_148 : i32 to vector<16xi32>
      %reduce_max3A_150 = arith.xori %scan3A_145, %reduce_max3A_149 : vector<16xi32>
      %reduce_max3A_151 = tpu.scan <max>, %reduce_max3A_150 masked %reduce_max3A_147 : vector<16xi32>, vector<16xi1> -> vector<16xi32>
      %reduce_max3A_152 = arith.xori %reduce_max3A_151, %reduce_max3A_149 : vector<16xi32>
      %reduce_max3A_153 = vector.extract %reduce_max3A_152[15] : i32 from vector<16xi32>
      %gt3A = arith.constant 0 : i32
      %gt3A_154 = arith.cmpi sgt, %reduce_max3A_153, %gt3A : i32
      %convert_element_type3A_155 = arith.extui %gt3A_154 : i1 to i32
      %cond3A_156 = arith.constant 0 : i32
      %cond3A_157 = arith.cmpi ne, %convert_element_type3A_155, %cond3A_156 : i32
      scf.if %cond3A_157 {
        %scan3A_191 = arith.constant 0 : i32
        %scan3A_192 = arith.constant 0 : i32
        %scan3A_193 = arith.constant 625 : i32
        %scan3A_194 = arith.addi %scan3A_192, %scan3A_193 : i32
        %scan3A_195 = arith.constant 1 : i32
        scf.for %scan3A_197 = %scan3A_192 to %scan3A_194 step %scan3A_195  : i32 {
          %mul3A_198 = arith.constant 16 : i32
          %mul3A_199 = arith.muli %scan3A_197, %mul3A_198 : i32
          %get3A = arith.index_cast %mul3A_199 : i32 to index
          %get3A_200 = tpu.vector_load %arg7[%get3A] {strides = array<i32>} : memref<10000xi32, #tpu.memory_space<vmem>>, vector<16xi32>,
          %and3A = arith.constant 65535 : i32
          %and3A_201 = vector.broadcast %and3A : i32 to vector<16xi32>
          %and3A_202 = arith.andi %get3A_200, %and3A_201 : vector<16xi32>
          %shift_right_logical3A = arith.constant 16 : i32
          %shift_right_logical3A_203 = vector.broadcast %shift_right_logical3A : i32 to vector<16xi32>
          %shift_right_logical3A_204 = arith.shrui %get3A_200, %shift_right_logical3A_203 : vector<16xi32>
          %gather3A = tpu.vector_load_idx %arg5[%and3A_202] : memref<50048xi32, #tpu.memory_space<vmem>>[vector<16xi32>], vector<16xi32>,
          %scan3A_205 = arith.constant 0 : i32
          %scan3A_206 = arith.constant 0 : i32
          %scan3A_207 = arith.constant 16 : i32
          %scan3A_208 = arith.addi %scan3A_206, %scan3A_207 : i32
          %scan3A_209 = arith.constant 1 : i32
          scf.for %scan3A_211 = %scan3A_206 to %scan3A_208 step %scan3A_209  : i32 {
            %gather3A_212 = tpu.vector_load_idx %arg6[%shift_right_logical3A_204] : memref<50048xi32, #tpu.memory_space<vmem>>[vector<16xi32>], vector<16xi32>,
            %bitcast_convert_type3A = tpu.bitcast %gather3A : vector<16xi32> -> vector<16xf32>
            %bitcast_convert_type3A_213 = tpu.bitcast %gather3A_212 : vector<16xi32> -> vector<16xf32>
            %gt3A_214 = arith.cmpf ogt, %bitcast_convert_type3A, %bitcast_convert_type3A_213 : vector<16xf32>
            tpu.vector_store_idx %arg6[%shift_right_logical3A_204], %gather3A masked %gt3A_214 : memref<50048xi32, #tpu.memory_space<vmem>>[vector<16xi32>], vector<16xi32>, vector<16xi1>
          }
          %scan3A_210 = arith.constant 16 : i32
        }
        %scan3A_196 = arith.constant 625 : i32
      } else {
      }
      %mul3A_158 = arith.constant 2 : i32
      %mul3A_159 = arith.muli %scan3A_129, %mul3A_158 : i32
      %add3A_160 = arith.constant 1 : i32
      %add3A_161 = arith.addi %mul3A_159, %add3A_160 : i32
      %mul3A_162 = arith.constant 10000 : i32
      %mul3A_163 = arith.muli %add3A_161, %mul3A_162 : i32
      %add3A_164 = arith.addi %mul3A_2, %mul3A_163 : i32
      %dma_wait3A_165 = tpu.memref_slice %arg3[%add3A_164] : memref<3200000xi32, #tpu.memory_space<hbm>> -> memref<10000xi32, #tpu.memory_space<hbm>>
      %dma_wait3A_166 = tpu.memref_slice %arg3[%add3A_164] : memref<3200000xi32, #tpu.memory_space<hbm>> -> memref<10000xi32, #tpu.memory_space<hbm>>
      tpu.wait_dma2 semaphore(%arg10 : memref<!tpu.dma_semaphore, #tpu.memory_space<semaphore_mem>>) src(%dma_wait3A_166 : memref<10000xi32, #tpu.memory_space<hbm>>) dst(%arg8 : memref<10000xi32, #tpu.memory_space<vmem>>)
      %lt3A_167 = arith.constant 9 : i32
      %lt3A_168 = arith.cmpi slt, %add3A_161, %lt3A_167 : i32
      %convert_element_type3A_169 = arith.extui %lt3A_168 : i1 to i32
      %cond3A_170 = arith.constant 0 : i32
      %cond3A_171 = arith.cmpi ne, %convert_element_type3A_169, %cond3A_170 : i32
      scf.if %cond3A_171 {
        %add3A_191 = arith.constant 1 : i32
        %add3A_192 = arith.addi %add3A_161, %add3A_191 : i32
        %mul3A_193 = arith.constant 10000 : i32
        %mul3A_194 = arith.muli %add3A_192, %mul3A_193 : i32
        %add3A_195 = arith.addi %mul3A_2, %mul3A_194 : i32
        %dma_start3A_196 = tpu.memref_slice %arg3[%add3A_195] : memref<3200000xi32, #tpu.memory_space<hbm>> -> memref<10000xi32, #tpu.memory_space<hbm>>
        %dma_start3A_197 = tpu.memref_slice %arg3[%add3A_195] : memref<3200000xi32, #tpu.memory_space<hbm>> -> memref<10000xi32, #tpu.memory_space<hbm>>
        tpu.enqueue_dma source(%dma_start3A_197 : memref<10000xi32, #tpu.memory_space<hbm>>) target(%arg7 : memref<10000xi32, #tpu.memory_space<vmem>>) target_semaphore(%arg9 : memref<!tpu.dma_semaphore, #tpu.memory_space<semaphore_mem>>)
      } else {
      }
      %scan3A_172 = arith.constant 0 : i32
      %scan3A_173 = arith.constant 125 : i32
      %scan3A_174 = arith.addi %scan3A_172, %scan3A_173 : i32
      %scan3A_175 = arith.constant 1 : i32
      %scan3A_176 = scf.for %scan3A_191 = %scan3A_172 to %scan3A_174 step %scan3A_175 iter_args(%scan3A_192 = %broadcast_in_dim3A_3) -> (vector<16xi32>)  : i32 {
        %mul3A_193 = arith.constant 80 : i32
        %mul3A_194 = arith.muli %scan3A_191, %mul3A_193 : i32
        %add3A_195 = arith.constant 0 : i32
        %add3A_196 = arith.addi %mul3A_194, %add3A_195 : i32
        %get3A = arith.index_cast %add3A_196 : i32 to index
        %get3A_197 = tpu.vector_load %arg8[%get3A] {strides = array<i32>} : memref<10000xi32, #tpu.memory_space<vmem>>, vector<16xi32>,
        %and3A = arith.constant 65535 : i32
        %and3A_198 = vector.broadcast %and3A : i32 to vector<16xi32>
        %and3A_199 = arith.andi %get3A_197, %and3A_198 : vector<16xi32>
        %shift_right_logical3A = arith.constant 16 : i32
        %shift_right_logical3A_200 = vector.broadcast %shift_right_logical3A : i32 to vector<16xi32>
        %shift_right_logical3A_201 = arith.shrui %get3A_197, %shift_right_logical3A_200 : vector<16xi32>
        %gather3A = tpu.vector_load_idx %arg5[%and3A_199] : memref<50048xi32, #tpu.memory_space<vmem>>[vector<16xi32>], vector<16xi32>,
        %add3A_202 = arith.constant 16 : i32
        %add3A_203 = arith.addi %mul3A_194, %add3A_202 : i32
        %get3A_204 = arith.index_cast %add3A_203 : i32 to index
        %get3A_205 = tpu.vector_load %arg8[%get3A_204] {strides = array<i32>} : memref<10000xi32, #tpu.memory_space<vmem>>, vector<16xi32>,
        %and3A_206 = arith.constant 65535 : i32
        %and3A_207 = vector.broadcast %and3A_206 : i32 to vector<16xi32>
        %and3A_208 = arith.andi %get3A_205, %and3A_207 : vector<16xi32>
        %shift_right_logical3A_209 = arith.constant 16 : i32
        %shift_right_logical3A_210 = vector.broadcast %shift_right_logical3A_209 : i32 to vector<16xi32>
        %shift_right_logical3A_211 = arith.shrui %get3A_205, %shift_right_logical3A_210 : vector<16xi32>
        %gather3A_212 = tpu.vector_load_idx %arg5[%and3A_208] : memref<50048xi32, #tpu.memory_space<vmem>>[vector<16xi32>], vector<16xi32>,
        %add3A_213 = arith.constant 32 : i32
        %add3A_214 = arith.addi %mul3A_194, %add3A_213 : i32
        %get3A_215 = arith.index_cast %add3A_214 : i32 to index
        %get3A_216 = tpu.vector_load %arg8[%get3A_215] {strides = array<i32>} : memref<10000xi32, #tpu.memory_space<vmem>>, vector<16xi32>,
        %and3A_217 = arith.constant 65535 : i32
        %and3A_218 = vector.broadcast %and3A_217 : i32 to vector<16xi32>
        %and3A_219 = arith.andi %get3A_216, %and3A_218 : vector<16xi32>
        %shift_right_logical3A_220 = arith.constant 16 : i32
        %shift_right_logical3A_221 = vector.broadcast %shift_right_logical3A_220 : i32 to vector<16xi32>
        %shift_right_logical3A_222 = arith.shrui %get3A_216, %shift_right_logical3A_221 : vector<16xi32>
        %gather3A_223 = tpu.vector_load_idx %arg5[%and3A_219] : memref<50048xi32, #tpu.memory_space<vmem>>[vector<16xi32>], vector<16xi32>,
        %add3A_224 = arith.constant 48 : i32
        %add3A_225 = arith.addi %mul3A_194, %add3A_224 : i32
        %get3A_226 = arith.index_cast %add3A_225 : i32 to index
        %get3A_227 = tpu.vector_load %arg8[%get3A_226] {strides = array<i32>} : memref<10000xi32, #tpu.memory_space<vmem>>, vector<16xi32>,
        %and3A_228 = arith.constant 65535 : i32
        %and3A_229 = vector.broadcast %and3A_228 : i32 to vector<16xi32>
        %and3A_230 = arith.andi %get3A_227, %and3A_229 : vector<16xi32>
        %shift_right_logical3A_231 = arith.constant 16 : i32
        %shift_right_logical3A_232 = vector.broadcast %shift_right_logical3A_231 : i32 to vector<16xi32>
        %shift_right_logical3A_233 = arith.shrui %get3A_227, %shift_right_logical3A_232 : vector<16xi32>
        %gather3A_234 = tpu.vector_load_idx %arg5[%and3A_230] : memref<50048xi32, #tpu.memory_space<vmem>>[vector<16xi32>], vector<16xi32>,
        %add3A_235 = arith.constant 64 : i32
        %add3A_236 = arith.addi %mul3A_194, %add3A_235 : i32
        %get3A_237 = arith.index_cast %add3A_236 : i32 to index
        %get3A_238 = tpu.vector_load %arg8[%get3A_237] {strides = array<i32>} : memref<10000xi32, #tpu.memory_space<vmem>>, vector<16xi32>,
        %and3A_239 = arith.constant 65535 : i32
        %and3A_240 = vector.broadcast %and3A_239 : i32 to vector<16xi32>
        %and3A_241 = arith.andi %get3A_238, %and3A_240 : vector<16xi32>
        %shift_right_logical3A_242 = arith.constant 16 : i32
        %shift_right_logical3A_243 = vector.broadcast %shift_right_logical3A_242 : i32 to vector<16xi32>
        %shift_right_logical3A_244 = arith.shrui %get3A_238, %shift_right_logical3A_243 : vector<16xi32>
        %gather3A_245 = tpu.vector_load_idx %arg5[%and3A_241] : memref<50048xi32, #tpu.memory_space<vmem>>[vector<16xi32>], vector<16xi32>,
        %gather3A_246 = tpu.vector_load_idx %arg6[%shift_right_logical3A_201] : memref<50048xi32, #tpu.memory_space<vmem>>[vector<16xi32>], vector<16xi32>,
        %gather3A_247 = tpu.vector_load_idx %arg6[%shift_right_logical3A_211] : memref<50048xi32, #tpu.memory_space<vmem>>[vector<16xi32>], vector<16xi32>,
        %gather3A_248 = tpu.vector_load_idx %arg6[%shift_right_logical3A_222] : memref<50048xi32, #tpu.memory_space<vmem>>[vector<16xi32>], vector<16xi32>,
        %gather3A_249 = tpu.vector_load_idx %arg6[%shift_right_logical3A_233] : memref<50048xi32, #tpu.memory_space<vmem>>[vector<16xi32>], vector<16xi32>,
        %gather3A_250 = tpu.vector_load_idx %arg6[%shift_right_logical3A_244] : memref<50048xi32, #tpu.memory_space<vmem>>[vector<16xi32>], vector<16xi32>,
        %bitcast_convert_type3A = tpu.bitcast %gather3A : vector<16xi32> -> vector<16xf32>
        %bitcast_convert_type3A_251 = tpu.bitcast %gather3A_246 : vector<16xi32> -> vector<16xf32>
        %gt3A_252 = arith.cmpf ogt, %bitcast_convert_type3A, %bitcast_convert_type3A_251 : vector<16xf32>
        tpu.vector_store_idx %arg6[%shift_right_logical3A_201], %gather3A masked %gt3A_252 : memref<50048xi32, #tpu.memory_space<vmem>>[vector<16xi32>], vector<16xi32>, vector<16xi1>
        %bitcast_convert_type3A_253 = tpu.bitcast %gather3A_212 : vector<16xi32> -> vector<16xf32>
        %bitcast_convert_type3A_254 = tpu.bitcast %gather3A_247 : vector<16xi32> -> vector<16xf32>
        %gt3A_255 = arith.cmpf ogt, %bitcast_convert_type3A_253, %bitcast_convert_type3A_254 : vector<16xf32>
        tpu.vector_store_idx %arg6[%shift_right_logical3A_211], %gather3A_212 masked %gt3A_255 : memref<50048xi32, #tpu.memory_space<vmem>>[vector<16xi32>], vector<16xi32>, vector<16xi1>
        %bitcast_convert_type3A_256 = tpu.bitcast %gather3A_223 : vector<16xi32> -> vector<16xf32>
        %bitcast_convert_type3A_257 = tpu.bitcast %gather3A_248 : vector<16xi32> -> vector<16xf32>
        %gt3A_258 = arith.cmpf ogt, %bitcast_convert_type3A_256, %bitcast_convert_type3A_257 : vector<16xf32>
        tpu.vector_store_idx %arg6[%shift_right_logical3A_222], %gather3A_223 masked %gt3A_258 : memref<50048xi32, #tpu.memory_space<vmem>>[vector<16xi32>], vector<16xi32>, vector<16xi1>
        %bitcast_convert_type3A_259 = tpu.bitcast %gather3A_234 : vector<16xi32> -> vector<16xf32>
        %bitcast_convert_type3A_260 = tpu.bitcast %gather3A_249 : vector<16xi32> -> vector<16xf32>
        %gt3A_261 = arith.cmpf ogt, %bitcast_convert_type3A_259, %bitcast_convert_type3A_260 : vector<16xf32>
        tpu.vector_store_idx %arg6[%shift_right_logical3A_233], %gather3A_234 masked %gt3A_261 : memref<50048xi32, #tpu.memory_space<vmem>>[vector<16xi32>], vector<16xi32>, vector<16xi1>
        %bitcast_convert_type3A_262 = tpu.bitcast %gather3A_245 : vector<16xi32> -> vector<16xf32>
        %bitcast_convert_type3A_263 = tpu.bitcast %gather3A_250 : vector<16xi32> -> vector<16xf32>
        %gt3A_264 = arith.cmpf ogt, %bitcast_convert_type3A_262, %bitcast_convert_type3A_263 : vector<16xf32>
        tpu.vector_store_idx %arg6[%shift_right_logical3A_244], %gather3A_245 masked %gt3A_264 : memref<50048xi32, #tpu.memory_space<vmem>>[vector<16xi32>], vector<16xi32>, vector<16xi1>
        %gather3A_265 = tpu.vector_load_idx %arg6[%shift_right_logical3A_201] : memref<50048xi32, #tpu.memory_space<vmem>>[vector<16xi32>], vector<16xi32>,
        %gather3A_266 = tpu.vector_load_idx %arg6[%shift_right_logical3A_211] : memref<50048xi32, #tpu.memory_space<vmem>>[vector<16xi32>], vector<16xi32>,
        %gather3A_267 = tpu.vector_load_idx %arg6[%shift_right_logical3A_222] : memref<50048xi32, #tpu.memory_space<vmem>>[vector<16xi32>], vector<16xi32>,
        %gather3A_268 = tpu.vector_load_idx %arg6[%shift_right_logical3A_233] : memref<50048xi32, #tpu.memory_space<vmem>>[vector<16xi32>], vector<16xi32>,
        %gather3A_269 = tpu.vector_load_idx %arg6[%shift_right_logical3A_244] : memref<50048xi32, #tpu.memory_space<vmem>>[vector<16xi32>], vector<16xi32>,
        %bitcast_convert_type3A_270 = tpu.bitcast %gather3A : vector<16xi32> -> vector<16xf32>
        %bitcast_convert_type3A_271 = tpu.bitcast %gather3A_265 : vector<16xi32> -> vector<16xf32>
        %gt3A_272 = arith.cmpf ogt, %bitcast_convert_type3A_270, %bitcast_convert_type3A_271 : vector<16xf32>
        tpu.vector_store_idx %arg6[%shift_right_logical3A_201], %gather3A masked %gt3A_272 : memref<50048xi32, #tpu.memory_space<vmem>>[vector<16xi32>], vector<16xi32>, vector<16xi1>
        %bitcast_convert_type3A_273 = tpu.bitcast %gather3A_212 : vector<16xi32> -> vector<16xf32>
        %bitcast_convert_type3A_274 = tpu.bitcast %gather3A_266 : vector<16xi32> -> vector<16xf32>
        %gt3A_275 = arith.cmpf ogt, %bitcast_convert_type3A_273, %bitcast_convert_type3A_274 : vector<16xf32>
        tpu.vector_store_idx %arg6[%shift_right_logical3A_211], %gather3A_212 masked %gt3A_275 : memref<50048xi32, #tpu.memory_space<vmem>>[vector<16xi32>], vector<16xi32>, vector<16xi1>
        %bitcast_convert_type3A_276 = tpu.bitcast %gather3A_223 : vector<16xi32> -> vector<16xf32>
        %bitcast_convert_type3A_277 = tpu.bitcast %gather3A_267 : vector<16xi32> -> vector<16xf32>
        %gt3A_278 = arith.cmpf ogt, %bitcast_convert_type3A_276, %bitcast_convert_type3A_277 : vector<16xf32>
        tpu.vector_store_idx %arg6[%shift_right_logical3A_222], %gather3A_223 masked %gt3A_278 : memref<50048xi32, #tpu.memory_space<vmem>>[vector<16xi32>], vector<16xi32>, vector<16xi1>
        %bitcast_convert_type3A_279 = tpu.bitcast %gather3A_234 : vector<16xi32> -> vector<16xf32>
        %bitcast_convert_type3A_280 = tpu.bitcast %gather3A_268 : vector<16xi32> -> vector<16xf32>
        %gt3A_281 = arith.cmpf ogt, %bitcast_convert_type3A_279, %bitcast_convert_type3A_280 : vector<16xf32>
        tpu.vector_store_idx %arg6[%shift_right_logical3A_233], %gather3A_234 masked %gt3A_281 : memref<50048xi32, #tpu.memory_space<vmem>>[vector<16xi32>], vector<16xi32>, vector<16xi1>
        %bitcast_convert_type3A_282 = tpu.bitcast %gather3A_245 : vector<16xi32> -> vector<16xf32>
        %bitcast_convert_type3A_283 = tpu.bitcast %gather3A_269 : vector<16xi32> -> vector<16xf32>
        %gt3A_284 = arith.cmpf ogt, %bitcast_convert_type3A_282, %bitcast_convert_type3A_283 : vector<16xf32>
        tpu.vector_store_idx %arg6[%shift_right_logical3A_244], %gather3A_245 masked %gt3A_284 : memref<50048xi32, #tpu.memory_space<vmem>>[vector<16xi32>], vector<16xi32>, vector<16xi1>
        %gather3A_285 = tpu.vector_load_idx %arg6[%shift_right_logical3A_201] : memref<50048xi32, #tpu.memory_space<vmem>>[vector<16xi32>], vector<16xi32>,
        %bitcast_convert_type3A_286 = tpu.bitcast %gather3A : vector<16xi32> -> vector<16xf32>
        %bitcast_convert_type3A_287 = tpu.bitcast %gather3A_285 : vector<16xi32> -> vector<16xf32>
        %gt3A_288 = arith.cmpf ogt, %bitcast_convert_type3A_286, %bitcast_convert_type3A_287 : vector<16xf32>
        %gather3A_289 = tpu.vector_load_idx %arg6[%shift_right_logical3A_211] : memref<50048xi32, #tpu.memory_space<vmem>>[vector<16xi32>], vector<16xi32>,
        %bitcast_convert_type3A_290 = tpu.bitcast %gather3A_212 : vector<16xi32> -> vector<16xf32>
        %bitcast_convert_type3A_291 = tpu.bitcast %gather3A_289 : vector<16xi32> -> vector<16xf32>
        %gt3A_292 = arith.cmpf ogt, %bitcast_convert_type3A_290, %bitcast_convert_type3A_291 : vector<16xf32>
        %or3A = arith.ori %gt3A_288, %gt3A_292 : vector<16xi1>
        %gather3A_293 = tpu.vector_load_idx %arg6[%shift_right_logical3A_222] : memref<50048xi32, #tpu.memory_space<vmem>>[vector<16xi32>], vector<16xi32>,
        %bitcast_convert_type3A_294 = tpu.bitcast %gather3A_223 : vector<16xi32> -> vector<16xf32>
        %bitcast_convert_type3A_295 = tpu.bitcast %gather3A_293 : vector<16xi32> -> vector<16xf32>
        %gt3A_296 = arith.cmpf ogt, %bitcast_convert_type3A_294, %bitcast_convert_type3A_295 : vector<16xf32>
        %or3A_297 = arith.ori %or3A, %gt3A_296 : vector<16xi1>
        %gather3A_298 = tpu.vector_load_idx %arg6[%shift_right_logical3A_233] : memref<50048xi32, #tpu.memory_space<vmem>>[vector<16xi32>], vector<16xi32>,
        %bitcast_convert_type3A_299 = tpu.bitcast %gather3A_234 : vector<16xi32> -> vector<16xf32>
        %bitcast_convert_type3A_300 = tpu.bitcast %gather3A_298 : vector<16xi32> -> vector<16xf32>
        %gt3A_301 = arith.cmpf ogt, %bitcast_convert_type3A_299, %bitcast_convert_type3A_300 : vector<16xf32>
        %or3A_302 = arith.ori %or3A_297, %gt3A_301 : vector<16xi1>
        %gather3A_303 = tpu.vector_load_idx %arg6[%shift_right_logical3A_244] : memref<50048xi32, #tpu.memory_space<vmem>>[vector<16xi32>], vector<16xi32>,
        %bitcast_convert_type3A_304 = tpu.bitcast %gather3A_245 : vector<16xi32> -> vector<16xf32>
        %bitcast_convert_type3A_305 = tpu.bitcast %gather3A_303 : vector<16xi32> -> vector<16xf32>
        %gt3A_306 = arith.cmpf ogt, %bitcast_convert_type3A_304, %bitcast_convert_type3A_305 : vector<16xf32>
        %or3A_307 = arith.ori %or3A_302, %gt3A_306 : vector<16xi1>
        %select_n3A = arith.select %or3A_307, %broadcast_in_dim3A_5, %broadcast_in_dim3A_3 : vector<16xi1>, vector<16xi32>
        %or3A_308 = arith.ori %scan3A_192, %select_n3A : vector<16xi32>
        scf.yield %or3A_308 : vector<16xi32>
      }
      %scan3A_177 = arith.constant 125 : i32
      %reduce_max3A_178 = arith.constant true
      %reduce_max3A_179 = vector.broadcast %reduce_max3A_178 : i1 to vector<16xi1>
      %reduce_max3A_180 = arith.constant -2147483648 : i32
      %reduce_max3A_181 = vector.broadcast %reduce_max3A_180 : i32 to vector<16xi32>
      %reduce_max3A_182 = arith.xori %scan3A_176, %reduce_max3A_181 : vector<16xi32>
      %reduce_max3A_183 = tpu.scan <max>, %reduce_max3A_182 masked %reduce_max3A_179 : vector<16xi32>, vector<16xi1> -> vector<16xi32>
      %reduce_max3A_184 = arith.xori %reduce_max3A_183, %reduce_max3A_181 : vector<16xi32>
      %reduce_max3A_185 = vector.extract %reduce_max3A_184[15] : i32 from vector<16xi32>
      %gt3A_186 = arith.constant 0 : i32
      %gt3A_187 = arith.cmpi sgt, %reduce_max3A_185, %gt3A_186 : i32
      %convert_element_type3A_188 = arith.extui %gt3A_187 : i1 to i32
      %cond3A_189 = arith.constant 0 : i32
      %cond3A_190 = arith.cmpi ne, %convert_element_type3A_188, %cond3A_189 : i32
      scf.if %cond3A_190 {
        %scan3A_191 = arith.constant 0 : i32
        %scan3A_192 = arith.constant 0 : i32
        %scan3A_193 = arith.constant 625 : i32
        %scan3A_194 = arith.addi %scan3A_192, %scan3A_193 : i32
        %scan3A_195 = arith.constant 1 : i32
        scf.for %scan3A_197 = %scan3A_192 to %scan3A_194 step %scan3A_195  : i32 {
          %mul3A_198 = arith.constant 16 : i32
          %mul3A_199 = arith.muli %scan3A_197, %mul3A_198 : i32
          %get3A = arith.index_cast %mul3A_199 : i32 to index
          %get3A_200 = tpu.vector_load %arg8[%get3A] {strides = array<i32>} : memref<10000xi32, #tpu.memory_space<vmem>>, vector<16xi32>,
          %and3A = arith.constant 65535 : i32
          %and3A_201 = vector.broadcast %and3A : i32 to vector<16xi32>
          %and3A_202 = arith.andi %get3A_200, %and3A_201 : vector<16xi32>
          %shift_right_logical3A = arith.constant 16 : i32
          %shift_right_logical3A_203 = vector.broadcast %shift_right_logical3A : i32 to vector<16xi32>
          %shift_right_logical3A_204 = arith.shrui %get3A_200, %shift_right_logical3A_203 : vector<16xi32>
          %gather3A = tpu.vector_load_idx %arg5[%and3A_202] : memref<50048xi32, #tpu.memory_space<vmem>>[vector<16xi32>], vector<16xi32>,
          %scan3A_205 = arith.constant 0 : i32
          %scan3A_206 = arith.constant 0 : i32
          %scan3A_207 = arith.constant 16 : i32
          %scan3A_208 = arith.addi %scan3A_206, %scan3A_207 : i32
          %scan3A_209 = arith.constant 1 : i32
          scf.for %scan3A_211 = %scan3A_206 to %scan3A_208 step %scan3A_209  : i32 {
            %gather3A_212 = tpu.vector_load_idx %arg6[%shift_right_logical3A_204] : memref<50048xi32, #tpu.memory_space<vmem>>[vector<16xi32>], vector<16xi32>,
            %bitcast_convert_type3A = tpu.bitcast %gather3A : vector<16xi32> -> vector<16xf32>
            %bitcast_convert_type3A_213 = tpu.bitcast %gather3A_212 : vector<16xi32> -> vector<16xf32>
            %gt3A_214 = arith.cmpf ogt, %bitcast_convert_type3A, %bitcast_convert_type3A_213 : vector<16xf32>
            tpu.vector_store_idx %arg6[%shift_right_logical3A_204], %gather3A masked %gt3A_214 : memref<50048xi32, #tpu.memory_space<vmem>>[vector<16xi32>], vector<16xi32>, vector<16xi1>
          }
          %scan3A_210 = arith.constant 16 : i32
        }
        %scan3A_196 = arith.constant 625 : i32
      } else {
      }
    }
    %scan3A_112 = arith.constant 5 : i32
    %mul3A_113 = arith.constant 3 : i32
    %mul3A_114 = arith.muli %add3A, %mul3A_113 : i32
    %add3A_115 = arith.constant 2 : i32
    %add3A_116 = arith.addi %mul3A_114, %add3A_115 : i32
    %mul3A_117 = arith.constant 50048 : i32
    %mul3A_118 = arith.muli %add3A_116, %mul3A_117 : i32
    %dma_start3A_119 = tpu.memref_slice %arg4[%mul3A_118] : memref<4804608xi32, #tpu.memory_space<hbm>> -> memref<50048xi32, #tpu.memory_space<hbm>>
    %dma_start3A_120 = tpu.memref_slice %arg4[%mul3A_118] : memref<4804608xi32, #tpu.memory_space<hbm>> -> memref<50048xi32, #tpu.memory_space<hbm>>
    tpu.enqueue_dma source(%arg6 : memref<50048xi32, #tpu.memory_space<vmem>>) target(%dma_start3A_120 : memref<50048xi32, #tpu.memory_space<hbm>>) target_semaphore(%arg12 : memref<!tpu.dma_semaphore, #tpu.memory_space<semaphore_mem>>)
    %mul3A_121 = arith.constant 3 : i32
    %mul3A_122 = arith.muli %add3A, %mul3A_121 : i32
    %add3A_123 = arith.constant 2 : i32
    %add3A_124 = arith.addi %mul3A_122, %add3A_123 : i32
    %mul3A_125 = arith.constant 50048 : i32
    %mul3A_126 = arith.muli %add3A_124, %mul3A_125 : i32
    %dma_wait3A_127 = tpu.memref_slice %arg4[%mul3A_126] : memref<4804608xi32, #tpu.memory_space<hbm>> -> memref<50048xi32, #tpu.memory_space<hbm>>
    %dma_wait3A_128 = tpu.memref_slice %arg4[%mul3A_126] : memref<4804608xi32, #tpu.memory_space<hbm>> -> memref<50048xi32, #tpu.memory_space<hbm>>
    tpu.wait_dma2 semaphore(%arg12 : memref<!tpu.dma_semaphore, #tpu.memory_space<semaphore_mem>>) src(%arg6 : memref<50048xi32, #tpu.memory_space<vmem>>) dst(%dma_wait3A_128 : memref<50048xi32, #tpu.memory_space<hbm>>)
    return
  }
}

module attributes {stable_mosaic.version = 14 : i64} {
  func.func @_tc1_body(%arg0: i32, %arg1: memref<5x2944xf32, #tpu.memory_space<vmem>>, %arg2: memref<5x5xf32, #tpu.memory_space<vmem>>, %arg3: memref<5x5xf32, #tpu.memory_space<vmem>>, %arg4: memref<5xf32, #tpu.memory_space<vmem>>, %arg5: memref<5x2944xf32, #tpu.memory_space<vmem>>, %arg6: memref<3x2944xi32, #tpu.memory_space<vmem>>) attributes {dimension_semantics = [#tpu.dimension_semantics<arbitrary>], iteration_bounds = array<i64: 17>, scalar_prefetch = 0 : i64, scratch_operands = 0 : i64, tpu.core_type = #tpu.core_type<tc>, window_params = [{transform_indices = @transform_0, window_bounds = array<i64: 5, 2944>}, {pipeline_mode = #tpu.pipeline_mode<synchronous>, transform_indices = @transform_1, window_bounds = array<i64: 5, 5>}, {pipeline_mode = #tpu.pipeline_mode<synchronous>, transform_indices = @transform_2, window_bounds = array<i64: 5, 5>}, {pipeline_mode = #tpu.pipeline_mode<synchronous>, transform_indices = @transform_3, window_bounds = array<i64: 5>}, {transform_indices = @transform_4, window_bounds = array<i64: 5, 2944>}, {transform_indices = @transform_5, window_bounds = array<i64: 3, 2944>}]} {
    %get3A = arith.constant 0 : index
    %get3A_0 = arith.constant 0 : index
    %get3A_1 = vector.load %arg1[%get3A, %get3A_0] : memref<5x2944xf32, #tpu.memory_space<vmem>>, vector<5x2944xf32>
    %get3A_2 = arith.constant 0 : index
    %get3A_3 = arith.constant 0 : index
    %get3A_4 = vector.load %arg2[%get3A_2, %get3A_3] : memref<5x5xf32, #tpu.memory_space<vmem>>, vector<5x5xf32>
    %dot_general3A = arith.constant dense<0.000000e+00> : vector<5x2944xf32>
    %dot_general3A_5 = tpu.matmul %get3A_4, %get3A_1, %dot_general3A {dimension_numbers = #tpu.dot_dimension_numbers<[0], [0], [1], [1], [0, 1, 1, 1], [], []>, precision = #tpu.contract_precision<fp32>, transpose_lhs_hint = false} : vector<5x5xf32>, vector<5x2944xf32>, vector<5x2944xf32> -> vector<5x2944xf32>
    %get3A_6 = arith.constant 0 : index
    %get3A_7 = vector.load %arg4[%get3A_6] : memref<5xf32, #tpu.memory_space<vmem>>, vector<5xf32>
    %reshape3A = vector.shape_cast %get3A_7 : vector<5xf32> to vector<5x1xf32>
    %add3A = vector.broadcast %reshape3A : vector<5x1xf32> to vector<5x2944xf32>
    %add3A_8 = arith.addf %dot_general3A_5, %add3A : vector<5x2944xf32>
    %swap3A = arith.constant 0 : index
    %swap3A_9 = arith.constant 0 : index
    %swap3A_10 = vector.load %arg5[%swap3A, %swap3A_9] : memref<5x2944xf32, #tpu.memory_space<vmem>>, vector<5x2944xf32>
    tpu.vector_store %arg5[%swap3A, %swap3A_9], %add3A_8 {strides = array<i32>} : memref<5x2944xf32, #tpu.memory_space<vmem>>, vector<5x2944xf32>,
    %get3A_11 = arith.constant 0 : index
    %get3A_12 = arith.constant 0 : index
    %get3A_13 = vector.load %arg3[%get3A_11, %get3A_12] : memref<5x5xf32, #tpu.memory_space<vmem>>, vector<5x5xf32>
    %dot_general3A_14 = arith.constant dense<0.000000e+00> : vector<5x2944xf32>
    %dot_general3A_15 = tpu.matmul %get3A_13, %get3A_1, %dot_general3A_14 {dimension_numbers = #tpu.dot_dimension_numbers<[0], [0], [1], [1], [0, 1, 1, 1], [], []>, precision = #tpu.contract_precision<fp32>, transpose_lhs_hint = false} : vector<5x5xf32>, vector<5x2944xf32>, vector<5x2944xf32> -> vector<5x2944xf32>
    %convert_element_type3A = arith.truncf %dot_general3A_15 : vector<5x2944xf32> to vector<5x2944xbf16>
    %bitcast_convert_type3A = tpu.bitcast %convert_element_type3A : vector<5x2944xbf16> -> vector<5x2944xi16>
    %convert_element_type3A_16 = arith.extui %bitcast_convert_type3A : vector<5x2944xi16> to vector<5x2944xi32>
    %slice3A = vector.extract_strided_slice %convert_element_type3A_16 {offsets = [1, 0], sizes = [1, 2944], strides = [1, 1]} : vector<5x2944xi32> to vector<1x2944xi32>
    %squeeze3A = vector.shape_cast %slice3A : vector<1x2944xi32> to vector<2944xi32>
    %shift_left3A = arith.constant 16 : i32
    %shift_left3A_17 = vector.broadcast %shift_left3A : i32 to vector<2944xi32>
    %shift_left3A_18 = arith.shli %squeeze3A, %shift_left3A_17 : vector<2944xi32>
    %slice3A_19 = vector.extract_strided_slice %convert_element_type3A_16 {offsets = [0, 0], sizes = [1, 2944], strides = [1, 1]} : vector<5x2944xi32> to vector<1x2944xi32>
    %squeeze3A_20 = vector.shape_cast %slice3A_19 : vector<1x2944xi32> to vector<2944xi32>
    %or3A = arith.ori %shift_left3A_18, %squeeze3A_20 : vector<2944xi32>
    %broadcast_in_dim3A = vector.shape_cast %or3A : vector<2944xi32> to vector<1x2944xi32>
    %slice3A_21 = vector.extract_strided_slice %convert_element_type3A_16 {offsets = [3, 0], sizes = [1, 2944], strides = [1, 1]} : vector<5x2944xi32> to vector<1x2944xi32>
    %squeeze3A_22 = vector.shape_cast %slice3A_21 : vector<1x2944xi32> to vector<2944xi32>
    %shift_left3A_23 = arith.constant 16 : i32
    %shift_left3A_24 = vector.broadcast %shift_left3A_23 : i32 to vector<2944xi32>
    %shift_left3A_25 = arith.shli %squeeze3A_22, %shift_left3A_24 : vector<2944xi32>
    %slice3A_26 = vector.extract_strided_slice %convert_element_type3A_16 {offsets = [2, 0], sizes = [1, 2944], strides = [1, 1]} : vector<5x2944xi32> to vector<1x2944xi32>
    %squeeze3A_27 = vector.shape_cast %slice3A_26 : vector<1x2944xi32> to vector<2944xi32>
    %or3A_28 = arith.ori %shift_left3A_25, %squeeze3A_27 : vector<2944xi32>
    %broadcast_in_dim3A_29 = vector.shape_cast %or3A_28 : vector<2944xi32> to vector<1x2944xi32>
    %slice3A_30 = vector.extract_strided_slice %dot_general3A_15 {offsets = [4, 0], sizes = [1, 2944], strides = [1, 1]} : vector<5x2944xf32> to vector<1x2944xf32>
    %squeeze3A_31 = vector.shape_cast %slice3A_30 : vector<1x2944xf32> to vector<2944xf32>
    %bitcast_convert_type3A_32 = tpu.bitcast %squeeze3A_31 : vector<2944xf32> -> vector<2944xi32>
    %broadcast_in_dim3A_33 = vector.shape_cast %bitcast_convert_type3A_32 : vector<2944xi32> to vector<1x2944xi32>
    %concatenate3A = tpu.concatenate %broadcast_in_dim3A, %broadcast_in_dim3A_29, %broadcast_in_dim3A_33 in 0 : vector<1x2944xi32>, vector<1x2944xi32>, vector<1x2944xi32> -> vector<3x2944xi32>
    %swap3A_34 = arith.constant 0 : index
    %swap3A_35 = arith.constant 0 : index
    %swap3A_36 = vector.load %arg6[%swap3A_34, %swap3A_35] : memref<3x2944xi32, #tpu.memory_space<vmem>>, vector<3x2944xi32>
    tpu.vector_store %arg6[%swap3A_34, %swap3A_35], %concatenate3A {strides = array<i32>} : memref<3x2944xi32, #tpu.memory_space<vmem>>, vector<3x2944xi32>,
    return
  }
  func.func @transform_0(%arg0: i32) -> (i32, i32) {
    %c0_i32 = arith.constant 0 : i32
    %c0_i32_0 = arith.constant 0 : i32
    return %c0_i32, %arg0 : i32, i32
  }
  func.func @transform_1(%arg0: i32) -> (i32, i32) {
    %c0_i32 = arith.constant 0 : i32
    %c0_i32_0 = arith.constant 0 : i32
    %c0_i32_1 = arith.constant 0 : i32
    return %c0_i32, %c0_i32_0 : i32, i32
  }
  func.func @transform_2(%arg0: i32) -> (i32, i32) {
    %c0_i32 = arith.constant 0 : i32
    %c0_i32_0 = arith.constant 0 : i32
    %c0_i32_1 = arith.constant 0 : i32
    return %c0_i32, %c0_i32_0 : i32, i32
  }
  func.func @transform_3(%arg0: i32) -> i32 {
    %c0_i32 = arith.constant 0 : i32
    %c0_i32_0 = arith.constant 0 : i32
    return %c0_i32 : i32
  }
  func.func @transform_4(%arg0: i32) -> (i32, i32) {
    %c0_i32 = arith.constant 0 : i32
    %c0_i32_0 = arith.constant 0 : i32
    return %c0_i32, %arg0 : i32, i32
  }
  func.func @transform_5(%arg0: i32) -> (i32, i32) {
    %c0_i32 = arith.constant 0 : i32
    %c0_i32_0 = arith.constant 0 : i32
    return %c0_i32, %arg0 : i32, i32
  }
}

module attributes {stable_mosaic.version = 14 : i64} {
  func.func @_pack_body(%arg0: i32, %arg1: memref<2x128000xi32, #tpu.memory_space<vmem>>, %arg2: memref<128000xi32, #tpu.memory_space<vmem>>) attributes {dimension_semantics = [#tpu.dimension_semantics<arbitrary>], iteration_bounds = array<i64: 25>, scalar_prefetch = 0 : i64, scratch_operands = 0 : i64, tpu.core_type = #tpu.core_type<tc>, window_params = [{transform_indices = @transform_0, window_bounds = array<i64: 2, 128000>}, {transform_indices = @transform_1, window_bounds = array<i64: 128000>}]} {
    %get3A = arith.constant 0 : index
    %get3A_0 = arith.constant 0 : index
    %get3A_1 = vector.load %arg1[%get3A, %get3A_0] : memref<2x128000xi32, #tpu.memory_space<vmem>>, vector<2x128000xi32>
    %slice3A = vector.extract_strided_slice %get3A_1 {offsets = [0, 0], sizes = [1, 128000], strides = [1, 1]} : vector<2x128000xi32> to vector<1x128000xi32>
    %squeeze3A = vector.shape_cast %slice3A : vector<1x128000xi32> to vector<128000xi32>
    %slice3A_2 = vector.extract_strided_slice %get3A_1 {offsets = [1, 0], sizes = [1, 128000], strides = [1, 1]} : vector<2x128000xi32> to vector<1x128000xi32>
    %squeeze3A_3 = vector.shape_cast %slice3A_2 : vector<1x128000xi32> to vector<128000xi32>
    %shift_left3A = arith.constant 16 : i32
    %shift_left3A_4 = vector.broadcast %shift_left3A : i32 to vector<128000xi32>
    %shift_left3A_5 = arith.shli %squeeze3A_3, %shift_left3A_4 : vector<128000xi32>
    %or3A = arith.ori %shift_left3A_5, %squeeze3A : vector<128000xi32>
    %swap3A = arith.constant 0 : index
    %swap3A_6 = vector.load %arg2[%swap3A] : memref<128000xi32, #tpu.memory_space<vmem>>, vector<128000xi32>
    tpu.vector_store %arg2[%swap3A], %or3A {strides = array<i32>} : memref<128000xi32, #tpu.memory_space<vmem>>, vector<128000xi32>,
    return
  }
  func.func @transform_0(%arg0: i32) -> (i32, i32) {
    %c0_i32 = arith.constant 0 : i32
    %c0_i32_0 = arith.constant 0 : i32
    return %c0_i32, %arg0 : i32, i32
  }
  func.func @transform_1(%arg0: i32) -> i32 {
    %c0_i32 = arith.constant 0 : i32
    return %arg0 : i32
  }
}

module attributes {stable_mosaic.version = 14 : i64} {
  func.func @_tc2_body(%arg0: i32, %arg1: memref<96x2944xi32, #tpu.memory_space<vmem>>, %arg2: memref<5x2944xf32, #tpu.memory_space<vmem>>, %arg3: memref<5x2944xf32, #tpu.memory_space<vmem>>) attributes {dimension_semantics = [#tpu.dimension_semantics<arbitrary>], iteration_bounds = array<i64: 17>, scalar_prefetch = 0 : i64, scratch_operands = 0 : i64, tpu.core_type = #tpu.core_type<tc>, window_params = [{transform_indices = @transform_0, window_bounds = array<i64: 96, 2944>}, {transform_indices = @transform_1, window_bounds = array<i64: 5, 2944>}, {transform_indices = @transform_2, window_bounds = array<i64: 5, 2944>}]} {
    %get3A = arith.constant 0 : index
    %get3A_0 = arith.constant 0 : index
    %get3A_1 = vector.load %arg1[%get3A, %get3A_0] : memref<96x2944xi32, #tpu.memory_space<vmem>>, vector<96x2944xi32>
    %reshape3A = vector.shape_cast %get3A_1 : vector<96x2944xi32> to vector<32x3x2944xi32>
    %slice3A = vector.extract_strided_slice %reshape3A {offsets = [0, 0, 0], sizes = [32, 1, 2944], strides = [1, 1, 1]} : vector<32x3x2944xi32> to vector<32x1x2944xi32>
    %squeeze3A = vector.shape_cast %slice3A : vector<32x1x2944xi32> to vector<32x2944xi32>
    %shift_left3A = arith.constant 16 : i32
    %shift_left3A_2 = vector.broadcast %shift_left3A : i32 to vector<32x2944xi32>
    %shift_left3A_3 = arith.shli %squeeze3A, %shift_left3A_2 : vector<32x2944xi32>
    %bitcast_convert_type3A = tpu.bitcast %shift_left3A_3 : vector<32x2944xi32> -> vector<32x2944xf32>
    %and3A = arith.constant -65536 : i32
    %and3A_4 = vector.broadcast %and3A : i32 to vector<32x2944xi32>
    %and3A_5 = arith.andi %squeeze3A, %and3A_4 : vector<32x2944xi32>
    %bitcast_convert_type3A_6 = tpu.bitcast %and3A_5 : vector<32x2944xi32> -> vector<32x2944xf32>
    %slice3A_7 = vector.extract_strided_slice %reshape3A {offsets = [0, 1, 0], sizes = [32, 1, 2944], strides = [1, 1, 1]} : vector<32x3x2944xi32> to vector<32x1x2944xi32>
    %squeeze3A_8 = vector.shape_cast %slice3A_7 : vector<32x1x2944xi32> to vector<32x2944xi32>
    %shift_left3A_9 = arith.constant 16 : i32
    %shift_left3A_10 = vector.broadcast %shift_left3A_9 : i32 to vector<32x2944xi32>
    %shift_left3A_11 = arith.shli %squeeze3A_8, %shift_left3A_10 : vector<32x2944xi32>
    %bitcast_convert_type3A_12 = tpu.bitcast %shift_left3A_11 : vector<32x2944xi32> -> vector<32x2944xf32>
    %and3A_13 = arith.constant -65536 : i32
    %and3A_14 = vector.broadcast %and3A_13 : i32 to vector<32x2944xi32>
    %and3A_15 = arith.andi %squeeze3A_8, %and3A_14 : vector<32x2944xi32>
    %bitcast_convert_type3A_16 = tpu.bitcast %and3A_15 : vector<32x2944xi32> -> vector<32x2944xf32>
    %slice3A_17 = vector.extract_strided_slice %reshape3A {offsets = [0, 2, 0], sizes = [32, 1, 2944], strides = [1, 1, 1]} : vector<32x3x2944xi32> to vector<32x1x2944xi32>
    %squeeze3A_18 = vector.shape_cast %slice3A_17 : vector<32x1x2944xi32> to vector<32x2944xi32>
    %bitcast_convert_type3A_19 = tpu.bitcast %squeeze3A_18 : vector<32x2944xi32> -> vector<32x2944xf32>
    %reduce_max3A = arith.constant dense<0xFF800000> : vector<2944xf32>
    %reduce_max3A_20 = vector.multi_reduction <maximumf>, %bitcast_convert_type3A, %reduce_max3A [0] : vector<32x2944xf32> to vector<2944xf32>
    %broadcast_in_dim3A = vector.shape_cast %reduce_max3A_20 : vector<2944xf32> to vector<1x2944xf32>
    %reduce_max3A_21 = arith.constant dense<0xFF800000> : vector<2944xf32>
    %reduce_max3A_22 = vector.multi_reduction <maximumf>, %bitcast_convert_type3A_6, %reduce_max3A_21 [0] : vector<32x2944xf32> to vector<2944xf32>
    %broadcast_in_dim3A_23 = vector.shape_cast %reduce_max3A_22 : vector<2944xf32> to vector<1x2944xf32>
    %reduce_max3A_24 = arith.constant dense<0xFF800000> : vector<2944xf32>
    %reduce_max3A_25 = vector.multi_reduction <maximumf>, %bitcast_convert_type3A_12, %reduce_max3A_24 [0] : vector<32x2944xf32> to vector<2944xf32>
    %broadcast_in_dim3A_26 = vector.shape_cast %reduce_max3A_25 : vector<2944xf32> to vector<1x2944xf32>
    %reduce_max3A_27 = arith.constant dense<0xFF800000> : vector<2944xf32>
    %reduce_max3A_28 = vector.multi_reduction <maximumf>, %bitcast_convert_type3A_16, %reduce_max3A_27 [0] : vector<32x2944xf32> to vector<2944xf32>
    %broadcast_in_dim3A_29 = vector.shape_cast %reduce_max3A_28 : vector<2944xf32> to vector<1x2944xf32>
    %reduce_max3A_30 = arith.constant dense<0xFF800000> : vector<2944xf32>
    %reduce_max3A_31 = vector.multi_reduction <maximumf>, %bitcast_convert_type3A_19, %reduce_max3A_30 [0] : vector<32x2944xf32> to vector<2944xf32>
    %broadcast_in_dim3A_32 = vector.shape_cast %reduce_max3A_31 : vector<2944xf32> to vector<1x2944xf32>
    %concatenate3A = tpu.concatenate %broadcast_in_dim3A, %broadcast_in_dim3A_23, %broadcast_in_dim3A_26, %broadcast_in_dim3A_29, %broadcast_in_dim3A_32 in 0 : vector<1x2944xf32>, vector<1x2944xf32>, vector<1x2944xf32>, vector<1x2944xf32>, vector<1x2944xf32> -> vector<5x2944xf32>
    %gt3A = arith.constant -9.99999993E+36 : f32
    %gt3A_33 = vector.broadcast %gt3A : f32 to vector<5x2944xf32>
    %gt3A_34 = arith.cmpf ogt, %concatenate3A, %gt3A_33 : vector<5x2944xf32>
    %get3A_35 = arith.constant 0 : index
    %get3A_36 = arith.constant 0 : index
    %get3A_37 = vector.load %arg2[%get3A_35, %get3A_36] : memref<5x2944xf32, #tpu.memory_space<vmem>>, vector<5x2944xf32>
    %add3A = arith.addf %concatenate3A, %get3A_37 : vector<5x2944xf32>
    %jit3A = arith.constant 0.000000e+00 : f32
    %broadcast_in_dim3A_38 = vector.broadcast %jit3A : f32 to vector<5x2944xf32>
    %select_n3A = arith.select %gt3A_34, %add3A, %broadcast_in_dim3A_38 : vector<5x2944xi1>, vector<5x2944xf32>
    %swap3A = arith.constant 0 : index
    %swap3A_39 = arith.constant 0 : index
    %swap3A_40 = vector.load %arg3[%swap3A, %swap3A_39] : memref<5x2944xf32, #tpu.memory_space<vmem>>, vector<5x2944xf32>
    tpu.vector_store %arg3[%swap3A, %swap3A_39], %select_n3A {strides = array<i32>} : memref<5x2944xf32, #tpu.memory_space<vmem>>, vector<5x2944xf32>,
    return
  }
  func.func @transform_0(%arg0: i32) -> (i32, i32) {
    %c0_i32 = arith.constant 0 : i32
    %c0_i32_0 = arith.constant 0 : i32
    return %c0_i32, %arg0 : i32, i32
  }
  func.func @transform_1(%arg0: i32) -> (i32, i32) {
    %c0_i32 = arith.constant 0 : i32
    %c0_i32_0 = arith.constant 0 : i32
    return %c0_i32, %arg0 : i32, i32
  }
  func.func @transform_2(%arg0: i32) -> (i32, i32) {
    %c0_i32 = arith.constant 0 : i32
    %c0_i32_0 = arith.constant 0 : i32
    return %c0_i32, %arg0 : i32, i32
  }
}

</mosaic_0001>

<sc_bundles>
// kernel: kernel.6.cloned.1.call-start
scs
__scs_entry_jumppad:
0x0: {  	(pc) =	sbr.rel $0x88, $3  }
0x1: {  	(tag) =	ssettag $0x0;
	lr =	simm.s32 $0x1  }
0x2: {  	[smem:$0x3F9D] =	sst lr;
	_ =	strace $0xD0000000  }
0x3: {  	_ = 	snop  }
0x4: {  	_ = 	snop  }
0x5: {  	_ = 	snop  }
0x6: {  	_ = 	snop  }
0x7: {  	_ = 	snop  }
__scs_overlays_trampoline_lowered:
0x8: {  	[smem:$0x3FAC] =	sst s0  }
0x9: {  	[smem:$0x3FAD] =	sst s1  }
0xa: {  	[smem:$0x3FAE] =	sst s2  }
0xb: {  	[smem:$0x3FAF] =	sst s3  }
0xc: {  	[smem:$0x3FB0] =	sst s4  }
0xd: {  	[smem:$0x3FB1] =	sst s5  }
0xe: {  	[smem:$0x3FB2] =	sst s6  }
0xf: {  	[smem:$0x3FB3] =	sst s7  }
0x10: {  	[smem:$0x3FB4] =	sst s8  }
0x11: {  	[smem:$0x3FB5] =	sst s9;
	s0 =	simm.s32 @!p0 $0x0  }
0x12: {  	s1 =	sld [smem:$0x3F9B];
	s0 =	simm.s32 @p0 $0x1  }
0x13: {  	[smem:$0x3FB6] =	sst s0;
	s0 =	simm.s32 @!p1 $0x0  }
0x14: {  	s2 =	sld [smem:$0x3F9A];
	s0 =	simm.s32 @p1 $0x1  }
0x15: {  	[smem:$0x3FB7] =	sst s0;
	s0 =	simm.s32 @!p2 $0x0  }
0x16: {  	s3 =	sld [smem:$0x3FDB];
	s0 =	simm.s32 @p2 $0x1  }
0x17: {  	s4 =	simm.s32 $0x1BF5;
	[smem:$0x3FB9] =	sst s0  }
0x18: {  	s0 =	sld [smem:$0x3F9C];
	_ =	swait.ge [sflag:s4], $0x0  }
0x19: {  	s7 =	sld [smem:$0x3F9D]  }
0x1a: {  	s8 =	sadd.s32 $0xFFFFE003, lr  }
0x1b: {  	s9 =	sadd.s32 $0xFFFFFEF7, lr;
	s5 =	simm.s32 $0xFFFFFFFF;
	p2 =	slt.u32 s8, $0xFFFFF086  }
0x1c: {  	p1 =	slt.u32 s9, $0xF7A;
	s5 =	simm.s32 @!p2 $0x0  }
0x1d: {  	s5 =	simm.s32 @p1 $0x1;
	p0 =	seq.s32 s7, s2  }
0x1e: {  	s7 =	smul.u32 @!p0 $0xF7A, s2;
	p2 =	seq.s32 @!p0 s5, $0x0  }
0x1f: {  	s9 =	smul.u32 $0xF7A, s1;
	s8 =	simm.s32 @!p0 $0x1BF5;
	p2 =	por !p2, p0  }
0x20: {  	[sflag:s8] =	ssyncset.s32 @!p0 $0xFFFFF086;
	s6 =	sadd.s32 @!p0 s3, s7;
	s7 =	simm.s32 @!p0 $0x108  }
0x21: {  	s3 =	sadd.s32 s3, s9;
	s6 =	sadd.s32 @!p0 $0x88, s6;
	s7 =	simm.s32 @p2 $0x1082  }
0x22: {  	[simem:s7], [sflag:s8] =	dma.local @!p0 [hbm:s6], $0xF7A  }
0x23: {  	s9 =	sor.u32 $0xD0000000, s2;
	s6 =	simm.s32 $0x108;
	_ =	swait.ge @!p0 [sflag:s8], $0x0  }
0x24: {  	s3 =	sadd.s32 $0x88, s3;
	s6 =	simm.s32 @!p1 $0x1082;
	[sflag:s4] =	ssyncset.s32 $0xFFFFF086  }
0x25: {  	[simem:s6], [sflag:s4] =	dma.local [hbm:s3], $0xF7A  }
0x26: {  	[smem:$0x3F9D] =	sst s1;
	(tag) =	ssettag s2;
	_ =	strace s9  }
0x27: {  	s1 =	sld [smem:$0x3FAD]  }
0x28: {  	s2 =	sld [smem:$0x3FAE]  }
0x29: {  	s4 =	sld [smem:$0x3FB0]  }
0x2a: {  	p0 =	seq.s32 s5, $0x0;
	s5 =	sld [smem:$0x3FB1]  }
0x2b: {  	s6 =	sld [smem:$0x3FB2]  }
0x2c: {  	s7 =	sld [smem:$0x3FB3]  }
0x2d: {  	s3 =	simm.s32 $0x108;
	s8 =	sld [smem:$0x3FB4]  }
0x2e: {  	s3 =	simm.s32 @!p0 $0x1082;
	s9 =	sld [smem:$0x3FB5]  }
0x2f: {  	lr =	sadd.s32 s0, s3;
	s0 =	sld [smem:$0x3FAC]  }
0x30: {  	s3 =	sld [smem:$0x3FAF]  }
0x31: {  	[smem:$0x3FB8] =	sst s10  }
0x32: {  	s10 =	sld [smem:$0x3FB6];
	_ =	sdelay $0x3  }
0x33: {  	p0 =	seq.s32 s10, $0x1;
	s10 =	sld [smem:$0x3FB8];
	_ =	sdelay $0x3  }
0x34: {  	[smem:$0x3FB8] =	sst s10  }
0x35: {  	s10 =	sld [smem:$0x3FB7];
	_ =	sdelay $0x3  }
0x36: {  	p1 =	seq.s32 s10, $0x1;
	s10 =	sld [smem:$0x3FB8];
	_ =	sdelay $0x3  }
0x37: {  	[smem:$0x3FB8] =	sst s10  }
0x38: {  	s10 =	sld [smem:$0x3FB9]  }
0x39: {  	_ = 	snop;
	(pc) =	sbr.ind lr, $3  }
0x3a: {  	_ = 	snop  }
0x3b: {  	_ = 	snop  }
0x3c: {  	p2 =	seq.s32 s10, $0x1;
	s10 =	sld [smem:$0x3FB8]  }
0x3d: {  	_ =	shalt  }
0x3e: {  	_ =	shalt  }
0x3f: {  	_ =	shalt  }
0x40: {  	_ =	shalt  }
0x41: {  	_ =	shalt  }
0x42: {  	_ =	shalt  }
0x43: {  	_ =	shalt  }
0x44: {  	_ =	shalt  }
0x45: {  	_ =	shalt  }
0x46: {  	_ =	shalt  }
0x47: {  	_ =	shalt  }
0x48: {  	_ =	shalt  }
0x49: {  	_ =	shalt  }
0x4a: {  	_ =	shalt  }
0x4b: {  	_ =	shalt  }
0x4c: {  	_ =	shalt  }
0x4d: {  	_ =	shalt  }
0x4e: {  	_ =	shalt  }
0x4f: {  	_ =	shalt  }
0x50: {  	_ =	shalt  }
0x51: {  	_ =	shalt  }
0x52: {  	_ =	shalt  }
0x53: {  	_ =	shalt  }
0x54: {  	_ =	shalt  }
0x55: {  	_ =	shalt  }
0x56: {  	_ =	shalt  }
0x57: {  	_ =	shalt  }
0x58: {  	_ =	shalt  }
0x59: {  	_ =	shalt  }
0x5a: {  	_ =	shalt  }
0x5b: {  	_ =	shalt  }
0x5c: {  	_ =	shalt  }
0x5d: {  	_ =	shalt  }
0x5e: {  	_ =	shalt  }
0x5f: {  	_ =	shalt  }
0x60: {  	_ =	shalt  }
0x61: {  	_ =	shalt  }
0x62: {  	_ =	shalt  }
0x63: {  	_ =	shalt  }
0x64: {  	_ =	shalt  }
0x65: {  	_ =	shalt  }
0x66: {  	_ =	shalt  }
0x67: {  	_ =	shalt  }
0x68: {  	_ =	shalt  }
0x69: {  	_ =	shalt  }
0x6a: {  	_ =	shalt  }
0x6b: {  	_ =	shalt  }
0x6c: {  	_ =	shalt  }
0x6d: {  	_ =	shalt  }
0x6e: {  	_ =	shalt  }
0x6f: {  	_ =	shalt  }
0x70: {  	_ =	shalt  }
0x71: {  	_ =	shalt  }
0x72: {  	_ =	shalt  }
0x73: {  	_ =	shalt  }
0x74: {  	_ =	shalt  }
0x75: {  	_ =	shalt  }
0x76: {  	_ =	shalt  }
0x77: {  	_ =	shalt  }
0x78: {  	_ =	shalt  }
0x79: {  	_ =	shalt  }
0x7a: {  	_ =	shalt  }
0x7b: {  	_ =	shalt  }
0x7c: {  	_ =	shalt  }
0x7d: {  	_ =	shalt  }
0x7e: {  	_ =	shalt  }
0x7f: {  	_ =	shalt  }
0x80: {  	_ =	shalt  }
0x81: {  	_ =	shalt  }
0x82: {  	_ =	shalt  }
0x83: {  	_ =	shalt  }
0x84: {  	_ =	shalt  }
0x85: {  	_ =	shalt  }
0x86: {  	_ =	shalt  }
0x87: {  	_ =	shalt  }
.Lfunc_end0:
.L_simem_size_0:
called_computation_lowered:
.L_overlay_start_0:
0x88: {  	s2 =	sld [smem:$0x3FD9]  }
0x89: {  	s3 =	sld [smem:$0x3FFE];
	_ =	sdelay $0x1  }
0x8a: {  	s1 =	srdreg.scid  }
0x8b: {  	s0 =	sand.u32 $0x1, s1  }
0x8c: {  	s17 =	sshll.u32 s0, $0xA;
	s2 =	sadd.s32 s3, s2  }
0x8d: {  	s2 =	sadd.s32 s2, s17  }
0x8e: {  	[smem:$0x3FC4] =	sst s2  }
0x8f: {  	_ = 	snop  }
0x90: {  	s2 =	sld [smem:$0x3FD0];
	(tm) =	ssettm $0x1  }
0x91: {  	s18 =	sld [smem:$0x3FFB];
	_ =	sdelay $0x3  }
0x92: {  	_ =	strace s18  }
0x93: {  	s3 =	sld [smem:$0x3FFC];
	_ =	sdelay $0x3  }
0x94: {  	_ =	strace s3  }
0x95: {  	s3 =	sld [smem:$0x3FFD];
	_ =	sdelay $0x3  }
0x96: {  	_ =	strace s3  }
0x97: {  	_ =	strace $0x8FFFFFFF  }
0x98: {  	s19 =	sld [smem:$0x3FDB];
	_ =	sdelay $0x1  }
0x99: {  	s4 =	simm.s32 $_scs_section_size  }
0x9a: {  	s5 =	simm.s32 $_size__tile_overlayer_lowered;
	s6 =	simm.s32 $_tile_overlayer_lowered  }
0x9b: {  	s22 =	simm.s32 $0x1BFF;
	s21 =	sshll.u32 s6, $0x1;
	s3 =	sadd.s32 s4, s19  }
0x9c: {  	s7 =	simm.s32 $0x0;
	s20 =	sshll.u32 s5, $0x1;
	s5 =	sadd.s32 s21, s3  }
0x9d: {  	[timem:s7], [sflag:s22] =	dma.local [hbm:s5], s20  }
0x9e: {  	_ =	swait.ge [sflag:s22], s20  }
0x9f: {  	s4 =	ssub.s32 $0x0, s20;
	[sflag:s22] =	ssyncset.done $0x0  }
0xa0: {  	[sflag:s22] =	ssyncadd.s32 s4;
	_ =	sdelay $0x1  }
0xa1: {  	s23 =	simm.s32 $0x1B8B  }
0xa2: {  	_ =	swait.ge [sflag:s23], $0x1  }
0xa3: {  	[sflag:s23] =	ssyncset.done $0x0  }
0xa4: {  	s25 =	simm.s32 $0x1B8E;
	s24 =	sld [smem:$0x3FFE];
	[sflag:s23] =	ssyncadd.s32 $0xFFFFFFFF  }
0xa5: {  	s26 =	simm.s32 $execute0_lowered;
	[smem:$0x3FD2] =	sst s25  }
0xa6: {  	s5 =	sshll.u32 s26, $0x1;
	_ =	strace $0x80000046;
	[dreg:$0x1] =	wrdreg $0xFFFFFFFF  }
0xa7: {  	s28 =	simm.s32 $_size_execute0_lowered;
	s3 =	sadd.s32 s3, s5;
	[dreg:$0x0] =	wrdreg $0x0  }
0xa8: {  	s5 =	sshll.u32 s28, $0x1;
	[dreg:$0x2] =	wrdreg s3  }
0xa9: {  	[dreg:$0x3] =	wrdreg s5  }
0xaa: {  	[dreg:$0x4] =	wrdreg $0xC0  }
0xab: {  	_ =	task [dreg:s7], $0x5FFFF  }
0xac: {  	[dreg:$0x1] =	wrdreg $0xFFFFFFFF  }
0xad: {  	[dreg:$0x0] =	wrdreg $0x60  }
0xae: {  	[dreg:$0x2] =	wrdreg s2  }
0xaf: {  	[dreg:$0x3] =	wrdreg s24  }
0xb0: {  	[dreg:$0x4] =	wrdreg $0x9  }
0xb1: {  	_ =	task.clear_ibuf [dreg:s7], $0x5FFFF;
	_ =	strace $0x90000046  }
0xb2: {  	s29 =	simm.s32 $0x9;
	_ =	strace $0x80000048  }
0xb3: {  	_ =	swait.ge [sflag:s29], $0x1  }
0xb4: {  	[sflag:s29] =	ssyncadd.s32 $0xFFFFFFFF  }
0xb5: {  	_ =	strace $0x90000048  }
0xb6: {  	_ =	sfence  }
0xb7: {  	s30 =	sld [smem:$0x0];
	_ =	sdelay $0x2  }
0xb8: {  	s31 =	sshll.u32 s1, $0xD;
	s1 =	sshrl.u32 s1, $0x2  }
0xb9: {  	s3 =	sand.u32 $0x4000, s31;
	s1 =	sadd.s32 s1, s30  }
0xba: {  	s0 =	sor.u32 s3, s0;
	s1 =	sshll.u32 s1, $0x11  }
0xbb: {  	s0 =	sor.u32 s1, s0  }
0xbc: {  	s0 =	sadd.s32 $0x8F2B, s0  }
0xbd: {  	[sflag:s0] =	ssyncadd.remote.s32 $0x1  }
0xbe: {  	_ =	sfence.sel $0xFFFF  }
0xbf: {  	[dreg:$0x0] =	wrdreg $0xFFFFFFFF;
	(pc) =	sbr.abs _section_cstart, $3  }
0xc0: {  	[dreg:$0x1] =	wrdreg $0xFFFFFFFF  }
0xc1: {  	_ =	task.clear_ibuf [dreg:s7], $0x2FFFF;
	_ =	strace $0x9FFFFFFF  }
0xc2: {  	(tm) =	ssettm $0x7FFFFFFF  }
0xc3: {  	_ =	shalt  }
tec
execute0_lowered:
.L_overlay_start_1:
0x0: {  	(tag) =	ssettag $0x1  }
0x1: {  	s2 =	rddreg [dreg:$0x0]  }
0x2: {  	s5 =	rddreg [dreg:$0x1]  }
0x3: {  	s0 =	rddreg [dreg:$0x2];
	s4 =	srdreg.scid  }
0x4: {  	s1 =	stileid.u32;
	s3 =	simm.s32 $0x0;
	s14 =	simm.s32 $0x18700  }
0x5: {  	s15 =	simm.s32 $0x3;
	s16 =	simm.s32 $0x1;
	s17 =	simm.s32 $0x1AE80  }
0x6: {  	s18 =	simm.s32 $0xC380;
	s6 =	sand.u32 $0x1, s4;
	s29 =	sshll.u32 s1, $0x1  }
0x7: {  	s19 =	simm.s32 $0x2;
	s20 =	simm.s32 $0x4;
	s7 =	sor.u32 s6, s29  }
0x8: {  	s21 =	simm.s32 $0x0;
	[smem:$0x7FF] =	sst s3;
	s8 =	smul.u32 $0x186A0, s7  }
0x9: {  	s4 =	sadd.s32 $0xC00, s5;
	s30 =	ssub.s32 $0x2, s6;
	s11 =	smul.u32 $0x24A80, s7  }
0xa: {  	s10 =	sadd.s32 $0x62800, s5;
	s6 =	sshrl.u32 s30, $0x1;
	s31 =	smul.u32 $0x4950, s7  }
.Ltmp0:
0xb: {  	_ =	strace $0x80000047;
	s13 =	ssub.s32 s30, s6;
	(pc) =	sbr.rel .LBB2_1-.Ltmp0, $4  }
0xc: {  	s9 =	sshrl.u32 s8, $0x3;
	s6 =	sadd.s32 $0x2710, s8;
	s7 =	sadd.s32 $0x4E20, s8  }
0xd: {  	s11 =	sshrl.u32 s11, $0x3;
	s8 =	sadd.s32 s10, s31;
	s13 =	smax.u32 s13, $0x1  }
0xe: {  	s5 =	sadd.s32 s4, s9;
	s9 =	sadd.s32 $0x1870, s2;
	s12 =	sadd.s32 s10, s11  }
0xf: {  	v0 =	vimm.s32 $0xFF62FF62;
	v1 =	vimm.s32 $0x0;
	v2 =	vimm.s32 $0xFF61B1E6;
	s11 =	sadd.s32 $0x30E0, s2;
	s10 =	sadd.s32 $0x1870, s12;
	s12 =	sadd.s32 $0x30E0, s12  }
.LBB2_45:
0x10: {  	s21 =	sadd.s32 $0x1, s21  }
0x11: {  	p0 =	sne.s32 s21, s13  }
.Ltmp1:
0x12: {  	_ = 	snop;
	(pc) =	sbr.rel @!p0 .LBB2_46-.Ltmp1, $4  }
0x13: {  	[hbm4b:s12+s3] =	stream.linear.scatter [tilespmem:s18], [sflag:$0x4], $0xC380, $0x38;
	[tilespmem:$0x1D600] =	vst v63  }
0x14: {  	_ =	swait.ge [sflag:s20], $0xC380  }
0x15: {  	[sflag:s20] =	ssyncset.done $0x0  }
0x16: {  	[sflag:s20] =	ssyncadd.s32 $0xFFFF3C80  }
.LBB2_1:
0x17: {  	[tilespmem:s3], [sflag:$0x3] =	stream.linear.gather [hbm4b:s2+s3], $0xC380, $0x38;
	[tilespmem:$0x1D600] =	vst v63  }
0x18: {  	s22 =	simm.s32 $0x0;
	s23 =	simm.s32 $0x200  }
0x19: {  	[tilespmem:s14], [sflag:$0x1] =	stream.linear.gather [hbm4b:s5+s3], $0x2710, $0x38;
	[tilespmem:$0x1D600] =	vst v63  }
.LBB2_2:
0x1a: {  	p0 =	sne.s32 s23, $0x30C00;
	[tilespmem:s22+$0xC3F0] =	vst v0  }
0x1b: {  	[tilespmem:s22+$0xC380] =	vst v0  }
0x1c: {  	[tilespmem:s22+$0xC390] =	vst v0  }
.Ltmp2:
0x1d: {  	[tilespmem:s22+$0xC3A0] =	vst v0;
	(pc) =	sbr.rel @p0 .LBB2_2-.Ltmp2, $4  }
0x1e: {  	[tilespmem:s22+$0xC3B0] =	vst v0  }
0x1f: {  	[tilespmem:s22+$0xC3C0] =	vst v0  }
0x20: {  	[tilespmem:s22+$0xC3D0] =	vst v0  }
0x21: {  	[tilespmem:s22+$0xC3E0] =	vst v0;
	s22 =	sshra.s32 s23, $0x2;
	s23 =	sadd.s32 $0x200, s23  }
0x22: {  	[tilespmem:s22+$0xC3F0] =	vst v0  }
0x23: {  	[tilespmem:s22+$0xC380] =	vst v0  }
0x24: {  	[tilespmem:s22+$0xC390] =	vst v0  }
0x25: {  	[tilespmem:s22+$0xC3A0] =	vst v0  }
0x26: {  	[tilespmem:s22+$0xC3B0] =	vst v0  }
0x27: {  	[tilespmem:s22+$0xC3C0] =	vst v0  }
.Ltmp3:
0x28: {  	[tilespmem:s22+$0xC3D0] =	vst v0;
	(pc) =	sbr.rel .LBB2_4-.Ltmp3, $4  }
0x29: {  	[tilespmem:s22+$0xC3E0] =	vst v0  }
0x2a: {  	_ =	swait.ge [sflag:s15], $0xC380  }
0x2b: {  	[sflag:s15] =	ssyncset.done $0x0  }
0x2c: {  	s22 =	simm.s32 $0x0;
	s23 =	simm.s32 $0x0;
	[sflag:s15] =	ssyncadd.s32 $0xFFFF3C80  }
.LBB2_16:
0x2d: {  	s23 =	sadd.s32 $0x1, s23  }
0x2e: {  	p0 =	sne.s32 s23, $0x5  }
.Ltmp4:
0x2f: {  	_ = 	snop;
	(pc) =	sbr.rel @!p0 .LBB2_17-.Ltmp4, $1  }
0x30: {  	_ =	sdelay $0x3  }
.LBB2_4:
0x31: {  	s24 =	smul.u32 $0x4E20, s23;
	_ =	sdelay $0x1  }
0x32: {  	_ =	swait.ge [sflag:s16], $0x2710;
	s25 =	sadd.s32 s24, s6  }
0x33: {  	[sflag:s16] =	ssyncset.done $0x0;
	s25 =	sshrl.u32 s25, $0x3  }
0x34: {  	s31 =	simm.s32 $0x0;
	[sflag:s16] =	ssyncadd.s32 $0xFFFFD8F0;
	s25 =	sadd.s32 s4, s25  }
0x35: {  	[tilespmem:s17], [sflag:$0x2] =	stream.linear.gather [hbm4b:s25+s22], $0x2710, $0x38;
	[tilespmem:$0x1D600] =	vst v63  }
0x36: {  	v4 =	vld [tilespmem:s31+$0x18720];
	_ =	sdelay $0x2  }
0x37: {  	v5 =	vld [tilespmem:s31+$0x18700];
	_ =	sdelay $0x1  }
0x38: {  	v7 =	vld [tilespmem:s31+$0x18710];
	v3 =	vshrl.u32 v4, $0x10  }
0x39: {  	v6 =	vand.u32 $0xFFFF, v4;
	_ =	sdelay $0x1  }
0x3a: {  	v8 =	vand.u32 $0xFFFF, v5  }
0x3b: {  	v10 =	vld [tilespmem:s31+$0x18740];
	v4 =	vshrl.u32 v5, $0x10  }
0x3c: {  	v9 =	vand.u32 $0xFFFF, v7;
	v16 =	vld.idx.msk [tilespmem:v3+s18+$0x0], $0xffff  }
0x3d: {  	v7 =	vshrl.u32 v7, $0x10;
	v14 =	vld.idx.msk [tilespmem:v6+s3+$0x0], $0xffff  }
0x3e: {  	v6 =	vld [tilespmem:s31+$0x18730]  }
0x3f: {  	v22 =	vld.idx.msk [tilespmem:v8+s3+$0x0], $0xffff  }
0x40: {  	v17 =	vld.idx.msk [tilespmem:v4+s18+$0x0], $0xffff  }
0x41: {  	v20 =	vld.idx.msk [tilespmem:v9+s3+$0x0], $0xffff  }
0x42: {  	v18 =	vld.idx.msk [tilespmem:v7+s18+$0x0], $0xffff  }
0x43: {  	v15 =	vshrl.u32 v10, $0x10;
	v19 =	vand.u32 $0xFFFF, v10;
	v8 =	vshll.u32 v16, $0x10  }
0x44: {  	v5 =	vshll.u32 v14, $0x10;
	v12 =	vshrl.u32 v6, $0x10;
	v9 =	vand.u32 $0xFFFF0000, v22  }
0x45: {  	v6 =	vand.u32 $0xFFFF, v6;
	v11 =	vshll.u32 v17, $0x10;
	v13 =	vand.u32 $0xFFFF0000, v17  }
0x46: {  	v10 =	vand.u32 $0xFFFF0000, v20;
	vm1 =	vgt.f32 v5, v8;
	v8 =	vshll.u32 v22, $0x10  }
0x47: {  	v26 =	vshll.u32 v18, $0x10;
	vm2 =	vgt.f32 v8, v11;
	v11 =	vshll.u32 v20, $0x10  }
0x48: {  	v27 =	vand.u32 $0xFFFF0000, v18;
	vm3 =	vgt.f32 v9, v13;
	vm10 =	vgt.f32 v11, v26;
	v26 =	vld.idx.msk [tilespmem:v15+s18+$0x0], $0xffff  }
0x49: {  	v13 =	vand.u32 $0xFFFF0000, v14;
	vm4 =	vgt.f32 v10, v27;
	v27 =	vand.u32 $0xFFFF0000, v16;
	v25 =	vld.idx.msk [tilespmem:v12+s18+$0x0], $0xffff  }
0x4a: {  	v24 =	vsel vm1, v14, v16;
	v28 =	vsel vm4, v20, v18;
	v23 =	vsel vm2, v22, v17;
	v21 =	vld.idx.msk [tilespmem:v6+s3+$0x0], $0xffff  }
0x4b: {  	vm12 =	vgt.f32 v13, v27;
	v6 =	vsel vm3, v22, v17;
	v17 =	vand.u32 $0xFFFF, v23;
	v23 =	vld.idx.msk [tilespmem:v19+s3+$0x0], $0xffff  }
0x4c: {  	vm0 =	vmor vm2, vm3;
	vm1 =	vmor vm1, vm12;
	v30 =	vsel vm12, v14, v16  }
0x4d: {  	vm11 =	vmor vm10, vm4;
	v27 =	vsel vm10, v20, v18;
	v6 =	vand.u32 $0xFFFF0000, v6  }
0x4e: {  	v6 =	vor.u32 v17, v6;
	v62 =	vshll.u32 v26, $0x10;
	v19 =	vand.u32 $0xFFFF0000, v25  }
0x4f: {  	v29 =	vshll.u32 v25, $0x10;
	v17 =	vshll.u32 v21, $0x10;
	v18 =	vand.u32 $0xFFFF0000, v21  }
0x50: {  	v16 =	vand.u32 $0xFFFF0000, v23;
	vm14 =	vgt.f32 v18, v19;
	v19 =	vand.u32 $0xFFFF0000, v26  }
0x51: {  	vm13 =	vgt.f32 v17, v29;
	vm5 =	vgt.f32 v16, v19;
	v19 =	vshll.u32 v23, $0x10  }
0x52: {  	v28 =	vand.u32 $0xFFFF0000, v28;
	vm4 =	vmor vm13, vm14;
	vm6 =	vgt.f32 v19, v62  }
0x53: {  	v24 =	vand.u32 $0xFFFF, v24;
	v30 =	vand.u32 $0xFFFF0000, v30;
	vm15 =	vmor vm6, vm5  }
0x54: {  	v27 =	vand.u32 $0xFFFF, v27;
	v24 =	vor.u32 v24, v30;
	v63 =	vsel vm14, v21, v25  }
0x55: {  	[tilespmem:v4+s18+$0x0] =	vst.idx.msk vm0, v6;
	v6 =	vor.u32 v27, v28;
	v25 =	vsel vm13, v21, v25;
	v27 =	vand.u32 $0xFFFF0000, v63  }
0x56: {  	[tilespmem:v7+s18+$0x0] =	vst.idx.msk vm11, v6;
	v6 =	vand.u32 $0xFFFF, v25;
	v25 =	vsel vm5, v23, v26;
	v26 =	vsel vm6, v23, v26  }
0x57: {  	[tilespmem:v3+s18+$0x0] =	vst.idx.msk vm1, v24;
	v6 =	vor.u32 v6, v27;
	v24 =	vand.u32 $0xFFFF0000, v25;
	v25 =	vand.u32 $0xFFFF, v26  }
0x58: {  	[tilespmem:v12+s18+$0x0] =	vst.idx.msk vm4, v6;
	v6 =	vor.u32 v25, v24  }
0x59: {  	[tilespmem:v15+s18+$0x0] =	vst.idx.msk vm15, v6  }
0x5a: {  	s25 =	simm.s32 $0x140;
	v6 =	vimm.s32 $0x0;
	v24 =	vld.idx.msk [tilespmem:v4+s18+$0x0], $0xffff  }
.LBB2_5:
0x5b: {  	p0 =	sne.s32 s25, $0x9B00;
	v25 =	vld.idx.msk [tilespmem:v3+s18+$0x0], $0xffff;
	s26 =	smov.u32 s25;
	s25 =	sadd.s32 $0x140, s25  }
0x5c: {  	v26 =	vld.idx.msk [tilespmem:v12+s18+$0x0], $0xffff  }
0x5d: {  	v27 =	vld.idx.msk [tilespmem:v15+s18+$0x0], $0xffff;
	_ =	sdelay $0x2  }
0x5e: {  	v29 =	vshll.u32 v24, $0x10;
	v30 =	vand.u32 $0xFFFF0000, v24;
	v28 =	vld.idx.msk [tilespmem:v7+s18+$0x0], $0xffff  }
0x5f: {  	vm0 =	vgt.f32 v8, v29;
	vm2 =	vgt.f32 v9, v30;
	v29 =	vshll.u32 v25, $0x10  }
0x60: {  	v31 =	vand.u32 $0xFFFF0000, v25;
	v30 =	vsel vm0, v22, v24;
	vm1 =	vmor vm0, vm2  }
0x61: {  	v22 =	vsel vm2, v22, v24;
	v24 =	vand.u32 $0xFFFF, v30;
	v30 =	vshll.u32 v27, $0x10  }
0x62: {  	vm2 =	vgt.f32 v5, v29;
	vm3 =	vgt.f32 v13, v31;
	vm0 =	vgt.f32 v19, v30  }
0x63: {  	v29 =	vsel vm2, v14, v25;
	v31 =	vand.u32 $0xFFFF0000, v27;
	v30 =	vshll.u32 v26, $0x10  }
0x64: {  	vm4 =	vgt.f32 v16, v31;
	v32 =	vshll.u32 v28, $0x10;
	v33 =	vand.u32 $0xFFFF0000, v28  }
0x65: {  	v31 =	vsel vm4, v23, v27;
	vm5 =	vgt.f32 v11, v32;
	vm6 =	vgt.f32 v10, v33  }
0x66: {  	v33 =	vand.u32 $0xFFFF0000, v26;
	v32 =	vsel vm5, v20, v28;
	vm5 =	vmor vm5, vm6  }
0x67: {  	s26 =	sshra.s32 s26, $0x2;
	vm7 =	vmor vm2, vm3;
	vm8 =	vgt.f32 v17, v30;
	vm2 =	vmor vm0, vm4  }
0x68: {  	v22 =	vand.u32 $0xFFFF0000, v22;
	v30 =	vand.u32 $0xFFFF0000, v31;
	vm4 =	vgt.f32 v18, v33  }
0x69: {  	v22 =	vor.u32 v24, v22;
	v24 =	vsel vm8, v21, v26;
	v20 =	vsel vm6, v20, v28  }
0x6a: {  	v14 =	vsel vm3, v14, v25;
	v20 =	vand.u32 $0xFFFF0000, v20;
	[tilespmem:v4+s18+$0x0] =	vst.idx.msk vm1, v22;
	v22 =	vand.u32 $0xFFFF, v32  }
0x6b: {  	v14 =	vand.u32 $0xFFFF0000, v14;
	v20 =	vor.u32 v22, v20;
	v22 =	vand.u32 $0xFFFF, v29  }
0x6c: {  	vm1 =	vmor vm8, vm4;
	[tilespmem:v7+s18+$0x0] =	vst.idx.msk vm5, v20;
	v14 =	vor.u32 v22, v14;
	v20 =	vand.u32 $0xFFFF, v24  }
0x6d: {  	[tilespmem:v3+s18+$0x0] =	vst.idx.msk vm7, v14;
	v14 =	vsel vm4, v21, v26;
	v21 =	vsel vm0, v23, v27;
	_ =	sdelay $0x2  }
0x6e: {  	v14 =	vand.u32 $0xFFFF0000, v14  }
0x6f: {  	v14 =	vor.u32 v20, v14;
	v20 =	vand.u32 $0xFFFF, v21  }
0x70: {  	[tilespmem:v12+s18+$0x0] =	vst.idx.msk vm1, v14;
	v14 =	vor.u32 v20, v30  }
0x71: {  	[tilespmem:v15+s18+$0x0] =	vst.idx.msk vm2, v14  }
0x72: {  	v14 =	vld [tilespmem:s26+$0x18720]  }
0x73: {  	v4 =	vld.idx.msk [tilespmem:v4+s18+$0x0], $0xffff  }
0x74: {  	v20 =	vld.idx.msk [tilespmem:v3+s18+$0x0], $0xffff  }
0x75: {  	v12 =	vld.idx.msk [tilespmem:v12+s18+$0x0], $0xffff  }
0x76: {  	v7 =	vld.idx.msk [tilespmem:v7+s18+$0x0], $0xffff  }
0x77: {  	v3 =	vshrl.u32 v14, $0x10;
	v15 =	vld.idx.msk [tilespmem:v15+s18+$0x0], $0xffff  }
0x78: {  	v14 =	vand.u32 $0xFFFF, v14;
	v21 =	vld [tilespmem:s26+$0x18700]  }
0x79: {  	v22 =	vshll.u32 v4, $0x10;
	v4 =	vand.u32 $0xFFFF0000, v4  }
0x7a: {  	vm0 =	vgt.f32 v8, v22;
	vm1 =	vgt.f32 v9, v4;
	v4 =	vshll.u32 v20, $0x10  }
0x7b: {  	v9 =	vand.u32 $0xFFFF0000, v20;
	vm0 =	vmor vm0, vm1;
	vm1 =	vgt.f32 v5, v4;
	v8 =	vld [tilespmem:s26+$0x18710]  }
0x7c: {  	vm2 =	vgt.f32 v13, v9;
	v5 =	vshll.u32 v7, $0x10;
	v7 =	vand.u32 $0xFFFF0000, v7;
	v24 =	vld.idx.msk [tilespmem:v3+s18+$0x0], $0xffff  }
0x7d: {  	vm3 =	vgt.f32 v11, v5;
	v4 =	vshrl.u32 v21, $0x10;
	v9 =	vand.u32 $0xFFFF, v21;
	v14 =	vld.idx.msk [tilespmem:v14+s3+$0x0], $0xffff  }
0x7e: {  	vm1 =	vmor vm1, vm2;
	vm4 =	vgt.f32 v10, v7;
	v5 =	vshll.u32 v12, $0x10  }
0x7f: {  	v7 =	vand.u32 $0xFFFF0000, v12;
	vm2 =	vmor vm3, vm4;
	vm3 =	vgt.f32 v17, v5  }
0x80: {  	v10 =	vshll.u32 v15, $0x10;
	vm0 =	vmor vm0, vm2;
	vm2 =	vgt.f32 v18, v7  }
0x81: {  	vm0 =	vmor vm0, vm1;
	vm1 =	vmor vm3, vm2;
	v11 =	vand.u32 $0xFFFF, v8;
	v13 =	vld [tilespmem:s26+$0x18730]  }
0x82: {  	v7 =	vshrl.u32 v8, $0x10;
	vm1 =	vmor vm0, vm1;
	v8 =	vshll.u32 v24, $0x10;
	v22 =	vld.idx.msk [tilespmem:v9+s3+$0x0], $0xffff  }
0x83: {  	v5 =	vshll.u32 v14, $0x10;
	v9 =	vand.u32 $0xFFFF0000, v15;
	v17 =	vld.idx.msk [tilespmem:v4+s18+$0x0], $0xffff  }
0x84: {  	vm2 =	vgt.f32 v19, v10;
	vm0 =	vgt.f32 v5, v8;
	vm3 =	vgt.f32 v16, v9  }
0x85: {  	v16 =	vsel vm0, v14, v24;
	vm2 =	vmor vm2, vm3;
	v10 =	vld [tilespmem:s26+$0x18740]  }
0x86: {  	vm1 =	vmor vm1, vm2;
	v20 =	vld.idx.msk [tilespmem:v11+s3+$0x0], $0xffff;
	v12 =	vshrl.u32 v13, $0x10  }
0x87: {  	v11 =	vsel vm1, $0x1, v1;
	v18 =	vld.idx.msk [tilespmem:v7+s18+$0x0], $0xffff  }
0x88: {  	v8 =	vshll.u32 v22, $0x10;
	v9 =	vand.u32 $0xFFFF0000, v22;
	v6 =	vor.u32 v11, v6  }
0x89: {  	v19 =	vand.u32 $0xFFFF, v13;
	v11 =	vshll.u32 v17, $0x10;
	v13 =	vand.u32 $0xFFFF0000, v17  }
0x8a: {  	vm2 =	vgt.f32 v8, v11;
	vm3 =	vgt.f32 v9, v13;
	v23 =	vand.u32 $0xFFFF, v10  }
0x8b: {  	v15 =	vshrl.u32 v10, $0x10;
	vm1 =	vmor vm2, vm3;
	v25 =	vld.idx.msk [tilespmem:v12+s18+$0x0], $0xffff  }
0x8c: {  	v13 =	vand.u32 $0xFFFF0000, v14;
	v11 =	vshll.u32 v20, $0x10;
	v10 =	vand.u32 $0xFFFF0000, v20  }
0x8d: {  	v26 =	vsel vm2, v22, v17;
	v27 =	vshll.u32 v18, $0x10;
	v28 =	vand.u32 $0xFFFF0000, v18  }
0x8e: {  	v17 =	vsel vm3, v22, v17;
	vm2 =	vgt.f32 v11, v27;
	vm3 =	vgt.f32 v10, v28;
	v21 =	vld.idx.msk [tilespmem:v19+s3+$0x0], $0xffff  }
0x8f: {  	v19 =	vand.u32 $0xFFFF, v26;
	vm4 =	vmor vm2, vm3;
	v26 =	vand.u32 $0xFFFF0000, v24  }
0x90: {  	v28 =	vsel vm3, v20, v18;
	vm3 =	vgt.f32 v13, v26;
	v27 =	vld.idx.msk [tilespmem:v15+s18+$0x0], $0xffff  }
0x91: {  	v18 =	vsel vm2, v20, v18;
	vm0 =	vmor vm0, vm3;
	v26 =	vand.u32 $0xFFFF0000, v25  }
0x92: {  	v17 =	vand.u32 $0xFFFF0000, v17;
	v29 =	vshll.u32 v25, $0x10  }
0x93: {  	v17 =	vor.u32 v19, v17;
	v19 =	vand.u32 $0xFFFF0000, v28;
	v24 =	vsel vm3, v14, v24;
	v23 =	vld.idx.msk [tilespmem:v23+s3+$0x0], $0xffff  }
0x94: {  	v16 =	vand.u32 $0xFFFF, v16;
	v28 =	vand.u32 $0xFFFF, v18;
	[tilespmem:v4+s18+$0x0] =	vst.idx.msk vm1, v17;
	v17 =	vshll.u32 v21, $0x10  }
0x95: {  	v24 =	vand.u32 $0xFFFF0000, v24;
	v18 =	vand.u32 $0xFFFF0000, v21;
	vm1 =	vgt.f32 v17, v29  }
0x96: {  	v19 =	vor.u32 v28, v19;
	v16 =	vor.u32 v16, v24;
	vm2 =	vgt.f32 v18, v26  }
0x97: {  	v24 =	vsel vm1, v21, v25;
	vm1 =	vmor vm1, vm2;
	[tilespmem:v7+s18+$0x0] =	vst.idx.msk vm4, v19;
	v19 =	vsel vm2, v21, v25  }
0x98: {  	[tilespmem:v3+s18+$0x0] =	vst.idx.msk vm0, v16;
	v16 =	vand.u32 $0xFFFF0000, v19;
	v19 =	vand.u32 $0xFFFF, v24;
	v24 =	vand.u32 $0xFFFF0000, v27  }
0x99: {  	v26 =	vshll.u32 v27, $0x10;
	v25 =	vor.u32 v19, v16;
	v16 =	vand.u32 $0xFFFF0000, v23  }
0x9a: {  	v19 =	vshll.u32 v23, $0x10;
	vm0 =	vgt.f32 v16, v24  }
0x9b: {  	vm2 =	vgt.f32 v19, v26;
	v24 =	vsel vm0, v23, v27  }
0x9c: {  	v26 =	vsel vm2, v23, v27;
	vm0 =	vmor vm2, vm0;
	v24 =	vand.u32 $0xFFFF0000, v24  }
0x9d: {  	[tilespmem:v12+s18+$0x0] =	vst.idx.msk vm1, v25;
	v25 =	vand.u32 $0xFFFF, v26  }
0x9e: {  	v24 =	vor.u32 v25, v24  }
.Ltmp5:
0x9f: {  	(pc) =	sbr.rel @p0 .LBB2_5-.Ltmp5, $3  }
0xa0: {  	_ =	sdelay $0x1  }
0xa1: {  	[tilespmem:v15+s18+$0x0] =	vst.idx.msk vm0, v24  }
0xa2: {  	v24 =	vld.idx.msk [tilespmem:v4+s18+$0x0], $0xffff  }
0xa3: {  	_ =	sdelay $0x3  }
0xa4: {  	v25 =	vld.idx.msk [tilespmem:v3+s18+$0x0], $0xffff  }
0xa5: {  	v26 =	vld.idx.msk [tilespmem:v15+s18+$0x0], $0xffff  }
0xa6: {  	v27 =	vld.idx.msk [tilespmem:v12+s18+$0x0], $0xffff  }
0xa7: {  	v30 =	vld.idx.msk [tilespmem:v7+s18+$0x0], $0xffff;
	_ =	sdelay $0x1  }
0xa8: {  	v28 =	vshll.u32 v24, $0x10;
	v29 =	vand.u32 $0xFFFF0000, v24  }
0xa9: {  	vm0 =	vgt.f32 v8, v28;
	vm1 =	vgt.f32 v9, v29  }
0xaa: {  	v37 =	vshll.u32 v25, $0x10;
	v31 =	vand.u32 $0xFFFF0000, v25;
	v41 =	vshll.u32 v26, $0x10  }
0xab: {  	v42 =	vshll.u32 v27, $0x10;
	v43 =	vand.u32 $0xFFFF0000, v26;
	v32 =	vshll.u32 v30, $0x10  }
0xac: {  	v33 =	vand.u32 $0xFFFF0000, v30;
	v44 =	vand.u32 $0xFFFF0000, v27;
	v38 =	vsel vm0, v22, v24  }
0xad: {  	vm2 =	vmor vm0, vm1;
	v39 =	vsel vm1, v22, v24;
	vm14 =	vgt.f32 v5, v37  }
0xae: {  	vm3 =	vgt.f32 v13, v31;
	vm15 =	vgt.f32 v19, v41;
	vm4 =	vgt.f32 v16, v43  }
0xaf: {  	vm5 =	vgt.f32 v11, v32;
	vm6 =	vgt.f32 v10, v33;
	vm7 =	vgt.f32 v17, v42  }
0xb0: {  	vm8 =	vgt.f32 v18, v44;
	v40 =	vand.u32 $0xFFFF, v38;
	v28 =	vsel vm14, v14, v25  }
0xb1: {  	v31 =	vsel vm4, v23, v26;
	v32 =	vsel vm5, v20, v30;
	vm5 =	vmor vm5, vm6  }
0xb2: {  	vm1 =	vmor vm14, vm3;
	vm4 =	vmor vm15, vm4;
	v22 =	vand.u32 $0xFFFF0000, v39  }
0xb3: {  	v45 =	vsel vm6, v20, v30;
	vm10 =	vmor vm7, vm8;
	v46 =	vsel vm7, v21, v27  }
0xb4: {  	v47 =	vsel vm3, v14, v25;
	v50 =	vsel vm8, v21, v27;
	v52 =	vsel vm15, v23, v26  }
0xb5: {  	v22 =	vor.u32 v40, v22;
	v20 =	vand.u32 $0xFFFF0000, v45;
	v48 =	vand.u32 $0xFFFF, v32  }
0xb6: {  	v14 =	vand.u32 $0xFFFF0000, v47;
	v49 =	vand.u32 $0xFFFF, v28;
	v20 =	vor.u32 v48, v20;
	[tilespmem:v4+s18+$0x0] =	vst.idx.msk vm2, v22  }
0xb7: {  	v51 =	vand.u32 $0xFFFF, v46;
	v21 =	vand.u32 $0xFFFF0000, v50;
	v14 =	vor.u32 v49, v14;
	[tilespmem:v7+s18+$0x0] =	vst.idx.msk vm5, v20  }
0xb8: {  	v53 =	vand.u32 $0xFFFF0000, v31;
	v55 =	vand.u32 $0xFFFF, v52;
	v54 =	vor.u32 v51, v21;
	[tilespmem:v3+s18+$0x0] =	vst.idx.msk vm1, v14  }
0xb9: {  	v56 =	vor.u32 v55, v53;
	[tilespmem:v12+s18+$0x0] =	vst.idx.msk vm10, v54  }
0xba: {  	[tilespmem:v15+s18+$0x0] =	vst.idx.msk vm4, v56  }
0xbb: {  	v4 =	vld.idx.msk [tilespmem:v4+s18+$0x0], $0xffff  }
0xbc: {  	v3 =	vld.idx.msk [tilespmem:v3+s18+$0x0], $0xffff  }
0xbd: {  	v7 =	vld.idx.msk [tilespmem:v7+s18+$0x0], $0xffff  }
0xbe: {  	v12 =	vld.idx.msk [tilespmem:v12+s18+$0x0], $0xffff  }
0xbf: {  	v59 =	vld.idx.msk [tilespmem:v15+s18+$0x0], $0xffff;
	_ =	sdelay $0x2  }
0xc0: {  	v57 =	vshll.u32 v4, $0x10;
	v4 =	vand.u32 $0xFFFF0000, v4  }
0xc1: {  	v58 =	vshll.u32 v3, $0x10;
	v3 =	vand.u32 $0xFFFF0000, v3;
	v60 =	vshll.u32 v7, $0x10  }
0xc2: {  	v61 =	vand.u32 $0xFFFF0000, v7;
	v62 =	vand.u32 $0xFFFF0000, v12;
	v63 =	vand.u32 $0xFFFF0000, v59  }
0xc3: {  	vm11 =	vgt.f32 v8, v57;
	vm12 =	vgt.f32 v9, v4;
	vm13 =	vgt.f32 v5, v58  }
0xc4: {  	vm14 =	vgt.f32 v13, v3;
	vm15 =	vgt.f32 v11, v60;
	vm8 =	vgt.f32 v10, v61  }
0xc5: {  	v3 =	vshll.u32 v12, $0x10;
	vm0 =	vmor vm11, vm12;
	vm1 =	vmor vm13, vm14  }
0xc6: {  	vm9 =	vmor vm15, vm8;
	vm10 =	vgt.f32 v17, v3;
	vm11 =	vgt.f32 v18, v62  }
0xc7: {  	v3 =	vshll.u32 v59, $0x10;
	vm14 =	vgt.f32 v16, v63;
	vm0 =	vmor vm0, vm9  }
0xc8: {  	vm12 =	vmor vm10, vm11;
	vm13 =	vgt.f32 v19, v3;
	vm0 =	vmor vm0, vm1  }
0xc9: {  	vm15 =	vmor vm13, vm14;
	vm0 =	vmor vm0, vm12  }
0xca: {  	vm0 =	vmor vm0, vm15  }
0xcb: {  	v3 =	vsel vm0, $0x1, v1  }
0xcc: {  	v3 =	vor.u32 v3, v6  }
0xcd: {  	v3 =	vxor.u32 $0x80000000, v3  }
0xce: {  	(xrf0) =	vmax.scan.msk.u32 $0xffff, v3;
	_ =	sdelay $0x5  }
0xcf: {  	v3, _, _ =	vpop (xrf0)  }
0xd0: {  	(v2sf) =	vpush v3, $0xF;
	_ =	sdelay $0xe  }
0xd1: {  	s25 =	spop (v2sf)  }
0xd2: {  	p0 =	slt.u32 s25, $0x80000001  }
.Ltmp6:
0xd3: {  	_ = 	snop;
	(pc) =	sbr.rel @p0 .LBB2_10-.Ltmp6, $2  }
0xd4: {  	_ =	sdelay $0x2  }
0xd5: {  	s25 =	simm.s32 $0x0  }
.LBB2_7:
0xd6: {  	s26 =	sshll.u32 s25, $0x4  }
0xd7: {  	s26 =	sand.u32 $0x3FFFFFF0, s26  }
0xd8: {  	v3 =	vld [tilespmem:s26+$0x18700];
	_ =	sdelay $0x4  }
0xd9: {  	v4 =	vand.u32 $0xFFFF, v3;
	_ =	sdelay $0x4  }
0xda: {  	v3 =	vshrl.u32 v3, $0x10;
	v4 =	vld.idx.msk [tilespmem:v4+s3+$0x0], $0xffff;
	_ =	sdelay $0x4  }
0xdb: {  	s26 =	simm.s32 $0xF;
	v7 =	vld.idx.msk [tilespmem:v3+s18+$0x0], $0xffff;
	v5 =	vshll.u32 v4, $0x10;
	v6 =	vand.u32 $0xFFFF0000, v4  }
.LBB2_8:
0xdc: {  	p0 =	sne.s32 s26, $0x1;
	_ =	sdelay $0x4  }
0xdd: {  	v8 =	vshll.u32 v7, $0x10;
	v9 =	vand.u32 $0xFFFF0000, v7  }
0xde: {  	vm0 =	vgt.f32 v5, v8;
	vm1 =	vgt.f32 v6, v9  }
0xdf: {  	vm2 =	vmor vm0, vm1;
	_ =	sdelay $0x2  }
.Ltmp7:
0xe0: {  	v8 =	vsel vm1, v4, v7;
	v7 =	vsel vm0, v4, v7;
	(pc) =	sbr.rel @p0 .LBB2_8-.Ltmp7, $4  }
0xe1: {  	v8 =	vand.u32 $0xFFFF0000, v8;
	v7 =	vand.u32 $0xFFFF, v7  }
0xe2: {  	v7 =	vor.u32 v7, v8  }
0xe3: {  	[tilespmem:v3+s18+$0x0] =	vst.idx.msk vm2, v7  }
0xe4: {  	s26 =	sadd.s32 $0xFFFFFFFF, s26;
	v7 =	vld.idx.msk [tilespmem:v3+s18+$0x0], $0xffff  }
0xe5: {  	_ =	sdelay $0x3  }
0xe6: {  	v8 =	vshll.u32 v7, $0x10;
	v9 =	vand.u32 $0xFFFF0000, v7  }
0xe7: {  	vm0 =	vgt.f32 v5, v8;
	vm1 =	vgt.f32 v6, v9  }
0xe8: {  	s25 =	sadd.s32 $0x1, s25;
	vm2 =	vmor vm0, vm1  }
0xe9: {  	p0 =	sne.s32 s25, $0x271  }
.Ltmp8:
0xea: {  	_ = 	snop;
	(pc) =	sbr.rel @p0 .LBB2_7-.Ltmp8, $4  }
0xeb: {  	v62 =	vsel vm1, v4, v7;
	v63 =	vsel vm0, v4, v7  }
0xec: {  	v5 =	vand.u32 $0xFFFF0000, v62;
	v4 =	vand.u32 $0xFFFF, v63  }
0xed: {  	v4 =	vor.u32 v4, v5  }
0xee: {  	[tilespmem:v3+s18+$0x0] =	vst.idx.msk vm2, v4  }
.LBB2_10:
0xef: {  	p0 =	sgt.u32 s23, $0x3  }
0xf0: {  	_ =	swait.ge [sflag:s19], $0x2710;
	s31 =	simm.s32 $0x0;
	s24 =	sadd.s32 @!p0 s24, s7  }
0xf1: {  	[sflag:s19] =	ssyncset.done $0x0;
	s25 =	simm.s32 @!p0 $0x0;
	s24 =	sshrl.u32 @!p0 s24, $0x3  }
0xf2: {  	s26 =	simm.s32 @!p0 $0x18700;
	[sflag:s19] =	ssyncadd.s32 $0xFFFFD8F0;
	s24 =	sadd.s32 @!p0 s4, s24  }
0xf3: {  	[tilespmem:s26], [sflag:$0x1] =	stream.linear.gather @!p0 [hbm4b:s24+s25], $0x2710, $0x38;
	[tilespmem:$0x1D600] =	vst v63  }
0xf4: {  	v4 =	vld [tilespmem:s31+$0x1AEA0];
	_ =	sdelay $0x2  }
0xf5: {  	v5 =	vld [tilespmem:s31+$0x1AE80];
	_ =	sdelay $0x1  }
0xf6: {  	v7 =	vld [tilespmem:s31+$0x1AE90];
	v3 =	vshrl.u32 v4, $0x10  }
0xf7: {  	v6 =	vand.u32 $0xFFFF, v4;
	_ =	sdelay $0x1  }
0xf8: {  	v8 =	vand.u32 $0xFFFF, v5  }
0xf9: {  	v10 =	vld [tilespmem:s31+$0x1AEC0];
	v4 =	vshrl.u32 v5, $0x10  }
0xfa: {  	v9 =	vand.u32 $0xFFFF, v7;
	v16 =	vld.idx.msk [tilespmem:v3+s18+$0x0], $0xffff  }
0xfb: {  	v7 =	vshrl.u32 v7, $0x10;
	v14 =	vld.idx.msk [tilespmem:v6+s3+$0x0], $0xffff  }
0xfc: {  	v6 =	vld [tilespmem:s31+$0x1AEB0]  }
0xfd: {  	v22 =	vld.idx.msk [tilespmem:v8+s3+$0x0], $0xffff  }
0xfe: {  	v17 =	vld.idx.msk [tilespmem:v4+s18+$0x0], $0xffff  }
0xff: {  	v20 =	vld.idx.msk [tilespmem:v9+s3+$0x0], $0xffff  }
0x100: {  	v18 =	vld.idx.msk [tilespmem:v7+s18+$0x0], $0xffff  }
0x101: {  	v15 =	vshrl.u32 v10, $0x10;
	v19 =	vand.u32 $0xFFFF, v10;
	v8 =	vshll.u32 v16, $0x10  }
0x102: {  	v5 =	vshll.u32 v14, $0x10;
	v12 =	vshrl.u32 v6, $0x10;
	v9 =	vand.u32 $0xFFFF0000, v22  }
0x103: {  	v6 =	vand.u32 $0xFFFF, v6;
	v11 =	vshll.u32 v17, $0x10;
	v13 =	vand.u32 $0xFFFF0000, v17  }
0x104: {  	v10 =	vand.u32 $0xFFFF0000, v20;
	vm1 =	vgt.f32 v5, v8;
	v8 =	vshll.u32 v22, $0x10  }
0x105: {  	v26 =	vshll.u32 v18, $0x10;
	vm2 =	vgt.f32 v8, v11;
	v11 =	vshll.u32 v20, $0x10  }
0x106: {  	v27 =	vand.u32 $0xFFFF0000, v18;
	vm3 =	vgt.f32 v9, v13;
	vm10 =	vgt.f32 v11, v26;
	v26 =	vld.idx.msk [tilespmem:v15+s18+$0x0], $0xffff  }
0x107: {  	v13 =	vand.u32 $0xFFFF0000, v14;
	vm4 =	vgt.f32 v10, v27;
	v27 =	vand.u32 $0xFFFF0000, v16;
	v25 =	vld.idx.msk [tilespmem:v12+s18+$0x0], $0xffff  }
0x108: {  	v24 =	vsel vm1, v14, v16;
	v28 =	vsel vm4, v20, v18;
	v23 =	vsel vm2, v22, v17;
	v21 =	vld.idx.msk [tilespmem:v6+s3+$0x0], $0xffff  }
0x109: {  	vm12 =	vgt.f32 v13, v27;
	v6 =	vsel vm3, v22, v17;
	v17 =	vand.u32 $0xFFFF, v23;
	v23 =	vld.idx.msk [tilespmem:v19+s3+$0x0], $0xffff  }
0x10a: {  	vm0 =	vmor vm2, vm3;
	vm1 =	vmor vm1, vm12;
	v30 =	vsel vm12, v14, v16  }
0x10b: {  	vm11 =	vmor vm10, vm4;
	v27 =	vsel vm10, v20, v18;
	v6 =	vand.u32 $0xFFFF0000, v6  }
0x10c: {  	v6 =	vor.u32 v17, v6;
	v62 =	vshll.u32 v26, $0x10;
	v19 =	vand.u32 $0xFFFF0000, v25  }
0x10d: {  	v29 =	vshll.u32 v25, $0x10;
	v17 =	vshll.u32 v21, $0x10;
	v18 =	vand.u32 $0xFFFF0000, v21  }
0x10e: {  	v16 =	vand.u32 $0xFFFF0000, v23;
	vm14 =	vgt.f32 v18, v19;
	v19 =	vand.u32 $0xFFFF0000, v26  }
0x10f: {  	vm13 =	vgt.f32 v17, v29;
	vm5 =	vgt.f32 v16, v19;
	v19 =	vshll.u32 v23, $0x10  }
0x110: {  	v28 =	vand.u32 $0xFFFF0000, v28;
	vm4 =	vmor vm13, vm14;
	vm6 =	vgt.f32 v19, v62  }
0x111: {  	v24 =	vand.u32 $0xFFFF, v24;
	v30 =	vand.u32 $0xFFFF0000, v30;
	vm15 =	vmor vm6, vm5  }
0x112: {  	v27 =	vand.u32 $0xFFFF, v27;
	v24 =	vor.u32 v24, v30;
	v63 =	vsel vm14, v21, v25  }
0x113: {  	[tilespmem:v4+s18+$0x0] =	vst.idx.msk vm0, v6;
	v6 =	vor.u32 v27, v28;
	v25 =	vsel vm13, v21, v25;
	v27 =	vand.u32 $0xFFFF0000, v63  }
0x114: {  	[tilespmem:v7+s18+$0x0] =	vst.idx.msk vm11, v6;
	v6 =	vand.u32 $0xFFFF, v25;
	v25 =	vsel vm5, v23, v26;
	v26 =	vsel vm6, v23, v26  }
0x115: {  	[tilespmem:v3+s18+$0x0] =	vst.idx.msk vm1, v24;
	v6 =	vor.u32 v6, v27;
	v24 =	vand.u32 $0xFFFF0000, v25;
	v25 =	vand.u32 $0xFFFF, v26  }
0x116: {  	[tilespmem:v12+s18+$0x0] =	vst.idx.msk vm4, v6;
	v6 =	vor.u32 v25, v24  }
0x117: {  	[tilespmem:v15+s18+$0x0] =	vst.idx.msk vm15, v6  }
0x118: {  	s24 =	simm.s32 $0x140;
	v6 =	vimm.s32 $0x0;
	v24 =	vld.idx.msk [tilespmem:v4+s18+$0x0], $0xffff  }
.LBB2_11:
0x119: {  	p0 =	sne.s32 s24, $0x9B00;
	v25 =	vld.idx.msk [tilespmem:v3+s18+$0x0], $0xffff;
	s25 =	smov.u32 s24;
	s24 =	sadd.s32 $0x140, s24  }
0x11a: {  	v26 =	vld.idx.msk [tilespmem:v12+s18+$0x0], $0xffff  }
0x11b: {  	v27 =	vld.idx.msk [tilespmem:v15+s18+$0x0], $0xffff;
	_ =	sdelay $0x2  }
0x11c: {  	v29 =	vshll.u32 v24, $0x10;
	v30 =	vand.u32 $0xFFFF0000, v24;
	v28 =	vld.idx.msk [tilespmem:v7+s18+$0x0], $0xffff  }
0x11d: {  	vm0 =	vgt.f32 v8, v29;
	vm2 =	vgt.f32 v9, v30;
	v29 =	vshll.u32 v25, $0x10  }
0x11e: {  	v31 =	vand.u32 $0xFFFF0000, v25;
	v30 =	vsel vm0, v22, v24;
	vm1 =	vmor vm0, vm2  }
0x11f: {  	v22 =	vsel vm2, v22, v24;
	v24 =	vand.u32 $0xFFFF, v30;
	v30 =	vshll.u32 v27, $0x10  }
0x120: {  	vm2 =	vgt.f32 v5, v29;
	vm3 =	vgt.f32 v13, v31;
	vm0 =	vgt.f32 v19, v30  }
0x121: {  	v29 =	vsel vm2, v14, v25;
	v31 =	vand.u32 $0xFFFF0000, v27;
	v30 =	vshll.u32 v26, $0x10  }
0x122: {  	vm4 =	vgt.f32 v16, v31;
	v32 =	vshll.u32 v28, $0x10;
	v33 =	vand.u32 $0xFFFF0000, v28  }
0x123: {  	v31 =	vsel vm4, v23, v27;
	vm5 =	vgt.f32 v11, v32;
	vm6 =	vgt.f32 v10, v33  }
0x124: {  	v33 =	vand.u32 $0xFFFF0000, v26;
	v32 =	vsel vm5, v20, v28;
	vm5 =	vmor vm5, vm6  }
0x125: {  	s25 =	sshra.s32 s25, $0x2;
	vm7 =	vmor vm2, vm3;
	vm8 =	vgt.f32 v17, v30;
	vm2 =	vmor vm0, vm4  }
0x126: {  	v22 =	vand.u32 $0xFFFF0000, v22;
	v30 =	vand.u32 $0xFFFF0000, v31;
	vm4 =	vgt.f32 v18, v33  }
0x127: {  	v22 =	vor.u32 v24, v22;
	v24 =	vsel vm8, v21, v26;
	v20 =	vsel vm6, v20, v28  }
0x128: {  	v14 =	vsel vm3, v14, v25;
	v20 =	vand.u32 $0xFFFF0000, v20;
	[tilespmem:v4+s18+$0x0] =	vst.idx.msk vm1, v22;
	v22 =	vand.u32 $0xFFFF, v32  }
0x129: {  	v14 =	vand.u32 $0xFFFF0000, v14;
	v20 =	vor.u32 v22, v20;
	v22 =	vand.u32 $0xFFFF, v29  }
0x12a: {  	vm1 =	vmor vm8, vm4;
	[tilespmem:v7+s18+$0x0] =	vst.idx.msk vm5, v20;
	v14 =	vor.u32 v22, v14;
	v20 =	vand.u32 $0xFFFF, v24  }
0x12b: {  	[tilespmem:v3+s18+$0x0] =	vst.idx.msk vm7, v14;
	v14 =	vsel vm4, v21, v26;
	v21 =	vsel vm0, v23, v27;
	_ =	sdelay $0x2  }
0x12c: {  	v14 =	vand.u32 $0xFFFF0000, v14  }
0x12d: {  	v14 =	vor.u32 v20, v14;
	v20 =	vand.u32 $0xFFFF, v21  }
0x12e: {  	[tilespmem:v12+s18+$0x0] =	vst.idx.msk vm1, v14;
	v14 =	vor.u32 v20, v30  }
0x12f: {  	[tilespmem:v15+s18+$0x0] =	vst.idx.msk vm2, v14  }
0x130: {  	v14 =	vld [tilespmem:s25+$0x1AEA0]  }
0x131: {  	v4 =	vld.idx.msk [tilespmem:v4+s18+$0x0], $0xffff  }
0x132: {  	v20 =	vld.idx.msk [tilespmem:v3+s18+$0x0], $0xffff  }
0x133: {  	v12 =	vld.idx.msk [tilespmem:v12+s18+$0x0], $0xffff  }
0x134: {  	v7 =	vld.idx.msk [tilespmem:v7+s18+$0x0], $0xffff  }
0x135: {  	v3 =	vshrl.u32 v14, $0x10;
	v15 =	vld.idx.msk [tilespmem:v15+s18+$0x0], $0xffff  }
0x136: {  	v14 =	vand.u32 $0xFFFF, v14;
	v21 =	vld [tilespmem:s25+$0x1AE80]  }
0x137: {  	v22 =	vshll.u32 v4, $0x10;
	v4 =	vand.u32 $0xFFFF0000, v4  }
0x138: {  	vm0 =	vgt.f32 v8, v22;
	vm1 =	vgt.f32 v9, v4;
	v4 =	vshll.u32 v20, $0x10  }
0x139: {  	v9 =	vand.u32 $0xFFFF0000, v20;
	vm0 =	vmor vm0, vm1;
	vm1 =	vgt.f32 v5, v4;
	v8 =	vld [tilespmem:s25+$0x1AE90]  }
0x13a: {  	vm2 =	vgt.f32 v13, v9;
	v5 =	vshll.u32 v7, $0x10;
	v7 =	vand.u32 $0xFFFF0000, v7;
	v24 =	vld.idx.msk [tilespmem:v3+s18+$0x0], $0xffff  }
0x13b: {  	vm3 =	vgt.f32 v11, v5;
	v4 =	vshrl.u32 v21, $0x10;
	v9 =	vand.u32 $0xFFFF, v21;
	v14 =	vld.idx.msk [tilespmem:v14+s3+$0x0], $0xffff  }
0x13c: {  	vm1 =	vmor vm1, vm2;
	vm4 =	vgt.f32 v10, v7;
	v5 =	vshll.u32 v12, $0x10  }
0x13d: {  	v7 =	vand.u32 $0xFFFF0000, v12;
	vm2 =	vmor vm3, vm4;
	vm3 =	vgt.f32 v17, v5  }
0x13e: {  	v10 =	vshll.u32 v15, $0x10;
	vm0 =	vmor vm0, vm2;
	vm2 =	vgt.f32 v18, v7  }
0x13f: {  	vm0 =	vmor vm0, vm1;
	vm1 =	vmor vm3, vm2;
	v11 =	vand.u32 $0xFFFF, v8;
	v13 =	vld [tilespmem:s25+$0x1AEB0]  }
0x140: {  	v7 =	vshrl.u32 v8, $0x10;
	vm1 =	vmor vm0, vm1;
	v8 =	vshll.u32 v24, $0x10;
	v22 =	vld.idx.msk [tilespmem:v9+s3+$0x0], $0xffff  }
0x141: {  	v5 =	vshll.u32 v14, $0x10;
	v9 =	vand.u32 $0xFFFF0000, v15;
	v17 =	vld.idx.msk [tilespmem:v4+s18+$0x0], $0xffff  }
0x142: {  	vm2 =	vgt.f32 v19, v10;
	vm0 =	vgt.f32 v5, v8;
	vm3 =	vgt.f32 v16, v9  }
0x143: {  	v16 =	vsel vm0, v14, v24;
	vm2 =	vmor vm2, vm3;
	v10 =	vld [tilespmem:s25+$0x1AEC0]  }
0x144: {  	vm1 =	vmor vm1, vm2;
	v20 =	vld.idx.msk [tilespmem:v11+s3+$0x0], $0xffff;
	v12 =	vshrl.u32 v13, $0x10  }
0x145: {  	v11 =	vsel vm1, $0x1, v1;
	v18 =	vld.idx.msk [tilespmem:v7+s18+$0x0], $0xffff  }
0x146: {  	v8 =	vshll.u32 v22, $0x10;
	v9 =	vand.u32 $0xFFFF0000, v22;
	v6 =	vor.u32 v11, v6  }
0x147: {  	v19 =	vand.u32 $0xFFFF, v13;
	v11 =	vshll.u32 v17, $0x10;
	v13 =	vand.u32 $0xFFFF0000, v17  }
0x148: {  	vm2 =	vgt.f32 v8, v11;
	vm3 =	vgt.f32 v9, v13;
	v23 =	vand.u32 $0xFFFF, v10  }
0x149: {  	v15 =	vshrl.u32 v10, $0x10;
	vm1 =	vmor vm2, vm3;
	v25 =	vld.idx.msk [tilespmem:v12+s18+$0x0], $0xffff  }
0x14a: {  	v13 =	vand.u32 $0xFFFF0000, v14;
	v11 =	vshll.u32 v20, $0x10;
	v10 =	vand.u32 $0xFFFF0000, v20  }
0x14b: {  	v26 =	vsel vm2, v22, v17;
	v27 =	vshll.u32 v18, $0x10;
	v28 =	vand.u32 $0xFFFF0000, v18  }
0x14c: {  	v17 =	vsel vm3, v22, v17;
	vm2 =	vgt.f32 v11, v27;
	vm3 =	vgt.f32 v10, v28;
	v21 =	vld.idx.msk [tilespmem:v19+s3+$0x0], $0xffff  }
0x14d: {  	v19 =	vand.u32 $0xFFFF, v26;
	vm4 =	vmor vm2, vm3;
	v26 =	vand.u32 $0xFFFF0000, v24  }
0x14e: {  	v28 =	vsel vm3, v20, v18;
	vm3 =	vgt.f32 v13, v26;
	v27 =	vld.idx.msk [tilespmem:v15+s18+$0x0], $0xffff  }
0x14f: {  	v18 =	vsel vm2, v20, v18;
	vm0 =	vmor vm0, vm3;
	v26 =	vand.u32 $0xFFFF0000, v25  }
0x150: {  	v17 =	vand.u32 $0xFFFF0000, v17;
	v29 =	vshll.u32 v25, $0x10  }
0x151: {  	v17 =	vor.u32 v19, v17;
	v19 =	vand.u32 $0xFFFF0000, v28;
	v24 =	vsel vm3, v14, v24;
	v23 =	vld.idx.msk [tilespmem:v23+s3+$0x0], $0xffff  }
0x152: {  	v16 =	vand.u32 $0xFFFF, v16;
	v28 =	vand.u32 $0xFFFF, v18;
	[tilespmem:v4+s18+$0x0] =	vst.idx.msk vm1, v17;
	v17 =	vshll.u32 v21, $0x10  }
0x153: {  	v24 =	vand.u32 $0xFFFF0000, v24;
	v18 =	vand.u32 $0xFFFF0000, v21;
	vm1 =	vgt.f32 v17, v29  }
0x154: {  	v19 =	vor.u32 v28, v19;
	v16 =	vor.u32 v16, v24;
	vm2 =	vgt.f32 v18, v26  }
0x155: {  	v24 =	vsel vm1, v21, v25;
	vm1 =	vmor vm1, vm2;
	[tilespmem:v7+s18+$0x0] =	vst.idx.msk vm4, v19;
	v19 =	vsel vm2, v21, v25  }
0x156: {  	[tilespmem:v3+s18+$0x0] =	vst.idx.msk vm0, v16;
	v16 =	vand.u32 $0xFFFF0000, v19;
	v19 =	vand.u32 $0xFFFF, v24;
	v24 =	vand.u32 $0xFFFF0000, v27  }
0x157: {  	v26 =	vshll.u32 v27, $0x10;
	v25 =	vor.u32 v19, v16;
	v16 =	vand.u32 $0xFFFF0000, v23  }
0x158: {  	v19 =	vshll.u32 v23, $0x10;
	vm0 =	vgt.f32 v16, v24  }
0x159: {  	vm2 =	vgt.f32 v19, v26;
	v24 =	vsel vm0, v23, v27  }
0x15a: {  	v26 =	vsel vm2, v23, v27;
	vm0 =	vmor vm2, vm0;
	v24 =	vand.u32 $0xFFFF0000, v24  }
0x15b: {  	[tilespmem:v12+s18+$0x0] =	vst.idx.msk vm1, v25;
	v25 =	vand.u32 $0xFFFF, v26  }
0x15c: {  	v24 =	vor.u32 v25, v24  }
.Ltmp9:
0x15d: {  	(pc) =	sbr.rel @p0 .LBB2_11-.Ltmp9, $3  }
0x15e: {  	_ =	sdelay $0x1  }
0x15f: {  	[tilespmem:v15+s18+$0x0] =	vst.idx.msk vm0, v24  }
0x160: {  	v24 =	vld.idx.msk [tilespmem:v4+s18+$0x0], $0xffff  }
0x161: {  	_ =	sdelay $0x3  }
0x162: {  	v25 =	vld.idx.msk [tilespmem:v3+s18+$0x0], $0xffff  }
0x163: {  	v26 =	vld.idx.msk [tilespmem:v15+s18+$0x0], $0xffff  }
0x164: {  	v27 =	vld.idx.msk [tilespmem:v12+s18+$0x0], $0xffff  }
0x165: {  	v30 =	vld.idx.msk [tilespmem:v7+s18+$0x0], $0xffff;
	_ =	sdelay $0x1  }
0x166: {  	v28 =	vshll.u32 v24, $0x10;
	v29 =	vand.u32 $0xFFFF0000, v24  }
0x167: {  	vm0 =	vgt.f32 v8, v28;
	vm1 =	vgt.f32 v9, v29  }
0x168: {  	v37 =	vshll.u32 v25, $0x10;
	v31 =	vand.u32 $0xFFFF0000, v25;
	v41 =	vshll.u32 v26, $0x10  }
0x169: {  	v42 =	vshll.u32 v27, $0x10;
	v43 =	vand.u32 $0xFFFF0000, v26;
	v32 =	vshll.u32 v30, $0x10  }
0x16a: {  	v33 =	vand.u32 $0xFFFF0000, v30;
	v44 =	vand.u32 $0xFFFF0000, v27;
	v38 =	vsel vm0, v22, v24  }
0x16b: {  	vm2 =	vmor vm0, vm1;
	v39 =	vsel vm1, v22, v24;
	vm14 =	vgt.f32 v5, v37  }
0x16c: {  	vm3 =	vgt.f32 v13, v31;
	vm15 =	vgt.f32 v19, v41;
	vm4 =	vgt.f32 v16, v43  }
0x16d: {  	vm5 =	vgt.f32 v11, v32;
	vm6 =	vgt.f32 v10, v33;
	vm7 =	vgt.f32 v17, v42  }
0x16e: {  	vm8 =	vgt.f32 v18, v44;
	v40 =	vand.u32 $0xFFFF, v38;
	v28 =	vsel vm14, v14, v25  }
0x16f: {  	v31 =	vsel vm4, v23, v26;
	v32 =	vsel vm5, v20, v30;
	vm5 =	vmor vm5, vm6  }
0x170: {  	vm1 =	vmor vm14, vm3;
	vm4 =	vmor vm15, vm4;
	v22 =	vand.u32 $0xFFFF0000, v39  }
0x171: {  	v45 =	vsel vm6, v20, v30;
	vm10 =	vmor vm7, vm8;
	v46 =	vsel vm7, v21, v27  }
0x172: {  	v47 =	vsel vm3, v14, v25;
	v50 =	vsel vm8, v21, v27;
	v52 =	vsel vm15, v23, v26  }
0x173: {  	v22 =	vor.u32 v40, v22;
	v20 =	vand.u32 $0xFFFF0000, v45;
	v48 =	vand.u32 $0xFFFF, v32  }
0x174: {  	v14 =	vand.u32 $0xFFFF0000, v47;
	v49 =	vand.u32 $0xFFFF, v28;
	v20 =	vor.u32 v48, v20;
	[tilespmem:v4+s18+$0x0] =	vst.idx.msk vm2, v22  }
0x175: {  	v51 =	vand.u32 $0xFFFF, v46;
	v21 =	vand.u32 $0xFFFF0000, v50;
	v14 =	vor.u32 v49, v14;
	[tilespmem:v7+s18+$0x0] =	vst.idx.msk vm5, v20  }
0x176: {  	v53 =	vand.u32 $0xFFFF0000, v31;
	v55 =	vand.u32 $0xFFFF, v52;
	v54 =	vor.u32 v51, v21;
	[tilespmem:v3+s18+$0x0] =	vst.idx.msk vm1, v14  }
0x177: {  	v56 =	vor.u32 v55, v53;
	[tilespmem:v12+s18+$0x0] =	vst.idx.msk vm10, v54  }
0x178: {  	[tilespmem:v15+s18+$0x0] =	vst.idx.msk vm4, v56  }
0x179: {  	v4 =	vld.idx.msk [tilespmem:v4+s18+$0x0], $0xffff  }
0x17a: {  	v3 =	vld.idx.msk [tilespmem:v3+s18+$0x0], $0xffff  }
0x17b: {  	v7 =	vld.idx.msk [tilespmem:v7+s18+$0x0], $0xffff  }
0x17c: {  	v12 =	vld.idx.msk [tilespmem:v12+s18+$0x0], $0xffff  }
0x17d: {  	v59 =	vld.idx.msk [tilespmem:v15+s18+$0x0], $0xffff;
	_ =	sdelay $0x2  }
0x17e: {  	v57 =	vshll.u32 v4, $0x10;
	v4 =	vand.u32 $0xFFFF0000, v4  }
0x17f: {  	v58 =	vshll.u32 v3, $0x10;
	v3 =	vand.u32 $0xFFFF0000, v3;
	v60 =	vshll.u32 v7, $0x10  }
0x180: {  	v61 =	vand.u32 $0xFFFF0000, v7;
	v62 =	vand.u32 $0xFFFF0000, v12;
	v63 =	vand.u32 $0xFFFF0000, v59  }
0x181: {  	vm11 =	vgt.f32 v8, v57;
	vm12 =	vgt.f32 v9, v4;
	vm13 =	vgt.f32 v5, v58  }
0x182: {  	vm14 =	vgt.f32 v13, v3;
	vm15 =	vgt.f32 v11, v60;
	vm8 =	vgt.f32 v10, v61  }
0x183: {  	v3 =	vshll.u32 v12, $0x10;
	vm0 =	vmor vm11, vm12;
	vm1 =	vmor vm13, vm14  }
0x184: {  	vm9 =	vmor vm15, vm8;
	vm10 =	vgt.f32 v17, v3;
	vm11 =	vgt.f32 v18, v62  }
0x185: {  	v3 =	vshll.u32 v59, $0x10;
	vm14 =	vgt.f32 v16, v63;
	vm0 =	vmor vm0, vm9  }
0x186: {  	vm12 =	vmor vm10, vm11;
	vm13 =	vgt.f32 v19, v3;
	vm0 =	vmor vm0, vm1  }
0x187: {  	vm15 =	vmor vm13, vm14;
	vm0 =	vmor vm0, vm12  }
0x188: {  	vm0 =	vmor vm0, vm15  }
0x189: {  	v3 =	vsel vm0, $0x1, v1  }
0x18a: {  	v3 =	vor.u32 v3, v6  }
0x18b: {  	v3 =	vxor.u32 $0x80000000, v3  }
0x18c: {  	(xrf0) =	vmax.scan.msk.u32 $0xffff, v3;
	_ =	sdelay $0x5  }
0x18d: {  	v3, _, _ =	vpop (xrf0)  }
0x18e: {  	(v2sf) =	vpush v3, $0xF;
	_ =	sdelay $0xe  }
0x18f: {  	s24 =	spop (v2sf)  }
0x190: {  	p0 =	slt.u32 s24, $0x80000001  }
.Ltmp10:
0x191: {  	_ = 	snop;
	(pc) =	sbr.rel @p0 .LBB2_16-.Ltmp10, $2  }
0x192: {  	_ =	sdelay $0x2  }
0x193: {  	s24 =	simm.s32 $0x0  }
.LBB2_13:
0x194: {  	s25 =	sshll.u32 s24, $0x4  }
0x195: {  	s25 =	sand.u32 $0x3FFFFFF0, s25  }
0x196: {  	v3 =	vld [tilespmem:s25+$0x1AE80];
	_ =	sdelay $0x4  }
0x197: {  	v4 =	vand.u32 $0xFFFF, v3;
	_ =	sdelay $0x4  }
0x198: {  	v3 =	vshrl.u32 v3, $0x10;
	v4 =	vld.idx.msk [tilespmem:v4+s3+$0x0], $0xffff;
	_ =	sdelay $0x4  }
0x199: {  	s25 =	simm.s32 $0xF;
	v7 =	vld.idx.msk [tilespmem:v3+s18+$0x0], $0xffff;
	v5 =	vshll.u32 v4, $0x10;
	v6 =	vand.u32 $0xFFFF0000, v4  }
.LBB2_14:
0x19a: {  	p0 =	sne.s32 s25, $0x1;
	_ =	sdelay $0x4  }
0x19b: {  	v8 =	vshll.u32 v7, $0x10;
	v9 =	vand.u32 $0xFFFF0000, v7  }
0x19c: {  	vm0 =	vgt.f32 v5, v8;
	vm1 =	vgt.f32 v6, v9  }
0x19d: {  	vm2 =	vmor vm0, vm1;
	_ =	sdelay $0x2  }
.Ltmp11:
0x19e: {  	v8 =	vsel vm1, v4, v7;
	v7 =	vsel vm0, v4, v7;
	(pc) =	sbr.rel @p0 .LBB2_14-.Ltmp11, $4  }
0x19f: {  	v8 =	vand.u32 $0xFFFF0000, v8;
	v7 =	vand.u32 $0xFFFF, v7  }
0x1a0: {  	v7 =	vor.u32 v7, v8  }
0x1a1: {  	[tilespmem:v3+s18+$0x0] =	vst.idx.msk vm2, v7  }
0x1a2: {  	s25 =	sadd.s32 $0xFFFFFFFF, s25;
	v7 =	vld.idx.msk [tilespmem:v3+s18+$0x0], $0xffff  }
0x1a3: {  	_ =	sdelay $0x3  }
0x1a4: {  	v8 =	vshll.u32 v7, $0x10;
	v9 =	vand.u32 $0xFFFF0000, v7  }
0x1a5: {  	vm0 =	vgt.f32 v5, v8;
	vm1 =	vgt.f32 v6, v9  }
0x1a6: {  	s24 =	sadd.s32 $0x1, s24;
	vm2 =	vmor vm0, vm1  }
0x1a7: {  	p0 =	sne.s32 s24, $0x271  }
.Ltmp12:
0x1a8: {  	_ = 	snop;
	(pc) =	sbr.rel @p0 .LBB2_13-.Ltmp12, $4  }
.Ltmp13:
0x1a9: {  	v62 =	vsel vm1, v4, v7;
	v63 =	vsel vm0, v4, v7;
	(pc) =	sbr.rel @!p0 .LBB2_16-.Ltmp13, $4  }
0x1aa: {  	v5 =	vand.u32 $0xFFFF0000, v62;
	v4 =	vand.u32 $0xFFFF, v63  }
0x1ab: {  	v4 =	vor.u32 v4, v5  }
0x1ac: {  	[tilespmem:v3+s18+$0x0] =	vst.idx.msk vm2, v4  }
0x1ad: {  	_ = 	snop  }
.LBB2_17:
0x1ae: {  	s22 =	simm.s32 $0x0  }
0x1af: {  	[hbm4b:s8+s22] =	stream.linear.scatter [tilespmem:s18], [sflag:$0x4], $0xC380, $0x38;
	[tilespmem:$0x1D600] =	vst v63  }
0x1b0: {  	_ = 	snop  }
0x1b1: {  	[tilespmem:s22], [sflag:$0x3] =	stream.linear.gather [hbm4b:s9+s22], $0xC380, $0x38;
	[tilespmem:$0x1D600] =	vst v63  }
0x1b2: {  	_ = 	snop  }
0x1b3: {  	[tilespmem:s14], [sflag:$0x1] =	stream.linear.gather [hbm4b:s5+s22], $0x2710, $0x38;
	[tilespmem:$0x1D600] =	vst v63  }
0x1b4: {  	_ =	swait.ge [sflag:s20], $0xC380  }
0x1b5: {  	[sflag:s20] =	ssyncset.done $0x0  }
0x1b6: {  	s23 =	simm.s32 $0x200;
	s22 =	simm.s32 $0x0;
	[sflag:s20] =	ssyncadd.s32 $0xFFFF3C80  }
.LBB2_18:
0x1b7: {  	p0 =	sne.s32 s23, $0x30C00;
	[tilespmem:s22+$0xC3F0] =	vst v0  }
0x1b8: {  	[tilespmem:s22+$0xC380] =	vst v0  }
0x1b9: {  	[tilespmem:s22+$0xC390] =	vst v0  }
.Ltmp14:
0x1ba: {  	[tilespmem:s22+$0xC3A0] =	vst v0;
	(pc) =	sbr.rel @p0 .LBB2_18-.Ltmp14, $4  }
0x1bb: {  	[tilespmem:s22+$0xC3B0] =	vst v0  }
0x1bc: {  	[tilespmem:s22+$0xC3C0] =	vst v0  }
0x1bd: {  	[tilespmem:s22+$0xC3D0] =	vst v0  }
0x1be: {  	[tilespmem:s22+$0xC3E0] =	vst v0;
	s22 =	sshra.s32 s23, $0x2;
	s23 =	sadd.s32 $0x200, s23  }
0x1bf: {  	[tilespmem:s22+$0xC3F0] =	vst v0  }
0x1c0: {  	[tilespmem:s22+$0xC380] =	vst v0  }
0x1c1: {  	[tilespmem:s22+$0xC390] =	vst v0  }
0x1c2: {  	[tilespmem:s22+$0xC3A0] =	vst v0  }
0x1c3: {  	[tilespmem:s22+$0xC3B0] =	vst v0  }
0x1c4: {  	[tilespmem:s22+$0xC3C0] =	vst v0  }
.Ltmp15:
0x1c5: {  	[tilespmem:s22+$0xC3D0] =	vst v0;
	(pc) =	sbr.rel .LBB2_20-.Ltmp15, $4  }
0x1c6: {  	[tilespmem:s22+$0xC3E0] =	vst v0  }
0x1c7: {  	_ =	swait.ge [sflag:s15], $0xC380  }
0x1c8: {  	[sflag:s15] =	ssyncset.done $0x0  }
0x1c9: {  	s22 =	simm.s32 $0x0;
	s23 =	simm.s32 $0x0;
	[sflag:s15] =	ssyncadd.s32 $0xFFFF3C80  }
.LBB2_32:
0x1ca: {  	s23 =	sadd.s32 $0x1, s23  }
0x1cb: {  	p0 =	sne.s32 s23, $0x5  }
.Ltmp16:
0x1cc: {  	_ = 	snop;
	(pc) =	sbr.rel @!p0 .LBB2_33-.Ltmp16, $1  }
0x1cd: {  	_ =	sdelay $0x3  }
.LBB2_20:
0x1ce: {  	s24 =	smul.u32 $0x4E20, s23;
	_ =	sdelay $0x1  }
0x1cf: {  	_ =	swait.ge [sflag:s16], $0x2710;
	s25 =	sadd.s32 s24, s6  }
0x1d0: {  	[sflag:s16] =	ssyncset.done $0x0;
	s25 =	sshrl.u32 s25, $0x3  }
0x1d1: {  	s31 =	simm.s32 $0x0;
	[sflag:s16] =	ssyncadd.s32 $0xFFFFD8F0;
	s25 =	sadd.s32 s4, s25  }
0x1d2: {  	[tilespmem:s17], [sflag:$0x2] =	stream.linear.gather [hbm4b:s25+s22], $0x2710, $0x38;
	[tilespmem:$0x1D600] =	vst v63  }
0x1d3: {  	v4 =	vld [tilespmem:s31+$0x18720];
	_ =	sdelay $0x2  }
0x1d4: {  	v5 =	vld [tilespmem:s31+$0x18700];
	_ =	sdelay $0x1  }
0x1d5: {  	v7 =	vld [tilespmem:s31+$0x18710];
	v3 =	vshrl.u32 v4, $0x10  }
0x1d6: {  	v6 =	vand.u32 $0xFFFF, v4;
	_ =	sdelay $0x1  }
0x1d7: {  	v8 =	vand.u32 $0xFFFF, v5  }
0x1d8: {  	v10 =	vld [tilespmem:s31+$0x18740];
	v4 =	vshrl.u32 v5, $0x10  }
0x1d9: {  	v9 =	vand.u32 $0xFFFF, v7;
	v16 =	vld.idx.msk [tilespmem:v3+s18+$0x0], $0xffff  }
0x1da: {  	v7 =	vshrl.u32 v7, $0x10;
	v14 =	vld.idx.msk [tilespmem:v6+s3+$0x0], $0xffff  }
0x1db: {  	v6 =	vld [tilespmem:s31+$0x18730]  }
0x1dc: {  	v22 =	vld.idx.msk [tilespmem:v8+s3+$0x0], $0xffff  }
0x1dd: {  	v17 =	vld.idx.msk [tilespmem:v4+s18+$0x0], $0xffff  }
0x1de: {  	v20 =	vld.idx.msk [tilespmem:v9+s3+$0x0], $0xffff  }
0x1df: {  	v18 =	vld.idx.msk [tilespmem:v7+s18+$0x0], $0xffff  }
0x1e0: {  	v15 =	vshrl.u32 v10, $0x10;
	v19 =	vand.u32 $0xFFFF, v10;
	v8 =	vshll.u32 v16, $0x10  }
0x1e1: {  	v5 =	vshll.u32 v14, $0x10;
	v12 =	vshrl.u32 v6, $0x10;
	v9 =	vand.u32 $0xFFFF0000, v22  }
0x1e2: {  	v6 =	vand.u32 $0xFFFF, v6;
	v11 =	vshll.u32 v17, $0x10;
	v13 =	vand.u32 $0xFFFF0000, v17  }
0x1e3: {  	v10 =	vand.u32 $0xFFFF0000, v20;
	vm1 =	vgt.f32 v5, v8;
	v8 =	vshll.u32 v22, $0x10  }
0x1e4: {  	v26 =	vshll.u32 v18, $0x10;
	vm2 =	vgt.f32 v8, v11;
	v11 =	vshll.u32 v20, $0x10  }
0x1e5: {  	v27 =	vand.u32 $0xFFFF0000, v18;
	vm3 =	vgt.f32 v9, v13;
	vm10 =	vgt.f32 v11, v26;
	v26 =	vld.idx.msk [tilespmem:v15+s18+$0x0], $0xffff  }
0x1e6: {  	v13 =	vand.u32 $0xFFFF0000, v14;
	vm4 =	vgt.f32 v10, v27;
	v27 =	vand.u32 $0xFFFF0000, v16;
	v25 =	vld.idx.msk [tilespmem:v12+s18+$0x0], $0xffff  }
0x1e7: {  	v24 =	vsel vm1, v14, v16;
	v28 =	vsel vm4, v20, v18;
	v23 =	vsel vm2, v22, v17;
	v21 =	vld.idx.msk [tilespmem:v6+s3+$0x0], $0xffff  }
0x1e8: {  	vm12 =	vgt.f32 v13, v27;
	v6 =	vsel vm3, v22, v17;
	v17 =	vand.u32 $0xFFFF, v23;
	v23 =	vld.idx.msk [tilespmem:v19+s3+$0x0], $0xffff  }
0x1e9: {  	vm0 =	vmor vm2, vm3;
	vm1 =	vmor vm1, vm12;
	v30 =	vsel vm12, v14, v16  }
0x1ea: {  	vm11 =	vmor vm10, vm4;
	v27 =	vsel vm10, v20, v18;
	v6 =	vand.u32 $0xFFFF0000, v6  }
0x1eb: {  	v6 =	vor.u32 v17, v6;
	v62 =	vshll.u32 v26, $0x10;
	v19 =	vand.u32 $0xFFFF0000, v25  }
0x1ec: {  	v29 =	vshll.u32 v25, $0x10;
	v17 =	vshll.u32 v21, $0x10;
	v18 =	vand.u32 $0xFFFF0000, v21  }
0x1ed: {  	v16 =	vand.u32 $0xFFFF0000, v23;
	vm14 =	vgt.f32 v18, v19;
	v19 =	vand.u32 $0xFFFF0000, v26  }
0x1ee: {  	vm13 =	vgt.f32 v17, v29;
	vm5 =	vgt.f32 v16, v19;
	v19 =	vshll.u32 v23, $0x10  }
0x1ef: {  	v28 =	vand.u32 $0xFFFF0000, v28;
	vm4 =	vmor vm13, vm14;
	vm6 =	vgt.f32 v19, v62  }
0x1f0: {  	v24 =	vand.u32 $0xFFFF, v24;
	v30 =	vand.u32 $0xFFFF0000, v30;
	vm15 =	vmor vm6, vm5  }
0x1f1: {  	v27 =	vand.u32 $0xFFFF, v27;
	v24 =	vor.u32 v24, v30;
	v63 =	vsel vm14, v21, v25  }
0x1f2: {  	[tilespmem:v4+s18+$0x0] =	vst.idx.msk vm0, v6;
	v6 =	vor.u32 v27, v28;
	v25 =	vsel vm13, v21, v25;
	v27 =	vand.u32 $0xFFFF0000, v63  }
0x1f3: {  	[tilespmem:v7+s18+$0x0] =	vst.idx.msk vm11, v6;
	v6 =	vand.u32 $0xFFFF, v25;
	v25 =	vsel vm5, v23, v26;
	v26 =	vsel vm6, v23, v26  }
0x1f4: {  	[tilespmem:v3+s18+$0x0] =	vst.idx.msk vm1, v24;
	v6 =	vor.u32 v6, v27;
	v24 =	vand.u32 $0xFFFF0000, v25;
	v25 =	vand.u32 $0xFFFF, v26  }
0x1f5: {  	[tilespmem:v12+s18+$0x0] =	vst.idx.msk vm4, v6;
	v6 =	vor.u32 v25, v24  }
0x1f6: {  	[tilespmem:v15+s18+$0x0] =	vst.idx.msk vm15, v6  }
0x1f7: {  	s25 =	simm.s32 $0x140;
	v6 =	vimm.s32 $0x0;
	v24 =	vld.idx.msk [tilespmem:v4+s18+$0x0], $0xffff  }
.LBB2_21:
0x1f8: {  	p0 =	sne.s32 s25, $0x9B00;
	v25 =	vld.idx.msk [tilespmem:v3+s18+$0x0], $0xffff;
	s26 =	smov.u32 s25;
	s25 =	sadd.s32 $0x140, s25  }
0x1f9: {  	v26 =	vld.idx.msk [tilespmem:v12+s18+$0x0], $0xffff  }
0x1fa: {  	v27 =	vld.idx.msk [tilespmem:v15+s18+$0x0], $0xffff;
	_ =	sdelay $0x2  }
0x1fb: {  	v29 =	vshll.u32 v24, $0x10;
	v30 =	vand.u32 $0xFFFF0000, v24;
	v28 =	vld.idx.msk [tilespmem:v7+s18+$0x0], $0xffff  }
0x1fc: {  	vm0 =	vgt.f32 v8, v29;
	vm2 =	vgt.f32 v9, v30;
	v29 =	vshll.u32 v25, $0x10  }
0x1fd: {  	v31 =	vand.u32 $0xFFFF0000, v25;
	v30 =	vsel vm0, v22, v24;
	vm1 =	vmor vm0, vm2  }
0x1fe: {  	v22 =	vsel vm2, v22, v24;
	v24 =	vand.u32 $0xFFFF, v30;
	v30 =	vshll.u32 v27, $0x10  }
0x1ff: {  	vm2 =	vgt.f32 v5, v29;
	vm3 =	vgt.f32 v13, v31;
	vm0 =	vgt.f32 v19, v30  }
0x200: {  	v29 =	vsel vm2, v14, v25;
	v31 =	vand.u32 $0xFFFF0000, v27;
	v30 =	vshll.u32 v26, $0x10  }
0x201: {  	vm4 =	vgt.f32 v16, v31;
	v32 =	vshll.u32 v28, $0x10;
	v33 =	vand.u32 $0xFFFF0000, v28  }
0x202: {  	v31 =	vsel vm4, v23, v27;
	vm5 =	vgt.f32 v11, v32;
	vm6 =	vgt.f32 v10, v33  }
0x203: {  	v33 =	vand.u32 $0xFFFF0000, v26;
	v32 =	vsel vm5, v20, v28;
	vm5 =	vmor vm5, vm6  }
0x204: {  	s26 =	sshra.s32 s26, $0x2;
	vm7 =	vmor vm2, vm3;
	vm8 =	vgt.f32 v17, v30;
	vm2 =	vmor vm0, vm4  }
0x205: {  	v22 =	vand.u32 $0xFFFF0000, v22;
	v30 =	vand.u32 $0xFFFF0000, v31;
	vm4 =	vgt.f32 v18, v33  }
0x206: {  	v22 =	vor.u32 v24, v22;
	v24 =	vsel vm8, v21, v26;
	v20 =	vsel vm6, v20, v28  }
0x207: {  	v14 =	vsel vm3, v14, v25;
	v20 =	vand.u32 $0xFFFF0000, v20;
	[tilespmem:v4+s18+$0x0] =	vst.idx.msk vm1, v22;
	v22 =	vand.u32 $0xFFFF, v32  }
0x208: {  	v14 =	vand.u32 $0xFFFF0000, v14;
	v20 =	vor.u32 v22, v20;
	v22 =	vand.u32 $0xFFFF, v29  }
0x209: {  	vm1 =	vmor vm8, vm4;
	[tilespmem:v7+s18+$0x0] =	vst.idx.msk vm5, v20;
	v14 =	vor.u32 v22, v14;
	v20 =	vand.u32 $0xFFFF, v24  }
0x20a: {  	[tilespmem:v3+s18+$0x0] =	vst.idx.msk vm7, v14;
	v14 =	vsel vm4, v21, v26;
	v21 =	vsel vm0, v23, v27;
	_ =	sdelay $0x2  }
0x20b: {  	v14 =	vand.u32 $0xFFFF0000, v14  }
0x20c: {  	v14 =	vor.u32 v20, v14;
	v20 =	vand.u32 $0xFFFF, v21  }
0x20d: {  	[tilespmem:v12+s18+$0x0] =	vst.idx.msk vm1, v14;
	v14 =	vor.u32 v20, v30  }
0x20e: {  	[tilespmem:v15+s18+$0x0] =	vst.idx.msk vm2, v14  }
0x20f: {  	v14 =	vld [tilespmem:s26+$0x18720]  }
0x210: {  	v4 =	vld.idx.msk [tilespmem:v4+s18+$0x0], $0xffff  }
0x211: {  	v20 =	vld.idx.msk [tilespmem:v3+s18+$0x0], $0xffff  }
0x212: {  	v12 =	vld.idx.msk [tilespmem:v12+s18+$0x0], $0xffff  }
0x213: {  	v7 =	vld.idx.msk [tilespmem:v7+s18+$0x0], $0xffff  }
0x214: {  	v3 =	vshrl.u32 v14, $0x10;
	v15 =	vld.idx.msk [tilespmem:v15+s18+$0x0], $0xffff  }
0x215: {  	v14 =	vand.u32 $0xFFFF, v14;
	v21 =	vld [tilespmem:s26+$0x18700]  }
0x216: {  	v22 =	vshll.u32 v4, $0x10;
	v4 =	vand.u32 $0xFFFF0000, v4  }
0x217: {  	vm0 =	vgt.f32 v8, v22;
	vm1 =	vgt.f32 v9, v4;
	v4 =	vshll.u32 v20, $0x10  }
0x218: {  	v9 =	vand.u32 $0xFFFF0000, v20;
	vm0 =	vmor vm0, vm1;
	vm1 =	vgt.f32 v5, v4;
	v8 =	vld [tilespmem:s26+$0x18710]  }
0x219: {  	vm2 =	vgt.f32 v13, v9;
	v5 =	vshll.u32 v7, $0x10;
	v7 =	vand.u32 $0xFFFF0000, v7;
	v24 =	vld.idx.msk [tilespmem:v3+s18+$0x0], $0xffff  }
0x21a: {  	vm3 =	vgt.f32 v11, v5;
	v4 =	vshrl.u32 v21, $0x10;
	v9 =	vand.u32 $0xFFFF, v21;
	v14 =	vld.idx.msk [tilespmem:v14+s3+$0x0], $0xffff  }
0x21b: {  	vm1 =	vmor vm1, vm2;
	vm4 =	vgt.f32 v10, v7;
	v5 =	vshll.u32 v12, $0x10  }
0x21c: {  	v7 =	vand.u32 $0xFFFF0000, v12;
	vm2 =	vmor vm3, vm4;
	vm3 =	vgt.f32 v17, v5  }
0x21d: {  	v10 =	vshll.u32 v15, $0x10;
	vm0 =	vmor vm0, vm2;
	vm2 =	vgt.f32 v18, v7  }
0x21e: {  	vm0 =	vmor vm0, vm1;
	vm1 =	vmor vm3, vm2;
	v11 =	vand.u32 $0xFFFF, v8;
	v13 =	vld [tilespmem:s26+$0x18730]  }
0x21f: {  	v7 =	vshrl.u32 v8, $0x10;
	vm1 =	vmor vm0, vm1;
	v8 =	vshll.u32 v24, $0x10;
	v22 =	vld.idx.msk [tilespmem:v9+s3+$0x0], $0xffff  }
0x220: {  	v5 =	vshll.u32 v14, $0x10;
	v9 =	vand.u32 $0xFFFF0000, v15;
	v17 =	vld.idx.msk [tilespmem:v4+s18+$0x0], $0xffff  }
0x221: {  	vm2 =	vgt.f32 v19, v10;
	vm0 =	vgt.f32 v5, v8;
	vm3 =	vgt.f32 v16, v9  }
0x222: {  	v16 =	vsel vm0, v14, v24;
	vm2 =	vmor vm2, vm3;
	v10 =	vld [tilespmem:s26+$0x18740]  }
0x223: {  	vm1 =	vmor vm1, vm2;
	v20 =	vld.idx.msk [tilespmem:v11+s3+$0x0], $0xffff;
	v12 =	vshrl.u32 v13, $0x10  }
0x224: {  	v11 =	vsel vm1, $0x1, v1;
	v18 =	vld.idx.msk [tilespmem:v7+s18+$0x0], $0xffff  }
0x225: {  	v8 =	vshll.u32 v22, $0x10;
	v9 =	vand.u32 $0xFFFF0000, v22;
	v6 =	vor.u32 v11, v6  }
0x226: {  	v19 =	vand.u32 $0xFFFF, v13;
	v11 =	vshll.u32 v17, $0x10;
	v13 =	vand.u32 $0xFFFF0000, v17  }
0x227: {  	vm2 =	vgt.f32 v8, v11;
	vm3 =	vgt.f32 v9, v13;
	v23 =	vand.u32 $0xFFFF, v10  }
0x228: {  	v15 =	vshrl.u32 v10, $0x10;
	vm1 =	vmor vm2, vm3;
	v25 =	vld.idx.msk [tilespmem:v12+s18+$0x0], $0xffff  }
0x229: {  	v13 =	vand.u32 $0xFFFF0000, v14;
	v11 =	vshll.u32 v20, $0x10;
	v10 =	vand.u32 $0xFFFF0000, v20  }
0x22a: {  	v26 =	vsel vm2, v22, v17;
	v27 =	vshll.u32 v18, $0x10;
	v28 =	vand.u32 $0xFFFF0000, v18  }
0x22b: {  	v17 =	vsel vm3, v22, v17;
	vm2 =	vgt.f32 v11, v27;
	vm3 =	vgt.f32 v10, v28;
	v21 =	vld.idx.msk [tilespmem:v19+s3+$0x0], $0xffff  }
0x22c: {  	v19 =	vand.u32 $0xFFFF, v26;
	vm4 =	vmor vm2, vm3;
	v26 =	vand.u32 $0xFFFF0000, v24  }
0x22d: {  	v28 =	vsel vm3, v20, v18;
	vm3 =	vgt.f32 v13, v26;
	v27 =	vld.idx.msk [tilespmem:v15+s18+$0x0], $0xffff  }
0x22e: {  	v18 =	vsel vm2, v20, v18;
	vm0 =	vmor vm0, vm3;
	v26 =	vand.u32 $0xFFFF0000, v25  }
0x22f: {  	v17 =	vand.u32 $0xFFFF0000, v17;
	v29 =	vshll.u32 v25, $0x10  }
0x230: {  	v17 =	vor.u32 v19, v17;
	v19 =	vand.u32 $0xFFFF0000, v28;
	v24 =	vsel vm3, v14, v24;
	v23 =	vld.idx.msk [tilespmem:v23+s3+$0x0], $0xffff  }
0x231: {  	v16 =	vand.u32 $0xFFFF, v16;
	v28 =	vand.u32 $0xFFFF, v18;
	[tilespmem:v4+s18+$0x0] =	vst.idx.msk vm1, v17;
	v17 =	vshll.u32 v21, $0x10  }
0x232: {  	v24 =	vand.u32 $0xFFFF0000, v24;
	v18 =	vand.u32 $0xFFFF0000, v21;
	vm1 =	vgt.f32 v17, v29  }
0x233: {  	v19 =	vor.u32 v28, v19;
	v16 =	vor.u32 v16, v24;
	vm2 =	vgt.f32 v18, v26  }
0x234: {  	v24 =	vsel vm1, v21, v25;
	vm1 =	vmor vm1, vm2;
	[tilespmem:v7+s18+$0x0] =	vst.idx.msk vm4, v19;
	v19 =	vsel vm2, v21, v25  }
0x235: {  	[tilespmem:v3+s18+$0x0] =	vst.idx.msk vm0, v16;
	v16 =	vand.u32 $0xFFFF0000, v19;
	v19 =	vand.u32 $0xFFFF, v24;
	v24 =	vand.u32 $0xFFFF0000, v27  }
0x236: {  	v26 =	vshll.u32 v27, $0x10;
	v25 =	vor.u32 v19, v16;
	v16 =	vand.u32 $0xFFFF0000, v23  }
0x237: {  	v19 =	vshll.u32 v23, $0x10;
	vm0 =	vgt.f32 v16, v24  }
0x238: {  	vm2 =	vgt.f32 v19, v26;
	v24 =	vsel vm0, v23, v27  }
0x239: {  	v26 =	vsel vm2, v23, v27;
	vm0 =	vmor vm2, vm0;
	v24 =	vand.u32 $0xFFFF0000, v24  }
0x23a: {  	[tilespmem:v12+s18+$0x0] =	vst.idx.msk vm1, v25;
	v25 =	vand.u32 $0xFFFF, v26  }
0x23b: {  	v24 =	vor.u32 v25, v24  }
.Ltmp17:
0x23c: {  	(pc) =	sbr.rel @p0 .LBB2_21-.Ltmp17, $3  }
0x23d: {  	_ =	sdelay $0x1  }
0x23e: {  	[tilespmem:v15+s18+$0x0] =	vst.idx.msk vm0, v24  }
0x23f: {  	v24 =	vld.idx.msk [tilespmem:v4+s18+$0x0], $0xffff  }
0x240: {  	_ =	sdelay $0x3  }
0x241: {  	v25 =	vld.idx.msk [tilespmem:v3+s18+$0x0], $0xffff  }
0x242: {  	v26 =	vld.idx.msk [tilespmem:v15+s18+$0x0], $0xffff  }
0x243: {  	v27 =	vld.idx.msk [tilespmem:v12+s18+$0x0], $0xffff  }
0x244: {  	v30 =	vld.idx.msk [tilespmem:v7+s18+$0x0], $0xffff;
	_ =	sdelay $0x1  }
0x245: {  	v28 =	vshll.u32 v24, $0x10;
	v29 =	vand.u32 $0xFFFF0000, v24  }
0x246: {  	vm0 =	vgt.f32 v8, v28;
	vm1 =	vgt.f32 v9, v29  }
0x247: {  	v37 =	vshll.u32 v25, $0x10;
	v31 =	vand.u32 $0xFFFF0000, v25;
	v41 =	vshll.u32 v26, $0x10  }
0x248: {  	v42 =	vshll.u32 v27, $0x10;
	v43 =	vand.u32 $0xFFFF0000, v26;
	v32 =	vshll.u32 v30, $0x10  }
0x249: {  	v33 =	vand.u32 $0xFFFF0000, v30;
	v44 =	vand.u32 $0xFFFF0000, v27;
	v38 =	vsel vm0, v22, v24  }
0x24a: {  	vm2 =	vmor vm0, vm1;
	v39 =	vsel vm1, v22, v24;
	vm14 =	vgt.f32 v5, v37  }
0x24b: {  	vm3 =	vgt.f32 v13, v31;
	vm15 =	vgt.f32 v19, v41;
	vm4 =	vgt.f32 v16, v43  }
0x24c: {  	vm5 =	vgt.f32 v11, v32;
	vm6 =	vgt.f32 v10, v33;
	vm7 =	vgt.f32 v17, v42  }
0x24d: {  	vm8 =	vgt.f32 v18, v44;
	v40 =	vand.u32 $0xFFFF, v38;
	v28 =	vsel vm14, v14, v25  }
0x24e: {  	v31 =	vsel vm4, v23, v26;
	v32 =	vsel vm5, v20, v30;
	vm5 =	vmor vm5, vm6  }
0x24f: {  	vm1 =	vmor vm14, vm3;
	vm4 =	vmor vm15, vm4;
	v22 =	vand.u32 $0xFFFF0000, v39  }
0x250: {  	v45 =	vsel vm6, v20, v30;
	vm10 =	vmor vm7, vm8;
	v46 =	vsel vm7, v21, v27  }
0x251: {  	v47 =	vsel vm3, v14, v25;
	v50 =	vsel vm8, v21, v27;
	v52 =	vsel vm15, v23, v26  }
0x252: {  	v22 =	vor.u32 v40, v22;
	v20 =	vand.u32 $0xFFFF0000, v45;
	v48 =	vand.u32 $0xFFFF, v32  }
0x253: {  	v14 =	vand.u32 $0xFFFF0000, v47;
	v49 =	vand.u32 $0xFFFF, v28;
	v20 =	vor.u32 v48, v20;
	[tilespmem:v4+s18+$0x0] =	vst.idx.msk vm2, v22  }
0x254: {  	v51 =	vand.u32 $0xFFFF, v46;
	v21 =	vand.u32 $0xFFFF0000, v50;
	v14 =	vor.u32 v49, v14;
	[tilespmem:v7+s18+$0x0] =	vst.idx.msk vm5, v20  }
0x255: {  	v53 =	vand.u32 $0xFFFF0000, v31;
	v55 =	vand.u32 $0xFFFF, v52;
	v54 =	vor.u32 v51, v21;
	[tilespmem:v3+s18+$0x0] =	vst.idx.msk vm1, v14  }
0x256: {  	v56 =	vor.u32 v55, v53;
	[tilespmem:v12+s18+$0x0] =	vst.idx.msk vm10, v54  }
0x257: {  	[tilespmem:v15+s18+$0x0] =	vst.idx.msk vm4, v56  }
0x258: {  	v4 =	vld.idx.msk [tilespmem:v4+s18+$0x0], $0xffff  }
0x259: {  	v3 =	vld.idx.msk [tilespmem:v3+s18+$0x0], $0xffff  }
0x25a: {  	v7 =	vld.idx.msk [tilespmem:v7+s18+$0x0], $0xffff  }
0x25b: {  	v12 =	vld.idx.msk [tilespmem:v12+s18+$0x0], $0xffff  }
0x25c: {  	v59 =	vld.idx.msk [tilespmem:v15+s18+$0x0], $0xffff;
	_ =	sdelay $0x2  }
0x25d: {  	v57 =	vshll.u32 v4, $0x10;
	v4 =	vand.u32 $0xFFFF0000, v4  }
0x25e: {  	v58 =	vshll.u32 v3, $0x10;
	v3 =	vand.u32 $0xFFFF0000, v3;
	v60 =	vshll.u32 v7, $0x10  }
0x25f: {  	v61 =	vand.u32 $0xFFFF0000, v7;
	v62 =	vand.u32 $0xFFFF0000, v12;
	v63 =	vand.u32 $0xFFFF0000, v59  }
0x260: {  	vm11 =	vgt.f32 v8, v57;
	vm12 =	vgt.f32 v9, v4;
	vm13 =	vgt.f32 v5, v58  }
0x261: {  	vm14 =	vgt.f32 v13, v3;
	vm15 =	vgt.f32 v11, v60;
	vm8 =	vgt.f32 v10, v61  }
0x262: {  	v3 =	vshll.u32 v12, $0x10;
	vm0 =	vmor vm11, vm12;
	vm1 =	vmor vm13, vm14  }
0x263: {  	vm9 =	vmor vm15, vm8;
	vm10 =	vgt.f32 v17, v3;
	vm11 =	vgt.f32 v18, v62  }
0x264: {  	v3 =	vshll.u32 v59, $0x10;
	vm14 =	vgt.f32 v16, v63;
	vm0 =	vmor vm0, vm9  }
0x265: {  	vm12 =	vmor vm10, vm11;
	vm13 =	vgt.f32 v19, v3;
	vm0 =	vmor vm0, vm1  }
0x266: {  	vm15 =	vmor vm13, vm14;
	vm0 =	vmor vm0, vm12  }
0x267: {  	vm0 =	vmor vm0, vm15  }
0x268: {  	v3 =	vsel vm0, $0x1, v1  }
0x269: {  	v3 =	vor.u32 v3, v6  }
0x26a: {  	v3 =	vxor.u32 $0x80000000, v3  }
0x26b: {  	(xrf0) =	vmax.scan.msk.u32 $0xffff, v3;
	_ =	sdelay $0x5  }
0x26c: {  	v3, _, _ =	vpop (xrf0)  }
0x26d: {  	(v2sf) =	vpush v3, $0xF;
	_ =	sdelay $0xe  }
0x26e: {  	s25 =	spop (v2sf)  }
0x26f: {  	p0 =	slt.u32 s25, $0x80000001  }
.Ltmp18:
0x270: {  	_ = 	snop;
	(pc) =	sbr.rel @p0 .LBB2_26-.Ltmp18, $2  }
0x271: {  	_ =	sdelay $0x2  }
0x272: {  	s25 =	simm.s32 $0x0  }
.LBB2_23:
0x273: {  	s26 =	sshll.u32 s25, $0x4  }
0x274: {  	s26 =	sand.u32 $0x3FFFFFF0, s26  }
0x275: {  	v3 =	vld [tilespmem:s26+$0x18700];
	_ =	sdelay $0x4  }
0x276: {  	v4 =	vand.u32 $0xFFFF, v3;
	_ =	sdelay $0x4  }
0x277: {  	v3 =	vshrl.u32 v3, $0x10;
	v4 =	vld.idx.msk [tilespmem:v4+s3+$0x0], $0xffff;
	_ =	sdelay $0x4  }
0x278: {  	s26 =	simm.s32 $0xF;
	v7 =	vld.idx.msk [tilespmem:v3+s18+$0x0], $0xffff;
	v5 =	vshll.u32 v4, $0x10;
	v6 =	vand.u32 $0xFFFF0000, v4  }
.LBB2_24:
0x279: {  	p0 =	sne.s32 s26, $0x1;
	_ =	sdelay $0x4  }
0x27a: {  	v8 =	vshll.u32 v7, $0x10;
	v9 =	vand.u32 $0xFFFF0000, v7  }
0x27b: {  	vm0 =	vgt.f32 v5, v8;
	vm1 =	vgt.f32 v6, v9  }
0x27c: {  	vm2 =	vmor vm0, vm1;
	_ =	sdelay $0x2  }
.Ltmp19:
0x27d: {  	v8 =	vsel vm1, v4, v7;
	v7 =	vsel vm0, v4, v7;
	(pc) =	sbr.rel @p0 .LBB2_24-.Ltmp19, $4  }
0x27e: {  	v8 =	vand.u32 $0xFFFF0000, v8;
	v7 =	vand.u32 $0xFFFF, v7  }
0x27f: {  	v7 =	vor.u32 v7, v8  }
0x280: {  	[tilespmem:v3+s18+$0x0] =	vst.idx.msk vm2, v7  }
0x281: {  	s26 =	sadd.s32 $0xFFFFFFFF, s26;
	v7 =	vld.idx.msk [tilespmem:v3+s18+$0x0], $0xffff  }
0x282: {  	_ =	sdelay $0x3  }
0x283: {  	v8 =	vshll.u32 v7, $0x10;
	v9 =	vand.u32 $0xFFFF0000, v7  }
0x284: {  	vm0 =	vgt.f32 v5, v8;
	vm1 =	vgt.f32 v6, v9  }
0x285: {  	s25 =	sadd.s32 $0x1, s25;
	vm2 =	vmor vm0, vm1  }
0x286: {  	p0 =	sne.s32 s25, $0x271  }
.Ltmp20:
0x287: {  	_ = 	snop;
	(pc) =	sbr.rel @p0 .LBB2_23-.Ltmp20, $4  }
0x288: {  	v62 =	vsel vm1, v4, v7;
	v63 =	vsel vm0, v4, v7  }
0x289: {  	v5 =	vand.u32 $0xFFFF0000, v62;
	v4 =	vand.u32 $0xFFFF, v63  }
0x28a: {  	v4 =	vor.u32 v4, v5  }
0x28b: {  	[tilespmem:v3+s18+$0x0] =	vst.idx.msk vm2, v4  }
.LBB2_26:
0x28c: {  	p0 =	sgt.u32 s23, $0x3  }
0x28d: {  	_ =	swait.ge [sflag:s19], $0x2710;
	s31 =	simm.s32 $0x0;
	s24 =	sadd.s32 @!p0 s24, s7  }
0x28e: {  	[sflag:s19] =	ssyncset.done $0x0;
	s25 =	simm.s32 @!p0 $0x0;
	s24 =	sshrl.u32 @!p0 s24, $0x3  }
0x28f: {  	s26 =	simm.s32 @!p0 $0x18700;
	[sflag:s19] =	ssyncadd.s32 $0xFFFFD8F0;
	s24 =	sadd.s32 @!p0 s4, s24  }
0x290: {  	[tilespmem:s26], [sflag:$0x1] =	stream.linear.gather @!p0 [hbm4b:s24+s25], $0x2710, $0x38;
	[tilespmem:$0x1D600] =	vst v63  }
0x291: {  	v4 =	vld [tilespmem:s31+$0x1AEA0];
	_ =	sdelay $0x2  }
0x292: {  	v5 =	vld [tilespmem:s31+$0x1AE80];
	_ =	sdelay $0x1  }
0x293: {  	v7 =	vld [tilespmem:s31+$0x1AE90];
	v3 =	vshrl.u32 v4, $0x10  }
0x294: {  	v6 =	vand.u32 $0xFFFF, v4;
	_ =	sdelay $0x1  }
0x295: {  	v8 =	vand.u32 $0xFFFF, v5  }
0x296: {  	v10 =	vld [tilespmem:s31+$0x1AEC0];
	v4 =	vshrl.u32 v5, $0x10  }
0x297: {  	v9 =	vand.u32 $0xFFFF, v7;
	v16 =	vld.idx.msk [tilespmem:v3+s18+$0x0], $0xffff  }
0x298: {  	v7 =	vshrl.u32 v7, $0x10;
	v14 =	vld.idx.msk [tilespmem:v6+s3+$0x0], $0xffff  }
0x299: {  	v6 =	vld [tilespmem:s31+$0x1AEB0]  }
0x29a: {  	v22 =	vld.idx.msk [tilespmem:v8+s3+$0x0], $0xffff  }
0x29b: {  	v17 =	vld.idx.msk [tilespmem:v4+s18+$0x0], $0xffff  }
0x29c: {  	v20 =	vld.idx.msk [tilespmem:v9+s3+$0x0], $0xffff  }
0x29d: {  	v18 =	vld.idx.msk [tilespmem:v7+s18+$0x0], $0xffff  }
0x29e: {  	v15 =	vshrl.u32 v10, $0x10;
	v19 =	vand.u32 $0xFFFF, v10;
	v8 =	vshll.u32 v16, $0x10  }
0x29f: {  	v5 =	vshll.u32 v14, $0x10;
	v12 =	vshrl.u32 v6, $0x10;
	v9 =	vand.u32 $0xFFFF0000, v22  }
0x2a0: {  	v6 =	vand.u32 $0xFFFF, v6;
	v11 =	vshll.u32 v17, $0x10;
	v13 =	vand.u32 $0xFFFF0000, v17  }
0x2a1: {  	v10 =	vand.u32 $0xFFFF0000, v20;
	vm1 =	vgt.f32 v5, v8;
	v8 =	vshll.u32 v22, $0x10  }
0x2a2: {  	v26 =	vshll.u32 v18, $0x10;
	vm2 =	vgt.f32 v8, v11;
	v11 =	vshll.u32 v20, $0x10  }
0x2a3: {  	v27 =	vand.u32 $0xFFFF0000, v18;
	vm3 =	vgt.f32 v9, v13;
	vm10 =	vgt.f32 v11, v26;
	v26 =	vld.idx.msk [tilespmem:v15+s18+$0x0], $0xffff  }
0x2a4: {  	v13 =	vand.u32 $0xFFFF0000, v14;
	vm4 =	vgt.f32 v10, v27;
	v27 =	vand.u32 $0xFFFF0000, v16;
	v25 =	vld.idx.msk [tilespmem:v12+s18+$0x0], $0xffff  }
0x2a5: {  	v24 =	vsel vm1, v14, v16;
	v28 =	vsel vm4, v20, v18;
	v23 =	vsel vm2, v22, v17;
	v21 =	vld.idx.msk [tilespmem:v6+s3+$0x0], $0xffff  }
0x2a6: {  	vm12 =	vgt.f32 v13, v27;
	v6 =	vsel vm3, v22, v17;
	v17 =	vand.u32 $0xFFFF, v23;
	v23 =	vld.idx.msk [tilespmem:v19+s3+$0x0], $0xffff  }
0x2a7: {  	vm0 =	vmor vm2, vm3;
	vm1 =	vmor vm1, vm12;
	v30 =	vsel vm12, v14, v16  }
0x2a8: {  	vm11 =	vmor vm10, vm4;
	v27 =	vsel vm10, v20, v18;
	v6 =	vand.u32 $0xFFFF0000, v6  }
0x2a9: {  	v6 =	vor.u32 v17, v6;
	v62 =	vshll.u32 v26, $0x10;
	v19 =	vand.u32 $0xFFFF0000, v25  }
0x2aa: {  	v29 =	vshll.u32 v25, $0x10;
	v17 =	vshll.u32 v21, $0x10;
	v18 =	vand.u32 $0xFFFF0000, v21  }
0x2ab: {  	v16 =	vand.u32 $0xFFFF0000, v23;
	vm14 =	vgt.f32 v18, v19;
	v19 =	vand.u32 $0xFFFF0000, v26  }
0x2ac: {  	vm13 =	vgt.f32 v17, v29;
	vm5 =	vgt.f32 v16, v19;
	v19 =	vshll.u32 v23, $0x10  }
0x2ad: {  	v28 =	vand.u32 $0xFFFF0000, v28;
	vm4 =	vmor vm13, vm14;
	vm6 =	vgt.f32 v19, v62  }
0x2ae: {  	v24 =	vand.u32 $0xFFFF, v24;
	v30 =	vand.u32 $0xFFFF0000, v30;
	vm15 =	vmor vm6, vm5  }
0x2af: {  	v27 =	vand.u32 $0xFFFF, v27;
	v24 =	vor.u32 v24, v30;
	v63 =	vsel vm14, v21, v25  }
0x2b0: {  	[tilespmem:v4+s18+$0x0] =	vst.idx.msk vm0, v6;
	v6 =	vor.u32 v27, v28;
	v25 =	vsel vm13, v21, v25;
	v27 =	vand.u32 $0xFFFF0000, v63  }
0x2b1: {  	[tilespmem:v7+s18+$0x0] =	vst.idx.msk vm11, v6;
	v6 =	vand.u32 $0xFFFF, v25;
	v25 =	vsel vm5, v23, v26;
	v26 =	vsel vm6, v23, v26  }
0x2b2: {  	[tilespmem:v3+s18+$0x0] =	vst.idx.msk vm1, v24;
	v6 =	vor.u32 v6, v27;
	v24 =	vand.u32 $0xFFFF0000, v25;
	v25 =	vand.u32 $0xFFFF, v26  }
0x2b3: {  	[tilespmem:v12+s18+$0x0] =	vst.idx.msk vm4, v6;
	v6 =	vor.u32 v25, v24  }
0x2b4: {  	[tilespmem:v15+s18+$0x0] =	vst.idx.msk vm15, v6  }
0x2b5: {  	s24 =	simm.s32 $0x140;
	v6 =	vimm.s32 $0x0;
	v24 =	vld.idx.msk [tilespmem:v4+s18+$0x0], $0xffff  }
.LBB2_27:
0x2b6: {  	p0 =	sne.s32 s24, $0x9B00;
	v25 =	vld.idx.msk [tilespmem:v3+s18+$0x0], $0xffff;
	s25 =	smov.u32 s24;
	s24 =	sadd.s32 $0x140, s24  }
0x2b7: {  	v26 =	vld.idx.msk [tilespmem:v12+s18+$0x0], $0xffff  }
0x2b8: {  	v27 =	vld.idx.msk [tilespmem:v15+s18+$0x0], $0xffff;
	_ =	sdelay $0x2  }
0x2b9: {  	v29 =	vshll.u32 v24, $0x10;
	v30 =	vand.u32 $0xFFFF0000, v24;
	v28 =	vld.idx.msk [tilespmem:v7+s18+$0x0], $0xffff  }
0x2ba: {  	vm0 =	vgt.f32 v8, v29;
	vm2 =	vgt.f32 v9, v30;
	v29 =	vshll.u32 v25, $0x10  }
0x2bb: {  	v31 =	vand.u32 $0xFFFF0000, v25;
	v30 =	vsel vm0, v22, v24;
	vm1 =	vmor vm0, vm2  }
0x2bc: {  	v22 =	vsel vm2, v22, v24;
	v24 =	vand.u32 $0xFFFF, v30;
	v30 =	vshll.u32 v27, $0x10  }
0x2bd: {  	vm2 =	vgt.f32 v5, v29;
	vm3 =	vgt.f32 v13, v31;
	vm0 =	vgt.f32 v19, v30  }
0x2be: {  	v29 =	vsel vm2, v14, v25;
	v31 =	vand.u32 $0xFFFF0000, v27;
	v30 =	vshll.u32 v26, $0x10  }
0x2bf: {  	vm4 =	vgt.f32 v16, v31;
	v32 =	vshll.u32 v28, $0x10;
	v33 =	vand.u32 $0xFFFF0000, v28  }
0x2c0: {  	v31 =	vsel vm4, v23, v27;
	vm5 =	vgt.f32 v11, v32;
	vm6 =	vgt.f32 v10, v33  }
0x2c1: {  	v33 =	vand.u32 $0xFFFF0000, v26;
	v32 =	vsel vm5, v20, v28;
	vm5 =	vmor vm5, vm6  }
0x2c2: {  	s25 =	sshra.s32 s25, $0x2;
	vm7 =	vmor vm2, vm3;
	vm8 =	vgt.f32 v17, v30;
	vm2 =	vmor vm0, vm4  }
0x2c3: {  	v22 =	vand.u32 $0xFFFF0000, v22;
	v30 =	vand.u32 $0xFFFF0000, v31;
	vm4 =	vgt.f32 v18, v33  }
0x2c4: {  	v22 =	vor.u32 v24, v22;
	v24 =	vsel vm8, v21, v26;
	v20 =	vsel vm6, v20, v28  }
0x2c5: {  	v14 =	vsel vm3, v14, v25;
	v20 =	vand.u32 $0xFFFF0000, v20;
	[tilespmem:v4+s18+$0x0] =	vst.idx.msk vm1, v22;
	v22 =	vand.u32 $0xFFFF, v32  }
0x2c6: {  	v14 =	vand.u32 $0xFFFF0000, v14;
	v20 =	vor.u32 v22, v20;
	v22 =	vand.u32 $0xFFFF, v29  }
0x2c7: {  	vm1 =	vmor vm8, vm4;
	[tilespmem:v7+s18+$0x0] =	vst.idx.msk vm5, v20;
	v14 =	vor.u32 v22, v14;
	v20 =	vand.u32 $0xFFFF, v24  }
0x2c8: {  	[tilespmem:v3+s18+$0x0] =	vst.idx.msk vm7, v14;
	v14 =	vsel vm4, v21, v26;
	v21 =	vsel vm0, v23, v27;
	_ =	sdelay $0x2  }
0x2c9: {  	v14 =	vand.u32 $0xFFFF0000, v14  }
0x2ca: {  	v14 =	vor.u32 v20, v14;
	v20 =	vand.u32 $0xFFFF, v21  }
0x2cb: {  	[tilespmem:v12+s18+$0x0] =	vst.idx.msk vm1, v14;
	v14 =	vor.u32 v20, v30  }
0x2cc: {  	[tilespmem:v15+s18+$0x0] =	vst.idx.msk vm2, v14  }
0x2cd: {  	v14 =	vld [tilespmem:s25+$0x1AEA0]  }
0x2ce: {  	v4 =	vld.idx.msk [tilespmem:v4+s18+$0x0], $0xffff  }
0x2cf: {  	v20 =	vld.idx.msk [tilespmem:v3+s18+$0x0], $0xffff  }
0x2d0: {  	v12 =	vld.idx.msk [tilespmem:v12+s18+$0x0], $0xffff  }
0x2d1: {  	v7 =	vld.idx.msk [tilespmem:v7+s18+$0x0], $0xffff  }
0x2d2: {  	v3 =	vshrl.u32 v14, $0x10;
	v15 =	vld.idx.msk [tilespmem:v15+s18+$0x0], $0xffff  }
0x2d3: {  	v14 =	vand.u32 $0xFFFF, v14;
	v21 =	vld [tilespmem:s25+$0x1AE80]  }
0x2d4: {  	v22 =	vshll.u32 v4, $0x10;
	v4 =	vand.u32 $0xFFFF0000, v4  }
0x2d5: {  	vm0 =	vgt.f32 v8, v22;
	vm1 =	vgt.f32 v9, v4;
	v4 =	vshll.u32 v20, $0x10  }
0x2d6: {  	v9 =	vand.u32 $0xFFFF0000, v20;
	vm0 =	vmor vm0, vm1;
	vm1 =	vgt.f32 v5, v4;
	v8 =	vld [tilespmem:s25+$0x1AE90]  }
0x2d7: {  	vm2 =	vgt.f32 v13, v9;
	v5 =	vshll.u32 v7, $0x10;
	v7 =	vand.u32 $0xFFFF0000, v7;
	v24 =	vld.idx.msk [tilespmem:v3+s18+$0x0], $0xffff  }
0x2d8: {  	vm3 =	vgt.f32 v11, v5;
	v4 =	vshrl.u32 v21, $0x10;
	v9 =	vand.u32 $0xFFFF, v21;
	v14 =	vld.idx.msk [tilespmem:v14+s3+$0x0], $0xffff  }
0x2d9: {  	vm1 =	vmor vm1, vm2;
	vm4 =	vgt.f32 v10, v7;
	v5 =	vshll.u32 v12, $0x10  }
0x2da: {  	v7 =	vand.u32 $0xFFFF0000, v12;
	vm2 =	vmor vm3, vm4;
	vm3 =	vgt.f32 v17, v5  }
0x2db: {  	v10 =	vshll.u32 v15, $0x10;
	vm0 =	vmor vm0, vm2;
	vm2 =	vgt.f32 v18, v7  }
0x2dc: {  	vm0 =	vmor vm0, vm1;
	vm1 =	vmor vm3, vm2;
	v11 =	vand.u32 $0xFFFF, v8;
	v13 =	vld [tilespmem:s25+$0x1AEB0]  }
0x2dd: {  	v7 =	vshrl.u32 v8, $0x10;
	vm1 =	vmor vm0, vm1;
	v8 =	vshll.u32 v24, $0x10;
	v22 =	vld.idx.msk [tilespmem:v9+s3+$0x0], $0xffff  }
0x2de: {  	v5 =	vshll.u32 v14, $0x10;
	v9 =	vand.u32 $0xFFFF0000, v15;
	v17 =	vld.idx.msk [tilespmem:v4+s18+$0x0], $0xffff  }
0x2df: {  	vm2 =	vgt.f32 v19, v10;
	vm0 =	vgt.f32 v5, v8;
	vm3 =	vgt.f32 v16, v9  }
0x2e0: {  	v16 =	vsel vm0, v14, v24;
	vm2 =	vmor vm2, vm3;
	v10 =	vld [tilespmem:s25+$0x1AEC0]  }
0x2e1: {  	vm1 =	vmor vm1, vm2;
	v20 =	vld.idx.msk [tilespmem:v11+s3+$0x0], $0xffff;
	v12 =	vshrl.u32 v13, $0x10  }
0x2e2: {  	v11 =	vsel vm1, $0x1, v1;
	v18 =	vld.idx.msk [tilespmem:v7+s18+$0x0], $0xffff  }
0x2e3: {  	v8 =	vshll.u32 v22, $0x10;
	v9 =	vand.u32 $0xFFFF0000, v22;
	v6 =	vor.u32 v11, v6  }
0x2e4: {  	v19 =	vand.u32 $0xFFFF, v13;
	v11 =	vshll.u32 v17, $0x10;
	v13 =	vand.u32 $0xFFFF0000, v17  }
0x2e5: {  	vm2 =	vgt.f32 v8, v11;
	vm3 =	vgt.f32 v9, v13;
	v23 =	vand.u32 $0xFFFF, v10  }
0x2e6: {  	v15 =	vshrl.u32 v10, $0x10;
	vm1 =	vmor vm2, vm3;
	v25 =	vld.idx.msk [tilespmem:v12+s18+$0x0], $0xffff  }
0x2e7: {  	v13 =	vand.u32 $0xFFFF0000, v14;
	v11 =	vshll.u32 v20, $0x10;
	v10 =	vand.u32 $0xFFFF0000, v20  }
0x2e8: {  	v26 =	vsel vm2, v22, v17;
	v27 =	vshll.u32 v18, $0x10;
	v28 =	vand.u32 $0xFFFF0000, v18  }
0x2e9: {  	v17 =	vsel vm3, v22, v17;
	vm2 =	vgt.f32 v11, v27;
	vm3 =	vgt.f32 v10, v28;
	v21 =	vld.idx.msk [tilespmem:v19+s3+$0x0], $0xffff  }
0x2ea: {  	v19 =	vand.u32 $0xFFFF, v26;
	vm4 =	vmor vm2, vm3;
	v26 =	vand.u32 $0xFFFF0000, v24  }
0x2eb: {  	v28 =	vsel vm3, v20, v18;
	vm3 =	vgt.f32 v13, v26;
	v27 =	vld.idx.msk [tilespmem:v15+s18+$0x0], $0xffff  }
0x2ec: {  	v18 =	vsel vm2, v20, v18;
	vm0 =	vmor vm0, vm3;
	v26 =	vand.u32 $0xFFFF0000, v25  }
0x2ed: {  	v17 =	vand.u32 $0xFFFF0000, v17;
	v29 =	vshll.u32 v25, $0x10  }
0x2ee: {  	v17 =	vor.u32 v19, v17;
	v19 =	vand.u32 $0xFFFF0000, v28;
	v24 =	vsel vm3, v14, v24;
	v23 =	vld.idx.msk [tilespmem:v23+s3+$0x0], $0xffff  }
0x2ef: {  	v16 =	vand.u32 $0xFFFF, v16;
	v28 =	vand.u32 $0xFFFF, v18;
	[tilespmem:v4+s18+$0x0] =	vst.idx.msk vm1, v17;
	v17 =	vshll.u32 v21, $0x10  }
0x2f0: {  	v24 =	vand.u32 $0xFFFF0000, v24;
	v18 =	vand.u32 $0xFFFF0000, v21;
	vm1 =	vgt.f32 v17, v29  }
0x2f1: {  	v19 =	vor.u32 v28, v19;
	v16 =	vor.u32 v16, v24;
	vm2 =	vgt.f32 v18, v26  }
0x2f2: {  	v24 =	vsel vm1, v21, v25;
	vm1 =	vmor vm1, vm2;
	[tilespmem:v7+s18+$0x0] =	vst.idx.msk vm4, v19;
	v19 =	vsel vm2, v21, v25  }
0x2f3: {  	[tilespmem:v3+s18+$0x0] =	vst.idx.msk vm0, v16;
	v16 =	vand.u32 $0xFFFF0000, v19;
	v19 =	vand.u32 $0xFFFF, v24;
	v24 =	vand.u32 $0xFFFF0000, v27  }
0x2f4: {  	v26 =	vshll.u32 v27, $0x10;
	v25 =	vor.u32 v19, v16;
	v16 =	vand.u32 $0xFFFF0000, v23  }
0x2f5: {  	v19 =	vshll.u32 v23, $0x10;
	vm0 =	vgt.f32 v16, v24  }
0x2f6: {  	vm2 =	vgt.f32 v19, v26;
	v24 =	vsel vm0, v23, v27  }
0x2f7: {  	v26 =	vsel vm2, v23, v27;
	vm0 =	vmor vm2, vm0;
	v24 =	vand.u32 $0xFFFF0000, v24  }
0x2f8: {  	[tilespmem:v12+s18+$0x0] =	vst.idx.msk vm1, v25;
	v25 =	vand.u32 $0xFFFF, v26  }
0x2f9: {  	v24 =	vor.u32 v25, v24  }
.Ltmp21:
0x2fa: {  	(pc) =	sbr.rel @p0 .LBB2_27-.Ltmp21, $3  }
0x2fb: {  	_ =	sdelay $0x1  }
0x2fc: {  	[tilespmem:v15+s18+$0x0] =	vst.idx.msk vm0, v24  }
0x2fd: {  	v24 =	vld.idx.msk [tilespmem:v4+s18+$0x0], $0xffff  }
0x2fe: {  	_ =	sdelay $0x3  }
0x2ff: {  	v25 =	vld.idx.msk [tilespmem:v3+s18+$0x0], $0xffff  }
0x300: {  	v26 =	vld.idx.msk [tilespmem:v15+s18+$0x0], $0xffff  }
0x301: {  	v27 =	vld.idx.msk [tilespmem:v12+s18+$0x0], $0xffff  }
0x302: {  	v30 =	vld.idx.msk [tilespmem:v7+s18+$0x0], $0xffff;
	_ =	sdelay $0x1  }
0x303: {  	v28 =	vshll.u32 v24, $0x10;
	v29 =	vand.u32 $0xFFFF0000, v24  }
0x304: {  	vm0 =	vgt.f32 v8, v28;
	vm1 =	vgt.f32 v9, v29  }
0x305: {  	v37 =	vshll.u32 v25, $0x10;
	v31 =	vand.u32 $0xFFFF0000, v25;
	v41 =	vshll.u32 v26, $0x10  }
0x306: {  	v42 =	vshll.u32 v27, $0x10;
	v43 =	vand.u32 $0xFFFF0000, v26;
	v32 =	vshll.u32 v30, $0x10  }
0x307: {  	v33 =	vand.u32 $0xFFFF0000, v30;
	v44 =	vand.u32 $0xFFFF0000, v27;
	v38 =	vsel vm0, v22, v24  }
0x308: {  	vm2 =	vmor vm0, vm1;
	v39 =	vsel vm1, v22, v24;
	vm14 =	vgt.f32 v5, v37  }
0x309: {  	vm3 =	vgt.f32 v13, v31;
	vm15 =	vgt.f32 v19, v41;
	vm4 =	vgt.f32 v16, v43  }
0x30a: {  	vm5 =	vgt.f32 v11, v32;
	vm6 =	vgt.f32 v10, v33;
	vm7 =	vgt.f32 v17, v42  }
0x30b: {  	vm8 =	vgt.f32 v18, v44;
	v40 =	vand.u32 $0xFFFF, v38;
	v28 =	vsel vm14, v14, v25  }
0x30c: {  	v31 =	vsel vm4, v23, v26;
	v32 =	vsel vm5, v20, v30;
	vm5 =	vmor vm5, vm6  }
0x30d: {  	vm1 =	vmor vm14, vm3;
	vm4 =	vmor vm15, vm4;
	v22 =	vand.u32 $0xFFFF0000, v39  }
0x30e: {  	v45 =	vsel vm6, v20, v30;
	vm10 =	vmor vm7, vm8;
	v46 =	vsel vm7, v21, v27  }
0x30f: {  	v47 =	vsel vm3, v14, v25;
	v50 =	vsel vm8, v21, v27;
	v52 =	vsel vm15, v23, v26  }
0x310: {  	v22 =	vor.u32 v40, v22;
	v20 =	vand.u32 $0xFFFF0000, v45;
	v48 =	vand.u32 $0xFFFF, v32  }
0x311: {  	v14 =	vand.u32 $0xFFFF0000, v47;
	v49 =	vand.u32 $0xFFFF, v28;
	v20 =	vor.u32 v48, v20;
	[tilespmem:v4+s18+$0x0] =	vst.idx.msk vm2, v22  }
0x312: {  	v51 =	vand.u32 $0xFFFF, v46;
	v21 =	vand.u32 $0xFFFF0000, v50;
	v14 =	vor.u32 v49, v14;
	[tilespmem:v7+s18+$0x0] =	vst.idx.msk vm5, v20  }
0x313: {  	v53 =	vand.u32 $0xFFFF0000, v31;
	v55 =	vand.u32 $0xFFFF, v52;
	v54 =	vor.u32 v51, v21;
	[tilespmem:v3+s18+$0x0] =	vst.idx.msk vm1, v14  }
0x314: {  	v56 =	vor.u32 v55, v53;
	[tilespmem:v12+s18+$0x0] =	vst.idx.msk vm10, v54  }
0x315: {  	[tilespmem:v15+s18+$0x0] =	vst.idx.msk vm4, v56  }
0x316: {  	v4 =	vld.idx.msk [tilespmem:v4+s18+$0x0], $0xffff  }
0x317: {  	v3 =	vld.idx.msk [tilespmem:v3+s18+$0x0], $0xffff  }
0x318: {  	v7 =	vld.idx.msk [tilespmem:v7+s18+$0x0], $0xffff  }
0x319: {  	v12 =	vld.idx.msk [tilespmem:v12+s18+$0x0], $0xffff  }
0x31a: {  	v59 =	vld.idx.msk [tilespmem:v15+s18+$0x0], $0xffff;
	_ =	sdelay $0x2  }
0x31b: {  	v57 =	vshll.u32 v4, $0x10;
	v4 =	vand.u32 $0xFFFF0000, v4  }
0x31c: {  	v58 =	vshll.u32 v3, $0x10;
	v3 =	vand.u32 $0xFFFF0000, v3;
	v60 =	vshll.u32 v7, $0x10  }
0x31d: {  	v61 =	vand.u32 $0xFFFF0000, v7;
	v62 =	vand.u32 $0xFFFF0000, v12;
	v63 =	vand.u32 $0xFFFF0000, v59  }
0x31e: {  	vm11 =	vgt.f32 v8, v57;
	vm12 =	vgt.f32 v9, v4;
	vm13 =	vgt.f32 v5, v58  }
0x31f: {  	vm14 =	vgt.f32 v13, v3;
	vm15 =	vgt.f32 v11, v60;
	vm8 =	vgt.f32 v10, v61  }
0x320: {  	v3 =	vshll.u32 v12, $0x10;
	vm0 =	vmor vm11, vm12;
	vm1 =	vmor vm13, vm14  }
0x321: {  	vm9 =	vmor vm15, vm8;
	vm10 =	vgt.f32 v17, v3;
	vm11 =	vgt.f32 v18, v62  }
0x322: {  	v3 =	vshll.u32 v59, $0x10;
	vm14 =	vgt.f32 v16, v63;
	vm0 =	vmor vm0, vm9  }
0x323: {  	vm12 =	vmor vm10, vm11;
	vm13 =	vgt.f32 v19, v3;
	vm0 =	vmor vm0, vm1  }
0x324: {  	vm15 =	vmor vm13, vm14;
	vm0 =	vmor vm0, vm12  }
0x325: {  	vm0 =	vmor vm0, vm15  }
0x326: {  	v3 =	vsel vm0, $0x1, v1  }
0x327: {  	v3 =	vor.u32 v3, v6  }
0x328: {  	v3 =	vxor.u32 $0x80000000, v3  }
0x329: {  	(xrf0) =	vmax.scan.msk.u32 $0xffff, v3;
	_ =	sdelay $0x5  }
0x32a: {  	v3, _, _ =	vpop (xrf0)  }
0x32b: {  	(v2sf) =	vpush v3, $0xF;
	_ =	sdelay $0xe  }
0x32c: {  	s24 =	spop (v2sf)  }
0x32d: {  	p0 =	slt.u32 s24, $0x80000001  }
.Ltmp22:
0x32e: {  	_ = 	snop;
	(pc) =	sbr.rel @p0 .LBB2_32-.Ltmp22, $2  }
0x32f: {  	_ =	sdelay $0x2  }
0x330: {  	s24 =	simm.s32 $0x0  }
.LBB2_29:
0x331: {  	s25 =	sshll.u32 s24, $0x4  }
0x332: {  	s25 =	sand.u32 $0x3FFFFFF0, s25  }
0x333: {  	v3 =	vld [tilespmem:s25+$0x1AE80];
	_ =	sdelay $0x4  }
0x334: {  	v4 =	vand.u32 $0xFFFF, v3;
	_ =	sdelay $0x4  }
0x335: {  	v3 =	vshrl.u32 v3, $0x10;
	v4 =	vld.idx.msk [tilespmem:v4+s3+$0x0], $0xffff;
	_ =	sdelay $0x4  }
0x336: {  	s25 =	simm.s32 $0xF;
	v7 =	vld.idx.msk [tilespmem:v3+s18+$0x0], $0xffff;
	v5 =	vshll.u32 v4, $0x10;
	v6 =	vand.u32 $0xFFFF0000, v4  }
.LBB2_30:
0x337: {  	p0 =	sne.s32 s25, $0x1;
	_ =	sdelay $0x4  }
0x338: {  	v8 =	vshll.u32 v7, $0x10;
	v9 =	vand.u32 $0xFFFF0000, v7  }
0x339: {  	vm0 =	vgt.f32 v5, v8;
	vm1 =	vgt.f32 v6, v9  }
0x33a: {  	vm2 =	vmor vm0, vm1;
	_ =	sdelay $0x2  }
.Ltmp23:
0x33b: {  	v8 =	vsel vm1, v4, v7;
	v7 =	vsel vm0, v4, v7;
	(pc) =	sbr.rel @p0 .LBB2_30-.Ltmp23, $4  }
0x33c: {  	v8 =	vand.u32 $0xFFFF0000, v8;
	v7 =	vand.u32 $0xFFFF, v7  }
0x33d: {  	v7 =	vor.u32 v7, v8  }
0x33e: {  	[tilespmem:v3+s18+$0x0] =	vst.idx.msk vm2, v7  }
0x33f: {  	s25 =	sadd.s32 $0xFFFFFFFF, s25;
	v7 =	vld.idx.msk [tilespmem:v3+s18+$0x0], $0xffff  }
0x340: {  	_ =	sdelay $0x3  }
0x341: {  	v8 =	vshll.u32 v7, $0x10;
	v9 =	vand.u32 $0xFFFF0000, v7  }
0x342: {  	vm0 =	vgt.f32 v5, v8;
	vm1 =	vgt.f32 v6, v9  }
0x343: {  	s24 =	sadd.s32 $0x1, s24;
	vm2 =	vmor vm0, vm1  }
0x344: {  	p0 =	sne.s32 s24, $0x271  }
.Ltmp24:
0x345: {  	_ = 	snop;
	(pc) =	sbr.rel @p0 .LBB2_29-.Ltmp24, $4  }
.Ltmp25:
0x346: {  	v62 =	vsel vm1, v4, v7;
	v63 =	vsel vm0, v4, v7;
	(pc) =	sbr.rel @!p0 .LBB2_32-.Ltmp25, $4  }
0x347: {  	v5 =	vand.u32 $0xFFFF0000, v62;
	v4 =	vand.u32 $0xFFFF, v63  }
0x348: {  	v4 =	vor.u32 v4, v5  }
0x349: {  	[tilespmem:v3+s18+$0x0] =	vst.idx.msk vm2, v4  }
0x34a: {  	_ = 	snop  }
.LBB2_33:
0x34b: {  	s22 =	simm.s32 $0x0  }
0x34c: {  	[hbm4b:s10+s22] =	stream.linear.scatter [tilespmem:s18], [sflag:$0x4], $0xC380, $0x38;
	[tilespmem:$0x1D600] =	vst v63  }
0x34d: {  	_ = 	snop  }
0x34e: {  	[tilespmem:s22], [sflag:$0x3] =	stream.linear.gather [hbm4b:s11+s22], $0xC380, $0x38;
	[tilespmem:$0x1D600] =	vst v63  }
0x34f: {  	_ = 	snop  }
0x350: {  	[tilespmem:s14], [sflag:$0x1] =	stream.linear.gather [hbm4b:s5+s22], $0x2710, $0x38;
	[tilespmem:$0x1D600] =	vst v63  }
0x351: {  	_ =	swait.ge [sflag:s20], $0xC380  }
0x352: {  	[sflag:s20] =	ssyncset.done $0x0  }
0x353: {  	s23 =	simm.s32 $0x200;
	s22 =	simm.s32 $0x0;
	[sflag:s20] =	ssyncadd.s32 $0xFFFF3C80  }
.LBB2_34:
0x354: {  	p0 =	sne.s32 s23, $0x30C00;
	[tilespmem:s22+$0xC3F0] =	vst v2  }
0x355: {  	[tilespmem:s22+$0xC380] =	vst v2  }
0x356: {  	[tilespmem:s22+$0xC390] =	vst v2  }
.Ltmp26:
0x357: {  	[tilespmem:s22+$0xC3A0] =	vst v2;
	(pc) =	sbr.rel @p0 .LBB2_34-.Ltmp26, $4  }
0x358: {  	[tilespmem:s22+$0xC3B0] =	vst v2  }
0x359: {  	[tilespmem:s22+$0xC3C0] =	vst v2  }
0x35a: {  	[tilespmem:s22+$0xC3D0] =	vst v2  }
0x35b: {  	[tilespmem:s22+$0xC3E0] =	vst v2;
	s22 =	sshra.s32 s23, $0x2;
	s23 =	sadd.s32 $0x200, s23  }
0x35c: {  	[tilespmem:s22+$0xC3F0] =	vst v2  }
0x35d: {  	[tilespmem:s22+$0xC380] =	vst v2  }
0x35e: {  	[tilespmem:s22+$0xC390] =	vst v2  }
0x35f: {  	[tilespmem:s22+$0xC3A0] =	vst v2  }
0x360: {  	[tilespmem:s22+$0xC3B0] =	vst v2  }
0x361: {  	[tilespmem:s22+$0xC3C0] =	vst v2  }
.Ltmp27:
0x362: {  	[tilespmem:s22+$0xC3D0] =	vst v2;
	(pc) =	sbr.rel .LBB2_36-.Ltmp27, $4  }
0x363: {  	[tilespmem:s22+$0xC3E0] =	vst v2  }
0x364: {  	_ =	swait.ge [sflag:s15], $0xC380  }
0x365: {  	[sflag:s15] =	ssyncset.done $0x0  }
0x366: {  	s22 =	simm.s32 $0x0;
	s23 =	simm.s32 $0x0;
	[sflag:s15] =	ssyncadd.s32 $0xFFFF3C80  }
.LBB2_44:
0x367: {  	s23 =	sadd.s32 $0x1, s23  }
0x368: {  	p0 =	sne.s32 s23, $0x5  }
.Ltmp28:
0x369: {  	_ = 	snop;
	(pc) =	sbr.rel @!p0 .LBB2_45-.Ltmp28, $1  }
0x36a: {  	_ =	sdelay $0x3  }
.LBB2_36:
0x36b: {  	s24 =	smul.u32 $0x4E20, s23;
	_ =	sdelay $0x1  }
0x36c: {  	_ =	swait.ge [sflag:s16], $0x2710;
	s25 =	sadd.s32 s24, s6  }
0x36d: {  	[sflag:s16] =	ssyncset.done $0x0;
	s25 =	sshrl.u32 s25, $0x3  }
0x36e: {  	s31 =	simm.s32 $0x0;
	[sflag:s16] =	ssyncadd.s32 $0xFFFFD8F0;
	s25 =	sadd.s32 s4, s25  }
0x36f: {  	[tilespmem:s17], [sflag:$0x2] =	stream.linear.gather [hbm4b:s25+s22], $0x2710, $0x38;
	[tilespmem:$0x1D600] =	vst v63  }
0x370: {  	v3 =	vld [tilespmem:s31+$0x18730];
	_ =	sdelay $0x1  }
0x371: {  	v4 =	vld [tilespmem:s31+$0x18720]  }
0x372: {  	v5 =	vld [tilespmem:s31+$0x18700]  }
0x373: {  	v6 =	vld [tilespmem:s31+$0x18710]  }
0x374: {  	v9 =	vshrl.u32 v3, $0x10  }
0x375: {  	v3 =	vand.u32 $0xFFFF, v3  }
0x376: {  	v7 =	vand.u32 $0xFFFF, v4  }
0x377: {  	v8 =	vld [tilespmem:s31+$0x18740];
	v14 =	vand.u32 $0xFFFF, v5  }
0x378: {  	v15 =	vand.u32 $0xFFFF, v6  }
0x379: {  	v13 =	vshrl.u32 v5, $0x10;
	v16 =	vld.idx.msk [tilespmem:v9+s18+$0x0], $0xffff  }
0x37a: {  	v11 =	vshrl.u32 v6, $0x10;
	v5 =	vld.idx.msk [tilespmem:v3+s3+$0x0], $0xffff  }
0x37b: {  	v12 =	vshrl.u32 v4, $0x10;
	v3 =	vld.idx.msk [tilespmem:v7+s3+$0x0], $0xffff  }
0x37c: {  	v10 =	vshrl.u32 v8, $0x10;
	v7 =	vld.idx.msk [tilespmem:v14+s3+$0x0], $0xffff  }
0x37d: {  	v4 =	vand.u32 $0xFFFF, v8;
	v6 =	vld.idx.msk [tilespmem:v15+s3+$0x0], $0xffff  }
0x37e: {  	v14 =	vld.idx.msk [tilespmem:v13+s18+$0x0], $0xffff  }
0x37f: {  	v15 =	vld.idx.msk [tilespmem:v11+s18+$0x0], $0xffff  }
0x380: {  	v17 =	vld.idx.msk [tilespmem:v12+s18+$0x0], $0xffff  }
0x381: {  	v18 =	vld.idx.msk [tilespmem:v10+s18+$0x0], $0xffff  }
0x382: {  	v8 =	vld.idx.msk [tilespmem:v4+s3+$0x0], $0xffff  }
0x383: {  	vm0 =	vgt.f32 v7, v14  }
0x384: {  	vm1 =	vgt.f32 v6, v15  }
0x385: {  	vm2 =	vgt.f32 v3, v17  }
0x386: {  	vm3 =	vgt.f32 v5, v16  }
0x387: {  	vm4 =	vgt.f32 v8, v18;
	_ =	sdelay $0x1  }
0x388: {  	[tilespmem:v13+s18+$0x0] =	vst.idx.msk vm0, v7  }
0x389: {  	[tilespmem:v11+s18+$0x0] =	vst.idx.msk vm1, v6  }
0x38a: {  	[tilespmem:v12+s18+$0x0] =	vst.idx.msk vm2, v3  }
0x38b: {  	[tilespmem:v9+s18+$0x0] =	vst.idx.msk vm3, v5  }
0x38c: {  	[tilespmem:v10+s18+$0x0] =	vst.idx.msk vm4, v8  }
0x38d: {  	v14 =	vld.idx.msk [tilespmem:v13+s18+$0x0], $0xffff  }
0x38e: {  	s28 =	simm.s32 $0x50;
	s25 =	simm.s32 $0x280;
	v4 =	vimm.s32 $0x0;
	v15 =	vld.idx.msk [tilespmem:v11+s18+$0x0], $0xffff  }
.LBB2_37:
0x38f: {  	p0 =	sne.s32 s25, $0x9B00;
	v16 =	vld.idx.msk [tilespmem:v12+s18+$0x0], $0xffff;
	s26 =	smov.u32 s25;
	s25 =	sadd.s32 $0x140, s25  }
0x390: {  	v17 =	vld.idx.msk [tilespmem:v9+s18+$0x0], $0xffff  }
0x391: {  	v18 =	vld.idx.msk [tilespmem:v10+s18+$0x0], $0xffff;
	_ =	sdelay $0x1  }
0x392: {  	vm0 =	vgt.f32 v7, v14  }
0x393: {  	vm1 =	vgt.f32 v6, v15  }
0x394: {  	vm2 =	vgt.f32 v3, v16  }
0x395: {  	vm3 =	vgt.f32 v5, v17  }
0x396: {  	vm4 =	vgt.f32 v8, v18;
	_ =	sdelay $0x1  }
0x397: {  	[tilespmem:v13+s18+$0x0] =	vst.idx.msk vm0, v7  }
0x398: {  	[tilespmem:v11+s18+$0x0] =	vst.idx.msk vm1, v6  }
0x399: {  	[tilespmem:v12+s18+$0x0] =	vst.idx.msk vm2, v3  }
0x39a: {  	[tilespmem:v9+s18+$0x0] =	vst.idx.msk vm3, v5  }
0x39b: {  	[tilespmem:v10+s18+$0x0] =	vst.idx.msk vm4, v8  }
0x39c: {  	v14 =	vld [tilespmem:s28+$0x18730]  }
0x39d: {  	v15 =	vld [tilespmem:s28+$0x18740]  }
0x39e: {  	v16 =	vld [tilespmem:s28+$0x18720]  }
0x39f: {  	v17 =	vld [tilespmem:s28+$0x18700]  }
0x3a0: {  	v18 =	vld [tilespmem:s28+$0x18710]  }
0x3a1: {  	v19 =	vld.idx.msk [tilespmem:v13+s18+$0x0], $0xffff  }
0x3a2: {  	v20 =	vshrl.u32 v14, $0x10;
	v14 =	vand.u32 $0xFFFF, v14;
	v21 =	vld.idx.msk [tilespmem:v12+s18+$0x0], $0xffff  }
0x3a3: {  	v22 =	vand.u32 $0xFFFF, v16;
	v23 =	vld.idx.msk [tilespmem:v11+s18+$0x0], $0xffff  }
0x3a4: {  	v11 =	vshrl.u32 v15, $0x10;
	v15 =	vand.u32 $0xFFFF, v15;
	v24 =	vld.idx.msk [tilespmem:v9+s18+$0x0], $0xffff;
	v9 =	vmov v20  }
0x3a5: {  	v12 =	vshrl.u32 v16, $0x10;
	v13 =	vshrl.u32 v17, $0x10;
	v17 =	vand.u32 $0xFFFF, v17;
	v16 =	vld.idx.msk [tilespmem:v10+s18+$0x0], $0xffff;
	v10 =	vmovc v11  }
0x3a6: {  	v25 =	vand.u32 $0xFFFF, v18  }
0x3a7: {  	v11 =	vshrl.u32 v18, $0x10;
	vm0 =	vgt.f32 v7, v19;
	v18 =	vld.idx.msk [tilespmem:v20+s18+$0x0], $0xffff  }
0x3a8: {  	vm1 =	vgt.f32 v3, v21;
	v14 =	vld.idx.msk [tilespmem:v14+s3+$0x0], $0xffff  }
0x3a9: {  	vm2 =	vgt.f32 v6, v23;
	v3 =	vld.idx.msk [tilespmem:v22+s3+$0x0], $0xffff  }
0x3aa: {  	vm0 =	vmor vm0, vm2;
	vm2 =	vgt.f32 v5, v24;
	v7 =	vld.idx.msk [tilespmem:v17+s3+$0x0], $0xffff  }
0x3ab: {  	vm0 =	vmor vm0, vm1;
	vm1 =	vgt.f32 v8, v16;
	v6 =	vld.idx.msk [tilespmem:v25+s3+$0x0], $0xffff  }
0x3ac: {  	vm0 =	vmor vm0, vm2;
	v16 =	vld.idx.msk [tilespmem:v13+s18+$0x0], $0xffff  }
0x3ad: {  	vm0 =	vmor vm0, vm1;
	v17 =	vld.idx.msk [tilespmem:v11+s18+$0x0], $0xffff  }
0x3ae: {  	v8 =	vsel vm0, $0x1, v1;
	v5 =	vmov v14;
	v19 =	vld.idx.msk [tilespmem:v12+s18+$0x0], $0xffff  }
0x3af: {  	v4 =	vor.u32 v8, v4;
	v14 =	vld.idx.msk [tilespmem:v10+s18+$0x0], $0xffff  }
0x3b0: {  	v8 =	vld.idx.msk [tilespmem:v15+s3+$0x0], $0xffff;
	_ =	sdelay $0x1  }
0x3b1: {  	vm0 =	vgt.f32 v7, v16  }
0x3b2: {  	vm1 =	vgt.f32 v6, v17  }
0x3b3: {  	vm2 =	vgt.f32 v3, v19  }
0x3b4: {  	vm3 =	vgt.f32 v5, v18  }
0x3b5: {  	vm4 =	vgt.f32 v8, v14;
	_ =	sdelay $0x1  }
0x3b6: {  	s28 =	sshra.s32 s26, $0x2;
	[tilespmem:v13+s18+$0x0] =	vst.idx.msk vm0, v7  }
0x3b7: {  	[tilespmem:v11+s18+$0x0] =	vst.idx.msk vm1, v6  }
.Ltmp29:
0x3b8: {  	[tilespmem:v12+s18+$0x0] =	vst.idx.msk vm2, v3;
	(pc) =	sbr.rel @p0 .LBB2_37-.Ltmp29, $4  }
0x3b9: {  	[tilespmem:v9+s18+$0x0] =	vst.idx.msk vm3, v5  }
0x3ba: {  	[tilespmem:v10+s18+$0x0] =	vst.idx.msk vm4, v8  }
0x3bb: {  	v14 =	vld.idx.msk [tilespmem:v13+s18+$0x0], $0xffff  }
0x3bc: {  	v15 =	vld.idx.msk [tilespmem:v11+s18+$0x0], $0xffff  }
0x3bd: {  	_ =	sdelay $0x3  }
0x3be: {  	v16 =	vld.idx.msk [tilespmem:v12+s18+$0x0], $0xffff  }
0x3bf: {  	v17 =	vld.idx.msk [tilespmem:v9+s18+$0x0], $0xffff  }
0x3c0: {  	v18 =	vld.idx.msk [tilespmem:v10+s18+$0x0], $0xffff  }
0x3c1: {  	vm0 =	vgt.f32 v7, v14  }
0x3c2: {  	vm1 =	vgt.f32 v6, v15  }
0x3c3: {  	vm2 =	vgt.f32 v3, v16  }
0x3c4: {  	vm3 =	vgt.f32 v5, v17  }
0x3c5: {  	vm4 =	vgt.f32 v8, v18;
	_ =	sdelay $0x1  }
0x3c6: {  	[tilespmem:v13+s18+$0x0] =	vst.idx.msk vm0, v7  }
0x3c7: {  	[tilespmem:v11+s18+$0x0] =	vst.idx.msk vm1, v6  }
0x3c8: {  	[tilespmem:v12+s18+$0x0] =	vst.idx.msk vm2, v3  }
0x3c9: {  	[tilespmem:v9+s18+$0x0] =	vst.idx.msk vm3, v5  }
0x3ca: {  	[tilespmem:v10+s18+$0x0] =	vst.idx.msk vm4, v8  }
0x3cb: {  	v52 =	vld [tilespmem:s28+$0x18730];
	_ =	sdelay $0x1  }
0x3cc: {  	v53 =	vld [tilespmem:s28+$0x18720]  }
0x3cd: {  	v54 =	vld [tilespmem:s28+$0x18700]  }
0x3ce: {  	v55 =	vld [tilespmem:s28+$0x18710]  }
0x3cf: {  	v56 =	vshrl.u32 v52, $0x10  }
0x3d0: {  	v14 =	vand.u32 $0xFFFF, v52  }
0x3d1: {  	v19 =	vand.u32 $0xFFFF, v53  }
0x3d2: {  	v20 =	vld [tilespmem:s28+$0x18740];
	v21 =	vand.u32 $0xFFFF, v54  }
0x3d3: {  	v22 =	vand.u32 $0xFFFF, v55  }
0x3d4: {  	v16 =	vshrl.u32 v54, $0x10;
	v23 =	vld.idx.msk [tilespmem:v56+s18+$0x0], $0xffff  }
0x3d5: {  	v17 =	vshrl.u32 v55, $0x10;
	v14 =	vld.idx.msk [tilespmem:v14+s3+$0x0], $0xffff  }
0x3d6: {  	v15 =	vshrl.u32 v53, $0x10;
	v19 =	vld.idx.msk [tilespmem:v19+s3+$0x0], $0xffff  }
0x3d7: {  	v24 =	vshrl.u32 v20, $0x10;
	v21 =	vld.idx.msk [tilespmem:v21+s3+$0x0], $0xffff  }
0x3d8: {  	v20 =	vand.u32 $0xFFFF, v20;
	v22 =	vld.idx.msk [tilespmem:v22+s3+$0x0], $0xffff  }
0x3d9: {  	v25 =	vld.idx.msk [tilespmem:v16+s18+$0x0], $0xffff  }
0x3da: {  	v26 =	vld.idx.msk [tilespmem:v17+s18+$0x0], $0xffff  }
0x3db: {  	v27 =	vld.idx.msk [tilespmem:v15+s18+$0x0], $0xffff  }
0x3dc: {  	v28 =	vld.idx.msk [tilespmem:v24+s18+$0x0], $0xffff  }
0x3dd: {  	v20 =	vld.idx.msk [tilespmem:v20+s3+$0x0], $0xffff  }
0x3de: {  	vm14 =	vgt.f32 v21, v25  }
0x3df: {  	vm15 =	vgt.f32 v22, v26  }
0x3e0: {  	v13 =	vld.idx.msk [tilespmem:v13+s18+$0x0], $0xffff;
	vm8 =	vgt.f32 v19, v27  }
0x3e1: {  	v12 =	vld.idx.msk [tilespmem:v12+s18+$0x0], $0xffff;
	vm9 =	vgt.f32 v14, v23  }
0x3e2: {  	v11 =	vld.idx.msk [tilespmem:v11+s18+$0x0], $0xffff;
	vm10 =	vgt.f32 v20, v28  }
0x3e3: {  	v9 =	vld.idx.msk [tilespmem:v9+s18+$0x0], $0xffff  }
0x3e4: {  	v10 =	vld.idx.msk [tilespmem:v10+s18+$0x0], $0xffff;
	[tilespmem:v16+s18+$0x0] =	vst.idx.msk vm14, v21  }
0x3e5: {  	[tilespmem:v17+s18+$0x0] =	vst.idx.msk vm15, v22  }
0x3e6: {  	[tilespmem:v15+s18+$0x0] =	vst.idx.msk vm8, v19  }
0x3e7: {  	[tilespmem:v56+s18+$0x0] =	vst.idx.msk vm9, v14  }
0x3e8: {  	[tilespmem:v24+s18+$0x0] =	vst.idx.msk vm10, v20  }
0x3e9: {  	v57 =	vld.idx.msk [tilespmem:v16+s18+$0x0], $0xffff  }
0x3ea: {  	v58 =	vld.idx.msk [tilespmem:v17+s18+$0x0], $0xffff  }
0x3eb: {  	v59 =	vld.idx.msk [tilespmem:v15+s18+$0x0], $0xffff  }
0x3ec: {  	v60 =	vld.idx.msk [tilespmem:v56+s18+$0x0], $0xffff  }
0x3ed: {  	v61 =	vld.idx.msk [tilespmem:v24+s18+$0x0], $0xffff  }
0x3ee: {  	vm11 =	vgt.f32 v21, v57  }
0x3ef: {  	vm12 =	vgt.f32 v22, v58  }
0x3f0: {  	vm13 =	vgt.f32 v19, v59  }
0x3f1: {  	vm14 =	vgt.f32 v14, v60  }
0x3f2: {  	vm15 =	vgt.f32 v20, v61;
	_ =	sdelay $0x1  }
0x3f3: {  	[tilespmem:v16+s18+$0x0] =	vst.idx.msk vm11, v21  }
0x3f4: {  	[tilespmem:v17+s18+$0x0] =	vst.idx.msk vm12, v22  }
0x3f5: {  	[tilespmem:v15+s18+$0x0] =	vst.idx.msk vm13, v19  }
0x3f6: {  	[tilespmem:v56+s18+$0x0] =	vst.idx.msk vm14, v14  }
0x3f7: {  	[tilespmem:v24+s18+$0x0] =	vst.idx.msk vm15, v20  }
0x3f8: {  	v16 =	vld.idx.msk [tilespmem:v16+s18+$0x0], $0xffff  }
0x3f9: {  	v17 =	vld.idx.msk [tilespmem:v17+s18+$0x0], $0xffff  }
0x3fa: {  	v15 =	vld.idx.msk [tilespmem:v15+s18+$0x0], $0xffff  }
0x3fb: {  	vm5 =	vgt.f32 v7, v13;
	vm6 =	vgt.f32 v6, v11;
	v18 =	vld.idx.msk [tilespmem:v56+s18+$0x0], $0xffff  }
0x3fc: {  	vm7 =	vgt.f32 v3, v12;
	vm0 =	vmor vm5, vm6;
	v62 =	vld.idx.msk [tilespmem:v24+s18+$0x0], $0xffff  }
0x3fd: {  	vm0 =	vmor vm0, vm7  }
0x3fe: {  	vm8 =	vgt.f32 v5, v9;
	vm9 =	vgt.f32 v21, v16;
	vm10 =	vgt.f32 v22, v17  }
0x3ff: {  	vm0 =	vmor vm0, vm8;
	vm12 =	vgt.f32 v19, v15;
	vm2 =	vmor vm9, vm10  }
0x400: {  	vm11 =	vgt.f32 v8, v10;
	vm13 =	vgt.f32 v14, v18;
	vm2 =	vmor vm2, vm12  }
0x401: {  	vm0 =	vmor vm0, vm11;
	vm14 =	vgt.f32 v20, v62;
	vm1 =	vmor vm2, vm13  }
0x402: {  	v3 =	vsel vm0, $0x1, v1;
	vm15 =	vmor vm1, vm14  }
0x403: {  	v3 =	vor.u32 v3, v4;
	v63 =	vsel vm15, $0x1, v1  }
0x404: {  	v3 =	vor.u32 v63, v3  }
0x405: {  	v3 =	vxor.u32 $0x80000000, v3  }
0x406: {  	(xrf0) =	vmax.scan.msk.u32 $0xffff, v3;
	_ =	sdelay $0x5  }
0x407: {  	v3, _, _ =	vpop (xrf0)  }
0x408: {  	(v2sf) =	vpush v3, $0xF;
	_ =	sdelay $0xe  }
0x409: {  	s25 =	spop (v2sf)  }
0x40a: {  	p0 =	slt.u32 s25, $0x80000001  }
.Ltmp30:
0x40b: {  	_ = 	snop;
	(pc) =	sbr.rel @p0 .LBB2_40-.Ltmp30, $2  }
0x40c: {  	_ =	sdelay $0x2  }
0x40d: {  	s25 =	simm.s32 $0x0  }
.LBB2_39:
0x40e: {  	s26 =	sshra.s32 s25, $0x2  }
0x40f: {  	v3 =	vld [tilespmem:s26+$0x18700];
	_ =	sdelay $0x4  }
0x410: {  	v4 =	vand.u32 $0xFFFF, v3  }
0x411: {  	v3 =	vshrl.u32 v3, $0x10;
	_ =	sdelay $0x3  }
0x412: {  	v4 =	vld.idx.msk [tilespmem:v4+s3+$0x0], $0xffff  }
0x413: {  	v5 =	vld.idx.msk [tilespmem:v3+s18+$0x0], $0xffff;
	_ =	sdelay $0x4  }
0x414: {  	vm0 =	vgt.f32 v4, v5;
	_ =	sdelay $0x5  }
0x415: {  	[tilespmem:v3+s18+$0x0] =	vst.idx.msk vm0, v4  }
0x416: {  	v49 =	vld.idx.msk [tilespmem:v3+s18+$0x0], $0xffff;
	_ =	sdelay $0x4  }
0x417: {  	vm13 =	vgt.f32 v4, v49;
	_ =	sdelay $0x5  }
0x418: {  	[tilespmem:v3+s18+$0x0] =	vst.idx.msk vm13, v4  }
0x419: {  	v50 =	vld.idx.msk [tilespmem:v3+s18+$0x0], $0xffff;
	_ =	sdelay $0x4  }
0x41a: {  	vm14 =	vgt.f32 v4, v50;
	_ =	sdelay $0x5  }
0x41b: {  	[tilespmem:v3+s18+$0x0] =	vst.idx.msk vm14, v4  }
0x41c: {  	v51 =	vld.idx.msk [tilespmem:v3+s18+$0x0], $0xffff;
	_ =	sdelay $0x4  }
0x41d: {  	vm15 =	vgt.f32 v4, v51;
	_ =	sdelay $0x5  }
0x41e: {  	[tilespmem:v3+s18+$0x0] =	vst.idx.msk vm15, v4  }
0x41f: {  	v52 =	vld.idx.msk [tilespmem:v3+s18+$0x0], $0xffff;
	_ =	sdelay $0x4  }
0x420: {  	vm4 =	vgt.f32 v4, v52;
	_ =	sdelay $0x5  }
0x421: {  	[tilespmem:v3+s18+$0x0] =	vst.idx.msk vm4, v4  }
0x422: {  	v53 =	vld.idx.msk [tilespmem:v3+s18+$0x0], $0xffff;
	_ =	sdelay $0x4  }
0x423: {  	vm5 =	vgt.f32 v4, v53;
	_ =	sdelay $0x5  }
0x424: {  	[tilespmem:v3+s18+$0x0] =	vst.idx.msk vm5, v4  }
0x425: {  	v54 =	vld.idx.msk [tilespmem:v3+s18+$0x0], $0xffff;
	_ =	sdelay $0x4  }
0x426: {  	vm6 =	vgt.f32 v4, v54;
	_ =	sdelay $0x5  }
0x427: {  	[tilespmem:v3+s18+$0x0] =	vst.idx.msk vm6, v4  }
0x428: {  	v55 =	vld.idx.msk [tilespmem:v3+s18+$0x0], $0xffff;
	_ =	sdelay $0x4  }
0x429: {  	vm7 =	vgt.f32 v4, v55;
	_ =	sdelay $0x5  }
0x42a: {  	[tilespmem:v3+s18+$0x0] =	vst.idx.msk vm7, v4  }
0x42b: {  	v56 =	vld.idx.msk [tilespmem:v3+s18+$0x0], $0xffff;
	_ =	sdelay $0x4  }
0x42c: {  	vm8 =	vgt.f32 v4, v56;
	_ =	sdelay $0x5  }
0x42d: {  	[tilespmem:v3+s18+$0x0] =	vst.idx.msk vm8, v4  }
0x42e: {  	v57 =	vld.idx.msk [tilespmem:v3+s18+$0x0], $0xffff;
	_ =	sdelay $0x4  }
0x42f: {  	vm9 =	vgt.f32 v4, v57;
	_ =	sdelay $0x5  }
0x430: {  	[tilespmem:v3+s18+$0x0] =	vst.idx.msk vm9, v4  }
0x431: {  	v58 =	vld.idx.msk [tilespmem:v3+s18+$0x0], $0xffff;
	_ =	sdelay $0x4  }
0x432: {  	vm10 =	vgt.f32 v4, v58;
	_ =	sdelay $0x5  }
0x433: {  	[tilespmem:v3+s18+$0x0] =	vst.idx.msk vm10, v4  }
0x434: {  	v59 =	vld.idx.msk [tilespmem:v3+s18+$0x0], $0xffff;
	_ =	sdelay $0x4  }
0x435: {  	vm11 =	vgt.f32 v4, v59;
	_ =	sdelay $0x5  }
0x436: {  	[tilespmem:v3+s18+$0x0] =	vst.idx.msk vm11, v4  }
0x437: {  	v60 =	vld.idx.msk [tilespmem:v3+s18+$0x0], $0xffff;
	_ =	sdelay $0x4  }
0x438: {  	vm12 =	vgt.f32 v4, v60;
	_ =	sdelay $0x5  }
0x439: {  	[tilespmem:v3+s18+$0x0] =	vst.idx.msk vm12, v4  }
0x43a: {  	v61 =	vld.idx.msk [tilespmem:v3+s18+$0x0], $0xffff;
	_ =	sdelay $0x4  }
0x43b: {  	vm13 =	vgt.f32 v4, v61;
	_ =	sdelay $0x5  }
0x43c: {  	[tilespmem:v3+s18+$0x0] =	vst.idx.msk vm13, v4  }
0x43d: {  	v62 =	vld.idx.msk [tilespmem:v3+s18+$0x0], $0xffff;
	_ =	sdelay $0x4  }
0x43e: {  	vm14 =	vgt.f32 v4, v62;
	_ =	sdelay $0x5  }
0x43f: {  	[tilespmem:v3+s18+$0x0] =	vst.idx.msk vm14, v4  }
0x440: {  	v63 =	vld.idx.msk [tilespmem:v3+s18+$0x0], $0xffff;
	_ =	sdelay $0x4  }
0x441: {  	vm15 =	vgt.f32 v4, v63  }
0x442: {  	p0 =	sne.s32 s25, $0x9C00  }
.Ltmp31:
0x443: {  	_ = 	snop;
	(pc) =	sbr.rel @p0 .LBB2_39-.Ltmp31, $2  }
0x444: {  	_ =	sdelay $0x2  }
0x445: {  	s25 =	sadd.s32 $0x40, s25;
	[tilespmem:v3+s18+$0x0] =	vst.idx.msk vm15, v4  }
.LBB2_40:
0x446: {  	p0 =	sgt.u32 s23, $0x3  }
0x447: {  	_ =	swait.ge [sflag:s19], $0x2710;
	s31 =	simm.s32 $0x0;
	s24 =	sadd.s32 @!p0 s24, s7  }
0x448: {  	[sflag:s19] =	ssyncset.done $0x0;
	s25 =	simm.s32 @!p0 $0x0;
	s24 =	sshrl.u32 @!p0 s24, $0x3  }
0x449: {  	s26 =	simm.s32 @!p0 $0x18700;
	[sflag:s19] =	ssyncadd.s32 $0xFFFFD8F0;
	s24 =	sadd.s32 @!p0 s4, s24  }
0x44a: {  	[tilespmem:s26], [sflag:$0x1] =	stream.linear.gather @!p0 [hbm4b:s24+s25], $0x2710, $0x38;
	[tilespmem:$0x1D600] =	vst v63  }
0x44b: {  	v3 =	vld [tilespmem:s31+$0x1AEB0];
	_ =	sdelay $0x1  }
0x44c: {  	v4 =	vld [tilespmem:s31+$0x1AEA0]  }
0x44d: {  	v5 =	vld [tilespmem:s31+$0x1AE80]  }
0x44e: {  	v6 =	vld [tilespmem:s31+$0x1AE90]  }
0x44f: {  	v9 =	vshrl.u32 v3, $0x10  }
0x450: {  	v3 =	vand.u32 $0xFFFF, v3  }
0x451: {  	v7 =	vand.u32 $0xFFFF, v4  }
0x452: {  	v8 =	vld [tilespmem:s31+$0x1AEC0];
	v14 =	vand.u32 $0xFFFF, v5  }
0x453: {  	v15 =	vand.u32 $0xFFFF, v6  }
0x454: {  	v13 =	vshrl.u32 v5, $0x10;
	v16 =	vld.idx.msk [tilespmem:v9+s18+$0x0], $0xffff  }
0x455: {  	v11 =	vshrl.u32 v6, $0x10;
	v5 =	vld.idx.msk [tilespmem:v3+s3+$0x0], $0xffff  }
0x456: {  	v12 =	vshrl.u32 v4, $0x10;
	v3 =	vld.idx.msk [tilespmem:v7+s3+$0x0], $0xffff  }
0x457: {  	v10 =	vshrl.u32 v8, $0x10;
	v7 =	vld.idx.msk [tilespmem:v14+s3+$0x0], $0xffff  }
0x458: {  	v4 =	vand.u32 $0xFFFF, v8;
	v6 =	vld.idx.msk [tilespmem:v15+s3+$0x0], $0xffff  }
0x459: {  	v14 =	vld.idx.msk [tilespmem:v13+s18+$0x0], $0xffff  }
0x45a: {  	v15 =	vld.idx.msk [tilespmem:v11+s18+$0x0], $0xffff  }
0x45b: {  	v17 =	vld.idx.msk [tilespmem:v12+s18+$0x0], $0xffff  }
0x45c: {  	v18 =	vld.idx.msk [tilespmem:v10+s18+$0x0], $0xffff  }
0x45d: {  	v8 =	vld.idx.msk [tilespmem:v4+s3+$0x0], $0xffff  }
0x45e: {  	vm0 =	vgt.f32 v7, v14  }
0x45f: {  	vm1 =	vgt.f32 v6, v15  }
0x460: {  	vm2 =	vgt.f32 v3, v17  }
0x461: {  	vm3 =	vgt.f32 v5, v16  }
0x462: {  	vm4 =	vgt.f32 v8, v18;
	_ =	sdelay $0x1  }
0x463: {  	[tilespmem:v13+s18+$0x0] =	vst.idx.msk vm0, v7  }
0x464: {  	[tilespmem:v11+s18+$0x0] =	vst.idx.msk vm1, v6  }
0x465: {  	[tilespmem:v12+s18+$0x0] =	vst.idx.msk vm2, v3  }
0x466: {  	[tilespmem:v9+s18+$0x0] =	vst.idx.msk vm3, v5  }
0x467: {  	[tilespmem:v10+s18+$0x0] =	vst.idx.msk vm4, v8  }
0x468: {  	v14 =	vld.idx.msk [tilespmem:v13+s18+$0x0], $0xffff  }
0x469: {  	s24 =	simm.s32 $0x280;
	s26 =	simm.s32 $0x50;
	v4 =	vimm.s32 $0x0;
	v15 =	vld.idx.msk [tilespmem:v11+s18+$0x0], $0xffff  }
.LBB2_41:
0x46a: {  	p0 =	sne.s32 s24, $0x9B00;
	v16 =	vld.idx.msk [tilespmem:v12+s18+$0x0], $0xffff;
	s25 =	smov.u32 s24;
	s24 =	sadd.s32 $0x140, s24  }
0x46b: {  	v17 =	vld.idx.msk [tilespmem:v9+s18+$0x0], $0xffff  }
0x46c: {  	v18 =	vld.idx.msk [tilespmem:v10+s18+$0x0], $0xffff;
	_ =	sdelay $0x1  }
0x46d: {  	vm0 =	vgt.f32 v7, v14  }
0x46e: {  	vm1 =	vgt.f32 v6, v15  }
0x46f: {  	vm2 =	vgt.f32 v3, v16  }
0x470: {  	vm3 =	vgt.f32 v5, v17  }
0x471: {  	vm4 =	vgt.f32 v8, v18;
	_ =	sdelay $0x1  }
0x472: {  	[tilespmem:v13+s18+$0x0] =	vst.idx.msk vm0, v7  }
0x473: {  	[tilespmem:v11+s18+$0x0] =	vst.idx.msk vm1, v6  }
0x474: {  	[tilespmem:v12+s18+$0x0] =	vst.idx.msk vm2, v3  }
0x475: {  	[tilespmem:v9+s18+$0x0] =	vst.idx.msk vm3, v5  }
0x476: {  	[tilespmem:v10+s18+$0x0] =	vst.idx.msk vm4, v8  }
0x477: {  	v14 =	vld [tilespmem:s26+$0x1AEB0]  }
0x478: {  	v15 =	vld [tilespmem:s26+$0x1AEC0]  }
0x479: {  	v16 =	vld [tilespmem:s26+$0x1AEA0]  }
0x47a: {  	v17 =	vld [tilespmem:s26+$0x1AE80]  }
0x47b: {  	v18 =	vld [tilespmem:s26+$0x1AE90]  }
0x47c: {  	v19 =	vld.idx.msk [tilespmem:v13+s18+$0x0], $0xffff  }
0x47d: {  	v20 =	vshrl.u32 v14, $0x10;
	v14 =	vand.u32 $0xFFFF, v14;
	v21 =	vld.idx.msk [tilespmem:v12+s18+$0x0], $0xffff  }
0x47e: {  	v22 =	vand.u32 $0xFFFF, v16;
	v23 =	vld.idx.msk [tilespmem:v11+s18+$0x0], $0xffff  }
0x47f: {  	v11 =	vshrl.u32 v15, $0x10;
	v15 =	vand.u32 $0xFFFF, v15;
	v24 =	vld.idx.msk [tilespmem:v9+s18+$0x0], $0xffff;
	v9 =	vmov v20  }
0x480: {  	v12 =	vshrl.u32 v16, $0x10;
	v13 =	vshrl.u32 v17, $0x10;
	v17 =	vand.u32 $0xFFFF, v17;
	v16 =	vld.idx.msk [tilespmem:v10+s18+$0x0], $0xffff;
	v10 =	vmovc v11  }
0x481: {  	v25 =	vand.u32 $0xFFFF, v18  }
0x482: {  	v11 =	vshrl.u32 v18, $0x10;
	vm0 =	vgt.f32 v7, v19;
	v18 =	vld.idx.msk [tilespmem:v20+s18+$0x0], $0xffff  }
0x483: {  	vm1 =	vgt.f32 v3, v21;
	v14 =	vld.idx.msk [tilespmem:v14+s3+$0x0], $0xffff  }
0x484: {  	vm2 =	vgt.f32 v6, v23;
	v3 =	vld.idx.msk [tilespmem:v22+s3+$0x0], $0xffff  }
0x485: {  	vm0 =	vmor vm0, vm2;
	vm2 =	vgt.f32 v5, v24;
	v7 =	vld.idx.msk [tilespmem:v17+s3+$0x0], $0xffff  }
0x486: {  	vm0 =	vmor vm0, vm1;
	vm1 =	vgt.f32 v8, v16;
	v6 =	vld.idx.msk [tilespmem:v25+s3+$0x0], $0xffff  }
0x487: {  	vm0 =	vmor vm0, vm2;
	v16 =	vld.idx.msk [tilespmem:v13+s18+$0x0], $0xffff  }
0x488: {  	vm0 =	vmor vm0, vm1;
	v17 =	vld.idx.msk [tilespmem:v11+s18+$0x0], $0xffff  }
0x489: {  	v8 =	vsel vm0, $0x1, v1;
	v5 =	vmov v14;
	v19 =	vld.idx.msk [tilespmem:v12+s18+$0x0], $0xffff  }
0x48a: {  	v4 =	vor.u32 v8, v4;
	v14 =	vld.idx.msk [tilespmem:v10+s18+$0x0], $0xffff  }
0x48b: {  	v8 =	vld.idx.msk [tilespmem:v15+s3+$0x0], $0xffff;
	_ =	sdelay $0x1  }
0x48c: {  	vm0 =	vgt.f32 v7, v16  }
0x48d: {  	vm1 =	vgt.f32 v6, v17  }
0x48e: {  	vm2 =	vgt.f32 v3, v19  }
0x48f: {  	vm3 =	vgt.f32 v5, v18  }
0x490: {  	vm4 =	vgt.f32 v8, v14;
	_ =	sdelay $0x1  }
0x491: {  	s26 =	sshra.s32 s25, $0x2;
	[tilespmem:v13+s18+$0x0] =	vst.idx.msk vm0, v7  }
0x492: {  	[tilespmem:v11+s18+$0x0] =	vst.idx.msk vm1, v6  }
.Ltmp32:
0x493: {  	[tilespmem:v12+s18+$0x0] =	vst.idx.msk vm2, v3;
	(pc) =	sbr.rel @p0 .LBB2_41-.Ltmp32, $4  }
0x494: {  	[tilespmem:v9+s18+$0x0] =	vst.idx.msk vm3, v5  }
0x495: {  	[tilespmem:v10+s18+$0x0] =	vst.idx.msk vm4, v8  }
0x496: {  	v14 =	vld.idx.msk [tilespmem:v13+s18+$0x0], $0xffff  }
0x497: {  	v15 =	vld.idx.msk [tilespmem:v11+s18+$0x0], $0xffff  }
0x498: {  	_ =	sdelay $0x3  }
0x499: {  	v16 =	vld.idx.msk [tilespmem:v12+s18+$0x0], $0xffff  }
0x49a: {  	v17 =	vld.idx.msk [tilespmem:v9+s18+$0x0], $0xffff  }
0x49b: {  	v18 =	vld.idx.msk [tilespmem:v10+s18+$0x0], $0xffff  }
0x49c: {  	vm0 =	vgt.f32 v7, v14  }
0x49d: {  	vm1 =	vgt.f32 v6, v15  }
0x49e: {  	vm2 =	vgt.f32 v3, v16  }
0x49f: {  	vm3 =	vgt.f32 v5, v17  }
0x4a0: {  	vm4 =	vgt.f32 v8, v18;
	_ =	sdelay $0x1  }
0x4a1: {  	[tilespmem:v13+s18+$0x0] =	vst.idx.msk vm0, v7  }
0x4a2: {  	[tilespmem:v11+s18+$0x0] =	vst.idx.msk vm1, v6  }
0x4a3: {  	[tilespmem:v12+s18+$0x0] =	vst.idx.msk vm2, v3  }
0x4a4: {  	[tilespmem:v9+s18+$0x0] =	vst.idx.msk vm3, v5  }
0x4a5: {  	[tilespmem:v10+s18+$0x0] =	vst.idx.msk vm4, v8  }
0x4a6: {  	v52 =	vld [tilespmem:s26+$0x1AEB0];
	_ =	sdelay $0x1  }
0x4a7: {  	v53 =	vld [tilespmem:s26+$0x1AEA0]  }
0x4a8: {  	v54 =	vld [tilespmem:s26+$0x1AE80]  }
0x4a9: {  	v55 =	vld [tilespmem:s26+$0x1AE90]  }
0x4aa: {  	v56 =	vshrl.u32 v52, $0x10  }
0x4ab: {  	v14 =	vand.u32 $0xFFFF, v52  }
0x4ac: {  	v19 =	vand.u32 $0xFFFF, v53  }
0x4ad: {  	v20 =	vld [tilespmem:s26+$0x1AEC0];
	v21 =	vand.u32 $0xFFFF, v54  }
0x4ae: {  	v22 =	vand.u32 $0xFFFF, v55  }
0x4af: {  	v16 =	vshrl.u32 v54, $0x10;
	v23 =	vld.idx.msk [tilespmem:v56+s18+$0x0], $0xffff  }
0x4b0: {  	v17 =	vshrl.u32 v55, $0x10;
	v14 =	vld.idx.msk [tilespmem:v14+s3+$0x0], $0xffff  }
0x4b1: {  	v15 =	vshrl.u32 v53, $0x10;
	v19 =	vld.idx.msk [tilespmem:v19+s3+$0x0], $0xffff  }
0x4b2: {  	v24 =	vshrl.u32 v20, $0x10;
	v21 =	vld.idx.msk [tilespmem:v21+s3+$0x0], $0xffff  }
0x4b3: {  	v20 =	vand.u32 $0xFFFF, v20;
	v22 =	vld.idx.msk [tilespmem:v22+s3+$0x0], $0xffff  }
0x4b4: {  	v25 =	vld.idx.msk [tilespmem:v16+s18+$0x0], $0xffff  }
0x4b5: {  	v26 =	vld.idx.msk [tilespmem:v17+s18+$0x0], $0xffff  }
0x4b6: {  	v27 =	vld.idx.msk [tilespmem:v15+s18+$0x0], $0xffff  }
0x4b7: {  	v28 =	vld.idx.msk [tilespmem:v24+s18+$0x0], $0xffff  }
0x4b8: {  	v20 =	vld.idx.msk [tilespmem:v20+s3+$0x0], $0xffff  }
0x4b9: {  	vm14 =	vgt.f32 v21, v25  }
0x4ba: {  	vm15 =	vgt.f32 v22, v26  }
0x4bb: {  	v13 =	vld.idx.msk [tilespmem:v13+s18+$0x0], $0xffff;
	vm8 =	vgt.f32 v19, v27  }
0x4bc: {  	v12 =	vld.idx.msk [tilespmem:v12+s18+$0x0], $0xffff;
	vm9 =	vgt.f32 v14, v23  }
0x4bd: {  	v11 =	vld.idx.msk [tilespmem:v11+s18+$0x0], $0xffff;
	vm10 =	vgt.f32 v20, v28  }
0x4be: {  	v9 =	vld.idx.msk [tilespmem:v9+s18+$0x0], $0xffff  }
0x4bf: {  	v10 =	vld.idx.msk [tilespmem:v10+s18+$0x0], $0xffff;
	[tilespmem:v16+s18+$0x0] =	vst.idx.msk vm14, v21  }
0x4c0: {  	[tilespmem:v17+s18+$0x0] =	vst.idx.msk vm15, v22  }
0x4c1: {  	[tilespmem:v15+s18+$0x0] =	vst.idx.msk vm8, v19  }
0x4c2: {  	[tilespmem:v56+s18+$0x0] =	vst.idx.msk vm9, v14  }
0x4c3: {  	[tilespmem:v24+s18+$0x0] =	vst.idx.msk vm10, v20  }
0x4c4: {  	v57 =	vld.idx.msk [tilespmem:v16+s18+$0x0], $0xffff  }
0x4c5: {  	v58 =	vld.idx.msk [tilespmem:v17+s18+$0x0], $0xffff  }
0x4c6: {  	v59 =	vld.idx.msk [tilespmem:v15+s18+$0x0], $0xffff  }
0x4c7: {  	v60 =	vld.idx.msk [tilespmem:v56+s18+$0x0], $0xffff  }
0x4c8: {  	v61 =	vld.idx.msk [tilespmem:v24+s18+$0x0], $0xffff  }
0x4c9: {  	vm11 =	vgt.f32 v21, v57  }
0x4ca: {  	vm12 =	vgt.f32 v22, v58  }
0x4cb: {  	vm13 =	vgt.f32 v19, v59  }
0x4cc: {  	vm14 =	vgt.f32 v14, v60  }
0x4cd: {  	vm15 =	vgt.f32 v20, v61;
	_ =	sdelay $0x1  }
0x4ce: {  	[tilespmem:v16+s18+$0x0] =	vst.idx.msk vm11, v21  }
0x4cf: {  	[tilespmem:v17+s18+$0x0] =	vst.idx.msk vm12, v22  }
0x4d0: {  	[tilespmem:v15+s18+$0x0] =	vst.idx.msk vm13, v19  }
0x4d1: {  	[tilespmem:v56+s18+$0x0] =	vst.idx.msk vm14, v14  }
0x4d2: {  	[tilespmem:v24+s18+$0x0] =	vst.idx.msk vm15, v20  }
0x4d3: {  	v16 =	vld.idx.msk [tilespmem:v16+s18+$0x0], $0xffff  }
0x4d4: {  	v17 =	vld.idx.msk [tilespmem:v17+s18+$0x0], $0xffff  }
0x4d5: {  	v15 =	vld.idx.msk [tilespmem:v15+s18+$0x0], $0xffff  }
0x4d6: {  	vm5 =	vgt.f32 v7, v13;
	vm6 =	vgt.f32 v6, v11;
	v18 =	vld.idx.msk [tilespmem:v56+s18+$0x0], $0xffff  }
0x4d7: {  	vm7 =	vgt.f32 v3, v12;
	vm0 =	vmor vm5, vm6;
	v62 =	vld.idx.msk [tilespmem:v24+s18+$0x0], $0xffff  }
0x4d8: {  	vm0 =	vmor vm0, vm7  }
0x4d9: {  	vm8 =	vgt.f32 v5, v9;
	vm9 =	vgt.f32 v21, v16;
	vm10 =	vgt.f32 v22, v17  }
0x4da: {  	vm0 =	vmor vm0, vm8;
	vm12 =	vgt.f32 v19, v15;
	vm2 =	vmor vm9, vm10  }
0x4db: {  	vm11 =	vgt.f32 v8, v10;
	vm13 =	vgt.f32 v14, v18;
	vm2 =	vmor vm2, vm12  }
0x4dc: {  	vm0 =	vmor vm0, vm11;
	vm14 =	vgt.f32 v20, v62;
	vm1 =	vmor vm2, vm13  }
0x4dd: {  	v3 =	vsel vm0, $0x1, v1;
	vm15 =	vmor vm1, vm14  }
0x4de: {  	v3 =	vor.u32 v3, v4;
	v63 =	vsel vm15, $0x1, v1  }
0x4df: {  	v3 =	vor.u32 v63, v3  }
0x4e0: {  	v3 =	vxor.u32 $0x80000000, v3  }
0x4e1: {  	(xrf0) =	vmax.scan.msk.u32 $0xffff, v3;
	_ =	sdelay $0x5  }
0x4e2: {  	v3, _, _ =	vpop (xrf0)  }
0x4e3: {  	(v2sf) =	vpush v3, $0xF;
	_ =	sdelay $0xe  }
0x4e4: {  	s24 =	spop (v2sf)  }
0x4e5: {  	p0 =	slt.u32 s24, $0x80000001  }
.Ltmp33:
0x4e6: {  	_ = 	snop;
	(pc) =	sbr.rel @p0 .LBB2_44-.Ltmp33, $2  }
0x4e7: {  	_ =	sdelay $0x2  }
0x4e8: {  	s24 =	simm.s32 $0x0  }
.LBB2_43:
0x4e9: {  	s25 =	sshra.s32 s24, $0x2  }
0x4ea: {  	v3 =	vld [tilespmem:s25+$0x1AE80];
	_ =	sdelay $0x4  }
0x4eb: {  	v4 =	vand.u32 $0xFFFF, v3  }
0x4ec: {  	v3 =	vshrl.u32 v3, $0x10;
	_ =	sdelay $0x3  }
0x4ed: {  	v4 =	vld.idx.msk [tilespmem:v4+s3+$0x0], $0xffff  }
0x4ee: {  	v5 =	vld.idx.msk [tilespmem:v3+s18+$0x0], $0xffff;
	_ =	sdelay $0x4  }
0x4ef: {  	vm0 =	vgt.f32 v4, v5;
	_ =	sdelay $0x5  }
0x4f0: {  	[tilespmem:v3+s18+$0x0] =	vst.idx.msk vm0, v4  }
0x4f1: {  	v49 =	vld.idx.msk [tilespmem:v3+s18+$0x0], $0xffff;
	_ =	sdelay $0x4  }
0x4f2: {  	vm13 =	vgt.f32 v4, v49;
	_ =	sdelay $0x5  }
0x4f3: {  	[tilespmem:v3+s18+$0x0] =	vst.idx.msk vm13, v4  }
0x4f4: {  	v50 =	vld.idx.msk [tilespmem:v3+s18+$0x0], $0xffff;
	_ =	sdelay $0x4  }
0x4f5: {  	vm14 =	vgt.f32 v4, v50;
	_ =	sdelay $0x5  }
0x4f6: {  	[tilespmem:v3+s18+$0x0] =	vst.idx.msk vm14, v4  }
0x4f7: {  	v51 =	vld.idx.msk [tilespmem:v3+s18+$0x0], $0xffff;
	_ =	sdelay $0x4  }
0x4f8: {  	vm15 =	vgt.f32 v4, v51;
	_ =	sdelay $0x5  }
0x4f9: {  	[tilespmem:v3+s18+$0x0] =	vst.idx.msk vm15, v4  }
0x4fa: {  	v52 =	vld.idx.msk [tilespmem:v3+s18+$0x0], $0xffff;
	_ =	sdelay $0x4  }
0x4fb: {  	vm4 =	vgt.f32 v4, v52;
	_ =	sdelay $0x5  }
0x4fc: {  	[tilespmem:v3+s18+$0x0] =	vst.idx.msk vm4, v4  }
0x4fd: {  	v53 =	vld.idx.msk [tilespmem:v3+s18+$0x0], $0xffff;
	_ =	sdelay $0x4  }
0x4fe: {  	vm5 =	vgt.f32 v4, v53;
	_ =	sdelay $0x5  }
0x4ff: {  	[tilespmem:v3+s18+$0x0] =	vst.idx.msk vm5, v4  }
0x500: {  	v54 =	vld.idx.msk [tilespmem:v3+s18+$0x0], $0xffff;
	_ =	sdelay $0x4  }
0x501: {  	vm6 =	vgt.f32 v4, v54;
	_ =	sdelay $0x5  }
0x502: {  	[tilespmem:v3+s18+$0x0] =	vst.idx.msk vm6, v4  }
0x503: {  	v55 =	vld.idx.msk [tilespmem:v3+s18+$0x0], $0xffff;
	_ =	sdelay $0x4  }
0x504: {  	vm7 =	vgt.f32 v4, v55;
	_ =	sdelay $0x5  }
0x505: {  	[tilespmem:v3+s18+$0x0] =	vst.idx.msk vm7, v4  }
0x506: {  	v56 =	vld.idx.msk [tilespmem:v3+s18+$0x0], $0xffff;
	_ =	sdelay $0x4  }
0x507: {  	vm8 =	vgt.f32 v4, v56;
	_ =	sdelay $0x5  }
0x508: {  	[tilespmem:v3+s18+$0x0] =	vst.idx.msk vm8, v4  }
0x509: {  	v57 =	vld.idx.msk [tilespmem:v3+s18+$0x0], $0xffff;
	_ =	sdelay $0x4  }
0x50a: {  	vm9 =	vgt.f32 v4, v57;
	_ =	sdelay $0x5  }
0x50b: {  	[tilespmem:v3+s18+$0x0] =	vst.idx.msk vm9, v4  }
0x50c: {  	v58 =	vld.idx.msk [tilespmem:v3+s18+$0x0], $0xffff;
	_ =	sdelay $0x4  }
0x50d: {  	vm10 =	vgt.f32 v4, v58;
	_ =	sdelay $0x5  }
0x50e: {  	[tilespmem:v3+s18+$0x0] =	vst.idx.msk vm10, v4  }
0x50f: {  	v59 =	vld.idx.msk [tilespmem:v3+s18+$0x0], $0xffff;
	_ =	sdelay $0x4  }
0x510: {  	vm11 =	vgt.f32 v4, v59;
	_ =	sdelay $0x5  }
0x511: {  	[tilespmem:v3+s18+$0x0] =	vst.idx.msk vm11, v4  }
0x512: {  	v60 =	vld.idx.msk [tilespmem:v3+s18+$0x0], $0xffff;
	_ =	sdelay $0x4  }
0x513: {  	vm12 =	vgt.f32 v4, v60;
	_ =	sdelay $0x5  }
0x514: {  	[tilespmem:v3+s18+$0x0] =	vst.idx.msk vm12, v4  }
0x515: {  	v61 =	vld.idx.msk [tilespmem:v3+s18+$0x0], $0xffff;
	_ =	sdelay $0x4  }
0x516: {  	vm13 =	vgt.f32 v4, v61;
	_ =	sdelay $0x5  }
0x517: {  	[tilespmem:v3+s18+$0x0] =	vst.idx.msk vm13, v4  }
0x518: {  	v62 =	vld.idx.msk [tilespmem:v3+s18+$0x0], $0xffff;
	_ =	sdelay $0x4  }
0x519: {  	vm14 =	vgt.f32 v4, v62;
	_ =	sdelay $0x5  }
0x51a: {  	[tilespmem:v3+s18+$0x0] =	vst.idx.msk vm14, v4  }
0x51b: {  	v63 =	vld.idx.msk [tilespmem:v3+s18+$0x0], $0xffff;
	_ =	sdelay $0x4  }
0x51c: {  	vm15 =	vgt.f32 v4, v63  }
0x51d: {  	p0 =	sne.s32 s24, $0x9C00  }
.Ltmp34:
0x51e: {  	_ = 	snop;
	(pc) =	sbr.rel @p0 .LBB2_43-.Ltmp34, $2  }
0x51f: {  	_ =	sdelay $0x2  }
0x520: {  	s24 =	sadd.s32 $0x40, s24;
	[tilespmem:v3+s18+$0x0] =	vst.idx.msk vm15, v4  }
.Ltmp35:
0x521: {  	_ = 	snop;
	(pc) =	sbr.rel .LBB2_44-.Ltmp35, $1  }
0x522: {  	_ =	sdelay $0x3  }
.LBB2_46:
0x523: {  	_ =	sfence.sel $0x180000  }
0x524: {  	[bflag:$0x0] =	sbarrier.arrive $0xFFFF  }
0x525: {  	p0 =	sne.s32 s1, $0x0;
	_ =	strace $0x90000047  }
0x526: {  	s0 =	sadd.s32 @!p0 $0x100000, s0;
	[bflag:$0x2] =	sbarrier.arrive $0xFFFF  }
0x527: {  	[sflag:s0] =	ssyncadd.tile.s32 @!p0 $0x1;
	_ =	shalt  }
.Lfunc_end2:
_tile_overlayer_lowered:
.L_overlay_start_2:
0x528: {  	(tag) =	ssettag $0x2  }
0x529: {  	s0 =	rddreg [dreg:$0x0];
	s2 =	stileid.u32  }
0x52a: {  	s1 =	rddreg [dreg:$0x1];
	p0 =	sne.s32 s2, $0x0  }
0x52b: {  	s3 =	rddreg [dreg:$0x2];
	[bflag:$0x3] =	sbarrier.arrive $0xFFFF;
	s2 =	simm.s32 @!p0 $0x1C05  }
0x52c: {  	[timem:s3], [sflag:s2] =	dma.local @!p0 [hbm:s0], s1  }
0x52d: {  	s0 =	simm.s32 @!p0 $0x5  }
0x52e: {  	_ =	swait.ge @!p0 [sflag:s0], s1  }
0x52f: {  	s1 =	ssub.s32 @!p0 $0x0, s1;
	[sflag:s0] =	ssyncset.done @!p0 $0x0  }
0x530: {  	[sflag:s0] =	ssyncadd.s32 @!p0 s1  }
0x531: {  	[bflag:$0x3] =	sbarrier.arrive $0xFFFF  }
0x532: {  	_ =	shalt  }

</sc_bundles>
